<compile_context>
chip_gen: v7x
topology: tpu7x:2x2x1
jax: 0.10.2.dev20260603
libtpu: 0.0.44.dev20260713+nightly
codegen_flags: <defaults>
</compile_context>

<pallas_src>
import functools

import jax
import jax.numpy as jnp
from jax import lax
from jax.experimental import pallas as pl
from jax.experimental.pallas import tpu as pltpu
from jax.experimental.pallas import tpu_sc as plsc

_B, _S, _D = 4, 4096, 1024
_BS = 2048
_SC_ROWS = 2048
_SC_IN_OFF = (3 * _S + (_S - _SC_ROWS)) * _D
_SC_POS_OFF = (_S - _SC_ROWS) * _D

_NC, _NS = 2, 16
_NW = _NC * _NS
_ROWS_PW = _SC_ROWS // _NW
_C = 8
_NCH = _ROWS_PW // _C
_CE = _C * _D
_LANES = 16
_NBUF = 4


def _tc_add_body(x_ref, p_ref, o_ref):
    o_ref[...] = x_ref[...] + p_ref[...]


def _tc_add(inputs, pos_table):
    return pl.pallas_call(
        _tc_add_body,
        grid=(7,),
        in_specs=[
            pl.BlockSpec((1, _BS, _D), lambda k: (k % 4, k // 4, 0)),
            pl.BlockSpec((_BS, _D), lambda k: (k // 4, 0)),
        ],
        out_specs=pl.BlockSpec((1, _BS, _D), lambda k: (k % 4, k // 4, 0)),
        out_shape=jax.ShapeDtypeStruct((_B, _S, _D), inputs.dtype),
    )(inputs, pos_table)


def _sc_body(in_hbm, pos_hbm, out_hbm,
             x0, x1, x2, x3, p0, p1, p2, p3,
             sx0, sx1, sx2, sx3, sp0, sp1, sp2, sp3, so0, so1, so2, so3):
    xs = (x0, x1, x2, x3)
    ps = (p0, p1, p2, p3)
    sxs = (sx0, sx1, sx2, sx3)
    sps = (sp0, sp1, sp2, sp3)
    sos = (so0, so1, so2, so3)

    wid = lax.axis_index("s") * _NC + lax.axis_index("c")
    row0 = (_S - _SC_ROWS) + wid * _ROWS_PW
    orow0 = wid * _ROWS_PW

    def start_loads(g, j):
        pltpu.make_async_copy(
            in_hbm.at[3, pl.ds(row0 + g * _C, _C), :], xs[j], sxs[j]).start()
        pltpu.make_async_copy(
            pos_hbm.at[pl.ds(row0 + g * _C, _C), :], ps[j], sps[j]).start()

    def wait_loads(g, j):
        pltpu.make_async_copy(
            in_hbm.at[3, pl.ds(row0 + g * _C, _C), :], xs[j], sxs[j]).wait()
        pltpu.make_async_copy(
            pos_hbm.at[pl.ds(row0 + g * _C, _C), :], ps[j], sps[j]).wait()

    for j in range(_NBUF - 1):
        start_loads(j, j)

    def outer(i, carry):
        for j in range(_NBUF):
            g = i * _NBUF + j
            wait_loads(g, j)

            def vec(k, c):
                r = k // (_D // _LANES)
                sl = pl.ds((k % (_D // _LANES)) * _LANES, _LANES)
                plsc.addupdate(xs[j].at[r, sl], ps[j][r, sl])
                return c

            lax.fori_loop(0, _CE // _LANES, vec, 0, unroll=16)

            pltpu.make_async_copy(
                xs[j], out_hbm.at[pl.ds(orow0 + g * _C, _C), :],
                sos[j]).start()

            jn = (j + _NBUF - 1) % _NBUF

            @pl.when(jnp.logical_and(g >= 1, g + _NBUF - 1 < _NCH))
            def _():
                pltpu.make_async_copy(
                    xs[jn],
                    out_hbm.at[pl.ds(orow0 + (g - 1) * _C, _C), :],
                    sos[jn]).wait()

            @pl.when(g + _NBUF - 1 < _NCH)
            def _():
                start_loads(g + _NBUF - 1, jn)
        return carry

    lax.fori_loop(0, _NCH // _NBUF, outer, 0)

    for j in range(_NBUF):
        g = _NCH - _NBUF + j
        pltpu.make_async_copy(
            xs[j], out_hbm.at[pl.ds(orow0 + g * _C, _C), :], sos[j]).wait()


_sc_add = functools.partial(
    pl.kernel,
    out_type=jax.ShapeDtypeStruct((_SC_ROWS, _D), jnp.float32),
    mesh=plsc.VectorSubcoreMesh(
        core_axis_name="c", subcore_axis_name="s",
        num_cores=_NC, num_subcores=_NS),
    scratch_types=(
        [pltpu.VMEM((_C, _D), jnp.float32)] * (2 * _NBUF)
        + [pltpu.SemaphoreType.DMA] * (3 * _NBUF)
    ),
)(_sc_body)


def kernel(inputs, pos_table):
    sc_part = _sc_add(inputs, pos_table)
    tc_out = _tc_add(inputs, pos_table)
    return lax.dynamic_update_slice(
        tc_out, sc_part[None], (3, _S - _SC_ROWS, 0))

# --- scband reference (transcript-rebuilt; emitter-appended) ---
"""Pipeline reference for scband-positional-embedding-89515708383232 (READ-ONLY COPY).

The authoritative reference and input builder live on the scoring server;
editing this copy changes nothing except your own understanding.
"""

import jax, jax.numpy as jnp
import numpy as np

SEQUENCE_LENGTH = 4096
OUTPUT_DIM = 1024

def setup_inputs(seed: int = 0) -> dict:
    key = jax.random.key(seed)
    k1, k2 = jax.random.split(key)
    inputs = jax.random.normal(k1, (4, 4096, 1024), dtype=jnp.float32)
    # Keras Embedding default initializer is uniform(-0.05, 0.05)
    pos_table = jax.random.uniform(k2, (SEQUENCE_LENGTH, OUTPUT_DIM), dtype=jnp.float32, minval=-0.05, maxval=0.05)
    return {"inputs": inputs, "pos_table": pos_table}

def reference(inputs, pos_table):
    length = inputs.shape[1]
    positions = jnp.arange(0, length)
    embedded_positions = jnp.take(pos_table, positions, axis=0)
    return inputs + embedded_positions[None, :, :]

if __name__ == "__main__":
    import jax
    _d = setup_inputs()
    print(jax.jit(kernel)(*tuple(_d.values())))

</pallas_src>

<mosaic_0001>
#map = affine_map<(d0, d1) -> (0, 0, 0)>
#map1 = affine_map<(d0, d1) -> (0, 0)>
module attributes {stable_mosaic.version = 14 : i64} {
  func.func @_sc_body(%arg0: i32, %arg1: i32, %arg2: memref<4x4096x1024xf32, #tpu.memory_space<hbm>>, %arg3: memref<4096x1024xf32, #tpu.memory_space<hbm>>, %arg4: memref<2048x1024xf32, #tpu.memory_space<hbm>>, %arg5: memref<8x1024xf32, #tpu.memory_space<vmem>>, %arg6: memref<8x1024xf32, #tpu.memory_space<vmem>>, %arg7: memref<8x1024xf32, #tpu.memory_space<vmem>>, %arg8: memref<8x1024xf32, #tpu.memory_space<vmem>>, %arg9: memref<8x1024xf32, #tpu.memory_space<vmem>>, %arg10: memref<8x1024xf32, #tpu.memory_space<vmem>>, %arg11: memref<8x1024xf32, #tpu.memory_space<vmem>>, %arg12: memref<8x1024xf32, #tpu.memory_space<vmem>>, %arg13: memref<!tpu.dma_semaphore, #tpu.memory_space<semaphore_mem>>, %arg14: memref<!tpu.dma_semaphore, #tpu.memory_space<semaphore_mem>>, %arg15: memref<!tpu.dma_semaphore, #tpu.memory_space<semaphore_mem>>, %arg16: memref<!tpu.dma_semaphore, #tpu.memory_space<semaphore_mem>>, %arg17: memref<!tpu.dma_semaphore, #tpu.memory_space<semaphore_mem>>, %arg18: memref<!tpu.dma_semaphore, #tpu.memory_space<semaphore_mem>>, %arg19: memref<!tpu.dma_semaphore, #tpu.memory_space<semaphore_mem>>, %arg20: memref<!tpu.dma_semaphore, #tpu.memory_space<semaphore_mem>>, %arg21: memref<!tpu.dma_semaphore, #tpu.memory_space<semaphore_mem>>, %arg22: memref<!tpu.dma_semaphore, #tpu.memory_space<semaphore_mem>>, %arg23: memref<!tpu.dma_semaphore, #tpu.memory_space<semaphore_mem>>, %arg24: memref<!tpu.dma_semaphore, #tpu.memory_space<semaphore_mem>>) attributes {dimension_semantics = [#tpu.dimension_semantics<core_parallel>, #tpu.dimension_semantics<subcore_parallel>], iteration_bounds = array<i64: 2, 16>, scalar_prefetch = 0 : i64, scratch_operands = 20 : i64, tpu.core_type = #tpu.core_type<sc_vector_subcore>, window_params = [{transform_indices = #map}, {transform_indices = #map1}, {transform_indices = #map1}]} {
    %mul3A = arith.constant 2 : i32
    %mul3A_0 = arith.muli %arg1, %mul3A : i32
    %add3A = arith.addi %mul3A_0, %arg0 : i32
    %mul3A_1 = arith.constant 64 : i32
    %mul3A_2 = arith.muli %add3A, %mul3A_1 : i32
    %add3A_3 = arith.constant 2048 : i32
    %add3A_4 = arith.addi %add3A_3, %mul3A_2 : i32
    %mul3A_5 = arith.constant 64 : i32
    %mul3A_6 = arith.muli %add3A, %mul3A_5 : i32
    %add3A_7 = arith.constant 0 : i32
    %add3A_8 = arith.addi %add3A_4, %add3A_7 : i32
    %dma_start3A = arith.constant 3 : i32
    %dma_start3A_9 = arith.constant 0 : i32
    %dma_start3A_10 = tpu.memref_slice %arg2[%dma_start3A, %add3A_8, %dma_start3A_9] : memref<4x4096x1024xf32, #tpu.memory_space<hbm>> -> memref<1x8x1024xf32, #tpu.memory_space<hbm>>
    %dma_start3A_11 = tpu.memref_squeeze %dma_start3A_10 : memref<1x8x1024xf32, #tpu.memory_space<hbm>> -> memref<8x1024xf32, #tpu.memory_space<hbm>>
    %dma_start3A_12 = arith.constant 0 : i32
    %dma_start3A_13 = tpu.memref_slice %arg2[%dma_start3A, %add3A_8, %dma_start3A_12] : memref<4x4096x1024xf32, #tpu.memory_space<hbm>> -> memref<1x8x1024xf32, #tpu.memory_space<hbm>>
    %dma_start3A_14 = tpu.memref_squeeze %dma_start3A_13 : memref<1x8x1024xf32, #tpu.memory_space<hbm>> -> memref<8x1024xf32, #tpu.memory_space<hbm>>
    tpu.enqueue_dma source(%dma_start3A_14 : memref<8x1024xf32, #tpu.memory_space<hbm>>) target(%arg5 : memref<8x1024xf32, #tpu.memory_space<vmem>>) target_semaphore(%arg13 : memref<!tpu.dma_semaphore, #tpu.memory_space<semaphore_mem>>)
    %add3A_15 = arith.constant 0 : i32
    %add3A_16 = arith.addi %add3A_4, %add3A_15 : i32
    %dma_start3A_17 = arith.constant 0 : i32
    %dma_start3A_18 = tpu.memref_slice %arg3[%add3A_16, %dma_start3A_17] : memref<4096x1024xf32, #tpu.memory_space<hbm>> -> memref<8x1024xf32, #tpu.memory_space<hbm>>
    %dma_start3A_19 = arith.constant 0 : i32
    %dma_start3A_20 = tpu.memref_slice %arg3[%add3A_16, %dma_start3A_19] : memref<4096x1024xf32, #tpu.memory_space<hbm>> -> memref<8x1024xf32, #tpu.memory_space<hbm>>
    tpu.enqueue_dma source(%dma_start3A_20 : memref<8x1024xf32, #tpu.memory_space<hbm>>) target(%arg9 : memref<8x1024xf32, #tpu.memory_space<vmem>>) target_semaphore(%arg17 : memref<!tpu.dma_semaphore, #tpu.memory_space<semaphore_mem>>)
    %add3A_21 = arith.constant 8 : i32
    %add3A_22 = arith.addi %add3A_4, %add3A_21 : i32
    %dma_start3A_23 = arith.constant 3 : i32
    %dma_start3A_24 = arith.constant 0 : i32
    %dma_start3A_25 = tpu.memref_slice %arg2[%dma_start3A_23, %add3A_22, %dma_start3A_24] : memref<4x4096x1024xf32, #tpu.memory_space<hbm>> -> memref<1x8x1024xf32, #tpu.memory_space<hbm>>
    %dma_start3A_26 = tpu.memref_squeeze %dma_start3A_25 : memref<1x8x1024xf32, #tpu.memory_space<hbm>> -> memref<8x1024xf32, #tpu.memory_space<hbm>>
    %dma_start3A_27 = arith.constant 0 : i32
    %dma_start3A_28 = tpu.memref_slice %arg2[%dma_start3A_23, %add3A_22, %dma_start3A_27] : memref<4x4096x1024xf32, #tpu.memory_space<hbm>> -> memref<1x8x1024xf32, #tpu.memory_space<hbm>>
    %dma_start3A_29 = tpu.memref_squeeze %dma_start3A_28 : memref<1x8x1024xf32, #tpu.memory_space<hbm>> -> memref<8x1024xf32, #tpu.memory_space<hbm>>
    tpu.enqueue_dma source(%dma_start3A_29 : memref<8x1024xf32, #tpu.memory_space<hbm>>) target(%arg6 : memref<8x1024xf32, #tpu.memory_space<vmem>>) target_semaphore(%arg14 : memref<!tpu.dma_semaphore, #tpu.memory_space<semaphore_mem>>)
    %add3A_30 = arith.constant 8 : i32
    %add3A_31 = arith.addi %add3A_4, %add3A_30 : i32
    %dma_start3A_32 = arith.constant 0 : i32
    %dma_start3A_33 = tpu.memref_slice %arg3[%add3A_31, %dma_start3A_32] : memref<4096x1024xf32, #tpu.memory_space<hbm>> -> memref<8x1024xf32, #tpu.memory_space<hbm>>
    %dma_start3A_34 = arith.constant 0 : i32
    %dma_start3A_35 = tpu.memref_slice %arg3[%add3A_31, %dma_start3A_34] : memref<4096x1024xf32, #tpu.memory_space<hbm>> -> memref<8x1024xf32, #tpu.memory_space<hbm>>
    tpu.enqueue_dma source(%dma_start3A_35 : memref<8x1024xf32, #tpu.memory_space<hbm>>) target(%arg10 : memref<8x1024xf32, #tpu.memory_space<vmem>>) target_semaphore(%arg18 : memref<!tpu.dma_semaphore, #tpu.memory_space<semaphore_mem>>)
    %add3A_36 = arith.constant 16 : i32
    %add3A_37 = arith.addi %add3A_4, %add3A_36 : i32
    %dma_start3A_38 = arith.constant 3 : i32
    %dma_start3A_39 = arith.constant 0 : i32
    %dma_start3A_40 = tpu.memref_slice %arg2[%dma_start3A_38, %add3A_37, %dma_start3A_39] : memref<4x4096x1024xf32, #tpu.memory_space<hbm>> -> memref<1x8x1024xf32, #tpu.memory_space<hbm>>
    %dma_start3A_41 = tpu.memref_squeeze %dma_start3A_40 : memref<1x8x1024xf32, #tpu.memory_space<hbm>> -> memref<8x1024xf32, #tpu.memory_space<hbm>>
    %dma_start3A_42 = arith.constant 0 : i32
    %dma_start3A_43 = tpu.memref_slice %arg2[%dma_start3A_38, %add3A_37, %dma_start3A_42] : memref<4x4096x1024xf32, #tpu.memory_space<hbm>> -> memref<1x8x1024xf32, #tpu.memory_space<hbm>>
    %dma_start3A_44 = tpu.memref_squeeze %dma_start3A_43 : memref<1x8x1024xf32, #tpu.memory_space<hbm>> -> memref<8x1024xf32, #tpu.memory_space<hbm>>
    tpu.enqueue_dma source(%dma_start3A_44 : memref<8x1024xf32, #tpu.memory_space<hbm>>) target(%arg7 : memref<8x1024xf32, #tpu.memory_space<vmem>>) target_semaphore(%arg15 : memref<!tpu.dma_semaphore, #tpu.memory_space<semaphore_mem>>)
    %add3A_45 = arith.constant 16 : i32
    %add3A_46 = arith.addi %add3A_4, %add3A_45 : i32
    %dma_start3A_47 = arith.constant 0 : i32
    %dma_start3A_48 = tpu.memref_slice %arg3[%add3A_46, %dma_start3A_47] : memref<4096x1024xf32, #tpu.memory_space<hbm>> -> memref<8x1024xf32, #tpu.memory_space<hbm>>
    %dma_start3A_49 = arith.constant 0 : i32
    %dma_start3A_50 = tpu.memref_slice %arg3[%add3A_46, %dma_start3A_49] : memref<4096x1024xf32, #tpu.memory_space<hbm>> -> memref<8x1024xf32, #tpu.memory_space<hbm>>
    tpu.enqueue_dma source(%dma_start3A_50 : memref<8x1024xf32, #tpu.memory_space<hbm>>) target(%arg11 : memref<8x1024xf32, #tpu.memory_space<vmem>>) target_semaphore(%arg19 : memref<!tpu.dma_semaphore, #tpu.memory_space<semaphore_mem>>)
    %scan3A = arith.constant 0 : i32
    %scan3A_51 = arith.constant 0 : i32
    %scan3A_52 = arith.constant 2 : i32
    %scan3A_53 = arith.addi %scan3A_51, %scan3A_52 : i32
    %scan3A_54 = arith.constant 1 : i32
    scf.for %scan3A_79 = %scan3A_51 to %scan3A_53 step %scan3A_54  : i32 {
      %mul3A_80 = arith.constant 4 : i32
      %mul3A_81 = arith.muli %scan3A_79, %mul3A_80 : i32
      %add3A_82 = arith.constant 0 : i32
      %add3A_83 = arith.addi %mul3A_81, %add3A_82 : i32
      %mul3A_84 = arith.constant 8 : i32
      %mul3A_85 = arith.muli %add3A_83, %mul3A_84 : i32
      %add3A_86 = arith.addi %add3A_4, %mul3A_85 : i32
      %dma_wait3A_87 = arith.constant 3 : i32
      %dma_wait3A_88 = arith.constant 0 : i32
      %dma_wait3A_89 = tpu.memref_slice %arg2[%dma_wait3A_87, %add3A_86, %dma_wait3A_88] : memref<4x4096x1024xf32, #tpu.memory_space<hbm>> -> memref<1x8x1024xf32, #tpu.memory_space<hbm>>
      %dma_wait3A_90 = tpu.memref_squeeze %dma_wait3A_89 : memref<1x8x1024xf32, #tpu.memory_space<hbm>> -> memref<8x1024xf32, #tpu.memory_space<hbm>>
      %dma_wait3A_91 = arith.constant 0 : i32
      %dma_wait3A_92 = tpu.memref_slice %arg2[%dma_wait3A_87, %add3A_86, %dma_wait3A_91] : memref<4x4096x1024xf32, #tpu.memory_space<hbm>> -> memref<1x8x1024xf32, #tpu.memory_space<hbm>>
      %dma_wait3A_93 = tpu.memref_squeeze %dma_wait3A_92 : memref<1x8x1024xf32, #tpu.memory_space<hbm>> -> memref<8x1024xf32, #tpu.memory_space<hbm>>
      tpu.wait_dma2 semaphore(%arg13 : memref<!tpu.dma_semaphore, #tpu.memory_space<semaphore_mem>>) src(%dma_wait3A_93 : memref<8x1024xf32, #tpu.memory_space<hbm>>) dst(%arg5 : memref<8x1024xf32, #tpu.memory_space<vmem>>)
      %mul3A_94 = arith.constant 8 : i32
      %mul3A_95 = arith.muli %add3A_83, %mul3A_94 : i32
      %add3A_96 = arith.addi %add3A_4, %mul3A_95 : i32
      %dma_wait3A_97 = arith.constant 0 : i32
      %dma_wait3A_98 = tpu.memref_slice %arg3[%add3A_96, %dma_wait3A_97] : memref<4096x1024xf32, #tpu.memory_space<hbm>> -> memref<8x1024xf32, #tpu.memory_space<hbm>>
      %dma_wait3A_99 = arith.constant 0 : i32
      %dma_wait3A_100 = tpu.memref_slice %arg3[%add3A_96, %dma_wait3A_99] : memref<4096x1024xf32, #tpu.memory_space<hbm>> -> memref<8x1024xf32, #tpu.memory_space<hbm>>
      tpu.wait_dma2 semaphore(%arg17 : memref<!tpu.dma_semaphore, #tpu.memory_space<semaphore_mem>>) src(%dma_wait3A_100 : memref<8x1024xf32, #tpu.memory_space<hbm>>) dst(%arg9 : memref<8x1024xf32, #tpu.memory_space<vmem>>)
      %scan3A_101 = arith.constant 0 : i32
      %scan3A_102 = arith.constant 0 : i32
      %scan3A_103 = arith.constant 512 : i32
      %scan3A_104 = arith.addi %scan3A_102, %scan3A_103 : i32
      %scan3A_105 = arith.constant 16 : i32
      scf.for %scan3A_294 = %scan3A_102 to %scan3A_104 step %scan3A_105  : i32 {
        %jit3A = arith.constant 64 : i32
        %div3A = arith.divsi %scan3A_294, %jit3A : i32
        %sign3A = arith.constant 0 : i32
        %sign3A_295 = arith.cmpi sgt, %scan3A_294, %sign3A : i32
        %sign3A_296 = arith.extui %sign3A_295 : i1 to i32
        %sign3A_297 = arith.constant 0 : i32
        %sign3A_298 = arith.cmpi slt, %scan3A_294, %sign3A_297 : i32
        %sign3A_299 = arith.extui %sign3A_298 : i1 to i32
        %sign3A_300 = arith.subi %sign3A_296, %sign3A_299 : i32
        %sign3A_301 = arith.constant 0 : i32
        %sign3A_302 = arith.cmpi sgt, %jit3A, %sign3A_301 : i32
        %sign3A_303 = arith.extui %sign3A_302 : i1 to i32
        %sign3A_304 = arith.constant 0 : i32
        %sign3A_305 = arith.cmpi slt, %jit3A, %sign3A_304 : i32
        %sign3A_306 = arith.extui %sign3A_305 : i1 to i32
        %sign3A_307 = arith.subi %sign3A_303, %sign3A_306 : i32
        %ne3A = arith.cmpi ne, %sign3A_300, %sign3A_307 : i32
        %rem3A = arith.remsi %scan3A_294, %jit3A : i32
        %ne3A_308 = arith.constant 0 : i32
        %ne3A_309 = arith.cmpi ne, %rem3A, %ne3A_308 : i32
        %and3A_310 = arith.andi %ne3A, %ne3A_309 : i1
        %sub3A_311 = arith.constant 1 : i32
        %sub3A_312 = arith.subi %div3A, %sub3A_311 : i32
        %select_n3A = arith.select %and3A_310, %sub3A_312, %div3A : i32
        %jit3A_313 = arith.constant 64 : i32
        %eq3A = arith.constant 0 : i32
        %eq3A_314 = arith.cmpi eq, %jit3A_313, %eq3A : i32
        %jit3A_315 = arith.constant 1 : i32
        %select_n3A_316 = arith.select %eq3A_314, %jit3A_315, %jit3A_313 : i32
        %rem3A_317 = arith.remsi %scan3A_294, %select_n3A_316 : i32
        %ne3A_318 = arith.constant 0 : i32
        %ne3A_319 = arith.cmpi ne, %rem3A_317, %ne3A_318 : i32
        %lt3A_320 = arith.constant 0 : i32
        %lt3A_321 = arith.cmpi slt, %rem3A_317, %lt3A_320 : i32
        %lt3A_322 = arith.constant 0 : i32
        %lt3A_323 = arith.cmpi slt, %select_n3A_316, %lt3A_322 : i32
        %ne3A_324 = arith.xori %lt3A_321, %lt3A_323 : i1
        %and3A_325 = arith.andi %ne3A_324, %ne3A_319 : i1
        %add3A_326 = arith.addi %rem3A_317, %select_n3A_316 : i32
        %select_n3A_327 = arith.select %and3A_325, %add3A_326, %rem3A_317 : i32
        %mul3A_328 = arith.constant 16 : i32
        %mul3A_329 = arith.muli %select_n3A_327, %mul3A_328 : i32
        %get3A = arith.index_cast %select_n3A : i32 to index
        %get3A_330 = arith.index_cast %mul3A_329 : i32 to index
        %get3A_331 = tpu.vector_load %arg9[%get3A, %get3A_330] {strides = array<i32>} : memref<8x1024xf32, #tpu.memory_space<vmem>>, vector<1x16xf32>,
        %get3A_332 = vector.shape_cast %get3A_331 : vector<1x16xf32> to vector<16xf32>
        %swap3A = arith.index_cast %select_n3A : i32 to index
        %swap3A_333 = arith.index_cast %mul3A_329 : i32 to index
        %swap3A_334 = tpu.vector_load %arg5[%swap3A, %swap3A_333] {strides = array<i32>} : memref<8x1024xf32, #tpu.memory_space<vmem>>, vector<1x16xf32>,
        %swap3A_335 = vector.shape_cast %swap3A_334 : vector<1x16xf32> to vector<16xf32>
        %swap3A_336 = vector.shape_cast %get3A_332 : vector<16xf32> to vector<1x16xf32>
        tpu.vector_store %arg5[%swap3A, %swap3A_333], %swap3A_336 {add = true, strides = array<i32>} : memref<8x1024xf32, #tpu.memory_space<vmem>>, vector<1x16xf32>,
        %scan3A_337 = arith.constant 1 : i32
        %scan3A_338 = arith.addi %scan3A_294, %scan3A_337 : i32
        %jit3A_339 = arith.constant 64 : i32
        %div3A_340 = arith.divsi %scan3A_338, %jit3A_339 : i32
        %sign3A_341 = arith.constant 0 : i32
        %sign3A_342 = arith.cmpi sgt, %scan3A_338, %sign3A_341 : i32
        %sign3A_343 = arith.extui %sign3A_342 : i1 to i32
        %sign3A_344 = arith.constant 0 : i32
        %sign3A_345 = arith.cmpi slt, %scan3A_338, %sign3A_344 : i32
        %sign3A_346 = arith.extui %sign3A_345 : i1 to i32
        %sign3A_347 = arith.subi %sign3A_343, %sign3A_346 : i32
        %sign3A_348 = arith.constant 0 : i32
        %sign3A_349 = arith.cmpi sgt, %jit3A_339, %sign3A_348 : i32
        %sign3A_350 = arith.extui %sign3A_349 : i1 to i32
        %sign3A_351 = arith.constant 0 : i32
        %sign3A_352 = arith.cmpi slt, %jit3A_339, %sign3A_351 : i32
        %sign3A_353 = arith.extui %sign3A_352 : i1 to i32
        %sign3A_354 = arith.subi %sign3A_350, %sign3A_353 : i32
        %ne3A_355 = arith.cmpi ne, %sign3A_347, %sign3A_354 : i32
        %rem3A_356 = arith.remsi %scan3A_338, %jit3A_339 : i32
        %ne3A_357 = arith.constant 0 : i32
        %ne3A_358 = arith.cmpi ne, %rem3A_356, %ne3A_357 : i32
        %and3A_359 = arith.andi %ne3A_355, %ne3A_358 : i1
        %sub3A_360 = arith.constant 1 : i32
        %sub3A_361 = arith.subi %div3A_340, %sub3A_360 : i32
        %select_n3A_362 = arith.select %and3A_359, %sub3A_361, %div3A_340 : i32
        %jit3A_363 = arith.constant 64 : i32
        %eq3A_364 = arith.constant 0 : i32
        %eq3A_365 = arith.cmpi eq, %jit3A_363, %eq3A_364 : i32
        %jit3A_366 = arith.constant 1 : i32
        %select_n3A_367 = arith.select %eq3A_365, %jit3A_366, %jit3A_363 : i32
        %rem3A_368 = arith.remsi %scan3A_338, %select_n3A_367 : i32
        %ne3A_369 = arith.constant 0 : i32
        %ne3A_370 = arith.cmpi ne, %rem3A_368, %ne3A_369 : i32
        %lt3A_371 = arith.constant 0 : i32
        %lt3A_372 = arith.cmpi slt, %rem3A_368, %lt3A_371 : i32
        %lt3A_373 = arith.constant 0 : i32
        %lt3A_374 = arith.cmpi slt, %select_n3A_367, %lt3A_373 : i32
        %ne3A_375 = arith.xori %lt3A_372, %lt3A_374 : i1
        %and3A_376 = arith.andi %ne3A_375, %ne3A_370 : i1
        %add3A_377 = arith.addi %rem3A_368, %select_n3A_367 : i32
        %select_n3A_378 = arith.select %and3A_376, %add3A_377, %rem3A_368 : i32
        %mul3A_379 = arith.constant 16 : i32
        %mul3A_380 = arith.muli %select_n3A_378, %mul3A_379 : i32
        %get3A_381 = arith.index_cast %select_n3A_362 : i32 to index
        %get3A_382 = arith.index_cast %mul3A_380 : i32 to index
        %get3A_383 = tpu.vector_load %arg9[%get3A_381, %get3A_382] {strides = array<i32>} : memref<8x1024xf32, #tpu.memory_space<vmem>>, vector<1x16xf32>,
        %get3A_384 = vector.shape_cast %get3A_383 : vector<1x16xf32> to vector<16xf32>
        %swap3A_385 = arith.index_cast %select_n3A_362 : i32 to index
        %swap3A_386 = arith.index_cast %mul3A_380 : i32 to index
        %swap3A_387 = tpu.vector_load %arg5[%swap3A_385, %swap3A_386] {strides = array<i32>} : memref<8x1024xf32, #tpu.memory_space<vmem>>, vector<1x16xf32>,
        %swap3A_388 = vector.shape_cast %swap3A_387 : vector<1x16xf32> to vector<16xf32>
        %swap3A_389 = vector.shape_cast %get3A_384 : vector<16xf32> to vector<1x16xf32>
        tpu.vector_store %arg5[%swap3A_385, %swap3A_386], %swap3A_389 {add = true, strides = array<i32>} : memref<8x1024xf32, #tpu.memory_space<vmem>>, vector<1x16xf32>,
        %scan3A_390 = arith.constant 2 : i32
        %scan3A_391 = arith.addi %scan3A_294, %scan3A_390 : i32
        %jit3A_392 = arith.constant 64 : i32
        %div3A_393 = arith.divsi %scan3A_391, %jit3A_392 : i32
        %sign3A_394 = arith.constant 0 : i32
        %sign3A_395 = arith.cmpi sgt, %scan3A_391, %sign3A_394 : i32
        %sign3A_396 = arith.extui %sign3A_395 : i1 to i32
        %sign3A_397 = arith.constant 0 : i32
        %sign3A_398 = arith.cmpi slt, %scan3A_391, %sign3A_397 : i32
        %sign3A_399 = arith.extui %sign3A_398 : i1 to i32
        %sign3A_400 = arith.subi %sign3A_396, %sign3A_399 : i32
        %sign3A_401 = arith.constant 0 : i32
        %sign3A_402 = arith.cmpi sgt, %jit3A_392, %sign3A_401 : i32
        %sign3A_403 = arith.extui %sign3A_402 : i1 to i32
        %sign3A_404 = arith.constant 0 : i32
        %sign3A_405 = arith.cmpi slt, %jit3A_392, %sign3A_404 : i32
        %sign3A_406 = arith.extui %sign3A_405 : i1 to i32
        %sign3A_407 = arith.subi %sign3A_403, %sign3A_406 : i32
        %ne3A_408 = arith.cmpi ne, %sign3A_400, %sign3A_407 : i32
        %rem3A_409 = arith.remsi %scan3A_391, %jit3A_392 : i32
        %ne3A_410 = arith.constant 0 : i32
        %ne3A_411 = arith.cmpi ne, %rem3A_409, %ne3A_410 : i32
        %and3A_412 = arith.andi %ne3A_408, %ne3A_411 : i1
        %sub3A_413 = arith.constant 1 : i32
        %sub3A_414 = arith.subi %div3A_393, %sub3A_413 : i32
        %select_n3A_415 = arith.select %and3A_412, %sub3A_414, %div3A_393 : i32
        %jit3A_416 = arith.constant 64 : i32
        %eq3A_417 = arith.constant 0 : i32
        %eq3A_418 = arith.cmpi eq, %jit3A_416, %eq3A_417 : i32
        %jit3A_419 = arith.constant 1 : i32
        %select_n3A_420 = arith.select %eq3A_418, %jit3A_419, %jit3A_416 : i32
        %rem3A_421 = arith.remsi %scan3A_391, %select_n3A_420 : i32
        %ne3A_422 = arith.constant 0 : i32
        %ne3A_423 = arith.cmpi ne, %rem3A_421, %ne3A_422 : i32
        %lt3A_424 = arith.constant 0 : i32
        %lt3A_425 = arith.cmpi slt, %rem3A_421, %lt3A_424 : i32
        %lt3A_426 = arith.constant 0 : i32
        %lt3A_427 = arith.cmpi slt, %select_n3A_420, %lt3A_426 : i32
        %ne3A_428 = arith.xori %lt3A_425, %lt3A_427 : i1
        %and3A_429 = arith.andi %ne3A_428, %ne3A_423 : i1
        %add3A_430 = arith.addi %rem3A_421, %select_n3A_420 : i32
        %select_n3A_431 = arith.select %and3A_429, %add3A_430, %rem3A_421 : i32
        %mul3A_432 = arith.constant 16 : i32
        %mul3A_433 = arith.muli %select_n3A_431, %mul3A_432 : i32
        %get3A_434 = arith.index_cast %select_n3A_415 : i32 to index
        %get3A_435 = arith.index_cast %mul3A_433 : i32 to index
        %get3A_436 = tpu.vector_load %arg9[%get3A_434, %get3A_435] {strides = array<i32>} : memref<8x1024xf32, #tpu.memory_space<vmem>>, vector<1x16xf32>,
        %get3A_437 = vector.shape_cast %get3A_436 : vector<1x16xf32> to vector<16xf32>
        %swap3A_438 = arith.index_cast %select_n3A_415 : i32 to index
        %swap3A_439 = arith.index_cast %mul3A_433 : i32 to index
        %swap3A_440 = tpu.vector_load %arg5[%swap3A_438, %swap3A_439] {strides = array<i32>} : memref<8x1024xf32, #tpu.memory_space<vmem>>, vector<1x16xf32>,
        %swap3A_441 = vector.shape_cast %swap3A_440 : vector<1x16xf32> to vector<16xf32>
        %swap3A_442 = vector.shape_cast %get3A_437 : vector<16xf32> to vector<1x16xf32>
        tpu.vector_store %arg5[%swap3A_438, %swap3A_439], %swap3A_442 {add = true, strides = array<i32>} : memref<8x1024xf32, #tpu.memory_space<vmem>>, vector<1x16xf32>,
        %scan3A_443 = arith.constant 3 : i32
        %scan3A_444 = arith.addi %scan3A_294, %scan3A_443 : i32
        %jit3A_445 = arith.constant 64 : i32
        %div3A_446 = arith.divsi %scan3A_444, %jit3A_445 : i32
        %sign3A_447 = arith.constant 0 : i32
        %sign3A_448 = arith.cmpi sgt, %scan3A_444, %sign3A_447 : i32
        %sign3A_449 = arith.extui %sign3A_448 : i1 to i32
        %sign3A_450 = arith.constant 0 : i32
        %sign3A_451 = arith.cmpi slt, %scan3A_444, %sign3A_450 : i32
        %sign3A_452 = arith.extui %sign3A_451 : i1 to i32
        %sign3A_453 = arith.subi %sign3A_449, %sign3A_452 : i32
        %sign3A_454 = arith.constant 0 : i32
        %sign3A_455 = arith.cmpi sgt, %jit3A_445, %sign3A_454 : i32
        %sign3A_456 = arith.extui %sign3A_455 : i1 to i32
        %sign3A_457 = arith.constant 0 : i32
        %sign3A_458 = arith.cmpi slt, %jit3A_445, %sign3A_457 : i32
        %sign3A_459 = arith.extui %sign3A_458 : i1 to i32
        %sign3A_460 = arith.subi %sign3A_456, %sign3A_459 : i32
        %ne3A_461 = arith.cmpi ne, %sign3A_453, %sign3A_460 : i32
        %rem3A_462 = arith.remsi %scan3A_444, %jit3A_445 : i32
        %ne3A_463 = arith.constant 0 : i32
        %ne3A_464 = arith.cmpi ne, %rem3A_462, %ne3A_463 : i32
        %and3A_465 = arith.andi %ne3A_461, %ne3A_464 : i1
        %sub3A_466 = arith.constant 1 : i32
        %sub3A_467 = arith.subi %div3A_446, %sub3A_466 : i32
        %select_n3A_468 = arith.select %and3A_465, %sub3A_467, %div3A_446 : i32
        %jit3A_469 = arith.constant 64 : i32
        %eq3A_470 = arith.constant 0 : i32
        %eq3A_471 = arith.cmpi eq, %jit3A_469, %eq3A_470 : i32
        %jit3A_472 = arith.constant 1 : i32
        %select_n3A_473 = arith.select %eq3A_471, %jit3A_472, %jit3A_469 : i32
        %rem3A_474 = arith.remsi %scan3A_444, %select_n3A_473 : i32
        %ne3A_475 = arith.constant 0 : i32
        %ne3A_476 = arith.cmpi ne, %rem3A_474, %ne3A_475 : i32
        %lt3A_477 = arith.constant 0 : i32
        %lt3A_478 = arith.cmpi slt, %rem3A_474, %lt3A_477 : i32
        %lt3A_479 = arith.constant 0 : i32
        %lt3A_480 = arith.cmpi slt, %select_n3A_473, %lt3A_479 : i32
        %ne3A_481 = arith.xori %lt3A_478, %lt3A_480 : i1
        %and3A_482 = arith.andi %ne3A_481, %ne3A_476 : i1
        %add3A_483 = arith.addi %rem3A_474, %select_n3A_473 : i32
        %select_n3A_484 = arith.select %and3A_482, %add3A_483, %rem3A_474 : i32
        %mul3A_485 = arith.constant 16 : i32
        %mul3A_486 = arith.muli %select_n3A_484, %mul3A_485 : i32
        %get3A_487 = arith.index_cast %select_n3A_468 : i32 to index
        %get3A_488 = arith.index_cast %mul3A_486 : i32 to index
        %get3A_489 = tpu.vector_load %arg9[%get3A_487, %get3A_488] {strides = array<i32>} : memref<8x1024xf32, #tpu.memory_space<vmem>>, vector<1x16xf32>,
        %get3A_490 = vector.shape_cast %get3A_489 : vector<1x16xf32> to vector<16xf32>
        %swap3A_491 = arith.index_cast %select_n3A_468 : i32 to index
        %swap3A_492 = arith.index_cast %mul3A_486 : i32 to index
        %swap3A_493 = tpu.vector_load %arg5[%swap3A_491, %swap3A_492] {strides = array<i32>} : memref<8x1024xf32, #tpu.memory_space<vmem>>, vector<1x16xf32>,
        %swap3A_494 = vector.shape_cast %swap3A_493 : vector<1x16xf32> to vector<16xf32>
        %swap3A_495 = vector.shape_cast %get3A_490 : vector<16xf32> to vector<1x16xf32>
        tpu.vector_store %arg5[%swap3A_491, %swap3A_492], %swap3A_495 {add = true, strides = array<i32>} : memref<8x1024xf32, #tpu.memory_space<vmem>>, vector<1x16xf32>,
        %scan3A_496 = arith.constant 4 : i32
        %scan3A_497 = arith.addi %scan3A_294, %scan3A_496 : i32
        %jit3A_498 = arith.constant 64 : i32
        %div3A_499 = arith.divsi %scan3A_497, %jit3A_498 : i32
        %sign3A_500 = arith.constant 0 : i32
        %sign3A_501 = arith.cmpi sgt, %scan3A_497, %sign3A_500 : i32
        %sign3A_502 = arith.extui %sign3A_501 : i1 to i32
        %sign3A_503 = arith.constant 0 : i32
        %sign3A_504 = arith.cmpi slt, %scan3A_497, %sign3A_503 : i32
        %sign3A_505 = arith.extui %sign3A_504 : i1 to i32
        %sign3A_506 = arith.subi %sign3A_502, %sign3A_505 : i32
        %sign3A_507 = arith.constant 0 : i32
        %sign3A_508 = arith.cmpi sgt, %jit3A_498, %sign3A_507 : i32
        %sign3A_509 = arith.extui %sign3A_508 : i1 to i32
        %sign3A_510 = arith.constant 0 : i32
        %sign3A_511 = arith.cmpi slt, %jit3A_498, %sign3A_510 : i32
        %sign3A_512 = arith.extui %sign3A_511 : i1 to i32
        %sign3A_513 = arith.subi %sign3A_509, %sign3A_512 : i32
        %ne3A_514 = arith.cmpi ne, %sign3A_506, %sign3A_513 : i32
        %rem3A_515 = arith.remsi %scan3A_497, %jit3A_498 : i32
        %ne3A_516 = arith.constant 0 : i32
        %ne3A_517 = arith.cmpi ne, %rem3A_515, %ne3A_516 : i32
        %and3A_518 = arith.andi %ne3A_514, %ne3A_517 : i1
        %sub3A_519 = arith.constant 1 : i32
        %sub3A_520 = arith.subi %div3A_499, %sub3A_519 : i32
        %select_n3A_521 = arith.select %and3A_518, %sub3A_520, %div3A_499 : i32
        %jit3A_522 = arith.constant 64 : i32
        %eq3A_523 = arith.constant 0 : i32
        %eq3A_524 = arith.cmpi eq, %jit3A_522, %eq3A_523 : i32
        %jit3A_525 = arith.constant 1 : i32
        %select_n3A_526 = arith.select %eq3A_524, %jit3A_525, %jit3A_522 : i32
        %rem3A_527 = arith.remsi %scan3A_497, %select_n3A_526 : i32
        %ne3A_528 = arith.constant 0 : i32
        %ne3A_529 = arith.cmpi ne, %rem3A_527, %ne3A_528 : i32
        %lt3A_530 = arith.constant 0 : i32
        %lt3A_531 = arith.cmpi slt, %rem3A_527, %lt3A_530 : i32
        %lt3A_532 = arith.constant 0 : i32
        %lt3A_533 = arith.cmpi slt, %select_n3A_526, %lt3A_532 : i32
        %ne3A_534 = arith.xori %lt3A_531, %lt3A_533 : i1
        %and3A_535 = arith.andi %ne3A_534, %ne3A_529 : i1
        %add3A_536 = arith.addi %rem3A_527, %select_n3A_526 : i32
        %select_n3A_537 = arith.select %and3A_535, %add3A_536, %rem3A_527 : i32
        %mul3A_538 = arith.constant 16 : i32
        %mul3A_539 = arith.muli %select_n3A_537, %mul3A_538 : i32
        %get3A_540 = arith.index_cast %select_n3A_521 : i32 to index
        %get3A_541 = arith.index_cast %mul3A_539 : i32 to index
        %get3A_542 = tpu.vector_load %arg9[%get3A_540, %get3A_541] {strides = array<i32>} : memref<8x1024xf32, #tpu.memory_space<vmem>>, vector<1x16xf32>,
        %get3A_543 = vector.shape_cast %get3A_542 : vector<1x16xf32> to vector<16xf32>
        %swap3A_544 = arith.index_cast %select_n3A_521 : i32 to index
        %swap3A_545 = arith.index_cast %mul3A_539 : i32 to index
        %swap3A_546 = tpu.vector_load %arg5[%swap3A_544, %swap3A_545] {strides = array<i32>} : memref<8x1024xf32, #tpu.memory_space<vmem>>, vector<1x16xf32>,
        %swap3A_547 = vector.shape_cast %swap3A_546 : vector<1x16xf32> to vector<16xf32>
        %swap3A_548 = vector.shape_cast %get3A_543 : vector<16xf32> to vector<1x16xf32>
        tpu.vector_store %arg5[%swap3A_544, %swap3A_545], %swap3A_548 {add = true, strides = array<i32>} : memref<8x1024xf32, #tpu.memory_space<vmem>>, vector<1x16xf32>,
        %scan3A_549 = arith.constant 5 : i32
        %scan3A_550 = arith.addi %scan3A_294, %scan3A_549 : i32
        %jit3A_551 = arith.constant 64 : i32
        %div3A_552 = arith.divsi %scan3A_550, %jit3A_551 : i32
        %sign3A_553 = arith.constant 0 : i32
        %sign3A_554 = arith.cmpi sgt, %scan3A_550, %sign3A_553 : i32
        %sign3A_555 = arith.extui %sign3A_554 : i1 to i32
        %sign3A_556 = arith.constant 0 : i32
        %sign3A_557 = arith.cmpi slt, %scan3A_550, %sign3A_556 : i32
        %sign3A_558 = arith.extui %sign3A_557 : i1 to i32
        %sign3A_559 = arith.subi %sign3A_555, %sign3A_558 : i32
        %sign3A_560 = arith.constant 0 : i32
        %sign3A_561 = arith.cmpi sgt, %jit3A_551, %sign3A_560 : i32
        %sign3A_562 = arith.extui %sign3A_561 : i1 to i32
        %sign3A_563 = arith.constant 0 : i32
        %sign3A_564 = arith.cmpi slt, %jit3A_551, %sign3A_563 : i32
        %sign3A_565 = arith.extui %sign3A_564 : i1 to i32
        %sign3A_566 = arith.subi %sign3A_562, %sign3A_565 : i32
        %ne3A_567 = arith.cmpi ne, %sign3A_559, %sign3A_566 : i32
        %rem3A_568 = arith.remsi %scan3A_550, %jit3A_551 : i32
        %ne3A_569 = arith.constant 0 : i32
        %ne3A_570 = arith.cmpi ne, %rem3A_568, %ne3A_569 : i32
        %and3A_571 = arith.andi %ne3A_567, %ne3A_570 : i1
        %sub3A_572 = arith.constant 1 : i32
        %sub3A_573 = arith.subi %div3A_552, %sub3A_572 : i32
        %select_n3A_574 = arith.select %and3A_571, %sub3A_573, %div3A_552 : i32
        %jit3A_575 = arith.constant 64 : i32
        %eq3A_576 = arith.constant 0 : i32
        %eq3A_577 = arith.cmpi eq, %jit3A_575, %eq3A_576 : i32
        %jit3A_578 = arith.constant 1 : i32
        %select_n3A_579 = arith.select %eq3A_577, %jit3A_578, %jit3A_575 : i32
        %rem3A_580 = arith.remsi %scan3A_550, %select_n3A_579 : i32
        %ne3A_581 = arith.constant 0 : i32
        %ne3A_582 = arith.cmpi ne, %rem3A_580, %ne3A_581 : i32
        %lt3A_583 = arith.constant 0 : i32
        %lt3A_584 = arith.cmpi slt, %rem3A_580, %lt3A_583 : i32
        %lt3A_585 = arith.constant 0 : i32
        %lt3A_586 = arith.cmpi slt, %select_n3A_579, %lt3A_585 : i32
        %ne3A_587 = arith.xori %lt3A_584, %lt3A_586 : i1
        %and3A_588 = arith.andi %ne3A_587, %ne3A_582 : i1
        %add3A_589 = arith.addi %rem3A_580, %select_n3A_579 : i32
        %select_n3A_590 = arith.select %and3A_588, %add3A_589, %rem3A_580 : i32
        %mul3A_591 = arith.constant 16 : i32
        %mul3A_592 = arith.muli %select_n3A_590, %mul3A_591 : i32
        %get3A_593 = arith.index_cast %select_n3A_574 : i32 to index
        %get3A_594 = arith.index_cast %mul3A_592 : i32 to index
        %get3A_595 = tpu.vector_load %arg9[%get3A_593, %get3A_594] {strides = array<i32>} : memref<8x1024xf32, #tpu.memory_space<vmem>>, vector<1x16xf32>,
        %get3A_596 = vector.shape_cast %get3A_595 : vector<1x16xf32> to vector<16xf32>
        %swap3A_597 = arith.index_cast %select_n3A_574 : i32 to index
        %swap3A_598 = arith.index_cast %mul3A_592 : i32 to index
        %swap3A_599 = tpu.vector_load %arg5[%swap3A_597, %swap3A_598] {strides = array<i32>} : memref<8x1024xf32, #tpu.memory_space<vmem>>, vector<1x16xf32>,
        %swap3A_600 = vector.shape_cast %swap3A_599 : vector<1x16xf32> to vector<16xf32>
        %swap3A_601 = vector.shape_cast %get3A_596 : vector<16xf32> to vector<1x16xf32>
        tpu.vector_store %arg5[%swap3A_597, %swap3A_598], %swap3A_601 {add = true, strides = array<i32>} : memref<8x1024xf32, #tpu.memory_space<vmem>>, vector<1x16xf32>,
        %scan3A_602 = arith.constant 6 : i32
        %scan3A_603 = arith.addi %scan3A_294, %scan3A_602 : i32
        %jit3A_604 = arith.constant 64 : i32
        %div3A_605 = arith.divsi %scan3A_603, %jit3A_604 : i32
        %sign3A_606 = arith.constant 0 : i32
        %sign3A_607 = arith.cmpi sgt, %scan3A_603, %sign3A_606 : i32
        %sign3A_608 = arith.extui %sign3A_607 : i1 to i32
        %sign3A_609 = arith.constant 0 : i32
        %sign3A_610 = arith.cmpi slt, %scan3A_603, %sign3A_609 : i32
        %sign3A_611 = arith.extui %sign3A_610 : i1 to i32
        %sign3A_612 = arith.subi %sign3A_608, %sign3A_611 : i32
        %sign3A_613 = arith.constant 0 : i32
        %sign3A_614 = arith.cmpi sgt, %jit3A_604, %sign3A_613 : i32
        %sign3A_615 = arith.extui %sign3A_614 : i1 to i32
        %sign3A_616 = arith.constant 0 : i32
        %sign3A_617 = arith.cmpi slt, %jit3A_604, %sign3A_616 : i32
        %sign3A_618 = arith.extui %sign3A_617 : i1 to i32
        %sign3A_619 = arith.subi %sign3A_615, %sign3A_618 : i32
        %ne3A_620 = arith.cmpi ne, %sign3A_612, %sign3A_619 : i32
        %rem3A_621 = arith.remsi %scan3A_603, %jit3A_604 : i32
        %ne3A_622 = arith.constant 0 : i32
        %ne3A_623 = arith.cmpi ne, %rem3A_621, %ne3A_622 : i32
        %and3A_624 = arith.andi %ne3A_620, %ne3A_623 : i1
        %sub3A_625 = arith.constant 1 : i32
        %sub3A_626 = arith.subi %div3A_605, %sub3A_625 : i32
        %select_n3A_627 = arith.select %and3A_624, %sub3A_626, %div3A_605 : i32
        %jit3A_628 = arith.constant 64 : i32
        %eq3A_629 = arith.constant 0 : i32
        %eq3A_630 = arith.cmpi eq, %jit3A_628, %eq3A_629 : i32
        %jit3A_631 = arith.constant 1 : i32
        %select_n3A_632 = arith.select %eq3A_630, %jit3A_631, %jit3A_628 : i32
        %rem3A_633 = arith.remsi %scan3A_603, %select_n3A_632 : i32
        %ne3A_634 = arith.constant 0 : i32
        %ne3A_635 = arith.cmpi ne, %rem3A_633, %ne3A_634 : i32
        %lt3A_636 = arith.constant 0 : i32
        %lt3A_637 = arith.cmpi slt, %rem3A_633, %lt3A_636 : i32
        %lt3A_638 = arith.constant 0 : i32
        %lt3A_639 = arith.cmpi slt, %select_n3A_632, %lt3A_638 : i32
        %ne3A_640 = arith.xori %lt3A_637, %lt3A_639 : i1
        %and3A_641 = arith.andi %ne3A_640, %ne3A_635 : i1
        %add3A_642 = arith.addi %rem3A_633, %select_n3A_632 : i32
        %select_n3A_643 = arith.select %and3A_641, %add3A_642, %rem3A_633 : i32
        %mul3A_644 = arith.constant 16 : i32
        %mul3A_645 = arith.muli %select_n3A_643, %mul3A_644 : i32
        %get3A_646 = arith.index_cast %select_n3A_627 : i32 to index
        %get3A_647 = arith.index_cast %mul3A_645 : i32 to index
        %get3A_648 = tpu.vector_load %arg9[%get3A_646, %get3A_647] {strides = array<i32>} : memref<8x1024xf32, #tpu.memory_space<vmem>>, vector<1x16xf32>,
        %get3A_649 = vector.shape_cast %get3A_648 : vector<1x16xf32> to vector<16xf32>
        %swap3A_650 = arith.index_cast %select_n3A_627 : i32 to index
        %swap3A_651 = arith.index_cast %mul3A_645 : i32 to index
        %swap3A_652 = tpu.vector_load %arg5[%swap3A_650, %swap3A_651] {strides = array<i32>} : memref<8x1024xf32, #tpu.memory_space<vmem>>, vector<1x16xf32>,
        %swap3A_653 = vector.shape_cast %swap3A_652 : vector<1x16xf32> to vector<16xf32>
        %swap3A_654 = vector.shape_cast %get3A_649 : vector<16xf32> to vector<1x16xf32>
        tpu.vector_store %arg5[%swap3A_650, %swap3A_651], %swap3A_654 {add = true, strides = array<i32>} : memref<8x1024xf32, #tpu.memory_space<vmem>>, vector<1x16xf32>,
        %scan3A_655 = arith.constant 7 : i32
        %scan3A_656 = arith.addi %scan3A_294, %scan3A_655 : i32
        %jit3A_657 = arith.constant 64 : i32
        %div3A_658 = arith.divsi %scan3A_656, %jit3A_657 : i32
        %sign3A_659 = arith.constant 0 : i32
        %sign3A_660 = arith.cmpi sgt, %scan3A_656, %sign3A_659 : i32
        %sign3A_661 = arith.extui %sign3A_660 : i1 to i32
        %sign3A_662 = arith.constant 0 : i32
        %sign3A_663 = arith.cmpi slt, %scan3A_656, %sign3A_662 : i32
        %sign3A_664 = arith.extui %sign3A_663 : i1 to i32
        %sign3A_665 = arith.subi %sign3A_661, %sign3A_664 : i32
        %sign3A_666 = arith.constant 0 : i32
        %sign3A_667 = arith.cmpi sgt, %jit3A_657, %sign3A_666 : i32
        %sign3A_668 = arith.extui %sign3A_667 : i1 to i32
        %sign3A_669 = arith.constant 0 : i32
        %sign3A_670 = arith.cmpi slt, %jit3A_657, %sign3A_669 : i32
        %sign3A_671 = arith.extui %sign3A_670 : i1 to i32
        %sign3A_672 = arith.subi %sign3A_668, %sign3A_671 : i32
        %ne3A_673 = arith.cmpi ne, %sign3A_665, %sign3A_672 : i32
        %rem3A_674 = arith.remsi %scan3A_656, %jit3A_657 : i32
        %ne3A_675 = arith.constant 0 : i32
        %ne3A_676 = arith.cmpi ne, %rem3A_674, %ne3A_675 : i32
        %and3A_677 = arith.andi %ne3A_673, %ne3A_676 : i1
        %sub3A_678 = arith.constant 1 : i32
        %sub3A_679 = arith.subi %div3A_658, %sub3A_678 : i32
        %select_n3A_680 = arith.select %and3A_677, %sub3A_679, %div3A_658 : i32
        %jit3A_681 = arith.constant 64 : i32
        %eq3A_682 = arith.constant 0 : i32
        %eq3A_683 = arith.cmpi eq, %jit3A_681, %eq3A_682 : i32
        %jit3A_684 = arith.constant 1 : i32
        %select_n3A_685 = arith.select %eq3A_683, %jit3A_684, %jit3A_681 : i32
        %rem3A_686 = arith.remsi %scan3A_656, %select_n3A_685 : i32
        %ne3A_687 = arith.constant 0 : i32
        %ne3A_688 = arith.cmpi ne, %rem3A_686, %ne3A_687 : i32
        %lt3A_689 = arith.constant 0 : i32
        %lt3A_690 = arith.cmpi slt, %rem3A_686, %lt3A_689 : i32
        %lt3A_691 = arith.constant 0 : i32
        %lt3A_692 = arith.cmpi slt, %select_n3A_685, %lt3A_691 : i32
        %ne3A_693 = arith.xori %lt3A_690, %lt3A_692 : i1
        %and3A_694 = arith.andi %ne3A_693, %ne3A_688 : i1
        %add3A_695 = arith.addi %rem3A_686, %select_n3A_685 : i32
        %select_n3A_696 = arith.select %and3A_694, %add3A_695, %rem3A_686 : i32
        %mul3A_697 = arith.constant 16 : i32
        %mul3A_698 = arith.muli %select_n3A_696, %mul3A_697 : i32
        %get3A_699 = arith.index_cast %select_n3A_680 : i32 to index
        %get3A_700 = arith.index_cast %mul3A_698 : i32 to index
        %get3A_701 = tpu.vector_load %arg9[%get3A_699, %get3A_700] {strides = array<i32>} : memref<8x1024xf32, #tpu.memory_space<vmem>>, vector<1x16xf32>,
        %get3A_702 = vector.shape_cast %get3A_701 : vector<1x16xf32> to vector<16xf32>
        %swap3A_703 = arith.index_cast %select_n3A_680 : i32 to index
        %swap3A_704 = arith.index_cast %mul3A_698 : i32 to index
        %swap3A_705 = tpu.vector_load %arg5[%swap3A_703, %swap3A_704] {strides = array<i32>} : memref<8x1024xf32, #tpu.memory_space<vmem>>, vector<1x16xf32>,
        %swap3A_706 = vector.shape_cast %swap3A_705 : vector<1x16xf32> to vector<16xf32>
        %swap3A_707 = vector.shape_cast %get3A_702 : vector<16xf32> to vector<1x16xf32>
        tpu.vector_store %arg5[%swap3A_703, %swap3A_704], %swap3A_707 {add = true, strides = array<i32>} : memref<8x1024xf32, #tpu.memory_space<vmem>>, vector<1x16xf32>,
        %scan3A_708 = arith.constant 8 : i32
        %scan3A_709 = arith.addi %scan3A_294, %scan3A_708 : i32
        %jit3A_710 = arith.constant 64 : i32
        %div3A_711 = arith.divsi %scan3A_709, %jit3A_710 : i32
        %sign3A_712 = arith.constant 0 : i32
        %sign3A_713 = arith.cmpi sgt, %scan3A_709, %sign3A_712 : i32
        %sign3A_714 = arith.extui %sign3A_713 : i1 to i32
        %sign3A_715 = arith.constant 0 : i32
        %sign3A_716 = arith.cmpi slt, %scan3A_709, %sign3A_715 : i32
        %sign3A_717 = arith.extui %sign3A_716 : i1 to i32
        %sign3A_718 = arith.subi %sign3A_714, %sign3A_717 : i32
        %sign3A_719 = arith.constant 0 : i32
        %sign3A_720 = arith.cmpi sgt, %jit3A_710, %sign3A_719 : i32
        %sign3A_721 = arith.extui %sign3A_720 : i1 to i32
        %sign3A_722 = arith.constant 0 : i32
        %sign3A_723 = arith.cmpi slt, %jit3A_710, %sign3A_722 : i32
        %sign3A_724 = arith.extui %sign3A_723 : i1 to i32
        %sign3A_725 = arith.subi %sign3A_721, %sign3A_724 : i32
        %ne3A_726 = arith.cmpi ne, %sign3A_718, %sign3A_725 : i32
        %rem3A_727 = arith.remsi %scan3A_709, %jit3A_710 : i32
        %ne3A_728 = arith.constant 0 : i32
        %ne3A_729 = arith.cmpi ne, %rem3A_727, %ne3A_728 : i32
        %and3A_730 = arith.andi %ne3A_726, %ne3A_729 : i1
        %sub3A_731 = arith.constant 1 : i32
        %sub3A_732 = arith.subi %div3A_711, %sub3A_731 : i32
        %select_n3A_733 = arith.select %and3A_730, %sub3A_732, %div3A_711 : i32
        %jit3A_734 = arith.constant 64 : i32
        %eq3A_735 = arith.constant 0 : i32
        %eq3A_736 = arith.cmpi eq, %jit3A_734, %eq3A_735 : i32
        %jit3A_737 = arith.constant 1 : i32
        %select_n3A_738 = arith.select %eq3A_736, %jit3A_737, %jit3A_734 : i32
        %rem3A_739 = arith.remsi %scan3A_709, %select_n3A_738 : i32
        %ne3A_740 = arith.constant 0 : i32
        %ne3A_741 = arith.cmpi ne, %rem3A_739, %ne3A_740 : i32
        %lt3A_742 = arith.constant 0 : i32
        %lt3A_743 = arith.cmpi slt, %rem3A_739, %lt3A_742 : i32
        %lt3A_744 = arith.constant 0 : i32
        %lt3A_745 = arith.cmpi slt, %select_n3A_738, %lt3A_744 : i32
        %ne3A_746 = arith.xori %lt3A_743, %lt3A_745 : i1
        %and3A_747 = arith.andi %ne3A_746, %ne3A_741 : i1
        %add3A_748 = arith.addi %rem3A_739, %select_n3A_738 : i32
        %select_n3A_749 = arith.select %and3A_747, %add3A_748, %rem3A_739 : i32
        %mul3A_750 = arith.constant 16 : i32
        %mul3A_751 = arith.muli %select_n3A_749, %mul3A_750 : i32
        %get3A_752 = arith.index_cast %select_n3A_733 : i32 to index
        %get3A_753 = arith.index_cast %mul3A_751 : i32 to index
        %get3A_754 = tpu.vector_load %arg9[%get3A_752, %get3A_753] {strides = array<i32>} : memref<8x1024xf32, #tpu.memory_space<vmem>>, vector<1x16xf32>,
        %get3A_755 = vector.shape_cast %get3A_754 : vector<1x16xf32> to vector<16xf32>
        %swap3A_756 = arith.index_cast %select_n3A_733 : i32 to index
        %swap3A_757 = arith.index_cast %mul3A_751 : i32 to index
        %swap3A_758 = tpu.vector_load %arg5[%swap3A_756, %swap3A_757] {strides = array<i32>} : memref<8x1024xf32, #tpu.memory_space<vmem>>, vector<1x16xf32>,
        %swap3A_759 = vector.shape_cast %swap3A_758 : vector<1x16xf32> to vector<16xf32>
        %swap3A_760 = vector.shape_cast %get3A_755 : vector<16xf32> to vector<1x16xf32>
        tpu.vector_store %arg5[%swap3A_756, %swap3A_757], %swap3A_760 {add = true, strides = array<i32>} : memref<8x1024xf32, #tpu.memory_space<vmem>>, vector<1x16xf32>,
        %scan3A_761 = arith.constant 9 : i32
        %scan3A_762 = arith.addi %scan3A_294, %scan3A_761 : i32
        %jit3A_763 = arith.constant 64 : i32
        %div3A_764 = arith.divsi %scan3A_762, %jit3A_763 : i32
        %sign3A_765 = arith.constant 0 : i32
        %sign3A_766 = arith.cmpi sgt, %scan3A_762, %sign3A_765 : i32
        %sign3A_767 = arith.extui %sign3A_766 : i1 to i32
        %sign3A_768 = arith.constant 0 : i32
        %sign3A_769 = arith.cmpi slt, %scan3A_762, %sign3A_768 : i32
        %sign3A_770 = arith.extui %sign3A_769 : i1 to i32
        %sign3A_771 = arith.subi %sign3A_767, %sign3A_770 : i32
        %sign3A_772 = arith.constant 0 : i32
        %sign3A_773 = arith.cmpi sgt, %jit3A_763, %sign3A_772 : i32
        %sign3A_774 = arith.extui %sign3A_773 : i1 to i32
        %sign3A_775 = arith.constant 0 : i32
        %sign3A_776 = arith.cmpi slt, %jit3A_763, %sign3A_775 : i32
        %sign3A_777 = arith.extui %sign3A_776 : i1 to i32
        %sign3A_778 = arith.subi %sign3A_774, %sign3A_777 : i32
        %ne3A_779 = arith.cmpi ne, %sign3A_771, %sign3A_778 : i32
        %rem3A_780 = arith.remsi %scan3A_762, %jit3A_763 : i32
        %ne3A_781 = arith.constant 0 : i32
        %ne3A_782 = arith.cmpi ne, %rem3A_780, %ne3A_781 : i32
        %and3A_783 = arith.andi %ne3A_779, %ne3A_782 : i1
        %sub3A_784 = arith.constant 1 : i32
        %sub3A_785 = arith.subi %div3A_764, %sub3A_784 : i32
        %select_n3A_786 = arith.select %and3A_783, %sub3A_785, %div3A_764 : i32
        %jit3A_787 = arith.constant 64 : i32
        %eq3A_788 = arith.constant 0 : i32
        %eq3A_789 = arith.cmpi eq, %jit3A_787, %eq3A_788 : i32
        %jit3A_790 = arith.constant 1 : i32
        %select_n3A_791 = arith.select %eq3A_789, %jit3A_790, %jit3A_787 : i32
        %rem3A_792 = arith.remsi %scan3A_762, %select_n3A_791 : i32
        %ne3A_793 = arith.constant 0 : i32
        %ne3A_794 = arith.cmpi ne, %rem3A_792, %ne3A_793 : i32
        %lt3A_795 = arith.constant 0 : i32
        %lt3A_796 = arith.cmpi slt, %rem3A_792, %lt3A_795 : i32
        %lt3A_797 = arith.constant 0 : i32
        %lt3A_798 = arith.cmpi slt, %select_n3A_791, %lt3A_797 : i32
        %ne3A_799 = arith.xori %lt3A_796, %lt3A_798 : i1
        %and3A_800 = arith.andi %ne3A_799, %ne3A_794 : i1
        %add3A_801 = arith.addi %rem3A_792, %select_n3A_791 : i32
        %select_n3A_802 = arith.select %and3A_800, %add3A_801, %rem3A_792 : i32
        %mul3A_803 = arith.constant 16 : i32
        %mul3A_804 = arith.muli %select_n3A_802, %mul3A_803 : i32
        %get3A_805 = arith.index_cast %select_n3A_786 : i32 to index
        %get3A_806 = arith.index_cast %mul3A_804 : i32 to index
        %get3A_807 = tpu.vector_load %arg9[%get3A_805, %get3A_806] {strides = array<i32>} : memref<8x1024xf32, #tpu.memory_space<vmem>>, vector<1x16xf32>,
        %get3A_808 = vector.shape_cast %get3A_807 : vector<1x16xf32> to vector<16xf32>
        %swap3A_809 = arith.index_cast %select_n3A_786 : i32 to index
        %swap3A_810 = arith.index_cast %mul3A_804 : i32 to index
        %swap3A_811 = tpu.vector_load %arg5[%swap3A_809, %swap3A_810] {strides = array<i32>} : memref<8x1024xf32, #tpu.memory_space<vmem>>, vector<1x16xf32>,
        %swap3A_812 = vector.shape_cast %swap3A_811 : vector<1x16xf32> to vector<16xf32>
        %swap3A_813 = vector.shape_cast %get3A_808 : vector<16xf32> to vector<1x16xf32>
        tpu.vector_store %arg5[%swap3A_809, %swap3A_810], %swap3A_813 {add = true, strides = array<i32>} : memref<8x1024xf32, #tpu.memory_space<vmem>>, vector<1x16xf32>,
        %scan3A_814 = arith.constant 10 : i32
        %scan3A_815 = arith.addi %scan3A_294, %scan3A_814 : i32
        %jit3A_816 = arith.constant 64 : i32
        %div3A_817 = arith.divsi %scan3A_815, %jit3A_816 : i32
        %sign3A_818 = arith.constant 0 : i32
        %sign3A_819 = arith.cmpi sgt, %scan3A_815, %sign3A_818 : i32
        %sign3A_820 = arith.extui %sign3A_819 : i1 to i32
        %sign3A_821 = arith.constant 0 : i32
        %sign3A_822 = arith.cmpi slt, %scan3A_815, %sign3A_821 : i32
        %sign3A_823 = arith.extui %sign3A_822 : i1 to i32
        %sign3A_824 = arith.subi %sign3A_820, %sign3A_823 : i32
        %sign3A_825 = arith.constant 0 : i32
        %sign3A_826 = arith.cmpi sgt, %jit3A_816, %sign3A_825 : i32
        %sign3A_827 = arith.extui %sign3A_826 : i1 to i32
        %sign3A_828 = arith.constant 0 : i32
        %sign3A_829 = arith.cmpi slt, %jit3A_816, %sign3A_828 : i32
        %sign3A_830 = arith.extui %sign3A_829 : i1 to i32
        %sign3A_831 = arith.subi %sign3A_827, %sign3A_830 : i32
        %ne3A_832 = arith.cmpi ne, %sign3A_824, %sign3A_831 : i32
        %rem3A_833 = arith.remsi %scan3A_815, %jit3A_816 : i32
        %ne3A_834 = arith.constant 0 : i32
        %ne3A_835 = arith.cmpi ne, %rem3A_833, %ne3A_834 : i32
        %and3A_836 = arith.andi %ne3A_832, %ne3A_835 : i1
        %sub3A_837 = arith.constant 1 : i32
        %sub3A_838 = arith.subi %div3A_817, %sub3A_837 : i32
        %select_n3A_839 = arith.select %and3A_836, %sub3A_838, %div3A_817 : i32
        %jit3A_840 = arith.constant 64 : i32
        %eq3A_841 = arith.constant 0 : i32
        %eq3A_842 = arith.cmpi eq, %jit3A_840, %eq3A_841 : i32
        %jit3A_843 = arith.constant 1 : i32
        %select_n3A_844 = arith.select %eq3A_842, %jit3A_843, %jit3A_840 : i32
        %rem3A_845 = arith.remsi %scan3A_815, %select_n3A_844 : i32
        %ne3A_846 = arith.constant 0 : i32
        %ne3A_847 = arith.cmpi ne, %rem3A_845, %ne3A_846 : i32
        %lt3A_848 = arith.constant 0 : i32
        %lt3A_849 = arith.cmpi slt, %rem3A_845, %lt3A_848 : i32
        %lt3A_850 = arith.constant 0 : i32
        %lt3A_851 = arith.cmpi slt, %select_n3A_844, %lt3A_850 : i32
        %ne3A_852 = arith.xori %lt3A_849, %lt3A_851 : i1
        %and3A_853 = arith.andi %ne3A_852, %ne3A_847 : i1
        %add3A_854 = arith.addi %rem3A_845, %select_n3A_844 : i32
        %select_n3A_855 = arith.select %and3A_853, %add3A_854, %rem3A_845 : i32
        %mul3A_856 = arith.constant 16 : i32
        %mul3A_857 = arith.muli %select_n3A_855, %mul3A_856 : i32
        %get3A_858 = arith.index_cast %select_n3A_839 : i32 to index
        %get3A_859 = arith.index_cast %mul3A_857 : i32 to index
        %get3A_860 = tpu.vector_load %arg9[%get3A_858, %get3A_859] {strides = array<i32>} : memref<8x1024xf32, #tpu.memory_space<vmem>>, vector<1x16xf32>,
        %get3A_861 = vector.shape_cast %get3A_860 : vector<1x16xf32> to vector<16xf32>
        %swap3A_862 = arith.index_cast %select_n3A_839 : i32 to index
        %swap3A_863 = arith.index_cast %mul3A_857 : i32 to index
        %swap3A_864 = tpu.vector_load %arg5[%swap3A_862, %swap3A_863] {strides = array<i32>} : memref<8x1024xf32, #tpu.memory_space<vmem>>, vector<1x16xf32>,
        %swap3A_865 = vector.shape_cast %swap3A_864 : vector<1x16xf32> to vector<16xf32>
        %swap3A_866 = vector.shape_cast %get3A_861 : vector<16xf32> to vector<1x16xf32>
        tpu.vector_store %arg5[%swap3A_862, %swap3A_863], %swap3A_866 {add = true, strides = array<i32>} : memref<8x1024xf32, #tpu.memory_space<vmem>>, vector<1x16xf32>,
        %scan3A_867 = arith.constant 11 : i32
        %scan3A_868 = arith.addi %scan3A_294, %scan3A_867 : i32
        %jit3A_869 = arith.constant 64 : i32
        %div3A_870 = arith.divsi %scan3A_868, %jit3A_869 : i32
        %sign3A_871 = arith.constant 0 : i32
        %sign3A_872 = arith.cmpi sgt, %scan3A_868, %sign3A_871 : i32
        %sign3A_873 = arith.extui %sign3A_872 : i1 to i32
        %sign3A_874 = arith.constant 0 : i32
        %sign3A_875 = arith.cmpi slt, %scan3A_868, %sign3A_874 : i32
        %sign3A_876 = arith.extui %sign3A_875 : i1 to i32
        %sign3A_877 = arith.subi %sign3A_873, %sign3A_876 : i32
        %sign3A_878 = arith.constant 0 : i32
        %sign3A_879 = arith.cmpi sgt, %jit3A_869, %sign3A_878 : i32
        %sign3A_880 = arith.extui %sign3A_879 : i1 to i32
        %sign3A_881 = arith.constant 0 : i32
        %sign3A_882 = arith.cmpi slt, %jit3A_869, %sign3A_881 : i32
        %sign3A_883 = arith.extui %sign3A_882 : i1 to i32
        %sign3A_884 = arith.subi %sign3A_880, %sign3A_883 : i32
        %ne3A_885 = arith.cmpi ne, %sign3A_877, %sign3A_884 : i32
        %rem3A_886 = arith.remsi %scan3A_868, %jit3A_869 : i32
        %ne3A_887 = arith.constant 0 : i32
        %ne3A_888 = arith.cmpi ne, %rem3A_886, %ne3A_887 : i32
        %and3A_889 = arith.andi %ne3A_885, %ne3A_888 : i1
        %sub3A_890 = arith.constant 1 : i32
        %sub3A_891 = arith.subi %div3A_870, %sub3A_890 : i32
        %select_n3A_892 = arith.select %and3A_889, %sub3A_891, %div3A_870 : i32
        %jit3A_893 = arith.constant 64 : i32
        %eq3A_894 = arith.constant 0 : i32
        %eq3A_895 = arith.cmpi eq, %jit3A_893, %eq3A_894 : i32
        %jit3A_896 = arith.constant 1 : i32
        %select_n3A_897 = arith.select %eq3A_895, %jit3A_896, %jit3A_893 : i32
        %rem3A_898 = arith.remsi %scan3A_868, %select_n3A_897 : i32
        %ne3A_899 = arith.constant 0 : i32
        %ne3A_900 = arith.cmpi ne, %rem3A_898, %ne3A_899 : i32
        %lt3A_901 = arith.constant 0 : i32
        %lt3A_902 = arith.cmpi slt, %rem3A_898, %lt3A_901 : i32
        %lt3A_903 = arith.constant 0 : i32
        %lt3A_904 = arith.cmpi slt, %select_n3A_897, %lt3A_903 : i32
        %ne3A_905 = arith.xori %lt3A_902, %lt3A_904 : i1
        %and3A_906 = arith.andi %ne3A_905, %ne3A_900 : i1
        %add3A_907 = arith.addi %rem3A_898, %select_n3A_897 : i32
        %select_n3A_908 = arith.select %and3A_906, %add3A_907, %rem3A_898 : i32
        %mul3A_909 = arith.constant 16 : i32
        %mul3A_910 = arith.muli %select_n3A_908, %mul3A_909 : i32
        %get3A_911 = arith.index_cast %select_n3A_892 : i32 to index
        %get3A_912 = arith.index_cast %mul3A_910 : i32 to index
        %get3A_913 = tpu.vector_load %arg9[%get3A_911, %get3A_912] {strides = array<i32>} : memref<8x1024xf32, #tpu.memory_space<vmem>>, vector<1x16xf32>,
        %get3A_914 = vector.shape_cast %get3A_913 : vector<1x16xf32> to vector<16xf32>
        %swap3A_915 = arith.index_cast %select_n3A_892 : i32 to index
        %swap3A_916 = arith.index_cast %mul3A_910 : i32 to index
        %swap3A_917 = tpu.vector_load %arg5[%swap3A_915, %swap3A_916] {strides = array<i32>} : memref<8x1024xf32, #tpu.memory_space<vmem>>, vector<1x16xf32>,
        %swap3A_918 = vector.shape_cast %swap3A_917 : vector<1x16xf32> to vector<16xf32>
        %swap3A_919 = vector.shape_cast %get3A_914 : vector<16xf32> to vector<1x16xf32>
        tpu.vector_store %arg5[%swap3A_915, %swap3A_916], %swap3A_919 {add = true, strides = array<i32>} : memref<8x1024xf32, #tpu.memory_space<vmem>>, vector<1x16xf32>,
        %scan3A_920 = arith.constant 12 : i32
        %scan3A_921 = arith.addi %scan3A_294, %scan3A_920 : i32
        %jit3A_922 = arith.constant 64 : i32
        %div3A_923 = arith.divsi %scan3A_921, %jit3A_922 : i32
        %sign3A_924 = arith.constant 0 : i32
        %sign3A_925 = arith.cmpi sgt, %scan3A_921, %sign3A_924 : i32
        %sign3A_926 = arith.extui %sign3A_925 : i1 to i32
        %sign3A_927 = arith.constant 0 : i32
        %sign3A_928 = arith.cmpi slt, %scan3A_921, %sign3A_927 : i32
        %sign3A_929 = arith.extui %sign3A_928 : i1 to i32
        %sign3A_930 = arith.subi %sign3A_926, %sign3A_929 : i32
        %sign3A_931 = arith.constant 0 : i32
        %sign3A_932 = arith.cmpi sgt, %jit3A_922, %sign3A_931 : i32
        %sign3A_933 = arith.extui %sign3A_932 : i1 to i32
        %sign3A_934 = arith.constant 0 : i32
        %sign3A_935 = arith.cmpi slt, %jit3A_922, %sign3A_934 : i32
        %sign3A_936 = arith.extui %sign3A_935 : i1 to i32
        %sign3A_937 = arith.subi %sign3A_933, %sign3A_936 : i32
        %ne3A_938 = arith.cmpi ne, %sign3A_930, %sign3A_937 : i32
        %rem3A_939 = arith.remsi %scan3A_921, %jit3A_922 : i32
        %ne3A_940 = arith.constant 0 : i32
        %ne3A_941 = arith.cmpi ne, %rem3A_939, %ne3A_940 : i32
        %and3A_942 = arith.andi %ne3A_938, %ne3A_941 : i1
        %sub3A_943 = arith.constant 1 : i32
        %sub3A_944 = arith.subi %div3A_923, %sub3A_943 : i32
        %select_n3A_945 = arith.select %and3A_942, %sub3A_944, %div3A_923 : i32
        %jit3A_946 = arith.constant 64 : i32
        %eq3A_947 = arith.constant 0 : i32
        %eq3A_948 = arith.cmpi eq, %jit3A_946, %eq3A_947 : i32
        %jit3A_949 = arith.constant 1 : i32
        %select_n3A_950 = arith.select %eq3A_948, %jit3A_949, %jit3A_946 : i32
        %rem3A_951 = arith.remsi %scan3A_921, %select_n3A_950 : i32
        %ne3A_952 = arith.constant 0 : i32
        %ne3A_953 = arith.cmpi ne, %rem3A_951, %ne3A_952 : i32
        %lt3A_954 = arith.constant 0 : i32
        %lt3A_955 = arith.cmpi slt, %rem3A_951, %lt3A_954 : i32
        %lt3A_956 = arith.constant 0 : i32
        %lt3A_957 = arith.cmpi slt, %select_n3A_950, %lt3A_956 : i32
        %ne3A_958 = arith.xori %lt3A_955, %lt3A_957 : i1
        %and3A_959 = arith.andi %ne3A_958, %ne3A_953 : i1
        %add3A_960 = arith.addi %rem3A_951, %select_n3A_950 : i32
        %select_n3A_961 = arith.select %and3A_959, %add3A_960, %rem3A_951 : i32
        %mul3A_962 = arith.constant 16 : i32
        %mul3A_963 = arith.muli %select_n3A_961, %mul3A_962 : i32
        %get3A_964 = arith.index_cast %select_n3A_945 : i32 to index
        %get3A_965 = arith.index_cast %mul3A_963 : i32 to index
        %get3A_966 = tpu.vector_load %arg9[%get3A_964, %get3A_965] {strides = array<i32>} : memref<8x1024xf32, #tpu.memory_space<vmem>>, vector<1x16xf32>,
        %get3A_967 = vector.shape_cast %get3A_966 : vector<1x16xf32> to vector<16xf32>
        %swap3A_968 = arith.index_cast %select_n3A_945 : i32 to index
        %swap3A_969 = arith.index_cast %mul3A_963 : i32 to index
        %swap3A_970 = tpu.vector_load %arg5[%swap3A_968, %swap3A_969] {strides = array<i32>} : memref<8x1024xf32, #tpu.memory_space<vmem>>, vector<1x16xf32>,
        %swap3A_971 = vector.shape_cast %swap3A_970 : vector<1x16xf32> to vector<16xf32>
        %swap3A_972 = vector.shape_cast %get3A_967 : vector<16xf32> to vector<1x16xf32>
        tpu.vector_store %arg5[%swap3A_968, %swap3A_969], %swap3A_972 {add = true, strides = array<i32>} : memref<8x1024xf32, #tpu.memory_space<vmem>>, vector<1x16xf32>,
        %scan3A_973 = arith.constant 13 : i32
        %scan3A_974 = arith.addi %scan3A_294, %scan3A_973 : i32
        %jit3A_975 = arith.constant 64 : i32
        %div3A_976 = arith.divsi %scan3A_974, %jit3A_975 : i32
        %sign3A_977 = arith.constant 0 : i32
        %sign3A_978 = arith.cmpi sgt, %scan3A_974, %sign3A_977 : i32
        %sign3A_979 = arith.extui %sign3A_978 : i1 to i32
        %sign3A_980 = arith.constant 0 : i32
        %sign3A_981 = arith.cmpi slt, %scan3A_974, %sign3A_980 : i32
        %sign3A_982 = arith.extui %sign3A_981 : i1 to i32
        %sign3A_983 = arith.subi %sign3A_979, %sign3A_982 : i32
        %sign3A_984 = arith.constant 0 : i32
        %sign3A_985 = arith.cmpi sgt, %jit3A_975, %sign3A_984 : i32
        %sign3A_986 = arith.extui %sign3A_985 : i1 to i32
        %sign3A_987 = arith.constant 0 : i32
        %sign3A_988 = arith.cmpi slt, %jit3A_975, %sign3A_987 : i32
        %sign3A_989 = arith.extui %sign3A_988 : i1 to i32
        %sign3A_990 = arith.subi %sign3A_986, %sign3A_989 : i32
        %ne3A_991 = arith.cmpi ne, %sign3A_983, %sign3A_990 : i32
        %rem3A_992 = arith.remsi %scan3A_974, %jit3A_975 : i32
        %ne3A_993 = arith.constant 0 : i32
        %ne3A_994 = arith.cmpi ne, %rem3A_992, %ne3A_993 : i32
        %and3A_995 = arith.andi %ne3A_991, %ne3A_994 : i1
        %sub3A_996 = arith.constant 1 : i32
        %sub3A_997 = arith.subi %div3A_976, %sub3A_996 : i32
        %select_n3A_998 = arith.select %and3A_995, %sub3A_997, %div3A_976 : i32
        %jit3A_999 = arith.constant 64 : i32
        %eq3A_1000 = arith.constant 0 : i32
        %eq3A_1001 = arith.cmpi eq, %jit3A_999, %eq3A_1000 : i32
        %jit3A_1002 = arith.constant 1 : i32
        %select_n3A_1003 = arith.select %eq3A_1001, %jit3A_1002, %jit3A_999 : i32
        %rem3A_1004 = arith.remsi %scan3A_974, %select_n3A_1003 : i32
        %ne3A_1005 = arith.constant 0 : i32
        %ne3A_1006 = arith.cmpi ne, %rem3A_1004, %ne3A_1005 : i32
        %lt3A_1007 = arith.constant 0 : i32
        %lt3A_1008 = arith.cmpi slt, %rem3A_1004, %lt3A_1007 : i32
        %lt3A_1009 = arith.constant 0 : i32
        %lt3A_1010 = arith.cmpi slt, %select_n3A_1003, %lt3A_1009 : i32
        %ne3A_1011 = arith.xori %lt3A_1008, %lt3A_1010 : i1
        %and3A_1012 = arith.andi %ne3A_1011, %ne3A_1006 : i1
        %add3A_1013 = arith.addi %rem3A_1004, %select_n3A_1003 : i32
        %select_n3A_1014 = arith.select %and3A_1012, %add3A_1013, %rem3A_1004 : i32
        %mul3A_1015 = arith.constant 16 : i32
        %mul3A_1016 = arith.muli %select_n3A_1014, %mul3A_1015 : i32
        %get3A_1017 = arith.index_cast %select_n3A_998 : i32 to index
        %get3A_1018 = arith.index_cast %mul3A_1016 : i32 to index
        %get3A_1019 = tpu.vector_load %arg9[%get3A_1017, %get3A_1018] {strides = array<i32>} : memref<8x1024xf32, #tpu.memory_space<vmem>>, vector<1x16xf32>,
        %get3A_1020 = vector.shape_cast %get3A_1019 : vector<1x16xf32> to vector<16xf32>
        %swap3A_1021 = arith.index_cast %select_n3A_998 : i32 to index
        %swap3A_1022 = arith.index_cast %mul3A_1016 : i32 to index
        %swap3A_1023 = tpu.vector_load %arg5[%swap3A_1021, %swap3A_1022] {strides = array<i32>} : memref<8x1024xf32, #tpu.memory_space<vmem>>, vector<1x16xf32>,
        %swap3A_1024 = vector.shape_cast %swap3A_1023 : vector<1x16xf32> to vector<16xf32>
        %swap3A_1025 = vector.shape_cast %get3A_1020 : vector<16xf32> to vector<1x16xf32>
        tpu.vector_store %arg5[%swap3A_1021, %swap3A_1022], %swap3A_1025 {add = true, strides = array<i32>} : memref<8x1024xf32, #tpu.memory_space<vmem>>, vector<1x16xf32>,
        %scan3A_1026 = arith.constant 14 : i32
        %scan3A_1027 = arith.addi %scan3A_294, %scan3A_1026 : i32
        %jit3A_1028 = arith.constant 64 : i32
        %div3A_1029 = arith.divsi %scan3A_1027, %jit3A_1028 : i32
        %sign3A_1030 = arith.constant 0 : i32
        %sign3A_1031 = arith.cmpi sgt, %scan3A_1027, %sign3A_1030 : i32
        %sign3A_1032 = arith.extui %sign3A_1031 : i1 to i32
        %sign3A_1033 = arith.constant 0 : i32
        %sign3A_1034 = arith.cmpi slt, %scan3A_1027, %sign3A_1033 : i32
        %sign3A_1035 = arith.extui %sign3A_1034 : i1 to i32
        %sign3A_1036 = arith.subi %sign3A_1032, %sign3A_1035 : i32
        %sign3A_1037 = arith.constant 0 : i32
        %sign3A_1038 = arith.cmpi sgt, %jit3A_1028, %sign3A_1037 : i32
        %sign3A_1039 = arith.extui %sign3A_1038 : i1 to i32
        %sign3A_1040 = arith.constant 0 : i32
        %sign3A_1041 = arith.cmpi slt, %jit3A_1028, %sign3A_1040 : i32
        %sign3A_1042 = arith.extui %sign3A_1041 : i1 to i32
        %sign3A_1043 = arith.subi %sign3A_1039, %sign3A_1042 : i32
        %ne3A_1044 = arith.cmpi ne, %sign3A_1036, %sign3A_1043 : i32
        %rem3A_1045 = arith.remsi %scan3A_1027, %jit3A_1028 : i32
        %ne3A_1046 = arith.constant 0 : i32
        %ne3A_1047 = arith.cmpi ne, %rem3A_1045, %ne3A_1046 : i32
        %and3A_1048 = arith.andi %ne3A_1044, %ne3A_1047 : i1
        %sub3A_1049 = arith.constant 1 : i32
        %sub3A_1050 = arith.subi %div3A_1029, %sub3A_1049 : i32
        %select_n3A_1051 = arith.select %and3A_1048, %sub3A_1050, %div3A_1029 : i32
        %jit3A_1052 = arith.constant 64 : i32
        %eq3A_1053 = arith.constant 0 : i32
        %eq3A_1054 = arith.cmpi eq, %jit3A_1052, %eq3A_1053 : i32
        %jit3A_1055 = arith.constant 1 : i32
        %select_n3A_1056 = arith.select %eq3A_1054, %jit3A_1055, %jit3A_1052 : i32
        %rem3A_1057 = arith.remsi %scan3A_1027, %select_n3A_1056 : i32
        %ne3A_1058 = arith.constant 0 : i32
        %ne3A_1059 = arith.cmpi ne, %rem3A_1057, %ne3A_1058 : i32
        %lt3A_1060 = arith.constant 0 : i32
        %lt3A_1061 = arith.cmpi slt, %rem3A_1057, %lt3A_1060 : i32
        %lt3A_1062 = arith.constant 0 : i32
        %lt3A_1063 = arith.cmpi slt, %select_n3A_1056, %lt3A_1062 : i32
        %ne3A_1064 = arith.xori %lt3A_1061, %lt3A_1063 : i1
        %and3A_1065 = arith.andi %ne3A_1064, %ne3A_1059 : i1
        %add3A_1066 = arith.addi %rem3A_1057, %select_n3A_1056 : i32
        %select_n3A_1067 = arith.select %and3A_1065, %add3A_1066, %rem3A_1057 : i32
        %mul3A_1068 = arith.constant 16 : i32
        %mul3A_1069 = arith.muli %select_n3A_1067, %mul3A_1068 : i32
        %get3A_1070 = arith.index_cast %select_n3A_1051 : i32 to index
        %get3A_1071 = arith.index_cast %mul3A_1069 : i32 to index
        %get3A_1072 = tpu.vector_load %arg9[%get3A_1070, %get3A_1071] {strides = array<i32>} : memref<8x1024xf32, #tpu.memory_space<vmem>>, vector<1x16xf32>,
        %get3A_1073 = vector.shape_cast %get3A_1072 : vector<1x16xf32> to vector<16xf32>
        %swap3A_1074 = arith.index_cast %select_n3A_1051 : i32 to index
        %swap3A_1075 = arith.index_cast %mul3A_1069 : i32 to index
        %swap3A_1076 = tpu.vector_load %arg5[%swap3A_1074, %swap3A_1075] {strides = array<i32>} : memref<8x1024xf32, #tpu.memory_space<vmem>>, vector<1x16xf32>,
        %swap3A_1077 = vector.shape_cast %swap3A_1076 : vector<1x16xf32> to vector<16xf32>
        %swap3A_1078 = vector.shape_cast %get3A_1073 : vector<16xf32> to vector<1x16xf32>
        tpu.vector_store %arg5[%swap3A_1074, %swap3A_1075], %swap3A_1078 {add = true, strides = array<i32>} : memref<8x1024xf32, #tpu.memory_space<vmem>>, vector<1x16xf32>,
        %scan3A_1079 = arith.constant 15 : i32
        %scan3A_1080 = arith.addi %scan3A_294, %scan3A_1079 : i32
        %jit3A_1081 = arith.constant 64 : i32
        %div3A_1082 = arith.divsi %scan3A_1080, %jit3A_1081 : i32
        %sign3A_1083 = arith.constant 0 : i32
        %sign3A_1084 = arith.cmpi sgt, %scan3A_1080, %sign3A_1083 : i32
        %sign3A_1085 = arith.extui %sign3A_1084 : i1 to i32
        %sign3A_1086 = arith.constant 0 : i32
        %sign3A_1087 = arith.cmpi slt, %scan3A_1080, %sign3A_1086 : i32
        %sign3A_1088 = arith.extui %sign3A_1087 : i1 to i32
        %sign3A_1089 = arith.subi %sign3A_1085, %sign3A_1088 : i32
        %sign3A_1090 = arith.constant 0 : i32
        %sign3A_1091 = arith.cmpi sgt, %jit3A_1081, %sign3A_1090 : i32
        %sign3A_1092 = arith.extui %sign3A_1091 : i1 to i32
        %sign3A_1093 = arith.constant 0 : i32
        %sign3A_1094 = arith.cmpi slt, %jit3A_1081, %sign3A_1093 : i32
        %sign3A_1095 = arith.extui %sign3A_1094 : i1 to i32
        %sign3A_1096 = arith.subi %sign3A_1092, %sign3A_1095 : i32
        %ne3A_1097 = arith.cmpi ne, %sign3A_1089, %sign3A_1096 : i32
        %rem3A_1098 = arith.remsi %scan3A_1080, %jit3A_1081 : i32
        %ne3A_1099 = arith.constant 0 : i32
        %ne3A_1100 = arith.cmpi ne, %rem3A_1098, %ne3A_1099 : i32
        %and3A_1101 = arith.andi %ne3A_1097, %ne3A_1100 : i1
        %sub3A_1102 = arith.constant 1 : i32
        %sub3A_1103 = arith.subi %div3A_1082, %sub3A_1102 : i32
        %select_n3A_1104 = arith.select %and3A_1101, %sub3A_1103, %div3A_1082 : i32
        %jit3A_1105 = arith.constant 64 : i32
        %eq3A_1106 = arith.constant 0 : i32
        %eq3A_1107 = arith.cmpi eq, %jit3A_1105, %eq3A_1106 : i32
        %jit3A_1108 = arith.constant 1 : i32
        %select_n3A_1109 = arith.select %eq3A_1107, %jit3A_1108, %jit3A_1105 : i32
        %rem3A_1110 = arith.remsi %scan3A_1080, %select_n3A_1109 : i32
        %ne3A_1111 = arith.constant 0 : i32
        %ne3A_1112 = arith.cmpi ne, %rem3A_1110, %ne3A_1111 : i32
        %lt3A_1113 = arith.constant 0 : i32
        %lt3A_1114 = arith.cmpi slt, %rem3A_1110, %lt3A_1113 : i32
        %lt3A_1115 = arith.constant 0 : i32
        %lt3A_1116 = arith.cmpi slt, %select_n3A_1109, %lt3A_1115 : i32
        %ne3A_1117 = arith.xori %lt3A_1114, %lt3A_1116 : i1
        %and3A_1118 = arith.andi %ne3A_1117, %ne3A_1112 : i1
        %add3A_1119 = arith.addi %rem3A_1110, %select_n3A_1109 : i32
        %select_n3A_1120 = arith.select %and3A_1118, %add3A_1119, %rem3A_1110 : i32
        %mul3A_1121 = arith.constant 16 : i32
        %mul3A_1122 = arith.muli %select_n3A_1120, %mul3A_1121 : i32
        %get3A_1123 = arith.index_cast %select_n3A_1104 : i32 to index
        %get3A_1124 = arith.index_cast %mul3A_1122 : i32 to index
        %get3A_1125 = tpu.vector_load %arg9[%get3A_1123, %get3A_1124] {strides = array<i32>} : memref<8x1024xf32, #tpu.memory_space<vmem>>, vector<1x16xf32>,
        %get3A_1126 = vector.shape_cast %get3A_1125 : vector<1x16xf32> to vector<16xf32>
        %swap3A_1127 = arith.index_cast %select_n3A_1104 : i32 to index
        %swap3A_1128 = arith.index_cast %mul3A_1122 : i32 to index
        %swap3A_1129 = tpu.vector_load %arg5[%swap3A_1127, %swap3A_1128] {strides = array<i32>} : memref<8x1024xf32, #tpu.memory_space<vmem>>, vector<1x16xf32>,
        %swap3A_1130 = vector.shape_cast %swap3A_1129 : vector<1x16xf32> to vector<16xf32>
        %swap3A_1131 = vector.shape_cast %get3A_1126 : vector<16xf32> to vector<1x16xf32>
        tpu.vector_store %arg5[%swap3A_1127, %swap3A_1128], %swap3A_1131 {add = true, strides = array<i32>} : memref<8x1024xf32, #tpu.memory_space<vmem>>, vector<1x16xf32>,
      }
      %scan3A_106 = arith.constant 512 : i32
      %mul3A_107 = arith.constant 8 : i32
      %mul3A_108 = arith.muli %add3A_83, %mul3A_107 : i32
      %add3A_109 = arith.addi %mul3A_6, %mul3A_108 : i32
      %dma_start3A_110 = arith.constant 0 : i32
      %dma_start3A_111 = tpu.memref_slice %arg4[%add3A_109, %dma_start3A_110] : memref<2048x1024xf32, #tpu.memory_space<hbm>> -> memref<8x1024xf32, #tpu.memory_space<hbm>>
      %dma_start3A_112 = arith.constant 0 : i32
      %dma_start3A_113 = tpu.memref_slice %arg4[%add3A_109, %dma_start3A_112] : memref<2048x1024xf32, #tpu.memory_space<hbm>> -> memref<8x1024xf32, #tpu.memory_space<hbm>>
      tpu.enqueue_dma source(%arg5 : memref<8x1024xf32, #tpu.memory_space<vmem>>) target(%dma_start3A_113 : memref<8x1024xf32, #tpu.memory_space<hbm>>) target_semaphore(%arg21 : memref<!tpu.dma_semaphore, #tpu.memory_space<semaphore_mem>>)
      %ge3A = arith.constant 1 : i32
      %ge3A_114 = arith.cmpi sge, %add3A_83, %ge3A : i32
      %add3A_115 = arith.constant 4 : i32
      %add3A_116 = arith.addi %add3A_83, %add3A_115 : i32
      %sub3A = arith.constant 1 : i32
      %sub3A_117 = arith.subi %add3A_116, %sub3A : i32
      %lt3A = arith.constant 8 : i32
      %lt3A_118 = arith.cmpi slt, %sub3A_117, %lt3A : i32
      %and3A = arith.andi %ge3A_114, %lt3A_118 : i1
      %convert_element_type3A = arith.extui %and3A : i1 to i32
      %cond3A = arith.constant 0 : i32
      %cond3A_119 = arith.cmpi ne, %convert_element_type3A, %cond3A : i32
      scf.if %cond3A_119 {
        %sub3A_294 = arith.constant 1 : i32
        %sub3A_295 = arith.subi %add3A_83, %sub3A_294 : i32
        %mul3A_296 = arith.constant 8 : i32
        %mul3A_297 = arith.muli %sub3A_295, %mul3A_296 : i32
        %add3A_298 = arith.addi %mul3A_6, %mul3A_297 : i32
        %dma_wait3A_299 = arith.constant 0 : i32
        %dma_wait3A_300 = tpu.memref_slice %arg4[%add3A_298, %dma_wait3A_299] : memref<2048x1024xf32, #tpu.memory_space<hbm>> -> memref<8x1024xf32, #tpu.memory_space<hbm>>
        %dma_wait3A_301 = arith.constant 0 : i32
        %dma_wait3A_302 = tpu.memref_slice %arg4[%add3A_298, %dma_wait3A_301] : memref<2048x1024xf32, #tpu.memory_space<hbm>> -> memref<8x1024xf32, #tpu.memory_space<hbm>>
        tpu.wait_dma2 semaphore(%arg24 : memref<!tpu.dma_semaphore, #tpu.memory_space<semaphore_mem>>) src(%arg8 : memref<8x1024xf32, #tpu.memory_space<vmem>>) dst(%dma_wait3A_302 : memref<8x1024xf32, #tpu.memory_space<hbm>>)
      } else {
      }
      %add3A_120 = arith.constant 4 : i32
      %add3A_121 = arith.addi %add3A_83, %add3A_120 : i32
      %sub3A_122 = arith.constant 1 : i32
      %sub3A_123 = arith.subi %add3A_121, %sub3A_122 : i32
      %lt3A_124 = arith.constant 8 : i32
      %lt3A_125 = arith.cmpi slt, %sub3A_123, %lt3A_124 : i32
      %convert_element_type3A_126 = arith.extui %lt3A_125 : i1 to i32
      %cond3A_127 = arith.constant 0 : i32
      %cond3A_128 = arith.cmpi ne, %convert_element_type3A_126, %cond3A_127 : i32
      scf.if %cond3A_128 {
        %add3A_294 = arith.constant 4 : i32
        %add3A_295 = arith.addi %add3A_83, %add3A_294 : i32
        %sub3A_296 = arith.constant 1 : i32
        %sub3A_297 = arith.subi %add3A_295, %sub3A_296 : i32
        %mul3A_298 = arith.constant 8 : i32
        %mul3A_299 = arith.muli %sub3A_297, %mul3A_298 : i32
        %add3A_300 = arith.addi %add3A_4, %mul3A_299 : i32
        %dma_start3A_301 = arith.constant 3 : i32
        %dma_start3A_302 = arith.constant 0 : i32
        %dma_start3A_303 = tpu.memref_slice %arg2[%dma_start3A_301, %add3A_300, %dma_start3A_302] : memref<4x4096x1024xf32, #tpu.memory_space<hbm>> -> memref<1x8x1024xf32, #tpu.memory_space<hbm>>
        %dma_start3A_304 = tpu.memref_squeeze %dma_start3A_303 : memref<1x8x1024xf32, #tpu.memory_space<hbm>> -> memref<8x1024xf32, #tpu.memory_space<hbm>>
        %dma_start3A_305 = arith.constant 0 : i32
        %dma_start3A_306 = tpu.memref_slice %arg2[%dma_start3A_301, %add3A_300, %dma_start3A_305] : memref<4x4096x1024xf32, #tpu.memory_space<hbm>> -> memref<1x8x1024xf32, #tpu.memory_space<hbm>>
        %dma_start3A_307 = tpu.memref_squeeze %dma_start3A_306 : memref<1x8x1024xf32, #tpu.memory_space<hbm>> -> memref<8x1024xf32, #tpu.memory_space<hbm>>
        tpu.enqueue_dma source(%dma_start3A_307 : memref<8x1024xf32, #tpu.memory_space<hbm>>) target(%arg8 : memref<8x1024xf32, #tpu.memory_space<vmem>>) target_semaphore(%arg16 : memref<!tpu.dma_semaphore, #tpu.memory_space<semaphore_mem>>)
        %mul3A_308 = arith.constant 8 : i32
        %mul3A_309 = arith.muli %sub3A_297, %mul3A_308 : i32
        %add3A_310 = arith.addi %add3A_4, %mul3A_309 : i32
        %dma_start3A_311 = arith.constant 0 : i32
        %dma_start3A_312 = tpu.memref_slice %arg3[%add3A_310, %dma_start3A_311] : memref<4096x1024xf32, #tpu.memory_space<hbm>> -> memref<8x1024xf32, #tpu.memory_space<hbm>>
        %dma_start3A_313 = arith.constant 0 : i32
        %dma_start3A_314 = tpu.memref_slice %arg3[%add3A_310, %dma_start3A_313] : memref<4096x1024xf32, #tpu.memory_space<hbm>> -> memref<8x1024xf32, #tpu.memory_space<hbm>>
        tpu.enqueue_dma source(%dma_start3A_314 : memref<8x1024xf32, #tpu.memory_space<hbm>>) target(%arg12 : memref<8x1024xf32, #tpu.memory_space<vmem>>) target_semaphore(%arg20 : memref<!tpu.dma_semaphore, #tpu.memory_space<semaphore_mem>>)
      } else {
      }
      %mul3A_129 = arith.constant 4 : i32
      %mul3A_130 = arith.muli %scan3A_79, %mul3A_129 : i32
      %add3A_131 = arith.constant 1 : i32
      %add3A_132 = arith.addi %mul3A_130, %add3A_131 : i32
      %mul3A_133 = arith.constant 8 : i32
      %mul3A_134 = arith.muli %add3A_132, %mul3A_133 : i32
      %add3A_135 = arith.addi %add3A_4, %mul3A_134 : i32
      %dma_wait3A_136 = arith.constant 3 : i32
      %dma_wait3A_137 = arith.constant 0 : i32
      %dma_wait3A_138 = tpu.memref_slice %arg2[%dma_wait3A_136, %add3A_135, %dma_wait3A_137] : memref<4x4096x1024xf32, #tpu.memory_space<hbm>> -> memref<1x8x1024xf32, #tpu.memory_space<hbm>>
      %dma_wait3A_139 = tpu.memref_squeeze %dma_wait3A_138 : memref<1x8x1024xf32, #tpu.memory_space<hbm>> -> memref<8x1024xf32, #tpu.memory_space<hbm>>
      %dma_wait3A_140 = arith.constant 0 : i32
      %dma_wait3A_141 = tpu.memref_slice %arg2[%dma_wait3A_136, %add3A_135, %dma_wait3A_140] : memref<4x4096x1024xf32, #tpu.memory_space<hbm>> -> memref<1x8x1024xf32, #tpu.memory_space<hbm>>
      %dma_wait3A_142 = tpu.memref_squeeze %dma_wait3A_141 : memref<1x8x1024xf32, #tpu.memory_space<hbm>> -> memref<8x1024xf32, #tpu.memory_space<hbm>>
      tpu.wait_dma2 semaphore(%arg14 : memref<!tpu.dma_semaphore, #tpu.memory_space<semaphore_mem>>) src(%dma_wait3A_142 : memref<8x1024xf32, #tpu.memory_space<hbm>>) dst(%arg6 : memref<8x1024xf32, #tpu.memory_space<vmem>>)
      %mul3A_143 = arith.constant 8 : i32
      %mul3A_144 = arith.muli %add3A_132, %mul3A_143 : i32
      %add3A_145 = arith.addi %add3A_4, %mul3A_144 : i32
      %dma_wait3A_146 = arith.constant 0 : i32
      %dma_wait3A_147 = tpu.memref_slice %arg3[%add3A_145, %dma_wait3A_146] : memref<4096x1024xf32, #tpu.memory_space<hbm>> -> memref<8x1024xf32, #tpu.memory_space<hbm>>
      %dma_wait3A_148 = arith.constant 0 : i32
      %dma_wait3A_149 = tpu.memref_slice %arg3[%add3A_145, %dma_wait3A_148] : memref<4096x1024xf32, #tpu.memory_space<hbm>> -> memref<8x1024xf32, #tpu.memory_space<hbm>>
      tpu.wait_dma2 semaphore(%arg18 : memref<!tpu.dma_semaphore, #tpu.memory_space<semaphore_mem>>) src(%dma_wait3A_149 : memref<8x1024xf32, #tpu.memory_space<hbm>>) dst(%arg10 : memref<8x1024xf32, #tpu.memory_space<vmem>>)
      %scan3A_150 = arith.constant 0 : i32
      %scan3A_151 = arith.constant 0 : i32
      %scan3A_152 = arith.constant 512 : i32
      %scan3A_153 = arith.addi %scan3A_151, %scan3A_152 : i32
      %scan3A_154 = arith.constant 16 : i32
      scf.for %scan3A_294 = %scan3A_151 to %scan3A_153 step %scan3A_154  : i32 {
        %jit3A = arith.constant 64 : i32
        %div3A = arith.divsi %scan3A_294, %jit3A : i32
        %sign3A = arith.constant 0 : i32
        %sign3A_295 = arith.cmpi sgt, %scan3A_294, %sign3A : i32
        %sign3A_296 = arith.extui %sign3A_295 : i1 to i32
        %sign3A_297 = arith.constant 0 : i32
        %sign3A_298 = arith.cmpi slt, %scan3A_294, %sign3A_297 : i32
        %sign3A_299 = arith.extui %sign3A_298 : i1 to i32
        %sign3A_300 = arith.subi %sign3A_296, %sign3A_299 : i32
        %sign3A_301 = arith.constant 0 : i32
        %sign3A_302 = arith.cmpi sgt, %jit3A, %sign3A_301 : i32
        %sign3A_303 = arith.extui %sign3A_302 : i1 to i32
        %sign3A_304 = arith.constant 0 : i32
        %sign3A_305 = arith.cmpi slt, %jit3A, %sign3A_304 : i32
        %sign3A_306 = arith.extui %sign3A_305 : i1 to i32
        %sign3A_307 = arith.subi %sign3A_303, %sign3A_306 : i32
        %ne3A = arith.cmpi ne, %sign3A_300, %sign3A_307 : i32
        %rem3A = arith.remsi %scan3A_294, %jit3A : i32
        %ne3A_308 = arith.constant 0 : i32
        %ne3A_309 = arith.cmpi ne, %rem3A, %ne3A_308 : i32
        %and3A_310 = arith.andi %ne3A, %ne3A_309 : i1
        %sub3A_311 = arith.constant 1 : i32
        %sub3A_312 = arith.subi %div3A, %sub3A_311 : i32
        %select_n3A = arith.select %and3A_310, %sub3A_312, %div3A : i32
        %jit3A_313 = arith.constant 64 : i32
        %eq3A = arith.constant 0 : i32
        %eq3A_314 = arith.cmpi eq, %jit3A_313, %eq3A : i32
        %jit3A_315 = arith.constant 1 : i32
        %select_n3A_316 = arith.select %eq3A_314, %jit3A_315, %jit3A_313 : i32
        %rem3A_317 = arith.remsi %scan3A_294, %select_n3A_316 : i32
        %ne3A_318 = arith.constant 0 : i32
        %ne3A_319 = arith.cmpi ne, %rem3A_317, %ne3A_318 : i32
        %lt3A_320 = arith.constant 0 : i32
        %lt3A_321 = arith.cmpi slt, %rem3A_317, %lt3A_320 : i32
        %lt3A_322 = arith.constant 0 : i32
        %lt3A_323 = arith.cmpi slt, %select_n3A_316, %lt3A_322 : i32
        %ne3A_324 = arith.xori %lt3A_321, %lt3A_323 : i1
        %and3A_325 = arith.andi %ne3A_324, %ne3A_319 : i1
        %add3A_326 = arith.addi %rem3A_317, %select_n3A_316 : i32
        %select_n3A_327 = arith.select %and3A_325, %add3A_326, %rem3A_317 : i32
        %mul3A_328 = arith.constant 16 : i32
        %mul3A_329 = arith.muli %select_n3A_327, %mul3A_328 : i32
        %get3A = arith.index_cast %select_n3A : i32 to index
        %get3A_330 = arith.index_cast %mul3A_329 : i32 to index
        %get3A_331 = tpu.vector_load %arg10[%get3A, %get3A_330] {strides = array<i32>} : memref<8x1024xf32, #tpu.memory_space<vmem>>, vector<1x16xf32>,
        %get3A_332 = vector.shape_cast %get3A_331 : vector<1x16xf32> to vector<16xf32>
        %swap3A = arith.index_cast %select_n3A : i32 to index
        %swap3A_333 = arith.index_cast %mul3A_329 : i32 to index
        %swap3A_334 = tpu.vector_load %arg6[%swap3A, %swap3A_333] {strides = array<i32>} : memref<8x1024xf32, #tpu.memory_space<vmem>>, vector<1x16xf32>,
        %swap3A_335 = vector.shape_cast %swap3A_334 : vector<1x16xf32> to vector<16xf32>
        %swap3A_336 = vector.shape_cast %get3A_332 : vector<16xf32> to vector<1x16xf32>
        tpu.vector_store %arg6[%swap3A, %swap3A_333], %swap3A_336 {add = true, strides = array<i32>} : memref<8x1024xf32, #tpu.memory_space<vmem>>, vector<1x16xf32>,
        %scan3A_337 = arith.constant 1 : i32
        %scan3A_338 = arith.addi %scan3A_294, %scan3A_337 : i32
        %jit3A_339 = arith.constant 64 : i32
        %div3A_340 = arith.divsi %scan3A_338, %jit3A_339 : i32
        %sign3A_341 = arith.constant 0 : i32
        %sign3A_342 = arith.cmpi sgt, %scan3A_338, %sign3A_341 : i32
        %sign3A_343 = arith.extui %sign3A_342 : i1 to i32
        %sign3A_344 = arith.constant 0 : i32
        %sign3A_345 = arith.cmpi slt, %scan3A_338, %sign3A_344 : i32
        %sign3A_346 = arith.extui %sign3A_345 : i1 to i32
        %sign3A_347 = arith.subi %sign3A_343, %sign3A_346 : i32
        %sign3A_348 = arith.constant 0 : i32
        %sign3A_349 = arith.cmpi sgt, %jit3A_339, %sign3A_348 : i32
        %sign3A_350 = arith.extui %sign3A_349 : i1 to i32
        %sign3A_351 = arith.constant 0 : i32
        %sign3A_352 = arith.cmpi slt, %jit3A_339, %sign3A_351 : i32
        %sign3A_353 = arith.extui %sign3A_352 : i1 to i32
        %sign3A_354 = arith.subi %sign3A_350, %sign3A_353 : i32
        %ne3A_355 = arith.cmpi ne, %sign3A_347, %sign3A_354 : i32
        %rem3A_356 = arith.remsi %scan3A_338, %jit3A_339 : i32
        %ne3A_357 = arith.constant 0 : i32
        %ne3A_358 = arith.cmpi ne, %rem3A_356, %ne3A_357 : i32
        %and3A_359 = arith.andi %ne3A_355, %ne3A_358 : i1
        %sub3A_360 = arith.constant 1 : i32
        %sub3A_361 = arith.subi %div3A_340, %sub3A_360 : i32
        %select_n3A_362 = arith.select %and3A_359, %sub3A_361, %div3A_340 : i32
        %jit3A_363 = arith.constant 64 : i32
        %eq3A_364 = arith.constant 0 : i32
        %eq3A_365 = arith.cmpi eq, %jit3A_363, %eq3A_364 : i32
        %jit3A_366 = arith.constant 1 : i32
        %select_n3A_367 = arith.select %eq3A_365, %jit3A_366, %jit3A_363 : i32
        %rem3A_368 = arith.remsi %scan3A_338, %select_n3A_367 : i32
        %ne3A_369 = arith.constant 0 : i32
        %ne3A_370 = arith.cmpi ne, %rem3A_368, %ne3A_369 : i32
        %lt3A_371 = arith.constant 0 : i32
        %lt3A_372 = arith.cmpi slt, %rem3A_368, %lt3A_371 : i32
        %lt3A_373 = arith.constant 0 : i32
        %lt3A_374 = arith.cmpi slt, %select_n3A_367, %lt3A_373 : i32
        %ne3A_375 = arith.xori %lt3A_372, %lt3A_374 : i1
        %and3A_376 = arith.andi %ne3A_375, %ne3A_370 : i1
        %add3A_377 = arith.addi %rem3A_368, %select_n3A_367 : i32
        %select_n3A_378 = arith.select %and3A_376, %add3A_377, %rem3A_368 : i32
        %mul3A_379 = arith.constant 16 : i32
        %mul3A_380 = arith.muli %select_n3A_378, %mul3A_379 : i32
        %get3A_381 = arith.index_cast %select_n3A_362 : i32 to index
        %get3A_382 = arith.index_cast %mul3A_380 : i32 to index
        %get3A_383 = tpu.vector_load %arg10[%get3A_381, %get3A_382] {strides = array<i32>} : memref<8x1024xf32, #tpu.memory_space<vmem>>, vector<1x16xf32>,
        %get3A_384 = vector.shape_cast %get3A_383 : vector<1x16xf32> to vector<16xf32>
        %swap3A_385 = arith.index_cast %select_n3A_362 : i32 to index
        %swap3A_386 = arith.index_cast %mul3A_380 : i32 to index
        %swap3A_387 = tpu.vector_load %arg6[%swap3A_385, %swap3A_386] {strides = array<i32>} : memref<8x1024xf32, #tpu.memory_space<vmem>>, vector<1x16xf32>,
        %swap3A_388 = vector.shape_cast %swap3A_387 : vector<1x16xf32> to vector<16xf32>
        %swap3A_389 = vector.shape_cast %get3A_384 : vector<16xf32> to vector<1x16xf32>
        tpu.vector_store %arg6[%swap3A_385, %swap3A_386], %swap3A_389 {add = true, strides = array<i32>} : memref<8x1024xf32, #tpu.memory_space<vmem>>, vector<1x16xf32>,
        %scan3A_390 = arith.constant 2 : i32
        %scan3A_391 = arith.addi %scan3A_294, %scan3A_390 : i32
        %jit3A_392 = arith.constant 64 : i32
        %div3A_393 = arith.divsi %scan3A_391, %jit3A_392 : i32
        %sign3A_394 = arith.constant 0 : i32
        %sign3A_395 = arith.cmpi sgt, %scan3A_391, %sign3A_394 : i32
        %sign3A_396 = arith.extui %sign3A_395 : i1 to i32
        %sign3A_397 = arith.constant 0 : i32
        %sign3A_398 = arith.cmpi slt, %scan3A_391, %sign3A_397 : i32
        %sign3A_399 = arith.extui %sign3A_398 : i1 to i32
        %sign3A_400 = arith.subi %sign3A_396, %sign3A_399 : i32
        %sign3A_401 = arith.constant 0 : i32
        %sign3A_402 = arith.cmpi sgt, %jit3A_392, %sign3A_401 : i32
        %sign3A_403 = arith.extui %sign3A_402 : i1 to i32
        %sign3A_404 = arith.constant 0 : i32
        %sign3A_405 = arith.cmpi slt, %jit3A_392, %sign3A_404 : i32
        %sign3A_406 = arith.extui %sign3A_405 : i1 to i32
        %sign3A_407 = arith.subi %sign3A_403, %sign3A_406 : i32
        %ne3A_408 = arith.cmpi ne, %sign3A_400, %sign3A_407 : i32
        %rem3A_409 = arith.remsi %scan3A_391, %jit3A_392 : i32
        %ne3A_410 = arith.constant 0 : i32
        %ne3A_411 = arith.cmpi ne, %rem3A_409, %ne3A_410 : i32
        %and3A_412 = arith.andi %ne3A_408, %ne3A_411 : i1
        %sub3A_413 = arith.constant 1 : i32
        %sub3A_414 = arith.subi %div3A_393, %sub3A_413 : i32
        %select_n3A_415 = arith.select %and3A_412, %sub3A_414, %div3A_393 : i32
        %jit3A_416 = arith.constant 64 : i32
        %eq3A_417 = arith.constant 0 : i32
        %eq3A_418 = arith.cmpi eq, %jit3A_416, %eq3A_417 : i32
        %jit3A_419 = arith.constant 1 : i32
        %select_n3A_420 = arith.select %eq3A_418, %jit3A_419, %jit3A_416 : i32
        %rem3A_421 = arith.remsi %scan3A_391, %select_n3A_420 : i32
        %ne3A_422 = arith.constant 0 : i32
        %ne3A_423 = arith.cmpi ne, %rem3A_421, %ne3A_422 : i32
        %lt3A_424 = arith.constant 0 : i32
        %lt3A_425 = arith.cmpi slt, %rem3A_421, %lt3A_424 : i32
        %lt3A_426 = arith.constant 0 : i32
        %lt3A_427 = arith.cmpi slt, %select_n3A_420, %lt3A_426 : i32
        %ne3A_428 = arith.xori %lt3A_425, %lt3A_427 : i1
        %and3A_429 = arith.andi %ne3A_428, %ne3A_423 : i1
        %add3A_430 = arith.addi %rem3A_421, %select_n3A_420 : i32
        %select_n3A_431 = arith.select %and3A_429, %add3A_430, %rem3A_421 : i32
        %mul3A_432 = arith.constant 16 : i32
        %mul3A_433 = arith.muli %select_n3A_431, %mul3A_432 : i32
        %get3A_434 = arith.index_cast %select_n3A_415 : i32 to index
        %get3A_435 = arith.index_cast %mul3A_433 : i32 to index
        %get3A_436 = tpu.vector_load %arg10[%get3A_434, %get3A_435] {strides = array<i32>} : memref<8x1024xf32, #tpu.memory_space<vmem>>, vector<1x16xf32>,
        %get3A_437 = vector.shape_cast %get3A_436 : vector<1x16xf32> to vector<16xf32>
        %swap3A_438 = arith.index_cast %select_n3A_415 : i32 to index
        %swap3A_439 = arith.index_cast %mul3A_433 : i32 to index
        %swap3A_440 = tpu.vector_load %arg6[%swap3A_438, %swap3A_439] {strides = array<i32>} : memref<8x1024xf32, #tpu.memory_space<vmem>>, vector<1x16xf32>,
        %swap3A_441 = vector.shape_cast %swap3A_440 : vector<1x16xf32> to vector<16xf32>
        %swap3A_442 = vector.shape_cast %get3A_437 : vector<16xf32> to vector<1x16xf32>
        tpu.vector_store %arg6[%swap3A_438, %swap3A_439], %swap3A_442 {add = true, strides = array<i32>} : memref<8x1024xf32, #tpu.memory_space<vmem>>, vector<1x16xf32>,
        %scan3A_443 = arith.constant 3 : i32
        %scan3A_444 = arith.addi %scan3A_294, %scan3A_443 : i32
        %jit3A_445 = arith.constant 64 : i32
        %div3A_446 = arith.divsi %scan3A_444, %jit3A_445 : i32
        %sign3A_447 = arith.constant 0 : i32
        %sign3A_448 = arith.cmpi sgt, %scan3A_444, %sign3A_447 : i32
        %sign3A_449 = arith.extui %sign3A_448 : i1 to i32
        %sign3A_450 = arith.constant 0 : i32
        %sign3A_451 = arith.cmpi slt, %scan3A_444, %sign3A_450 : i32
        %sign3A_452 = arith.extui %sign3A_451 : i1 to i32
        %sign3A_453 = arith.subi %sign3A_449, %sign3A_452 : i32
        %sign3A_454 = arith.constant 0 : i32
        %sign3A_455 = arith.cmpi sgt, %jit3A_445, %sign3A_454 : i32
        %sign3A_456 = arith.extui %sign3A_455 : i1 to i32
        %sign3A_457 = arith.constant 0 : i32
        %sign3A_458 = arith.cmpi slt, %jit3A_445, %sign3A_457 : i32
        %sign3A_459 = arith.extui %sign3A_458 : i1 to i32
        %sign3A_460 = arith.subi %sign3A_456, %sign3A_459 : i32
        %ne3A_461 = arith.cmpi ne, %sign3A_453, %sign3A_460 : i32
        %rem3A_462 = arith.remsi %scan3A_444, %jit3A_445 : i32
        %ne3A_463 = arith.constant 0 : i32
        %ne3A_464 = arith.cmpi ne, %rem3A_462, %ne3A_463 : i32
        %and3A_465 = arith.andi %ne3A_461, %ne3A_464 : i1
        %sub3A_466 = arith.constant 1 : i32
        %sub3A_467 = arith.subi %div3A_446, %sub3A_466 : i32
        %select_n3A_468 = arith.select %and3A_465, %sub3A_467, %div3A_446 : i32
        %jit3A_469 = arith.constant 64 : i32
        %eq3A_470 = arith.constant 0 : i32
        %eq3A_471 = arith.cmpi eq, %jit3A_469, %eq3A_470 : i32
        %jit3A_472 = arith.constant 1 : i32
        %select_n3A_473 = arith.select %eq3A_471, %jit3A_472, %jit3A_469 : i32
        %rem3A_474 = arith.remsi %scan3A_444, %select_n3A_473 : i32
        %ne3A_475 = arith.constant 0 : i32
        %ne3A_476 = arith.cmpi ne, %rem3A_474, %ne3A_475 : i32
        %lt3A_477 = arith.constant 0 : i32
        %lt3A_478 = arith.cmpi slt, %rem3A_474, %lt3A_477 : i32
        %lt3A_479 = arith.constant 0 : i32
        %lt3A_480 = arith.cmpi slt, %select_n3A_473, %lt3A_479 : i32
        %ne3A_481 = arith.xori %lt3A_478, %lt3A_480 : i1
        %and3A_482 = arith.andi %ne3A_481, %ne3A_476 : i1
        %add3A_483 = arith.addi %rem3A_474, %select_n3A_473 : i32
        %select_n3A_484 = arith.select %and3A_482, %add3A_483, %rem3A_474 : i32
        %mul3A_485 = arith.constant 16 : i32
        %mul3A_486 = arith.muli %select_n3A_484, %mul3A_485 : i32
        %get3A_487 = arith.index_cast %select_n3A_468 : i32 to index
        %get3A_488 = arith.index_cast %mul3A_486 : i32 to index
        %get3A_489 = tpu.vector_load %arg10[%get3A_487, %get3A_488] {strides = array<i32>} : memref<8x1024xf32, #tpu.memory_space<vmem>>, vector<1x16xf32>,
        %get3A_490 = vector.shape_cast %get3A_489 : vector<1x16xf32> to vector<16xf32>
        %swap3A_491 = arith.index_cast %select_n3A_468 : i32 to index
        %swap3A_492 = arith.index_cast %mul3A_486 : i32 to index
        %swap3A_493 = tpu.vector_load %arg6[%swap3A_491, %swap3A_492] {strides = array<i32>} : memref<8x1024xf32, #tpu.memory_space<vmem>>, vector<1x16xf32>,
        %swap3A_494 = vector.shape_cast %swap3A_493 : vector<1x16xf32> to vector<16xf32>
        %swap3A_495 = vector.shape_cast %get3A_490 : vector<16xf32> to vector<1x16xf32>
        tpu.vector_store %arg6[%swap3A_491, %swap3A_492], %swap3A_495 {add = true, strides = array<i32>} : memref<8x1024xf32, #tpu.memory_space<vmem>>, vector<1x16xf32>,
        %scan3A_496 = arith.constant 4 : i32
        %scan3A_497 = arith.addi %scan3A_294, %scan3A_496 : i32
        %jit3A_498 = arith.constant 64 : i32
        %div3A_499 = arith.divsi %scan3A_497, %jit3A_498 : i32
        %sign3A_500 = arith.constant 0 : i32
        %sign3A_501 = arith.cmpi sgt, %scan3A_497, %sign3A_500 : i32
        %sign3A_502 = arith.extui %sign3A_501 : i1 to i32
        %sign3A_503 = arith.constant 0 : i32
        %sign3A_504 = arith.cmpi slt, %scan3A_497, %sign3A_503 : i32
        %sign3A_505 = arith.extui %sign3A_504 : i1 to i32
        %sign3A_506 = arith.subi %sign3A_502, %sign3A_505 : i32
        %sign3A_507 = arith.constant 0 : i32
        %sign3A_508 = arith.cmpi sgt, %jit3A_498, %sign3A_507 : i32
        %sign3A_509 = arith.extui %sign3A_508 : i1 to i32
        %sign3A_510 = arith.constant 0 : i32
        %sign3A_511 = arith.cmpi slt, %jit3A_498, %sign3A_510 : i32
        %sign3A_512 = arith.extui %sign3A_511 : i1 to i32
        %sign3A_513 = arith.subi %sign3A_509, %sign3A_512 : i32
        %ne3A_514 = arith.cmpi ne, %sign3A_506, %sign3A_513 : i32
        %rem3A_515 = arith.remsi %scan3A_497, %jit3A_498 : i32
        %ne3A_516 = arith.constant 0 : i32
        %ne3A_517 = arith.cmpi ne, %rem3A_515, %ne3A_516 : i32
        %and3A_518 = arith.andi %ne3A_514, %ne3A_517 : i1
        %sub3A_519 = arith.constant 1 : i32
        %sub3A_520 = arith.subi %div3A_499, %sub3A_519 : i32
        %select_n3A_521 = arith.select %and3A_518, %sub3A_520, %div3A_499 : i32
        %jit3A_522 = arith.constant 64 : i32
        %eq3A_523 = arith.constant 0 : i32
        %eq3A_524 = arith.cmpi eq, %jit3A_522, %eq3A_523 : i32
        %jit3A_525 = arith.constant 1 : i32
        %select_n3A_526 = arith.select %eq3A_524, %jit3A_525, %jit3A_522 : i32
        %rem3A_527 = arith.remsi %scan3A_497, %select_n3A_526 : i32
        %ne3A_528 = arith.constant 0 : i32
        %ne3A_529 = arith.cmpi ne, %rem3A_527, %ne3A_528 : i32
        %lt3A_530 = arith.constant 0 : i32
        %lt3A_531 = arith.cmpi slt, %rem3A_527, %lt3A_530 : i32
        %lt3A_532 = arith.constant 0 : i32
        %lt3A_533 = arith.cmpi slt, %select_n3A_526, %lt3A_532 : i32
        %ne3A_534 = arith.xori %lt3A_531, %lt3A_533 : i1
        %and3A_535 = arith.andi %ne3A_534, %ne3A_529 : i1
        %add3A_536 = arith.addi %rem3A_527, %select_n3A_526 : i32
        %select_n3A_537 = arith.select %and3A_535, %add3A_536, %rem3A_527 : i32
        %mul3A_538 = arith.constant 16 : i32
        %mul3A_539 = arith.muli %select_n3A_537, %mul3A_538 : i32
        %get3A_540 = arith.index_cast %select_n3A_521 : i32 to index
        %get3A_541 = arith.index_cast %mul3A_539 : i32 to index
        %get3A_542 = tpu.vector_load %arg10[%get3A_540, %get3A_541] {strides = array<i32>} : memref<8x1024xf32, #tpu.memory_space<vmem>>, vector<1x16xf32>,
        %get3A_543 = vector.shape_cast %get3A_542 : vector<1x16xf32> to vector<16xf32>
        %swap3A_544 = arith.index_cast %select_n3A_521 : i32 to index
        %swap3A_545 = arith.index_cast %mul3A_539 : i32 to index
        %swap3A_546 = tpu.vector_load %arg6[%swap3A_544, %swap3A_545] {strides = array<i32>} : memref<8x1024xf32, #tpu.memory_space<vmem>>, vector<1x16xf32>,
        %swap3A_547 = vector.shape_cast %swap3A_546 : vector<1x16xf32> to vector<16xf32>
        %swap3A_548 = vector.shape_cast %get3A_543 : vector<16xf32> to vector<1x16xf32>
        tpu.vector_store %arg6[%swap3A_544, %swap3A_545], %swap3A_548 {add = true, strides = array<i32>} : memref<8x1024xf32, #tpu.memory_space<vmem>>, vector<1x16xf32>,
        %scan3A_549 = arith.constant 5 : i32
        %scan3A_550 = arith.addi %scan3A_294, %scan3A_549 : i32
        %jit3A_551 = arith.constant 64 : i32
        %div3A_552 = arith.divsi %scan3A_550, %jit3A_551 : i32
        %sign3A_553 = arith.constant 0 : i32
        %sign3A_554 = arith.cmpi sgt, %scan3A_550, %sign3A_553 : i32
        %sign3A_555 = arith.extui %sign3A_554 : i1 to i32
        %sign3A_556 = arith.constant 0 : i32
        %sign3A_557 = arith.cmpi slt, %scan3A_550, %sign3A_556 : i32
        %sign3A_558 = arith.extui %sign3A_557 : i1 to i32
        %sign3A_559 = arith.subi %sign3A_555, %sign3A_558 : i32
        %sign3A_560 = arith.constant 0 : i32
        %sign3A_561 = arith.cmpi sgt, %jit3A_551, %sign3A_560 : i32
        %sign3A_562 = arith.extui %sign3A_561 : i1 to i32
        %sign3A_563 = arith.constant 0 : i32
        %sign3A_564 = arith.cmpi slt, %jit3A_551, %sign3A_563 : i32
        %sign3A_565 = arith.extui %sign3A_564 : i1 to i32
        %sign3A_566 = arith.subi %sign3A_562, %sign3A_565 : i32
        %ne3A_567 = arith.cmpi ne, %sign3A_559, %sign3A_566 : i32
        %rem3A_568 = arith.remsi %scan3A_550, %jit3A_551 : i32
        %ne3A_569 = arith.constant 0 : i32
        %ne3A_570 = arith.cmpi ne, %rem3A_568, %ne3A_569 : i32
        %and3A_571 = arith.andi %ne3A_567, %ne3A_570 : i1
        %sub3A_572 = arith.constant 1 : i32
        %sub3A_573 = arith.subi %div3A_552, %sub3A_572 : i32
        %select_n3A_574 = arith.select %and3A_571, %sub3A_573, %div3A_552 : i32
        %jit3A_575 = arith.constant 64 : i32
        %eq3A_576 = arith.constant 0 : i32
        %eq3A_577 = arith.cmpi eq, %jit3A_575, %eq3A_576 : i32
        %jit3A_578 = arith.constant 1 : i32
        %select_n3A_579 = arith.select %eq3A_577, %jit3A_578, %jit3A_575 : i32
        %rem3A_580 = arith.remsi %scan3A_550, %select_n3A_579 : i32
        %ne3A_581 = arith.constant 0 : i32
        %ne3A_582 = arith.cmpi ne, %rem3A_580, %ne3A_581 : i32
        %lt3A_583 = arith.constant 0 : i32
        %lt3A_584 = arith.cmpi slt, %rem3A_580, %lt3A_583 : i32
        %lt3A_585 = arith.constant 0 : i32
        %lt3A_586 = arith.cmpi slt, %select_n3A_579, %lt3A_585 : i32
        %ne3A_587 = arith.xori %lt3A_584, %lt3A_586 : i1
        %and3A_588 = arith.andi %ne3A_587, %ne3A_582 : i1
        %add3A_589 = arith.addi %rem3A_580, %select_n3A_579 : i32
        %select_n3A_590 = arith.select %and3A_588, %add3A_589, %rem3A_580 : i32
        %mul3A_591 = arith.constant 16 : i32
        %mul3A_592 = arith.muli %select_n3A_590, %mul3A_591 : i32
        %get3A_593 = arith.index_cast %select_n3A_574 : i32 to index
        %get3A_594 = arith.index_cast %mul3A_592 : i32 to index
        %get3A_595 = tpu.vector_load %arg10[%get3A_593, %get3A_594] {strides = array<i32>} : memref<8x1024xf32, #tpu.memory_space<vmem>>, vector<1x16xf32>,
        %get3A_596 = vector.shape_cast %get3A_595 : vector<1x16xf32> to vector<16xf32>
        %swap3A_597 = arith.index_cast %select_n3A_574 : i32 to index
        %swap3A_598 = arith.index_cast %mul3A_592 : i32 to index
        %swap3A_599 = tpu.vector_load %arg6[%swap3A_597, %swap3A_598] {strides = array<i32>} : memref<8x1024xf32, #tpu.memory_space<vmem>>, vector<1x16xf32>,
        %swap3A_600 = vector.shape_cast %swap3A_599 : vector<1x16xf32> to vector<16xf32>
        %swap3A_601 = vector.shape_cast %get3A_596 : vector<16xf32> to vector<1x16xf32>
        tpu.vector_store %arg6[%swap3A_597, %swap3A_598], %swap3A_601 {add = true, strides = array<i32>} : memref<8x1024xf32, #tpu.memory_space<vmem>>, vector<1x16xf32>,
        %scan3A_602 = arith.constant 6 : i32
        %scan3A_603 = arith.addi %scan3A_294, %scan3A_602 : i32
        %jit3A_604 = arith.constant 64 : i32
        %div3A_605 = arith.divsi %scan3A_603, %jit3A_604 : i32
        %sign3A_606 = arith.constant 0 : i32
        %sign3A_607 = arith.cmpi sgt, %scan3A_603, %sign3A_606 : i32
        %sign3A_608 = arith.extui %sign3A_607 : i1 to i32
        %sign3A_609 = arith.constant 0 : i32
        %sign3A_610 = arith.cmpi slt, %scan3A_603, %sign3A_609 : i32
        %sign3A_611 = arith.extui %sign3A_610 : i1 to i32
        %sign3A_612 = arith.subi %sign3A_608, %sign3A_611 : i32
        %sign3A_613 = arith.constant 0 : i32
        %sign3A_614 = arith.cmpi sgt, %jit3A_604, %sign3A_613 : i32
        %sign3A_615 = arith.extui %sign3A_614 : i1 to i32
        %sign3A_616 = arith.constant 0 : i32
        %sign3A_617 = arith.cmpi slt, %jit3A_604, %sign3A_616 : i32
        %sign3A_618 = arith.extui %sign3A_617 : i1 to i32
        %sign3A_619 = arith.subi %sign3A_615, %sign3A_618 : i32
        %ne3A_620 = arith.cmpi ne, %sign3A_612, %sign3A_619 : i32
        %rem3A_621 = arith.remsi %scan3A_603, %jit3A_604 : i32
        %ne3A_622 = arith.constant 0 : i32
        %ne3A_623 = arith.cmpi ne, %rem3A_621, %ne3A_622 : i32
        %and3A_624 = arith.andi %ne3A_620, %ne3A_623 : i1
        %sub3A_625 = arith.constant 1 : i32
        %sub3A_626 = arith.subi %div3A_605, %sub3A_625 : i32
        %select_n3A_627 = arith.select %and3A_624, %sub3A_626, %div3A_605 : i32
        %jit3A_628 = arith.constant 64 : i32
        %eq3A_629 = arith.constant 0 : i32
        %eq3A_630 = arith.cmpi eq, %jit3A_628, %eq3A_629 : i32
        %jit3A_631 = arith.constant 1 : i32
        %select_n3A_632 = arith.select %eq3A_630, %jit3A_631, %jit3A_628 : i32
        %rem3A_633 = arith.remsi %scan3A_603, %select_n3A_632 : i32
        %ne3A_634 = arith.constant 0 : i32
        %ne3A_635 = arith.cmpi ne, %rem3A_633, %ne3A_634 : i32
        %lt3A_636 = arith.constant 0 : i32
        %lt3A_637 = arith.cmpi slt, %rem3A_633, %lt3A_636 : i32
        %lt3A_638 = arith.constant 0 : i32
        %lt3A_639 = arith.cmpi slt, %select_n3A_632, %lt3A_638 : i32
        %ne3A_640 = arith.xori %lt3A_637, %lt3A_639 : i1
        %and3A_641 = arith.andi %ne3A_640, %ne3A_635 : i1
        %add3A_642 = arith.addi %rem3A_633, %select_n3A_632 : i32
        %select_n3A_643 = arith.select %and3A_641, %add3A_642, %rem3A_633 : i32
        %mul3A_644 = arith.constant 16 : i32
        %mul3A_645 = arith.muli %select_n3A_643, %mul3A_644 : i32
        %get3A_646 = arith.index_cast %select_n3A_627 : i32 to index
        %get3A_647 = arith.index_cast %mul3A_645 : i32 to index
        %get3A_648 = tpu.vector_load %arg10[%get3A_646, %get3A_647] {strides = array<i32>} : memref<8x1024xf32, #tpu.memory_space<vmem>>, vector<1x16xf32>,
        %get3A_649 = vector.shape_cast %get3A_648 : vector<1x16xf32> to vector<16xf32>
        %swap3A_650 = arith.index_cast %select_n3A_627 : i32 to index
        %swap3A_651 = arith.index_cast %mul3A_645 : i32 to index
        %swap3A_652 = tpu.vector_load %arg6[%swap3A_650, %swap3A_651] {strides = array<i32>} : memref<8x1024xf32, #tpu.memory_space<vmem>>, vector<1x16xf32>,
        %swap3A_653 = vector.shape_cast %swap3A_652 : vector<1x16xf32> to vector<16xf32>
        %swap3A_654 = vector.shape_cast %get3A_649 : vector<16xf32> to vector<1x16xf32>
        tpu.vector_store %arg6[%swap3A_650, %swap3A_651], %swap3A_654 {add = true, strides = array<i32>} : memref<8x1024xf32, #tpu.memory_space<vmem>>, vector<1x16xf32>,
        %scan3A_655 = arith.constant 7 : i32
        %scan3A_656 = arith.addi %scan3A_294, %scan3A_655 : i32
        %jit3A_657 = arith.constant 64 : i32
        %div3A_658 = arith.divsi %scan3A_656, %jit3A_657 : i32
        %sign3A_659 = arith.constant 0 : i32
        %sign3A_660 = arith.cmpi sgt, %scan3A_656, %sign3A_659 : i32
        %sign3A_661 = arith.extui %sign3A_660 : i1 to i32
        %sign3A_662 = arith.constant 0 : i32
        %sign3A_663 = arith.cmpi slt, %scan3A_656, %sign3A_662 : i32
        %sign3A_664 = arith.extui %sign3A_663 : i1 to i32
        %sign3A_665 = arith.subi %sign3A_661, %sign3A_664 : i32
        %sign3A_666 = arith.constant 0 : i32
        %sign3A_667 = arith.cmpi sgt, %jit3A_657, %sign3A_666 : i32
        %sign3A_668 = arith.extui %sign3A_667 : i1 to i32
        %sign3A_669 = arith.constant 0 : i32
        %sign3A_670 = arith.cmpi slt, %jit3A_657, %sign3A_669 : i32
        %sign3A_671 = arith.extui %sign3A_670 : i1 to i32
        %sign3A_672 = arith.subi %sign3A_668, %sign3A_671 : i32
        %ne3A_673 = arith.cmpi ne, %sign3A_665, %sign3A_672 : i32
        %rem3A_674 = arith.remsi %scan3A_656, %jit3A_657 : i32
        %ne3A_675 = arith.constant 0 : i32
        %ne3A_676 = arith.cmpi ne, %rem3A_674, %ne3A_675 : i32
        %and3A_677 = arith.andi %ne3A_673, %ne3A_676 : i1
        %sub3A_678 = arith.constant 1 : i32
        %sub3A_679 = arith.subi %div3A_658, %sub3A_678 : i32
        %select_n3A_680 = arith.select %and3A_677, %sub3A_679, %div3A_658 : i32
        %jit3A_681 = arith.constant 64 : i32
        %eq3A_682 = arith.constant 0 : i32
        %eq3A_683 = arith.cmpi eq, %jit3A_681, %eq3A_682 : i32
        %jit3A_684 = arith.constant 1 : i32
        %select_n3A_685 = arith.select %eq3A_683, %jit3A_684, %jit3A_681 : i32
        %rem3A_686 = arith.remsi %scan3A_656, %select_n3A_685 : i32
        %ne3A_687 = arith.constant 0 : i32
        %ne3A_688 = arith.cmpi ne, %rem3A_686, %ne3A_687 : i32
        %lt3A_689 = arith.constant 0 : i32
        %lt3A_690 = arith.cmpi slt, %rem3A_686, %lt3A_689 : i32
        %lt3A_691 = arith.constant 0 : i32
        %lt3A_692 = arith.cmpi slt, %select_n3A_685, %lt3A_691 : i32
        %ne3A_693 = arith.xori %lt3A_690, %lt3A_692 : i1
        %and3A_694 = arith.andi %ne3A_693, %ne3A_688 : i1
        %add3A_695 = arith.addi %rem3A_686, %select_n3A_685 : i32
        %select_n3A_696 = arith.select %and3A_694, %add3A_695, %rem3A_686 : i32
        %mul3A_697 = arith.constant 16 : i32
        %mul3A_698 = arith.muli %select_n3A_696, %mul3A_697 : i32
        %get3A_699 = arith.index_cast %select_n3A_680 : i32 to index
        %get3A_700 = arith.index_cast %mul3A_698 : i32 to index
        %get3A_701 = tpu.vector_load %arg10[%get3A_699, %get3A_700] {strides = array<i32>} : memref<8x1024xf32, #tpu.memory_space<vmem>>, vector<1x16xf32>,
        %get3A_702 = vector.shape_cast %get3A_701 : vector<1x16xf32> to vector<16xf32>
        %swap3A_703 = arith.index_cast %select_n3A_680 : i32 to index
        %swap3A_704 = arith.index_cast %mul3A_698 : i32 to index
        %swap3A_705 = tpu.vector_load %arg6[%swap3A_703, %swap3A_704] {strides = array<i32>} : memref<8x1024xf32, #tpu.memory_space<vmem>>, vector<1x16xf32>,
        %swap3A_706 = vector.shape_cast %swap3A_705 : vector<1x16xf32> to vector<16xf32>
        %swap3A_707 = vector.shape_cast %get3A_702 : vector<16xf32> to vector<1x16xf32>
        tpu.vector_store %arg6[%swap3A_703, %swap3A_704], %swap3A_707 {add = true, strides = array<i32>} : memref<8x1024xf32, #tpu.memory_space<vmem>>, vector<1x16xf32>,
        %scan3A_708 = arith.constant 8 : i32
        %scan3A_709 = arith.addi %scan3A_294, %scan3A_708 : i32
        %jit3A_710 = arith.constant 64 : i32
        %div3A_711 = arith.divsi %scan3A_709, %jit3A_710 : i32
        %sign3A_712 = arith.constant 0 : i32
        %sign3A_713 = arith.cmpi sgt, %scan3A_709, %sign3A_712 : i32
        %sign3A_714 = arith.extui %sign3A_713 : i1 to i32
        %sign3A_715 = arith.constant 0 : i32
        %sign3A_716 = arith.cmpi slt, %scan3A_709, %sign3A_715 : i32
        %sign3A_717 = arith.extui %sign3A_716 : i1 to i32
        %sign3A_718 = arith.subi %sign3A_714, %sign3A_717 : i32
        %sign3A_719 = arith.constant 0 : i32
        %sign3A_720 = arith.cmpi sgt, %jit3A_710, %sign3A_719 : i32
        %sign3A_721 = arith.extui %sign3A_720 : i1 to i32
        %sign3A_722 = arith.constant 0 : i32
        %sign3A_723 = arith.cmpi slt, %jit3A_710, %sign3A_722 : i32
        %sign3A_724 = arith.extui %sign3A_723 : i1 to i32
        %sign3A_725 = arith.subi %sign3A_721, %sign3A_724 : i32
        %ne3A_726 = arith.cmpi ne, %sign3A_718, %sign3A_725 : i32
        %rem3A_727 = arith.remsi %scan3A_709, %jit3A_710 : i32
        %ne3A_728 = arith.constant 0 : i32
        %ne3A_729 = arith.cmpi ne, %rem3A_727, %ne3A_728 : i32
        %and3A_730 = arith.andi %ne3A_726, %ne3A_729 : i1
        %sub3A_731 = arith.constant 1 : i32
        %sub3A_732 = arith.subi %div3A_711, %sub3A_731 : i32
        %select_n3A_733 = arith.select %and3A_730, %sub3A_732, %div3A_711 : i32
        %jit3A_734 = arith.constant 64 : i32
        %eq3A_735 = arith.constant 0 : i32
        %eq3A_736 = arith.cmpi eq, %jit3A_734, %eq3A_735 : i32
        %jit3A_737 = arith.constant 1 : i32
        %select_n3A_738 = arith.select %eq3A_736, %jit3A_737, %jit3A_734 : i32
        %rem3A_739 = arith.remsi %scan3A_709, %select_n3A_738 : i32
        %ne3A_740 = arith.constant 0 : i32
        %ne3A_741 = arith.cmpi ne, %rem3A_739, %ne3A_740 : i32
        %lt3A_742 = arith.constant 0 : i32
        %lt3A_743 = arith.cmpi slt, %rem3A_739, %lt3A_742 : i32
        %lt3A_744 = arith.constant 0 : i32
        %lt3A_745 = arith.cmpi slt, %select_n3A_738, %lt3A_744 : i32
        %ne3A_746 = arith.xori %lt3A_743, %lt3A_745 : i1
        %and3A_747 = arith.andi %ne3A_746, %ne3A_741 : i1
        %add3A_748 = arith.addi %rem3A_739, %select_n3A_738 : i32
        %select_n3A_749 = arith.select %and3A_747, %add3A_748, %rem3A_739 : i32
        %mul3A_750 = arith.constant 16 : i32
        %mul3A_751 = arith.muli %select_n3A_749, %mul3A_750 : i32
        %get3A_752 = arith.index_cast %select_n3A_733 : i32 to index
        %get3A_753 = arith.index_cast %mul3A_751 : i32 to index
        %get3A_754 = tpu.vector_load %arg10[%get3A_752, %get3A_753] {strides = array<i32>} : memref<8x1024xf32, #tpu.memory_space<vmem>>, vector<1x16xf32>,
        %get3A_755 = vector.shape_cast %get3A_754 : vector<1x16xf32> to vector<16xf32>
        %swap3A_756 = arith.index_cast %select_n3A_733 : i32 to index
        %swap3A_757 = arith.index_cast %mul3A_751 : i32 to index
        %swap3A_758 = tpu.vector_load %arg6[%swap3A_756, %swap3A_757] {strides = array<i32>} : memref<8x1024xf32, #tpu.memory_space<vmem>>, vector<1x16xf32>,
        %swap3A_759 = vector.shape_cast %swap3A_758 : vector<1x16xf32> to vector<16xf32>
        %swap3A_760 = vector.shape_cast %get3A_755 : vector<16xf32> to vector<1x16xf32>
        tpu.vector_store %arg6[%swap3A_756, %swap3A_757], %swap3A_760 {add = true, strides = array<i32>} : memref<8x1024xf32, #tpu.memory_space<vmem>>, vector<1x16xf32>,
        %scan3A_761 = arith.constant 9 : i32
        %scan3A_762 = arith.addi %scan3A_294, %scan3A_761 : i32
        %jit3A_763 = arith.constant 64 : i32
        %div3A_764 = arith.divsi %scan3A_762, %jit3A_763 : i32
        %sign3A_765 = arith.constant 0 : i32
        %sign3A_766 = arith.cmpi sgt, %scan3A_762, %sign3A_765 : i32
        %sign3A_767 = arith.extui %sign3A_766 : i1 to i32
        %sign3A_768 = arith.constant 0 : i32
        %sign3A_769 = arith.cmpi slt, %scan3A_762, %sign3A_768 : i32
        %sign3A_770 = arith.extui %sign3A_769 : i1 to i32
        %sign3A_771 = arith.subi %sign3A_767, %sign3A_770 : i32
        %sign3A_772 = arith.constant 0 : i32
        %sign3A_773 = arith.cmpi sgt, %jit3A_763, %sign3A_772 : i32
        %sign3A_774 = arith.extui %sign3A_773 : i1 to i32
        %sign3A_775 = arith.constant 0 : i32
        %sign3A_776 = arith.cmpi slt, %jit3A_763, %sign3A_775 : i32
        %sign3A_777 = arith.extui %sign3A_776 : i1 to i32
        %sign3A_778 = arith.subi %sign3A_774, %sign3A_777 : i32
        %ne3A_779 = arith.cmpi ne, %sign3A_771, %sign3A_778 : i32
        %rem3A_780 = arith.remsi %scan3A_762, %jit3A_763 : i32
        %ne3A_781 = arith.constant 0 : i32
        %ne3A_782 = arith.cmpi ne, %rem3A_780, %ne3A_781 : i32
        %and3A_783 = arith.andi %ne3A_779, %ne3A_782 : i1
        %sub3A_784 = arith.constant 1 : i32
        %sub3A_785 = arith.subi %div3A_764, %sub3A_784 : i32
        %select_n3A_786 = arith.select %and3A_783, %sub3A_785, %div3A_764 : i32
        %jit3A_787 = arith.constant 64 : i32
        %eq3A_788 = arith.constant 0 : i32
        %eq3A_789 = arith.cmpi eq, %jit3A_787, %eq3A_788 : i32
        %jit3A_790 = arith.constant 1 : i32
        %select_n3A_791 = arith.select %eq3A_789, %jit3A_790, %jit3A_787 : i32
        %rem3A_792 = arith.remsi %scan3A_762, %select_n3A_791 : i32
        %ne3A_793 = arith.constant 0 : i32
        %ne3A_794 = arith.cmpi ne, %rem3A_792, %ne3A_793 : i32
        %lt3A_795 = arith.constant 0 : i32
        %lt3A_796 = arith.cmpi slt, %rem3A_792, %lt3A_795 : i32
        %lt3A_797 = arith.constant 0 : i32
        %lt3A_798 = arith.cmpi slt, %select_n3A_791, %lt3A_797 : i32
        %ne3A_799 = arith.xori %lt3A_796, %lt3A_798 : i1
        %and3A_800 = arith.andi %ne3A_799, %ne3A_794 : i1
        %add3A_801 = arith.addi %rem3A_792, %select_n3A_791 : i32
        %select_n3A_802 = arith.select %and3A_800, %add3A_801, %rem3A_792 : i32
        %mul3A_803 = arith.constant 16 : i32
        %mul3A_804 = arith.muli %select_n3A_802, %mul3A_803 : i32
        %get3A_805 = arith.index_cast %select_n3A_786 : i32 to index
        %get3A_806 = arith.index_cast %mul3A_804 : i32 to index
        %get3A_807 = tpu.vector_load %arg10[%get3A_805, %get3A_806] {strides = array<i32>} : memref<8x1024xf32, #tpu.memory_space<vmem>>, vector<1x16xf32>,
        %get3A_808 = vector.shape_cast %get3A_807 : vector<1x16xf32> to vector<16xf32>
        %swap3A_809 = arith.index_cast %select_n3A_786 : i32 to index
        %swap3A_810 = arith.index_cast %mul3A_804 : i32 to index
        %swap3A_811 = tpu.vector_load %arg6[%swap3A_809, %swap3A_810] {strides = array<i32>} : memref<8x1024xf32, #tpu.memory_space<vmem>>, vector<1x16xf32>,
        %swap3A_812 = vector.shape_cast %swap3A_811 : vector<1x16xf32> to vector<16xf32>
        %swap3A_813 = vector.shape_cast %get3A_808 : vector<16xf32> to vector<1x16xf32>
        tpu.vector_store %arg6[%swap3A_809, %swap3A_810], %swap3A_813 {add = true, strides = array<i32>} : memref<8x1024xf32, #tpu.memory_space<vmem>>, vector<1x16xf32>,
        %scan3A_814 = arith.constant 10 : i32
        %scan3A_815 = arith.addi %scan3A_294, %scan3A_814 : i32
        %jit3A_816 = arith.constant 64 : i32
        %div3A_817 = arith.divsi %scan3A_815, %jit3A_816 : i32
        %sign3A_818 = arith.constant 0 : i32
        %sign3A_819 = arith.cmpi sgt, %scan3A_815, %sign3A_818 : i32
        %sign3A_820 = arith.extui %sign3A_819 : i1 to i32
        %sign3A_821 = arith.constant 0 : i32
        %sign3A_822 = arith.cmpi slt, %scan3A_815, %sign3A_821 : i32
        %sign3A_823 = arith.extui %sign3A_822 : i1 to i32
        %sign3A_824 = arith.subi %sign3A_820, %sign3A_823 : i32
        %sign3A_825 = arith.constant 0 : i32
        %sign3A_826 = arith.cmpi sgt, %jit3A_816, %sign3A_825 : i32
        %sign3A_827 = arith.extui %sign3A_826 : i1 to i32
        %sign3A_828 = arith.constant 0 : i32
        %sign3A_829 = arith.cmpi slt, %jit3A_816, %sign3A_828 : i32
        %sign3A_830 = arith.extui %sign3A_829 : i1 to i32
        %sign3A_831 = arith.subi %sign3A_827, %sign3A_830 : i32
        %ne3A_832 = arith.cmpi ne, %sign3A_824, %sign3A_831 : i32
        %rem3A_833 = arith.remsi %scan3A_815, %jit3A_816 : i32
        %ne3A_834 = arith.constant 0 : i32
        %ne3A_835 = arith.cmpi ne, %rem3A_833, %ne3A_834 : i32
        %and3A_836 = arith.andi %ne3A_832, %ne3A_835 : i1
        %sub3A_837 = arith.constant 1 : i32
        %sub3A_838 = arith.subi %div3A_817, %sub3A_837 : i32
        %select_n3A_839 = arith.select %and3A_836, %sub3A_838, %div3A_817 : i32
        %jit3A_840 = arith.constant 64 : i32
        %eq3A_841 = arith.constant 0 : i32
        %eq3A_842 = arith.cmpi eq, %jit3A_840, %eq3A_841 : i32
        %jit3A_843 = arith.constant 1 : i32
        %select_n3A_844 = arith.select %eq3A_842, %jit3A_843, %jit3A_840 : i32
        %rem3A_845 = arith.remsi %scan3A_815, %select_n3A_844 : i32
        %ne3A_846 = arith.constant 0 : i32
        %ne3A_847 = arith.cmpi ne, %rem3A_845, %ne3A_846 : i32
        %lt3A_848 = arith.constant 0 : i32
        %lt3A_849 = arith.cmpi slt, %rem3A_845, %lt3A_848 : i32
        %lt3A_850 = arith.constant 0 : i32
        %lt3A_851 = arith.cmpi slt, %select_n3A_844, %lt3A_850 : i32
        %ne3A_852 = arith.xori %lt3A_849, %lt3A_851 : i1
        %and3A_853 = arith.andi %ne3A_852, %ne3A_847 : i1
        %add3A_854 = arith.addi %rem3A_845, %select_n3A_844 : i32
        %select_n3A_855 = arith.select %and3A_853, %add3A_854, %rem3A_845 : i32
        %mul3A_856 = arith.constant 16 : i32
        %mul3A_857 = arith.muli %select_n3A_855, %mul3A_856 : i32
        %get3A_858 = arith.index_cast %select_n3A_839 : i32 to index
        %get3A_859 = arith.index_cast %mul3A_857 : i32 to index
        %get3A_860 = tpu.vector_load %arg10[%get3A_858, %get3A_859] {strides = array<i32>} : memref<8x1024xf32, #tpu.memory_space<vmem>>, vector<1x16xf32>,
        %get3A_861 = vector.shape_cast %get3A_860 : vector<1x16xf32> to vector<16xf32>
        %swap3A_862 = arith.index_cast %select_n3A_839 : i32 to index
        %swap3A_863 = arith.index_cast %mul3A_857 : i32 to index
        %swap3A_864 = tpu.vector_load %arg6[%swap3A_862, %swap3A_863] {strides = array<i32>} : memref<8x1024xf32, #tpu.memory_space<vmem>>, vector<1x16xf32>,
        %swap3A_865 = vector.shape_cast %swap3A_864 : vector<1x16xf32> to vector<16xf32>
        %swap3A_866 = vector.shape_cast %get3A_861 : vector<16xf32> to vector<1x16xf32>
        tpu.vector_store %arg6[%swap3A_862, %swap3A_863], %swap3A_866 {add = true, strides = array<i32>} : memref<8x1024xf32, #tpu.memory_space<vmem>>, vector<1x16xf32>,
        %scan3A_867 = arith.constant 11 : i32
        %scan3A_868 = arith.addi %scan3A_294, %scan3A_867 : i32
        %jit3A_869 = arith.constant 64 : i32
        %div3A_870 = arith.divsi %scan3A_868, %jit3A_869 : i32
        %sign3A_871 = arith.constant 0 : i32
        %sign3A_872 = arith.cmpi sgt, %scan3A_868, %sign3A_871 : i32
        %sign3A_873 = arith.extui %sign3A_872 : i1 to i32
        %sign3A_874 = arith.constant 0 : i32
        %sign3A_875 = arith.cmpi slt, %scan3A_868, %sign3A_874 : i32
        %sign3A_876 = arith.extui %sign3A_875 : i1 to i32
        %sign3A_877 = arith.subi %sign3A_873, %sign3A_876 : i32
        %sign3A_878 = arith.constant 0 : i32
        %sign3A_879 = arith.cmpi sgt, %jit3A_869, %sign3A_878 : i32
        %sign3A_880 = arith.extui %sign3A_879 : i1 to i32
        %sign3A_881 = arith.constant 0 : i32
        %sign3A_882 = arith.cmpi slt, %jit3A_869, %sign3A_881 : i32
        %sign3A_883 = arith.extui %sign3A_882 : i1 to i32
        %sign3A_884 = arith.subi %sign3A_880, %sign3A_883 : i32
        %ne3A_885 = arith.cmpi ne, %sign3A_877, %sign3A_884 : i32
        %rem3A_886 = arith.remsi %scan3A_868, %jit3A_869 : i32
        %ne3A_887 = arith.constant 0 : i32
        %ne3A_888 = arith.cmpi ne, %rem3A_886, %ne3A_887 : i32
        %and3A_889 = arith.andi %ne3A_885, %ne3A_888 : i1
        %sub3A_890 = arith.constant 1 : i32
        %sub3A_891 = arith.subi %div3A_870, %sub3A_890 : i32
        %select_n3A_892 = arith.select %and3A_889, %sub3A_891, %div3A_870 : i32
        %jit3A_893 = arith.constant 64 : i32
        %eq3A_894 = arith.constant 0 : i32
        %eq3A_895 = arith.cmpi eq, %jit3A_893, %eq3A_894 : i32
        %jit3A_896 = arith.constant 1 : i32
        %select_n3A_897 = arith.select %eq3A_895, %jit3A_896, %jit3A_893 : i32
        %rem3A_898 = arith.remsi %scan3A_868, %select_n3A_897 : i32
        %ne3A_899 = arith.constant 0 : i32
        %ne3A_900 = arith.cmpi ne, %rem3A_898, %ne3A_899 : i32
        %lt3A_901 = arith.constant 0 : i32
        %lt3A_902 = arith.cmpi slt, %rem3A_898, %lt3A_901 : i32
        %lt3A_903 = arith.constant 0 : i32
        %lt3A_904 = arith.cmpi slt, %select_n3A_897, %lt3A_903 : i32
        %ne3A_905 = arith.xori %lt3A_902, %lt3A_904 : i1
        %and3A_906 = arith.andi %ne3A_905, %ne3A_900 : i1
        %add3A_907 = arith.addi %rem3A_898, %select_n3A_897 : i32
        %select_n3A_908 = arith.select %and3A_906, %add3A_907, %rem3A_898 : i32
        %mul3A_909 = arith.constant 16 : i32
        %mul3A_910 = arith.muli %select_n3A_908, %mul3A_909 : i32
        %get3A_911 = arith.index_cast %select_n3A_892 : i32 to index
        %get3A_912 = arith.index_cast %mul3A_910 : i32 to index
        %get3A_913 = tpu.vector_load %arg10[%get3A_911, %get3A_912] {strides = array<i32>} : memref<8x1024xf32, #tpu.memory_space<vmem>>, vector<1x16xf32>,
        %get3A_914 = vector.shape_cast %get3A_913 : vector<1x16xf32> to vector<16xf32>
        %swap3A_915 = arith.index_cast %select_n3A_892 : i32 to index
        %swap3A_916 = arith.index_cast %mul3A_910 : i32 to index
        %swap3A_917 = tpu.vector_load %arg6[%swap3A_915, %swap3A_916] {strides = array<i32>} : memref<8x1024xf32, #tpu.memory_space<vmem>>, vector<1x16xf32>,
        %swap3A_918 = vector.shape_cast %swap3A_917 : vector<1x16xf32> to vector<16xf32>
        %swap3A_919 = vector.shape_cast %get3A_914 : vector<16xf32> to vector<1x16xf32>
        tpu.vector_store %arg6[%swap3A_915, %swap3A_916], %swap3A_919 {add = true, strides = array<i32>} : memref<8x1024xf32, #tpu.memory_space<vmem>>, vector<1x16xf32>,
        %scan3A_920 = arith.constant 12 : i32
        %scan3A_921 = arith.addi %scan3A_294, %scan3A_920 : i32
        %jit3A_922 = arith.constant 64 : i32
        %div3A_923 = arith.divsi %scan3A_921, %jit3A_922 : i32
        %sign3A_924 = arith.constant 0 : i32
        %sign3A_925 = arith.cmpi sgt, %scan3A_921, %sign3A_924 : i32
        %sign3A_926 = arith.extui %sign3A_925 : i1 to i32
        %sign3A_927 = arith.constant 0 : i32
        %sign3A_928 = arith.cmpi slt, %scan3A_921, %sign3A_927 : i32
        %sign3A_929 = arith.extui %sign3A_928 : i1 to i32
        %sign3A_930 = arith.subi %sign3A_926, %sign3A_929 : i32
        %sign3A_931 = arith.constant 0 : i32
        %sign3A_932 = arith.cmpi sgt, %jit3A_922, %sign3A_931 : i32
        %sign3A_933 = arith.extui %sign3A_932 : i1 to i32
        %sign3A_934 = arith.constant 0 : i32
        %sign3A_935 = arith.cmpi slt, %jit3A_922, %sign3A_934 : i32
        %sign3A_936 = arith.extui %sign3A_935 : i1 to i32
        %sign3A_937 = arith.subi %sign3A_933, %sign3A_936 : i32
        %ne3A_938 = arith.cmpi ne, %sign3A_930, %sign3A_937 : i32
        %rem3A_939 = arith.remsi %scan3A_921, %jit3A_922 : i32
        %ne3A_940 = arith.constant 0 : i32
        %ne3A_941 = arith.cmpi ne, %rem3A_939, %ne3A_940 : i32
        %and3A_942 = arith.andi %ne3A_938, %ne3A_941 : i1
        %sub3A_943 = arith.constant 1 : i32
        %sub3A_944 = arith.subi %div3A_923, %sub3A_943 : i32
        %select_n3A_945 = arith.select %and3A_942, %sub3A_944, %div3A_923 : i32
        %jit3A_946 = arith.constant 64 : i32
        %eq3A_947 = arith.constant 0 : i32
        %eq3A_948 = arith.cmpi eq, %jit3A_946, %eq3A_947 : i32
        %jit3A_949 = arith.constant 1 : i32
        %select_n3A_950 = arith.select %eq3A_948, %jit3A_949, %jit3A_946 : i32
        %rem3A_951 = arith.remsi %scan3A_921, %select_n3A_950 : i32
        %ne3A_952 = arith.constant 0 : i32
        %ne3A_953 = arith.cmpi ne, %rem3A_951, %ne3A_952 : i32
        %lt3A_954 = arith.constant 0 : i32
        %lt3A_955 = arith.cmpi slt, %rem3A_951, %lt3A_954 : i32
        %lt3A_956 = arith.constant 0 : i32
        %lt3A_957 = arith.cmpi slt, %select_n3A_950, %lt3A_956 : i32
        %ne3A_958 = arith.xori %lt3A_955, %lt3A_957 : i1
        %and3A_959 = arith.andi %ne3A_958, %ne3A_953 : i1
        %add3A_960 = arith.addi %rem3A_951, %select_n3A_950 : i32
        %select_n3A_961 = arith.select %and3A_959, %add3A_960, %rem3A_951 : i32
        %mul3A_962 = arith.constant 16 : i32
        %mul3A_963 = arith.muli %select_n3A_961, %mul3A_962 : i32
        %get3A_964 = arith.index_cast %select_n3A_945 : i32 to index
        %get3A_965 = arith.index_cast %mul3A_963 : i32 to index
        %get3A_966 = tpu.vector_load %arg10[%get3A_964, %get3A_965] {strides = array<i32>} : memref<8x1024xf32, #tpu.memory_space<vmem>>, vector<1x16xf32>,
        %get3A_967 = vector.shape_cast %get3A_966 : vector<1x16xf32> to vector<16xf32>
        %swap3A_968 = arith.index_cast %select_n3A_945 : i32 to index
        %swap3A_969 = arith.index_cast %mul3A_963 : i32 to index
        %swap3A_970 = tpu.vector_load %arg6[%swap3A_968, %swap3A_969] {strides = array<i32>} : memref<8x1024xf32, #tpu.memory_space<vmem>>, vector<1x16xf32>,
        %swap3A_971 = vector.shape_cast %swap3A_970 : vector<1x16xf32> to vector<16xf32>
        %swap3A_972 = vector.shape_cast %get3A_967 : vector<16xf32> to vector<1x16xf32>
        tpu.vector_store %arg6[%swap3A_968, %swap3A_969], %swap3A_972 {add = true, strides = array<i32>} : memref<8x1024xf32, #tpu.memory_space<vmem>>, vector<1x16xf32>,
        %scan3A_973 = arith.constant 13 : i32
        %scan3A_974 = arith.addi %scan3A_294, %scan3A_973 : i32
        %jit3A_975 = arith.constant 64 : i32
        %div3A_976 = arith.divsi %scan3A_974, %jit3A_975 : i32
        %sign3A_977 = arith.constant 0 : i32
        %sign3A_978 = arith.cmpi sgt, %scan3A_974, %sign3A_977 : i32
        %sign3A_979 = arith.extui %sign3A_978 : i1 to i32
        %sign3A_980 = arith.constant 0 : i32
        %sign3A_981 = arith.cmpi slt, %scan3A_974, %sign3A_980 : i32
        %sign3A_982 = arith.extui %sign3A_981 : i1 to i32
        %sign3A_983 = arith.subi %sign3A_979, %sign3A_982 : i32
        %sign3A_984 = arith.constant 0 : i32
        %sign3A_985 = arith.cmpi sgt, %jit3A_975, %sign3A_984 : i32
        %sign3A_986 = arith.extui %sign3A_985 : i1 to i32
        %sign3A_987 = arith.constant 0 : i32
        %sign3A_988 = arith.cmpi slt, %jit3A_975, %sign3A_987 : i32
        %sign3A_989 = arith.extui %sign3A_988 : i1 to i32
        %sign3A_990 = arith.subi %sign3A_986, %sign3A_989 : i32
        %ne3A_991 = arith.cmpi ne, %sign3A_983, %sign3A_990 : i32
        %rem3A_992 = arith.remsi %scan3A_974, %jit3A_975 : i32
        %ne3A_993 = arith.constant 0 : i32
        %ne3A_994 = arith.cmpi ne, %rem3A_992, %ne3A_993 : i32
        %and3A_995 = arith.andi %ne3A_991, %ne3A_994 : i1
        %sub3A_996 = arith.constant 1 : i32
        %sub3A_997 = arith.subi %div3A_976, %sub3A_996 : i32
        %select_n3A_998 = arith.select %and3A_995, %sub3A_997, %div3A_976 : i32
        %jit3A_999 = arith.constant 64 : i32
        %eq3A_1000 = arith.constant 0 : i32
        %eq3A_1001 = arith.cmpi eq, %jit3A_999, %eq3A_1000 : i32
        %jit3A_1002 = arith.constant 1 : i32
        %select_n3A_1003 = arith.select %eq3A_1001, %jit3A_1002, %jit3A_999 : i32
        %rem3A_1004 = arith.remsi %scan3A_974, %select_n3A_1003 : i32
        %ne3A_1005 = arith.constant 0 : i32
        %ne3A_1006 = arith.cmpi ne, %rem3A_1004, %ne3A_1005 : i32
        %lt3A_1007 = arith.constant 0 : i32
        %lt3A_1008 = arith.cmpi slt, %rem3A_1004, %lt3A_1007 : i32
        %lt3A_1009 = arith.constant 0 : i32
        %lt3A_1010 = arith.cmpi slt, %select_n3A_1003, %lt3A_1009 : i32
        %ne3A_1011 = arith.xori %lt3A_1008, %lt3A_1010 : i1
        %and3A_1012 = arith.andi %ne3A_1011, %ne3A_1006 : i1
        %add3A_1013 = arith.addi %rem3A_1004, %select_n3A_1003 : i32
        %select_n3A_1014 = arith.select %and3A_1012, %add3A_1013, %rem3A_1004 : i32
        %mul3A_1015 = arith.constant 16 : i32
        %mul3A_1016 = arith.muli %select_n3A_1014, %mul3A_1015 : i32
        %get3A_1017 = arith.index_cast %select_n3A_998 : i32 to index
        %get3A_1018 = arith.index_cast %mul3A_1016 : i32 to index
        %get3A_1019 = tpu.vector_load %arg10[%get3A_1017, %get3A_1018] {strides = array<i32>} : memref<8x1024xf32, #tpu.memory_space<vmem>>, vector<1x16xf32>,
        %get3A_1020 = vector.shape_cast %get3A_1019 : vector<1x16xf32> to vector<16xf32>
        %swap3A_1021 = arith.index_cast %select_n3A_998 : i32 to index
        %swap3A_1022 = arith.index_cast %mul3A_1016 : i32 to index
        %swap3A_1023 = tpu.vector_load %arg6[%swap3A_1021, %swap3A_1022] {strides = array<i32>} : memref<8x1024xf32, #tpu.memory_space<vmem>>, vector<1x16xf32>,
        %swap3A_1024 = vector.shape_cast %swap3A_1023 : vector<1x16xf32> to vector<16xf32>
        %swap3A_1025 = vector.shape_cast %get3A_1020 : vector<16xf32> to vector<1x16xf32>
        tpu.vector_store %arg6[%swap3A_1021, %swap3A_1022], %swap3A_1025 {add = true, strides = array<i32>} : memref<8x1024xf32, #tpu.memory_space<vmem>>, vector<1x16xf32>,
        %scan3A_1026 = arith.constant 14 : i32
        %scan3A_1027 = arith.addi %scan3A_294, %scan3A_1026 : i32
        %jit3A_1028 = arith.constant 64 : i32
        %div3A_1029 = arith.divsi %scan3A_1027, %jit3A_1028 : i32
        %sign3A_1030 = arith.constant 0 : i32
        %sign3A_1031 = arith.cmpi sgt, %scan3A_1027, %sign3A_1030 : i32
        %sign3A_1032 = arith.extui %sign3A_1031 : i1 to i32
        %sign3A_1033 = arith.constant 0 : i32
        %sign3A_1034 = arith.cmpi slt, %scan3A_1027, %sign3A_1033 : i32
        %sign3A_1035 = arith.extui %sign3A_1034 : i1 to i32
        %sign3A_1036 = arith.subi %sign3A_1032, %sign3A_1035 : i32
        %sign3A_1037 = arith.constant 0 : i32
        %sign3A_1038 = arith.cmpi sgt, %jit3A_1028, %sign3A_1037 : i32
        %sign3A_1039 = arith.extui %sign3A_1038 : i1 to i32
        %sign3A_1040 = arith.constant 0 : i32
        %sign3A_1041 = arith.cmpi slt, %jit3A_1028, %sign3A_1040 : i32
        %sign3A_1042 = arith.extui %sign3A_1041 : i1 to i32
        %sign3A_1043 = arith.subi %sign3A_1039, %sign3A_1042 : i32
        %ne3A_1044 = arith.cmpi ne, %sign3A_1036, %sign3A_1043 : i32
        %rem3A_1045 = arith.remsi %scan3A_1027, %jit3A_1028 : i32
        %ne3A_1046 = arith.constant 0 : i32
        %ne3A_1047 = arith.cmpi ne, %rem3A_1045, %ne3A_1046 : i32
        %and3A_1048 = arith.andi %ne3A_1044, %ne3A_1047 : i1
        %sub3A_1049 = arith.constant 1 : i32
        %sub3A_1050 = arith.subi %div3A_1029, %sub3A_1049 : i32
        %select_n3A_1051 = arith.select %and3A_1048, %sub3A_1050, %div3A_1029 : i32
        %jit3A_1052 = arith.constant 64 : i32
        %eq3A_1053 = arith.constant 0 : i32
        %eq3A_1054 = arith.cmpi eq, %jit3A_1052, %eq3A_1053 : i32
        %jit3A_1055 = arith.constant 1 : i32
        %select_n3A_1056 = arith.select %eq3A_1054, %jit3A_1055, %jit3A_1052 : i32
        %rem3A_1057 = arith.remsi %scan3A_1027, %select_n3A_1056 : i32
        %ne3A_1058 = arith.constant 0 : i32
        %ne3A_1059 = arith.cmpi ne, %rem3A_1057, %ne3A_1058 : i32
        %lt3A_1060 = arith.constant 0 : i32
        %lt3A_1061 = arith.cmpi slt, %rem3A_1057, %lt3A_1060 : i32
        %lt3A_1062 = arith.constant 0 : i32
        %lt3A_1063 = arith.cmpi slt, %select_n3A_1056, %lt3A_1062 : i32
        %ne3A_1064 = arith.xori %lt3A_1061, %lt3A_1063 : i1
        %and3A_1065 = arith.andi %ne3A_1064, %ne3A_1059 : i1
        %add3A_1066 = arith.addi %rem3A_1057, %select_n3A_1056 : i32
        %select_n3A_1067 = arith.select %and3A_1065, %add3A_1066, %rem3A_1057 : i32
        %mul3A_1068 = arith.constant 16 : i32
        %mul3A_1069 = arith.muli %select_n3A_1067, %mul3A_1068 : i32
        %get3A_1070 = arith.index_cast %select_n3A_1051 : i32 to index
        %get3A_1071 = arith.index_cast %mul3A_1069 : i32 to index
        %get3A_1072 = tpu.vector_load %arg10[%get3A_1070, %get3A_1071] {strides = array<i32>} : memref<8x1024xf32, #tpu.memory_space<vmem>>, vector<1x16xf32>,
        %get3A_1073 = vector.shape_cast %get3A_1072 : vector<1x16xf32> to vector<16xf32>
        %swap3A_1074 = arith.index_cast %select_n3A_1051 : i32 to index
        %swap3A_1075 = arith.index_cast %mul3A_1069 : i32 to index
        %swap3A_1076 = tpu.vector_load %arg6[%swap3A_1074, %swap3A_1075] {strides = array<i32>} : memref<8x1024xf32, #tpu.memory_space<vmem>>, vector<1x16xf32>,
        %swap3A_1077 = vector.shape_cast %swap3A_1076 : vector<1x16xf32> to vector<16xf32>
        %swap3A_1078 = vector.shape_cast %get3A_1073 : vector<16xf32> to vector<1x16xf32>
        tpu.vector_store %arg6[%swap3A_1074, %swap3A_1075], %swap3A_1078 {add = true, strides = array<i32>} : memref<8x1024xf32, #tpu.memory_space<vmem>>, vector<1x16xf32>,
        %scan3A_1079 = arith.constant 15 : i32
        %scan3A_1080 = arith.addi %scan3A_294, %scan3A_1079 : i32
        %jit3A_1081 = arith.constant 64 : i32
        %div3A_1082 = arith.divsi %scan3A_1080, %jit3A_1081 : i32
        %sign3A_1083 = arith.constant 0 : i32
        %sign3A_1084 = arith.cmpi sgt, %scan3A_1080, %sign3A_1083 : i32
        %sign3A_1085 = arith.extui %sign3A_1084 : i1 to i32
        %sign3A_1086 = arith.constant 0 : i32
        %sign3A_1087 = arith.cmpi slt, %scan3A_1080, %sign3A_1086 : i32
        %sign3A_1088 = arith.extui %sign3A_1087 : i1 to i32
        %sign3A_1089 = arith.subi %sign3A_1085, %sign3A_1088 : i32
        %sign3A_1090 = arith.constant 0 : i32
        %sign3A_1091 = arith.cmpi sgt, %jit3A_1081, %sign3A_1090 : i32
        %sign3A_1092 = arith.extui %sign3A_1091 : i1 to i32
        %sign3A_1093 = arith.constant 0 : i32
        %sign3A_1094 = arith.cmpi slt, %jit3A_1081, %sign3A_1093 : i32
        %sign3A_1095 = arith.extui %sign3A_1094 : i1 to i32
        %sign3A_1096 = arith.subi %sign3A_1092, %sign3A_1095 : i32
        %ne3A_1097 = arith.cmpi ne, %sign3A_1089, %sign3A_1096 : i32
        %rem3A_1098 = arith.remsi %scan3A_1080, %jit3A_1081 : i32
        %ne3A_1099 = arith.constant 0 : i32
        %ne3A_1100 = arith.cmpi ne, %rem3A_1098, %ne3A_1099 : i32
        %and3A_1101 = arith.andi %ne3A_1097, %ne3A_1100 : i1
        %sub3A_1102 = arith.constant 1 : i32
        %sub3A_1103 = arith.subi %div3A_1082, %sub3A_1102 : i32
        %select_n3A_1104 = arith.select %and3A_1101, %sub3A_1103, %div3A_1082 : i32
        %jit3A_1105 = arith.constant 64 : i32
        %eq3A_1106 = arith.constant 0 : i32
        %eq3A_1107 = arith.cmpi eq, %jit3A_1105, %eq3A_1106 : i32
        %jit3A_1108 = arith.constant 1 : i32
        %select_n3A_1109 = arith.select %eq3A_1107, %jit3A_1108, %jit3A_1105 : i32
        %rem3A_1110 = arith.remsi %scan3A_1080, %select_n3A_1109 : i32
        %ne3A_1111 = arith.constant 0 : i32
        %ne3A_1112 = arith.cmpi ne, %rem3A_1110, %ne3A_1111 : i32
        %lt3A_1113 = arith.constant 0 : i32
        %lt3A_1114 = arith.cmpi slt, %rem3A_1110, %lt3A_1113 : i32
        %lt3A_1115 = arith.constant 0 : i32
        %lt3A_1116 = arith.cmpi slt, %select_n3A_1109, %lt3A_1115 : i32
        %ne3A_1117 = arith.xori %lt3A_1114, %lt3A_1116 : i1
        %and3A_1118 = arith.andi %ne3A_1117, %ne3A_1112 : i1
        %add3A_1119 = arith.addi %rem3A_1110, %select_n3A_1109 : i32
        %select_n3A_1120 = arith.select %and3A_1118, %add3A_1119, %rem3A_1110 : i32
        %mul3A_1121 = arith.constant 16 : i32
        %mul3A_1122 = arith.muli %select_n3A_1120, %mul3A_1121 : i32
        %get3A_1123 = arith.index_cast %select_n3A_1104 : i32 to index
        %get3A_1124 = arith.index_cast %mul3A_1122 : i32 to index
        %get3A_1125 = tpu.vector_load %arg10[%get3A_1123, %get3A_1124] {strides = array<i32>} : memref<8x1024xf32, #tpu.memory_space<vmem>>, vector<1x16xf32>,
        %get3A_1126 = vector.shape_cast %get3A_1125 : vector<1x16xf32> to vector<16xf32>
        %swap3A_1127 = arith.index_cast %select_n3A_1104 : i32 to index
        %swap3A_1128 = arith.index_cast %mul3A_1122 : i32 to index
        %swap3A_1129 = tpu.vector_load %arg6[%swap3A_1127, %swap3A_1128] {strides = array<i32>} : memref<8x1024xf32, #tpu.memory_space<vmem>>, vector<1x16xf32>,
        %swap3A_1130 = vector.shape_cast %swap3A_1129 : vector<1x16xf32> to vector<16xf32>
        %swap3A_1131 = vector.shape_cast %get3A_1126 : vector<16xf32> to vector<1x16xf32>
        tpu.vector_store %arg6[%swap3A_1127, %swap3A_1128], %swap3A_1131 {add = true, strides = array<i32>} : memref<8x1024xf32, #tpu.memory_space<vmem>>, vector<1x16xf32>,
      }
      %scan3A_155 = arith.constant 512 : i32
      %mul3A_156 = arith.constant 8 : i32
      %mul3A_157 = arith.muli %add3A_132, %mul3A_156 : i32
      %add3A_158 = arith.addi %mul3A_6, %mul3A_157 : i32
      %dma_start3A_159 = arith.constant 0 : i32
      %dma_start3A_160 = tpu.memref_slice %arg4[%add3A_158, %dma_start3A_159] : memref<2048x1024xf32, #tpu.memory_space<hbm>> -> memref<8x1024xf32, #tpu.memory_space<hbm>>
      %dma_start3A_161 = arith.constant 0 : i32
      %dma_start3A_162 = tpu.memref_slice %arg4[%add3A_158, %dma_start3A_161] : memref<2048x1024xf32, #tpu.memory_space<hbm>> -> memref<8x1024xf32, #tpu.memory_space<hbm>>
      tpu.enqueue_dma source(%arg6 : memref<8x1024xf32, #tpu.memory_space<vmem>>) target(%dma_start3A_162 : memref<8x1024xf32, #tpu.memory_space<hbm>>) target_semaphore(%arg22 : memref<!tpu.dma_semaphore, #tpu.memory_space<semaphore_mem>>)
      %ge3A_163 = arith.constant 1 : i32
      %ge3A_164 = arith.cmpi sge, %add3A_132, %ge3A_163 : i32
      %add3A_165 = arith.constant 4 : i32
      %add3A_166 = arith.addi %add3A_132, %add3A_165 : i32
      %sub3A_167 = arith.constant 1 : i32
      %sub3A_168 = arith.subi %add3A_166, %sub3A_167 : i32
      %lt3A_169 = arith.constant 8 : i32
      %lt3A_170 = arith.cmpi slt, %sub3A_168, %lt3A_169 : i32
      %and3A_171 = arith.andi %ge3A_164, %lt3A_170 : i1
      %convert_element_type3A_172 = arith.extui %and3A_171 : i1 to i32
      %cond3A_173 = arith.constant 0 : i32
      %cond3A_174 = arith.cmpi ne, %convert_element_type3A_172, %cond3A_173 : i32
      scf.if %cond3A_174 {
        %sub3A_294 = arith.constant 1 : i32
        %sub3A_295 = arith.subi %add3A_132, %sub3A_294 : i32
        %mul3A_296 = arith.constant 8 : i32
        %mul3A_297 = arith.muli %sub3A_295, %mul3A_296 : i32
        %add3A_298 = arith.addi %mul3A_6, %mul3A_297 : i32
        %dma_wait3A_299 = arith.constant 0 : i32
        %dma_wait3A_300 = tpu.memref_slice %arg4[%add3A_298, %dma_wait3A_299] : memref<2048x1024xf32, #tpu.memory_space<hbm>> -> memref<8x1024xf32, #tpu.memory_space<hbm>>
        %dma_wait3A_301 = arith.constant 0 : i32
        %dma_wait3A_302 = tpu.memref_slice %arg4[%add3A_298, %dma_wait3A_301] : memref<2048x1024xf32, #tpu.memory_space<hbm>> -> memref<8x1024xf32, #tpu.memory_space<hbm>>
        tpu.wait_dma2 semaphore(%arg21 : memref<!tpu.dma_semaphore, #tpu.memory_space<semaphore_mem>>) src(%arg5 : memref<8x1024xf32, #tpu.memory_space<vmem>>) dst(%dma_wait3A_302 : memref<8x1024xf32, #tpu.memory_space<hbm>>)
      } else {
      }
      %add3A_175 = arith.constant 4 : i32
      %add3A_176 = arith.addi %add3A_132, %add3A_175 : i32
      %sub3A_177 = arith.constant 1 : i32
      %sub3A_178 = arith.subi %add3A_176, %sub3A_177 : i32
      %lt3A_179 = arith.constant 8 : i32
      %lt3A_180 = arith.cmpi slt, %sub3A_178, %lt3A_179 : i32
      %convert_element_type3A_181 = arith.extui %lt3A_180 : i1 to i32
      %cond3A_182 = arith.constant 0 : i32
      %cond3A_183 = arith.cmpi ne, %convert_element_type3A_181, %cond3A_182 : i32
      scf.if %cond3A_183 {
        %add3A_294 = arith.constant 4 : i32
        %add3A_295 = arith.addi %add3A_132, %add3A_294 : i32
        %sub3A_296 = arith.constant 1 : i32
        %sub3A_297 = arith.subi %add3A_295, %sub3A_296 : i32
        %mul3A_298 = arith.constant 8 : i32
        %mul3A_299 = arith.muli %sub3A_297, %mul3A_298 : i32
        %add3A_300 = arith.addi %add3A_4, %mul3A_299 : i32
        %dma_start3A_301 = arith.constant 3 : i32
        %dma_start3A_302 = arith.constant 0 : i32
        %dma_start3A_303 = tpu.memref_slice %arg2[%dma_start3A_301, %add3A_300, %dma_start3A_302] : memref<4x4096x1024xf32, #tpu.memory_space<hbm>> -> memref<1x8x1024xf32, #tpu.memory_space<hbm>>
        %dma_start3A_304 = tpu.memref_squeeze %dma_start3A_303 : memref<1x8x1024xf32, #tpu.memory_space<hbm>> -> memref<8x1024xf32, #tpu.memory_space<hbm>>
        %dma_start3A_305 = arith.constant 0 : i32
        %dma_start3A_306 = tpu.memref_slice %arg2[%dma_start3A_301, %add3A_300, %dma_start3A_305] : memref<4x4096x1024xf32, #tpu.memory_space<hbm>> -> memref<1x8x1024xf32, #tpu.memory_space<hbm>>
        %dma_start3A_307 = tpu.memref_squeeze %dma_start3A_306 : memref<1x8x1024xf32, #tpu.memory_space<hbm>> -> memref<8x1024xf32, #tpu.memory_space<hbm>>
        tpu.enqueue_dma source(%dma_start3A_307 : memref<8x1024xf32, #tpu.memory_space<hbm>>) target(%arg5 : memref<8x1024xf32, #tpu.memory_space<vmem>>) target_semaphore(%arg13 : memref<!tpu.dma_semaphore, #tpu.memory_space<semaphore_mem>>)
        %mul3A_308 = arith.constant 8 : i32
        %mul3A_309 = arith.muli %sub3A_297, %mul3A_308 : i32
        %add3A_310 = arith.addi %add3A_4, %mul3A_309 : i32
        %dma_start3A_311 = arith.constant 0 : i32
        %dma_start3A_312 = tpu.memref_slice %arg3[%add3A_310, %dma_start3A_311] : memref<4096x1024xf32, #tpu.memory_space<hbm>> -> memref<8x1024xf32, #tpu.memory_space<hbm>>
        %dma_start3A_313 = arith.constant 0 : i32
        %dma_start3A_314 = tpu.memref_slice %arg3[%add3A_310, %dma_start3A_313] : memref<4096x1024xf32, #tpu.memory_space<hbm>> -> memref<8x1024xf32, #tpu.memory_space<hbm>>
        tpu.enqueue_dma source(%dma_start3A_314 : memref<8x1024xf32, #tpu.memory_space<hbm>>) target(%arg9 : memref<8x1024xf32, #tpu.memory_space<vmem>>) target_semaphore(%arg17 : memref<!tpu.dma_semaphore, #tpu.memory_space<semaphore_mem>>)
      } else {
      }
      %mul3A_184 = arith.constant 4 : i32
      %mul3A_185 = arith.muli %scan3A_79, %mul3A_184 : i32
      %add3A_186 = arith.constant 2 : i32
      %add3A_187 = arith.addi %mul3A_185, %add3A_186 : i32
      %mul3A_188 = arith.constant 8 : i32
      %mul3A_189 = arith.muli %add3A_187, %mul3A_188 : i32
      %add3A_190 = arith.addi %add3A_4, %mul3A_189 : i32
      %dma_wait3A_191 = arith.constant 3 : i32
      %dma_wait3A_192 = arith.constant 0 : i32
      %dma_wait3A_193 = tpu.memref_slice %arg2[%dma_wait3A_191, %add3A_190, %dma_wait3A_192] : memref<4x4096x1024xf32, #tpu.memory_space<hbm>> -> memref<1x8x1024xf32, #tpu.memory_space<hbm>>
      %dma_wait3A_194 = tpu.memref_squeeze %dma_wait3A_193 : memref<1x8x1024xf32, #tpu.memory_space<hbm>> -> memref<8x1024xf32, #tpu.memory_space<hbm>>
      %dma_wait3A_195 = arith.constant 0 : i32
      %dma_wait3A_196 = tpu.memref_slice %arg2[%dma_wait3A_191, %add3A_190, %dma_wait3A_195] : memref<4x4096x1024xf32, #tpu.memory_space<hbm>> -> memref<1x8x1024xf32, #tpu.memory_space<hbm>>
      %dma_wait3A_197 = tpu.memref_squeeze %dma_wait3A_196 : memref<1x8x1024xf32, #tpu.memory_space<hbm>> -> memref<8x1024xf32, #tpu.memory_space<hbm>>
      tpu.wait_dma2 semaphore(%arg15 : memref<!tpu.dma_semaphore, #tpu.memory_space<semaphore_mem>>) src(%dma_wait3A_197 : memref<8x1024xf32, #tpu.memory_space<hbm>>) dst(%arg7 : memref<8x1024xf32, #tpu.memory_space<vmem>>)
      %mul3A_198 = arith.constant 8 : i32
      %mul3A_199 = arith.muli %add3A_187, %mul3A_198 : i32
      %add3A_200 = arith.addi %add3A_4, %mul3A_199 : i32
      %dma_wait3A_201 = arith.constant 0 : i32
      %dma_wait3A_202 = tpu.memref_slice %arg3[%add3A_200, %dma_wait3A_201] : memref<4096x1024xf32, #tpu.memory_space<hbm>> -> memref<8x1024xf32, #tpu.memory_space<hbm>>
      %dma_wait3A_203 = arith.constant 0 : i32
      %dma_wait3A_204 = tpu.memref_slice %arg3[%add3A_200, %dma_wait3A_203] : memref<4096x1024xf32, #tpu.memory_space<hbm>> -> memref<8x1024xf32, #tpu.memory_space<hbm>>
      tpu.wait_dma2 semaphore(%arg19 : memref<!tpu.dma_semaphore, #tpu.memory_space<semaphore_mem>>) src(%dma_wait3A_204 : memref<8x1024xf32, #tpu.memory_space<hbm>>) dst(%arg11 : memref<8x1024xf32, #tpu.memory_space<vmem>>)
      %scan3A_205 = arith.constant 0 : i32
      %scan3A_206 = arith.constant 0 : i32
      %scan3A_207 = arith.constant 512 : i32
      %scan3A_208 = arith.addi %scan3A_206, %scan3A_207 : i32
      %scan3A_209 = arith.constant 16 : i32
      scf.for %scan3A_294 = %scan3A_206 to %scan3A_208 step %scan3A_209  : i32 {
        %jit3A = arith.constant 64 : i32
        %div3A = arith.divsi %scan3A_294, %jit3A : i32
        %sign3A = arith.constant 0 : i32
        %sign3A_295 = arith.cmpi sgt, %scan3A_294, %sign3A : i32
        %sign3A_296 = arith.extui %sign3A_295 : i1 to i32
        %sign3A_297 = arith.constant 0 : i32
        %sign3A_298 = arith.cmpi slt, %scan3A_294, %sign3A_297 : i32
        %sign3A_299 = arith.extui %sign3A_298 : i1 to i32
        %sign3A_300 = arith.subi %sign3A_296, %sign3A_299 : i32
        %sign3A_301 = arith.constant 0 : i32
        %sign3A_302 = arith.cmpi sgt, %jit3A, %sign3A_301 : i32
        %sign3A_303 = arith.extui %sign3A_302 : i1 to i32
        %sign3A_304 = arith.constant 0 : i32
        %sign3A_305 = arith.cmpi slt, %jit3A, %sign3A_304 : i32
        %sign3A_306 = arith.extui %sign3A_305 : i1 to i32
        %sign3A_307 = arith.subi %sign3A_303, %sign3A_306 : i32
        %ne3A = arith.cmpi ne, %sign3A_300, %sign3A_307 : i32
        %rem3A = arith.remsi %scan3A_294, %jit3A : i32
        %ne3A_308 = arith.constant 0 : i32
        %ne3A_309 = arith.cmpi ne, %rem3A, %ne3A_308 : i32
        %and3A_310 = arith.andi %ne3A, %ne3A_309 : i1
        %sub3A_311 = arith.constant 1 : i32
        %sub3A_312 = arith.subi %div3A, %sub3A_311 : i32
        %select_n3A = arith.select %and3A_310, %sub3A_312, %div3A : i32
        %jit3A_313 = arith.constant 64 : i32
        %eq3A = arith.constant 0 : i32
        %eq3A_314 = arith.cmpi eq, %jit3A_313, %eq3A : i32
        %jit3A_315 = arith.constant 1 : i32
        %select_n3A_316 = arith.select %eq3A_314, %jit3A_315, %jit3A_313 : i32
        %rem3A_317 = arith.remsi %scan3A_294, %select_n3A_316 : i32
        %ne3A_318 = arith.constant 0 : i32
        %ne3A_319 = arith.cmpi ne, %rem3A_317, %ne3A_318 : i32
        %lt3A_320 = arith.constant 0 : i32
        %lt3A_321 = arith.cmpi slt, %rem3A_317, %lt3A_320 : i32
        %lt3A_322 = arith.constant 0 : i32
        %lt3A_323 = arith.cmpi slt, %select_n3A_316, %lt3A_322 : i32
        %ne3A_324 = arith.xori %lt3A_321, %lt3A_323 : i1
        %and3A_325 = arith.andi %ne3A_324, %ne3A_319 : i1
        %add3A_326 = arith.addi %rem3A_317, %select_n3A_316 : i32
        %select_n3A_327 = arith.select %and3A_325, %add3A_326, %rem3A_317 : i32
        %mul3A_328 = arith.constant 16 : i32
        %mul3A_329 = arith.muli %select_n3A_327, %mul3A_328 : i32
        %get3A = arith.index_cast %select_n3A : i32 to index
        %get3A_330 = arith.index_cast %mul3A_329 : i32 to index
        %get3A_331 = tpu.vector_load %arg11[%get3A, %get3A_330] {strides = array<i32>} : memref<8x1024xf32, #tpu.memory_space<vmem>>, vector<1x16xf32>,
        %get3A_332 = vector.shape_cast %get3A_331 : vector<1x16xf32> to vector<16xf32>
        %swap3A = arith.index_cast %select_n3A : i32 to index
        %swap3A_333 = arith.index_cast %mul3A_329 : i32 to index
        %swap3A_334 = tpu.vector_load %arg7[%swap3A, %swap3A_333] {strides = array<i32>} : memref<8x1024xf32, #tpu.memory_space<vmem>>, vector<1x16xf32>,
        %swap3A_335 = vector.shape_cast %swap3A_334 : vector<1x16xf32> to vector<16xf32>
        %swap3A_336 = vector.shape_cast %get3A_332 : vector<16xf32> to vector<1x16xf32>
        tpu.vector_store %arg7[%swap3A, %swap3A_333], %swap3A_336 {add = true, strides = array<i32>} : memref<8x1024xf32, #tpu.memory_space<vmem>>, vector<1x16xf32>,
        %scan3A_337 = arith.constant 1 : i32
        %scan3A_338 = arith.addi %scan3A_294, %scan3A_337 : i32
        %jit3A_339 = arith.constant 64 : i32
        %div3A_340 = arith.divsi %scan3A_338, %jit3A_339 : i32
        %sign3A_341 = arith.constant 0 : i32
        %sign3A_342 = arith.cmpi sgt, %scan3A_338, %sign3A_341 : i32
        %sign3A_343 = arith.extui %sign3A_342 : i1 to i32
        %sign3A_344 = arith.constant 0 : i32
        %sign3A_345 = arith.cmpi slt, %scan3A_338, %sign3A_344 : i32
        %sign3A_346 = arith.extui %sign3A_345 : i1 to i32
        %sign3A_347 = arith.subi %sign3A_343, %sign3A_346 : i32
        %sign3A_348 = arith.constant 0 : i32
        %sign3A_349 = arith.cmpi sgt, %jit3A_339, %sign3A_348 : i32
        %sign3A_350 = arith.extui %sign3A_349 : i1 to i32
        %sign3A_351 = arith.constant 0 : i32
        %sign3A_352 = arith.cmpi slt, %jit3A_339, %sign3A_351 : i32
        %sign3A_353 = arith.extui %sign3A_352 : i1 to i32
        %sign3A_354 = arith.subi %sign3A_350, %sign3A_353 : i32
        %ne3A_355 = arith.cmpi ne, %sign3A_347, %sign3A_354 : i32
        %rem3A_356 = arith.remsi %scan3A_338, %jit3A_339 : i32
        %ne3A_357 = arith.constant 0 : i32
        %ne3A_358 = arith.cmpi ne, %rem3A_356, %ne3A_357 : i32
        %and3A_359 = arith.andi %ne3A_355, %ne3A_358 : i1
        %sub3A_360 = arith.constant 1 : i32
        %sub3A_361 = arith.subi %div3A_340, %sub3A_360 : i32
        %select_n3A_362 = arith.select %and3A_359, %sub3A_361, %div3A_340 : i32
        %jit3A_363 = arith.constant 64 : i32
        %eq3A_364 = arith.constant 0 : i32
        %eq3A_365 = arith.cmpi eq, %jit3A_363, %eq3A_364 : i32
        %jit3A_366 = arith.constant 1 : i32
        %select_n3A_367 = arith.select %eq3A_365, %jit3A_366, %jit3A_363 : i32
        %rem3A_368 = arith.remsi %scan3A_338, %select_n3A_367 : i32
        %ne3A_369 = arith.constant 0 : i32
        %ne3A_370 = arith.cmpi ne, %rem3A_368, %ne3A_369 : i32
        %lt3A_371 = arith.constant 0 : i32
        %lt3A_372 = arith.cmpi slt, %rem3A_368, %lt3A_371 : i32
        %lt3A_373 = arith.constant 0 : i32
        %lt3A_374 = arith.cmpi slt, %select_n3A_367, %lt3A_373 : i32
        %ne3A_375 = arith.xori %lt3A_372, %lt3A_374 : i1
        %and3A_376 = arith.andi %ne3A_375, %ne3A_370 : i1
        %add3A_377 = arith.addi %rem3A_368, %select_n3A_367 : i32
        %select_n3A_378 = arith.select %and3A_376, %add3A_377, %rem3A_368 : i32
        %mul3A_379 = arith.constant 16 : i32
        %mul3A_380 = arith.muli %select_n3A_378, %mul3A_379 : i32
        %get3A_381 = arith.index_cast %select_n3A_362 : i32 to index
        %get3A_382 = arith.index_cast %mul3A_380 : i32 to index
        %get3A_383 = tpu.vector_load %arg11[%get3A_381, %get3A_382] {strides = array<i32>} : memref<8x1024xf32, #tpu.memory_space<vmem>>, vector<1x16xf32>,
        %get3A_384 = vector.shape_cast %get3A_383 : vector<1x16xf32> to vector<16xf32>
        %swap3A_385 = arith.index_cast %select_n3A_362 : i32 to index
        %swap3A_386 = arith.index_cast %mul3A_380 : i32 to index
        %swap3A_387 = tpu.vector_load %arg7[%swap3A_385, %swap3A_386] {strides = array<i32>} : memref<8x1024xf32, #tpu.memory_space<vmem>>, vector<1x16xf32>,
        %swap3A_388 = vector.shape_cast %swap3A_387 : vector<1x16xf32> to vector<16xf32>
        %swap3A_389 = vector.shape_cast %get3A_384 : vector<16xf32> to vector<1x16xf32>
        tpu.vector_store %arg7[%swap3A_385, %swap3A_386], %swap3A_389 {add = true, strides = array<i32>} : memref<8x1024xf32, #tpu.memory_space<vmem>>, vector<1x16xf32>,
        %scan3A_390 = arith.constant 2 : i32
        %scan3A_391 = arith.addi %scan3A_294, %scan3A_390 : i32
        %jit3A_392 = arith.constant 64 : i32
        %div3A_393 = arith.divsi %scan3A_391, %jit3A_392 : i32
        %sign3A_394 = arith.constant 0 : i32
        %sign3A_395 = arith.cmpi sgt, %scan3A_391, %sign3A_394 : i32
        %sign3A_396 = arith.extui %sign3A_395 : i1 to i32
        %sign3A_397 = arith.constant 0 : i32
        %sign3A_398 = arith.cmpi slt, %scan3A_391, %sign3A_397 : i32
        %sign3A_399 = arith.extui %sign3A_398 : i1 to i32
        %sign3A_400 = arith.subi %sign3A_396, %sign3A_399 : i32
        %sign3A_401 = arith.constant 0 : i32
        %sign3A_402 = arith.cmpi sgt, %jit3A_392, %sign3A_401 : i32
        %sign3A_403 = arith.extui %sign3A_402 : i1 to i32
        %sign3A_404 = arith.constant 0 : i32
        %sign3A_405 = arith.cmpi slt, %jit3A_392, %sign3A_404 : i32
        %sign3A_406 = arith.extui %sign3A_405 : i1 to i32
        %sign3A_407 = arith.subi %sign3A_403, %sign3A_406 : i32
        %ne3A_408 = arith.cmpi ne, %sign3A_400, %sign3A_407 : i32
        %rem3A_409 = arith.remsi %scan3A_391, %jit3A_392 : i32
        %ne3A_410 = arith.constant 0 : i32
        %ne3A_411 = arith.cmpi ne, %rem3A_409, %ne3A_410 : i32
        %and3A_412 = arith.andi %ne3A_408, %ne3A_411 : i1
        %sub3A_413 = arith.constant 1 : i32
        %sub3A_414 = arith.subi %div3A_393, %sub3A_413 : i32
        %select_n3A_415 = arith.select %and3A_412, %sub3A_414, %div3A_393 : i32
        %jit3A_416 = arith.constant 64 : i32
        %eq3A_417 = arith.constant 0 : i32
        %eq3A_418 = arith.cmpi eq, %jit3A_416, %eq3A_417 : i32
        %jit3A_419 = arith.constant 1 : i32
        %select_n3A_420 = arith.select %eq3A_418, %jit3A_419, %jit3A_416 : i32
        %rem3A_421 = arith.remsi %scan3A_391, %select_n3A_420 : i32
        %ne3A_422 = arith.constant 0 : i32
        %ne3A_423 = arith.cmpi ne, %rem3A_421, %ne3A_422 : i32
        %lt3A_424 = arith.constant 0 : i32
        %lt3A_425 = arith.cmpi slt, %rem3A_421, %lt3A_424 : i32
        %lt3A_426 = arith.constant 0 : i32
        %lt3A_427 = arith.cmpi slt, %select_n3A_420, %lt3A_426 : i32
        %ne3A_428 = arith.xori %lt3A_425, %lt3A_427 : i1
        %and3A_429 = arith.andi %ne3A_428, %ne3A_423 : i1
        %add3A_430 = arith.addi %rem3A_421, %select_n3A_420 : i32
        %select_n3A_431 = arith.select %and3A_429, %add3A_430, %rem3A_421 : i32
        %mul3A_432 = arith.constant 16 : i32
        %mul3A_433 = arith.muli %select_n3A_431, %mul3A_432 : i32
        %get3A_434 = arith.index_cast %select_n3A_415 : i32 to index
        %get3A_435 = arith.index_cast %mul3A_433 : i32 to index
        %get3A_436 = tpu.vector_load %arg11[%get3A_434, %get3A_435] {strides = array<i32>} : memref<8x1024xf32, #tpu.memory_space<vmem>>, vector<1x16xf32>,
        %get3A_437 = vector.shape_cast %get3A_436 : vector<1x16xf32> to vector<16xf32>
        %swap3A_438 = arith.index_cast %select_n3A_415 : i32 to index
        %swap3A_439 = arith.index_cast %mul3A_433 : i32 to index
        %swap3A_440 = tpu.vector_load %arg7[%swap3A_438, %swap3A_439] {strides = array<i32>} : memref<8x1024xf32, #tpu.memory_space<vmem>>, vector<1x16xf32>,
        %swap3A_441 = vector.shape_cast %swap3A_440 : vector<1x16xf32> to vector<16xf32>
        %swap3A_442 = vector.shape_cast %get3A_437 : vector<16xf32> to vector<1x16xf32>
        tpu.vector_store %arg7[%swap3A_438, %swap3A_439], %swap3A_442 {add = true, strides = array<i32>} : memref<8x1024xf32, #tpu.memory_space<vmem>>, vector<1x16xf32>,
        %scan3A_443 = arith.constant 3 : i32
        %scan3A_444 = arith.addi %scan3A_294, %scan3A_443 : i32
        %jit3A_445 = arith.constant 64 : i32
        %div3A_446 = arith.divsi %scan3A_444, %jit3A_445 : i32
        %sign3A_447 = arith.constant 0 : i32
        %sign3A_448 = arith.cmpi sgt, %scan3A_444, %sign3A_447 : i32
        %sign3A_449 = arith.extui %sign3A_448 : i1 to i32
        %sign3A_450 = arith.constant 0 : i32
        %sign3A_451 = arith.cmpi slt, %scan3A_444, %sign3A_450 : i32
        %sign3A_452 = arith.extui %sign3A_451 : i1 to i32
        %sign3A_453 = arith.subi %sign3A_449, %sign3A_452 : i32
        %sign3A_454 = arith.constant 0 : i32
        %sign3A_455 = arith.cmpi sgt, %jit3A_445, %sign3A_454 : i32
        %sign3A_456 = arith.extui %sign3A_455 : i1 to i32
        %sign3A_457 = arith.constant 0 : i32
        %sign3A_458 = arith.cmpi slt, %jit3A_445, %sign3A_457 : i32
        %sign3A_459 = arith.extui %sign3A_458 : i1 to i32
        %sign3A_460 = arith.subi %sign3A_456, %sign3A_459 : i32
        %ne3A_461 = arith.cmpi ne, %sign3A_453, %sign3A_460 : i32
        %rem3A_462 = arith.remsi %scan3A_444, %jit3A_445 : i32
        %ne3A_463 = arith.constant 0 : i32
        %ne3A_464 = arith.cmpi ne, %rem3A_462, %ne3A_463 : i32
        %and3A_465 = arith.andi %ne3A_461, %ne3A_464 : i1
        %sub3A_466 = arith.constant 1 : i32
        %sub3A_467 = arith.subi %div3A_446, %sub3A_466 : i32
        %select_n3A_468 = arith.select %and3A_465, %sub3A_467, %div3A_446 : i32
        %jit3A_469 = arith.constant 64 : i32
        %eq3A_470 = arith.constant 0 : i32
        %eq3A_471 = arith.cmpi eq, %jit3A_469, %eq3A_470 : i32
        %jit3A_472 = arith.constant 1 : i32
        %select_n3A_473 = arith.select %eq3A_471, %jit3A_472, %jit3A_469 : i32
        %rem3A_474 = arith.remsi %scan3A_444, %select_n3A_473 : i32
        %ne3A_475 = arith.constant 0 : i32
        %ne3A_476 = arith.cmpi ne, %rem3A_474, %ne3A_475 : i32
        %lt3A_477 = arith.constant 0 : i32
        %lt3A_478 = arith.cmpi slt, %rem3A_474, %lt3A_477 : i32
        %lt3A_479 = arith.constant 0 : i32
        %lt3A_480 = arith.cmpi slt, %select_n3A_473, %lt3A_479 : i32
        %ne3A_481 = arith.xori %lt3A_478, %lt3A_480 : i1
        %and3A_482 = arith.andi %ne3A_481, %ne3A_476 : i1
        %add3A_483 = arith.addi %rem3A_474, %select_n3A_473 : i32
        %select_n3A_484 = arith.select %and3A_482, %add3A_483, %rem3A_474 : i32
        %mul3A_485 = arith.constant 16 : i32
        %mul3A_486 = arith.muli %select_n3A_484, %mul3A_485 : i32
        %get3A_487 = arith.index_cast %select_n3A_468 : i32 to index
        %get3A_488 = arith.index_cast %mul3A_486 : i32 to index
        %get3A_489 = tpu.vector_load %arg11[%get3A_487, %get3A_488] {strides = array<i32>} : memref<8x1024xf32, #tpu.memory_space<vmem>>, vector<1x16xf32>,
        %get3A_490 = vector.shape_cast %get3A_489 : vector<1x16xf32> to vector<16xf32>
        %swap3A_491 = arith.index_cast %select_n3A_468 : i32 to index
        %swap3A_492 = arith.index_cast %mul3A_486 : i32 to index
        %swap3A_493 = tpu.vector_load %arg7[%swap3A_491, %swap3A_492] {strides = array<i32>} : memref<8x1024xf32, #tpu.memory_space<vmem>>, vector<1x16xf32>,
        %swap3A_494 = vector.shape_cast %swap3A_493 : vector<1x16xf32> to vector<16xf32>
        %swap3A_495 = vector.shape_cast %get3A_490 : vector<16xf32> to vector<1x16xf32>
        tpu.vector_store %arg7[%swap3A_491, %swap3A_492], %swap3A_495 {add = true, strides = array<i32>} : memref<8x1024xf32, #tpu.memory_space<vmem>>, vector<1x16xf32>,
        %scan3A_496 = arith.constant 4 : i32
        %scan3A_497 = arith.addi %scan3A_294, %scan3A_496 : i32
        %jit3A_498 = arith.constant 64 : i32
        %div3A_499 = arith.divsi %scan3A_497, %jit3A_498 : i32
        %sign3A_500 = arith.constant 0 : i32
        %sign3A_501 = arith.cmpi sgt, %scan3A_497, %sign3A_500 : i32
        %sign3A_502 = arith.extui %sign3A_501 : i1 to i32
        %sign3A_503 = arith.constant 0 : i32
        %sign3A_504 = arith.cmpi slt, %scan3A_497, %sign3A_503 : i32
        %sign3A_505 = arith.extui %sign3A_504 : i1 to i32
        %sign3A_506 = arith.subi %sign3A_502, %sign3A_505 : i32
        %sign3A_507 = arith.constant 0 : i32
        %sign3A_508 = arith.cmpi sgt, %jit3A_498, %sign3A_507 : i32
        %sign3A_509 = arith.extui %sign3A_508 : i1 to i32
        %sign3A_510 = arith.constant 0 : i32
        %sign3A_511 = arith.cmpi slt, %jit3A_498, %sign3A_510 : i32
        %sign3A_512 = arith.extui %sign3A_511 : i1 to i32
        %sign3A_513 = arith.subi %sign3A_509, %sign3A_512 : i32
        %ne3A_514 = arith.cmpi ne, %sign3A_506, %sign3A_513 : i32
        %rem3A_515 = arith.remsi %scan3A_497, %jit3A_498 : i32
        %ne3A_516 = arith.constant 0 : i32
        %ne3A_517 = arith.cmpi ne, %rem3A_515, %ne3A_516 : i32
        %and3A_518 = arith.andi %ne3A_514, %ne3A_517 : i1
        %sub3A_519 = arith.constant 1 : i32
        %sub3A_520 = arith.subi %div3A_499, %sub3A_519 : i32
        %select_n3A_521 = arith.select %and3A_518, %sub3A_520, %div3A_499 : i32
        %jit3A_522 = arith.constant 64 : i32
        %eq3A_523 = arith.constant 0 : i32
        %eq3A_524 = arith.cmpi eq, %jit3A_522, %eq3A_523 : i32
        %jit3A_525 = arith.constant 1 : i32
        %select_n3A_526 = arith.select %eq3A_524, %jit3A_525, %jit3A_522 : i32
        %rem3A_527 = arith.remsi %scan3A_497, %select_n3A_526 : i32
        %ne3A_528 = arith.constant 0 : i32
        %ne3A_529 = arith.cmpi ne, %rem3A_527, %ne3A_528 : i32
        %lt3A_530 = arith.constant 0 : i32
        %lt3A_531 = arith.cmpi slt, %rem3A_527, %lt3A_530 : i32
        %lt3A_532 = arith.constant 0 : i32
        %lt3A_533 = arith.cmpi slt, %select_n3A_526, %lt3A_532 : i32
        %ne3A_534 = arith.xori %lt3A_531, %lt3A_533 : i1
        %and3A_535 = arith.andi %ne3A_534, %ne3A_529 : i1
        %add3A_536 = arith.addi %rem3A_527, %select_n3A_526 : i32
        %select_n3A_537 = arith.select %and3A_535, %add3A_536, %rem3A_527 : i32
        %mul3A_538 = arith.constant 16 : i32
        %mul3A_539 = arith.muli %select_n3A_537, %mul3A_538 : i32
        %get3A_540 = arith.index_cast %select_n3A_521 : i32 to index
        %get3A_541 = arith.index_cast %mul3A_539 : i32 to index
        %get3A_542 = tpu.vector_load %arg11[%get3A_540, %get3A_541] {strides = array<i32>} : memref<8x1024xf32, #tpu.memory_space<vmem>>, vector<1x16xf32>,
        %get3A_543 = vector.shape_cast %get3A_542 : vector<1x16xf32> to vector<16xf32>
        %swap3A_544 = arith.index_cast %select_n3A_521 : i32 to index
        %swap3A_545 = arith.index_cast %mul3A_539 : i32 to index
        %swap3A_546 = tpu.vector_load %arg7[%swap3A_544, %swap3A_545] {strides = array<i32>} : memref<8x1024xf32, #tpu.memory_space<vmem>>, vector<1x16xf32>,
        %swap3A_547 = vector.shape_cast %swap3A_546 : vector<1x16xf32> to vector<16xf32>
        %swap3A_548 = vector.shape_cast %get3A_543 : vector<16xf32> to vector<1x16xf32>
        tpu.vector_store %arg7[%swap3A_544, %swap3A_545], %swap3A_548 {add = true, strides = array<i32>} : memref<8x1024xf32, #tpu.memory_space<vmem>>, vector<1x16xf32>,
        %scan3A_549 = arith.constant 5 : i32
        %scan3A_550 = arith.addi %scan3A_294, %scan3A_549 : i32
        %jit3A_551 = arith.constant 64 : i32
        %div3A_552 = arith.divsi %scan3A_550, %jit3A_551 : i32
        %sign3A_553 = arith.constant 0 : i32
        %sign3A_554 = arith.cmpi sgt, %scan3A_550, %sign3A_553 : i32
        %sign3A_555 = arith.extui %sign3A_554 : i1 to i32
        %sign3A_556 = arith.constant 0 : i32
        %sign3A_557 = arith.cmpi slt, %scan3A_550, %sign3A_556 : i32
        %sign3A_558 = arith.extui %sign3A_557 : i1 to i32
        %sign3A_559 = arith.subi %sign3A_555, %sign3A_558 : i32
        %sign3A_560 = arith.constant 0 : i32
        %sign3A_561 = arith.cmpi sgt, %jit3A_551, %sign3A_560 : i32
        %sign3A_562 = arith.extui %sign3A_561 : i1 to i32
        %sign3A_563 = arith.constant 0 : i32
        %sign3A_564 = arith.cmpi slt, %jit3A_551, %sign3A_563 : i32
        %sign3A_565 = arith.extui %sign3A_564 : i1 to i32
        %sign3A_566 = arith.subi %sign3A_562, %sign3A_565 : i32
        %ne3A_567 = arith.cmpi ne, %sign3A_559, %sign3A_566 : i32
        %rem3A_568 = arith.remsi %scan3A_550, %jit3A_551 : i32
        %ne3A_569 = arith.constant 0 : i32
        %ne3A_570 = arith.cmpi ne, %rem3A_568, %ne3A_569 : i32
        %and3A_571 = arith.andi %ne3A_567, %ne3A_570 : i1
        %sub3A_572 = arith.constant 1 : i32
        %sub3A_573 = arith.subi %div3A_552, %sub3A_572 : i32
        %select_n3A_574 = arith.select %and3A_571, %sub3A_573, %div3A_552 : i32
        %jit3A_575 = arith.constant 64 : i32
        %eq3A_576 = arith.constant 0 : i32
        %eq3A_577 = arith.cmpi eq, %jit3A_575, %eq3A_576 : i32
        %jit3A_578 = arith.constant 1 : i32
        %select_n3A_579 = arith.select %eq3A_577, %jit3A_578, %jit3A_575 : i32
        %rem3A_580 = arith.remsi %scan3A_550, %select_n3A_579 : i32
        %ne3A_581 = arith.constant 0 : i32
        %ne3A_582 = arith.cmpi ne, %rem3A_580, %ne3A_581 : i32
        %lt3A_583 = arith.constant 0 : i32
        %lt3A_584 = arith.cmpi slt, %rem3A_580, %lt3A_583 : i32
        %lt3A_585 = arith.constant 0 : i32
        %lt3A_586 = arith.cmpi slt, %select_n3A_579, %lt3A_585 : i32
        %ne3A_587 = arith.xori %lt3A_584, %lt3A_586 : i1
        %and3A_588 = arith.andi %ne3A_587, %ne3A_582 : i1
        %add3A_589 = arith.addi %rem3A_580, %select_n3A_579 : i32
        %select_n3A_590 = arith.select %and3A_588, %add3A_589, %rem3A_580 : i32
        %mul3A_591 = arith.constant 16 : i32
        %mul3A_592 = arith.muli %select_n3A_590, %mul3A_591 : i32
        %get3A_593 = arith.index_cast %select_n3A_574 : i32 to index
        %get3A_594 = arith.index_cast %mul3A_592 : i32 to index
        %get3A_595 = tpu.vector_load %arg11[%get3A_593, %get3A_594] {strides = array<i32>} : memref<8x1024xf32, #tpu.memory_space<vmem>>, vector<1x16xf32>,
        %get3A_596 = vector.shape_cast %get3A_595 : vector<1x16xf32> to vector<16xf32>
        %swap3A_597 = arith.index_cast %select_n3A_574 : i32 to index
        %swap3A_598 = arith.index_cast %mul3A_592 : i32 to index
        %swap3A_599 = tpu.vector_load %arg7[%swap3A_597, %swap3A_598] {strides = array<i32>} : memref<8x1024xf32, #tpu.memory_space<vmem>>, vector<1x16xf32>,
        %swap3A_600 = vector.shape_cast %swap3A_599 : vector<1x16xf32> to vector<16xf32>
        %swap3A_601 = vector.shape_cast %get3A_596 : vector<16xf32> to vector<1x16xf32>
        tpu.vector_store %arg7[%swap3A_597, %swap3A_598], %swap3A_601 {add = true, strides = array<i32>} : memref<8x1024xf32, #tpu.memory_space<vmem>>, vector<1x16xf32>,
        %scan3A_602 = arith.constant 6 : i32
        %scan3A_603 = arith.addi %scan3A_294, %scan3A_602 : i32
        %jit3A_604 = arith.constant 64 : i32
        %div3A_605 = arith.divsi %scan3A_603, %jit3A_604 : i32
        %sign3A_606 = arith.constant 0 : i32
        %sign3A_607 = arith.cmpi sgt, %scan3A_603, %sign3A_606 : i32
        %sign3A_608 = arith.extui %sign3A_607 : i1 to i32
        %sign3A_609 = arith.constant 0 : i32
        %sign3A_610 = arith.cmpi slt, %scan3A_603, %sign3A_609 : i32
        %sign3A_611 = arith.extui %sign3A_610 : i1 to i32
        %sign3A_612 = arith.subi %sign3A_608, %sign3A_611 : i32
        %sign3A_613 = arith.constant 0 : i32
        %sign3A_614 = arith.cmpi sgt, %jit3A_604, %sign3A_613 : i32
        %sign3A_615 = arith.extui %sign3A_614 : i1 to i32
        %sign3A_616 = arith.constant 0 : i32
        %sign3A_617 = arith.cmpi slt, %jit3A_604, %sign3A_616 : i32
        %sign3A_618 = arith.extui %sign3A_617 : i1 to i32
        %sign3A_619 = arith.subi %sign3A_615, %sign3A_618 : i32
        %ne3A_620 = arith.cmpi ne, %sign3A_612, %sign3A_619 : i32
        %rem3A_621 = arith.remsi %scan3A_603, %jit3A_604 : i32
        %ne3A_622 = arith.constant 0 : i32
        %ne3A_623 = arith.cmpi ne, %rem3A_621, %ne3A_622 : i32
        %and3A_624 = arith.andi %ne3A_620, %ne3A_623 : i1
        %sub3A_625 = arith.constant 1 : i32
        %sub3A_626 = arith.subi %div3A_605, %sub3A_625 : i32
        %select_n3A_627 = arith.select %and3A_624, %sub3A_626, %div3A_605 : i32
        %jit3A_628 = arith.constant 64 : i32
        %eq3A_629 = arith.constant 0 : i32
        %eq3A_630 = arith.cmpi eq, %jit3A_628, %eq3A_629 : i32
        %jit3A_631 = arith.constant 1 : i32
        %select_n3A_632 = arith.select %eq3A_630, %jit3A_631, %jit3A_628 : i32
        %rem3A_633 = arith.remsi %scan3A_603, %select_n3A_632 : i32
        %ne3A_634 = arith.constant 0 : i32
        %ne3A_635 = arith.cmpi ne, %rem3A_633, %ne3A_634 : i32
        %lt3A_636 = arith.constant 0 : i32
        %lt3A_637 = arith.cmpi slt, %rem3A_633, %lt3A_636 : i32
        %lt3A_638 = arith.constant 0 : i32
        %lt3A_639 = arith.cmpi slt, %select_n3A_632, %lt3A_638 : i32
        %ne3A_640 = arith.xori %lt3A_637, %lt3A_639 : i1
        %and3A_641 = arith.andi %ne3A_640, %ne3A_635 : i1
        %add3A_642 = arith.addi %rem3A_633, %select_n3A_632 : i32
        %select_n3A_643 = arith.select %and3A_641, %add3A_642, %rem3A_633 : i32
        %mul3A_644 = arith.constant 16 : i32
        %mul3A_645 = arith.muli %select_n3A_643, %mul3A_644 : i32
        %get3A_646 = arith.index_cast %select_n3A_627 : i32 to index
        %get3A_647 = arith.index_cast %mul3A_645 : i32 to index
        %get3A_648 = tpu.vector_load %arg11[%get3A_646, %get3A_647] {strides = array<i32>} : memref<8x1024xf32, #tpu.memory_space<vmem>>, vector<1x16xf32>,
        %get3A_649 = vector.shape_cast %get3A_648 : vector<1x16xf32> to vector<16xf32>
        %swap3A_650 = arith.index_cast %select_n3A_627 : i32 to index
        %swap3A_651 = arith.index_cast %mul3A_645 : i32 to index
        %swap3A_652 = tpu.vector_load %arg7[%swap3A_650, %swap3A_651] {strides = array<i32>} : memref<8x1024xf32, #tpu.memory_space<vmem>>, vector<1x16xf32>,
        %swap3A_653 = vector.shape_cast %swap3A_652 : vector<1x16xf32> to vector<16xf32>
        %swap3A_654 = vector.shape_cast %get3A_649 : vector<16xf32> to vector<1x16xf32>
        tpu.vector_store %arg7[%swap3A_650, %swap3A_651], %swap3A_654 {add = true, strides = array<i32>} : memref<8x1024xf32, #tpu.memory_space<vmem>>, vector<1x16xf32>,
        %scan3A_655 = arith.constant 7 : i32
        %scan3A_656 = arith.addi %scan3A_294, %scan3A_655 : i32
        %jit3A_657 = arith.constant 64 : i32
        %div3A_658 = arith.divsi %scan3A_656, %jit3A_657 : i32
        %sign3A_659 = arith.constant 0 : i32
        %sign3A_660 = arith.cmpi sgt, %scan3A_656, %sign3A_659 : i32
        %sign3A_661 = arith.extui %sign3A_660 : i1 to i32
        %sign3A_662 = arith.constant 0 : i32
        %sign3A_663 = arith.cmpi slt, %scan3A_656, %sign3A_662 : i32
        %sign3A_664 = arith.extui %sign3A_663 : i1 to i32
        %sign3A_665 = arith.subi %sign3A_661, %sign3A_664 : i32
        %sign3A_666 = arith.constant 0 : i32
        %sign3A_667 = arith.cmpi sgt, %jit3A_657, %sign3A_666 : i32
        %sign3A_668 = arith.extui %sign3A_667 : i1 to i32
        %sign3A_669 = arith.constant 0 : i32
        %sign3A_670 = arith.cmpi slt, %jit3A_657, %sign3A_669 : i32
        %sign3A_671 = arith.extui %sign3A_670 : i1 to i32
        %sign3A_672 = arith.subi %sign3A_668, %sign3A_671 : i32
        %ne3A_673 = arith.cmpi ne, %sign3A_665, %sign3A_672 : i32
        %rem3A_674 = arith.remsi %scan3A_656, %jit3A_657 : i32
        %ne3A_675 = arith.constant 0 : i32
        %ne3A_676 = arith.cmpi ne, %rem3A_674, %ne3A_675 : i32
        %and3A_677 = arith.andi %ne3A_673, %ne3A_676 : i1
        %sub3A_678 = arith.constant 1 : i32
        %sub3A_679 = arith.subi %div3A_658, %sub3A_678 : i32
        %select_n3A_680 = arith.select %and3A_677, %sub3A_679, %div3A_658 : i32
        %jit3A_681 = arith.constant 64 : i32
        %eq3A_682 = arith.constant 0 : i32
        %eq3A_683 = arith.cmpi eq, %jit3A_681, %eq3A_682 : i32
        %jit3A_684 = arith.constant 1 : i32
        %select_n3A_685 = arith.select %eq3A_683, %jit3A_684, %jit3A_681 : i32
        %rem3A_686 = arith.remsi %scan3A_656, %select_n3A_685 : i32
        %ne3A_687 = arith.constant 0 : i32
        %ne3A_688 = arith.cmpi ne, %rem3A_686, %ne3A_687 : i32
        %lt3A_689 = arith.constant 0 : i32
        %lt3A_690 = arith.cmpi slt, %rem3A_686, %lt3A_689 : i32
        %lt3A_691 = arith.constant 0 : i32
        %lt3A_692 = arith.cmpi slt, %select_n3A_685, %lt3A_691 : i32
        %ne3A_693 = arith.xori %lt3A_690, %lt3A_692 : i1
        %and3A_694 = arith.andi %ne3A_693, %ne3A_688 : i1
        %add3A_695 = arith.addi %rem3A_686, %select_n3A_685 : i32
        %select_n3A_696 = arith.select %and3A_694, %add3A_695, %rem3A_686 : i32
        %mul3A_697 = arith.constant 16 : i32
        %mul3A_698 = arith.muli %select_n3A_696, %mul3A_697 : i32
        %get3A_699 = arith.index_cast %select_n3A_680 : i32 to index
        %get3A_700 = arith.index_cast %mul3A_698 : i32 to index
        %get3A_701 = tpu.vector_load %arg11[%get3A_699, %get3A_700] {strides = array<i32>} : memref<8x1024xf32, #tpu.memory_space<vmem>>, vector<1x16xf32>,
        %get3A_702 = vector.shape_cast %get3A_701 : vector<1x16xf32> to vector<16xf32>
        %swap3A_703 = arith.index_cast %select_n3A_680 : i32 to index
        %swap3A_704 = arith.index_cast %mul3A_698 : i32 to index
        %swap3A_705 = tpu.vector_load %arg7[%swap3A_703, %swap3A_704] {strides = array<i32>} : memref<8x1024xf32, #tpu.memory_space<vmem>>, vector<1x16xf32>,
        %swap3A_706 = vector.shape_cast %swap3A_705 : vector<1x16xf32> to vector<16xf32>
        %swap3A_707 = vector.shape_cast %get3A_702 : vector<16xf32> to vector<1x16xf32>
        tpu.vector_store %arg7[%swap3A_703, %swap3A_704], %swap3A_707 {add = true, strides = array<i32>} : memref<8x1024xf32, #tpu.memory_space<vmem>>, vector<1x16xf32>,
        %scan3A_708 = arith.constant 8 : i32
        %scan3A_709 = arith.addi %scan3A_294, %scan3A_708 : i32
        %jit3A_710 = arith.constant 64 : i32
        %div3A_711 = arith.divsi %scan3A_709, %jit3A_710 : i32
        %sign3A_712 = arith.constant 0 : i32
        %sign3A_713 = arith.cmpi sgt, %scan3A_709, %sign3A_712 : i32
        %sign3A_714 = arith.extui %sign3A_713 : i1 to i32
        %sign3A_715 = arith.constant 0 : i32
        %sign3A_716 = arith.cmpi slt, %scan3A_709, %sign3A_715 : i32
        %sign3A_717 = arith.extui %sign3A_716 : i1 to i32
        %sign3A_718 = arith.subi %sign3A_714, %sign3A_717 : i32
        %sign3A_719 = arith.constant 0 : i32
        %sign3A_720 = arith.cmpi sgt, %jit3A_710, %sign3A_719 : i32
        %sign3A_721 = arith.extui %sign3A_720 : i1 to i32
        %sign3A_722 = arith.constant 0 : i32
        %sign3A_723 = arith.cmpi slt, %jit3A_710, %sign3A_722 : i32
        %sign3A_724 = arith.extui %sign3A_723 : i1 to i32
        %sign3A_725 = arith.subi %sign3A_721, %sign3A_724 : i32
        %ne3A_726 = arith.cmpi ne, %sign3A_718, %sign3A_725 : i32
        %rem3A_727 = arith.remsi %scan3A_709, %jit3A_710 : i32
        %ne3A_728 = arith.constant 0 : i32
        %ne3A_729 = arith.cmpi ne, %rem3A_727, %ne3A_728 : i32
        %and3A_730 = arith.andi %ne3A_726, %ne3A_729 : i1
        %sub3A_731 = arith.constant 1 : i32
        %sub3A_732 = arith.subi %div3A_711, %sub3A_731 : i32
        %select_n3A_733 = arith.select %and3A_730, %sub3A_732, %div3A_711 : i32
        %jit3A_734 = arith.constant 64 : i32
        %eq3A_735 = arith.constant 0 : i32
        %eq3A_736 = arith.cmpi eq, %jit3A_734, %eq3A_735 : i32
        %jit3A_737 = arith.constant 1 : i32
        %select_n3A_738 = arith.select %eq3A_736, %jit3A_737, %jit3A_734 : i32
        %rem3A_739 = arith.remsi %scan3A_709, %select_n3A_738 : i32
        %ne3A_740 = arith.constant 0 : i32
        %ne3A_741 = arith.cmpi ne, %rem3A_739, %ne3A_740 : i32
        %lt3A_742 = arith.constant 0 : i32
        %lt3A_743 = arith.cmpi slt, %rem3A_739, %lt3A_742 : i32
        %lt3A_744 = arith.constant 0 : i32
        %lt3A_745 = arith.cmpi slt, %select_n3A_738, %lt3A_744 : i32
        %ne3A_746 = arith.xori %lt3A_743, %lt3A_745 : i1
        %and3A_747 = arith.andi %ne3A_746, %ne3A_741 : i1
        %add3A_748 = arith.addi %rem3A_739, %select_n3A_738 : i32
        %select_n3A_749 = arith.select %and3A_747, %add3A_748, %rem3A_739 : i32
        %mul3A_750 = arith.constant 16 : i32
        %mul3A_751 = arith.muli %select_n3A_749, %mul3A_750 : i32
        %get3A_752 = arith.index_cast %select_n3A_733 : i32 to index
        %get3A_753 = arith.index_cast %mul3A_751 : i32 to index
        %get3A_754 = tpu.vector_load %arg11[%get3A_752, %get3A_753] {strides = array<i32>} : memref<8x1024xf32, #tpu.memory_space<vmem>>, vector<1x16xf32>,
        %get3A_755 = vector.shape_cast %get3A_754 : vector<1x16xf32> to vector<16xf32>
        %swap3A_756 = arith.index_cast %select_n3A_733 : i32 to index
        %swap3A_757 = arith.index_cast %mul3A_751 : i32 to index
        %swap3A_758 = tpu.vector_load %arg7[%swap3A_756, %swap3A_757] {strides = array<i32>} : memref<8x1024xf32, #tpu.memory_space<vmem>>, vector<1x16xf32>,
        %swap3A_759 = vector.shape_cast %swap3A_758 : vector<1x16xf32> to vector<16xf32>
        %swap3A_760 = vector.shape_cast %get3A_755 : vector<16xf32> to vector<1x16xf32>
        tpu.vector_store %arg7[%swap3A_756, %swap3A_757], %swap3A_760 {add = true, strides = array<i32>} : memref<8x1024xf32, #tpu.memory_space<vmem>>, vector<1x16xf32>,
        %scan3A_761 = arith.constant 9 : i32
        %scan3A_762 = arith.addi %scan3A_294, %scan3A_761 : i32
        %jit3A_763 = arith.constant 64 : i32
        %div3A_764 = arith.divsi %scan3A_762, %jit3A_763 : i32
        %sign3A_765 = arith.constant 0 : i32
        %sign3A_766 = arith.cmpi sgt, %scan3A_762, %sign3A_765 : i32
        %sign3A_767 = arith.extui %sign3A_766 : i1 to i32
        %sign3A_768 = arith.constant 0 : i32
        %sign3A_769 = arith.cmpi slt, %scan3A_762, %sign3A_768 : i32
        %sign3A_770 = arith.extui %sign3A_769 : i1 to i32
        %sign3A_771 = arith.subi %sign3A_767, %sign3A_770 : i32
        %sign3A_772 = arith.constant 0 : i32
        %sign3A_773 = arith.cmpi sgt, %jit3A_763, %sign3A_772 : i32
        %sign3A_774 = arith.extui %sign3A_773 : i1 to i32
        %sign3A_775 = arith.constant 0 : i32
        %sign3A_776 = arith.cmpi slt, %jit3A_763, %sign3A_775 : i32
        %sign3A_777 = arith.extui %sign3A_776 : i1 to i32
        %sign3A_778 = arith.subi %sign3A_774, %sign3A_777 : i32
        %ne3A_779 = arith.cmpi ne, %sign3A_771, %sign3A_778 : i32
        %rem3A_780 = arith.remsi %scan3A_762, %jit3A_763 : i32
        %ne3A_781 = arith.constant 0 : i32
        %ne3A_782 = arith.cmpi ne, %rem3A_780, %ne3A_781 : i32
        %and3A_783 = arith.andi %ne3A_779, %ne3A_782 : i1
        %sub3A_784 = arith.constant 1 : i32
        %sub3A_785 = arith.subi %div3A_764, %sub3A_784 : i32
        %select_n3A_786 = arith.select %and3A_783, %sub3A_785, %div3A_764 : i32
        %jit3A_787 = arith.constant 64 : i32
        %eq3A_788 = arith.constant 0 : i32
        %eq3A_789 = arith.cmpi eq, %jit3A_787, %eq3A_788 : i32
        %jit3A_790 = arith.constant 1 : i32
        %select_n3A_791 = arith.select %eq3A_789, %jit3A_790, %jit3A_787 : i32
        %rem3A_792 = arith.remsi %scan3A_762, %select_n3A_791 : i32
        %ne3A_793 = arith.constant 0 : i32
        %ne3A_794 = arith.cmpi ne, %rem3A_792, %ne3A_793 : i32
        %lt3A_795 = arith.constant 0 : i32
        %lt3A_796 = arith.cmpi slt, %rem3A_792, %lt3A_795 : i32
        %lt3A_797 = arith.constant 0 : i32
        %lt3A_798 = arith.cmpi slt, %select_n3A_791, %lt3A_797 : i32
        %ne3A_799 = arith.xori %lt3A_796, %lt3A_798 : i1
        %and3A_800 = arith.andi %ne3A_799, %ne3A_794 : i1
        %add3A_801 = arith.addi %rem3A_792, %select_n3A_791 : i32
        %select_n3A_802 = arith.select %and3A_800, %add3A_801, %rem3A_792 : i32
        %mul3A_803 = arith.constant 16 : i32
        %mul3A_804 = arith.muli %select_n3A_802, %mul3A_803 : i32
        %get3A_805 = arith.index_cast %select_n3A_786 : i32 to index
        %get3A_806 = arith.index_cast %mul3A_804 : i32 to index
        %get3A_807 = tpu.vector_load %arg11[%get3A_805, %get3A_806] {strides = array<i32>} : memref<8x1024xf32, #tpu.memory_space<vmem>>, vector<1x16xf32>,
        %get3A_808 = vector.shape_cast %get3A_807 : vector<1x16xf32> to vector<16xf32>
        %swap3A_809 = arith.index_cast %select_n3A_786 : i32 to index
        %swap3A_810 = arith.index_cast %mul3A_804 : i32 to index
        %swap3A_811 = tpu.vector_load %arg7[%swap3A_809, %swap3A_810] {strides = array<i32>} : memref<8x1024xf32, #tpu.memory_space<vmem>>, vector<1x16xf32>,
        %swap3A_812 = vector.shape_cast %swap3A_811 : vector<1x16xf32> to vector<16xf32>
        %swap3A_813 = vector.shape_cast %get3A_808 : vector<16xf32> to vector<1x16xf32>
        tpu.vector_store %arg7[%swap3A_809, %swap3A_810], %swap3A_813 {add = true, strides = array<i32>} : memref<8x1024xf32, #tpu.memory_space<vmem>>, vector<1x16xf32>,
        %scan3A_814 = arith.constant 10 : i32
        %scan3A_815 = arith.addi %scan3A_294, %scan3A_814 : i32
        %jit3A_816 = arith.constant 64 : i32
        %div3A_817 = arith.divsi %scan3A_815, %jit3A_816 : i32
        %sign3A_818 = arith.constant 0 : i32
        %sign3A_819 = arith.cmpi sgt, %scan3A_815, %sign3A_818 : i32
        %sign3A_820 = arith.extui %sign3A_819 : i1 to i32
        %sign3A_821 = arith.constant 0 : i32
        %sign3A_822 = arith.cmpi slt, %scan3A_815, %sign3A_821 : i32
        %sign3A_823 = arith.extui %sign3A_822 : i1 to i32
        %sign3A_824 = arith.subi %sign3A_820, %sign3A_823 : i32
        %sign3A_825 = arith.constant 0 : i32
        %sign3A_826 = arith.cmpi sgt, %jit3A_816, %sign3A_825 : i32
        %sign3A_827 = arith.extui %sign3A_826 : i1 to i32
        %sign3A_828 = arith.constant 0 : i32
        %sign3A_829 = arith.cmpi slt, %jit3A_816, %sign3A_828 : i32
        %sign3A_830 = arith.extui %sign3A_829 : i1 to i32
        %sign3A_831 = arith.subi %sign3A_827, %sign3A_830 : i32
        %ne3A_832 = arith.cmpi ne, %sign3A_824, %sign3A_831 : i32
        %rem3A_833 = arith.remsi %scan3A_815, %jit3A_816 : i32
        %ne3A_834 = arith.constant 0 : i32
        %ne3A_835 = arith.cmpi ne, %rem3A_833, %ne3A_834 : i32
        %and3A_836 = arith.andi %ne3A_832, %ne3A_835 : i1
        %sub3A_837 = arith.constant 1 : i32
        %sub3A_838 = arith.subi %div3A_817, %sub3A_837 : i32
        %select_n3A_839 = arith.select %and3A_836, %sub3A_838, %div3A_817 : i32
        %jit3A_840 = arith.constant 64 : i32
        %eq3A_841 = arith.constant 0 : i32
        %eq3A_842 = arith.cmpi eq, %jit3A_840, %eq3A_841 : i32
        %jit3A_843 = arith.constant 1 : i32
        %select_n3A_844 = arith.select %eq3A_842, %jit3A_843, %jit3A_840 : i32
        %rem3A_845 = arith.remsi %scan3A_815, %select_n3A_844 : i32
        %ne3A_846 = arith.constant 0 : i32
        %ne3A_847 = arith.cmpi ne, %rem3A_845, %ne3A_846 : i32
        %lt3A_848 = arith.constant 0 : i32
        %lt3A_849 = arith.cmpi slt, %rem3A_845, %lt3A_848 : i32
        %lt3A_850 = arith.constant 0 : i32
        %lt3A_851 = arith.cmpi slt, %select_n3A_844, %lt3A_850 : i32
        %ne3A_852 = arith.xori %lt3A_849, %lt3A_851 : i1
        %and3A_853 = arith.andi %ne3A_852, %ne3A_847 : i1
        %add3A_854 = arith.addi %rem3A_845, %select_n3A_844 : i32
        %select_n3A_855 = arith.select %and3A_853, %add3A_854, %rem3A_845 : i32
        %mul3A_856 = arith.constant 16 : i32
        %mul3A_857 = arith.muli %select_n3A_855, %mul3A_856 : i32
        %get3A_858 = arith.index_cast %select_n3A_839 : i32 to index
        %get3A_859 = arith.index_cast %mul3A_857 : i32 to index
        %get3A_860 = tpu.vector_load %arg11[%get3A_858, %get3A_859] {strides = array<i32>} : memref<8x1024xf32, #tpu.memory_space<vmem>>, vector<1x16xf32>,
        %get3A_861 = vector.shape_cast %get3A_860 : vector<1x16xf32> to vector<16xf32>
        %swap3A_862 = arith.index_cast %select_n3A_839 : i32 to index
        %swap3A_863 = arith.index_cast %mul3A_857 : i32 to index
        %swap3A_864 = tpu.vector_load %arg7[%swap3A_862, %swap3A_863] {strides = array<i32>} : memref<8x1024xf32, #tpu.memory_space<vmem>>, vector<1x16xf32>,
        %swap3A_865 = vector.shape_cast %swap3A_864 : vector<1x16xf32> to vector<16xf32>
        %swap3A_866 = vector.shape_cast %get3A_861 : vector<16xf32> to vector<1x16xf32>
        tpu.vector_store %arg7[%swap3A_862, %swap3A_863], %swap3A_866 {add = true, strides = array<i32>} : memref<8x1024xf32, #tpu.memory_space<vmem>>, vector<1x16xf32>,
        %scan3A_867 = arith.constant 11 : i32
        %scan3A_868 = arith.addi %scan3A_294, %scan3A_867 : i32
        %jit3A_869 = arith.constant 64 : i32
        %div3A_870 = arith.divsi %scan3A_868, %jit3A_869 : i32
        %sign3A_871 = arith.constant 0 : i32
        %sign3A_872 = arith.cmpi sgt, %scan3A_868, %sign3A_871 : i32
        %sign3A_873 = arith.extui %sign3A_872 : i1 to i32
        %sign3A_874 = arith.constant 0 : i32
        %sign3A_875 = arith.cmpi slt, %scan3A_868, %sign3A_874 : i32
        %sign3A_876 = arith.extui %sign3A_875 : i1 to i32
        %sign3A_877 = arith.subi %sign3A_873, %sign3A_876 : i32
        %sign3A_878 = arith.constant 0 : i32
        %sign3A_879 = arith.cmpi sgt, %jit3A_869, %sign3A_878 : i32
        %sign3A_880 = arith.extui %sign3A_879 : i1 to i32
        %sign3A_881 = arith.constant 0 : i32
        %sign3A_882 = arith.cmpi slt, %jit3A_869, %sign3A_881 : i32
        %sign3A_883 = arith.extui %sign3A_882 : i1 to i32
        %sign3A_884 = arith.subi %sign3A_880, %sign3A_883 : i32
        %ne3A_885 = arith.cmpi ne, %sign3A_877, %sign3A_884 : i32
        %rem3A_886 = arith.remsi %scan3A_868, %jit3A_869 : i32
        %ne3A_887 = arith.constant 0 : i32
        %ne3A_888 = arith.cmpi ne, %rem3A_886, %ne3A_887 : i32
        %and3A_889 = arith.andi %ne3A_885, %ne3A_888 : i1
        %sub3A_890 = arith.constant 1 : i32
        %sub3A_891 = arith.subi %div3A_870, %sub3A_890 : i32
        %select_n3A_892 = arith.select %and3A_889, %sub3A_891, %div3A_870 : i32
        %jit3A_893 = arith.constant 64 : i32
        %eq3A_894 = arith.constant 0 : i32
        %eq3A_895 = arith.cmpi eq, %jit3A_893, %eq3A_894 : i32
        %jit3A_896 = arith.constant 1 : i32
        %select_n3A_897 = arith.select %eq3A_895, %jit3A_896, %jit3A_893 : i32
        %rem3A_898 = arith.remsi %scan3A_868, %select_n3A_897 : i32
        %ne3A_899 = arith.constant 0 : i32
        %ne3A_900 = arith.cmpi ne, %rem3A_898, %ne3A_899 : i32
        %lt3A_901 = arith.constant 0 : i32
        %lt3A_902 = arith.cmpi slt, %rem3A_898, %lt3A_901 : i32
        %lt3A_903 = arith.constant 0 : i32
        %lt3A_904 = arith.cmpi slt, %select_n3A_897, %lt3A_903 : i32
        %ne3A_905 = arith.xori %lt3A_902, %lt3A_904 : i1
        %and3A_906 = arith.andi %ne3A_905, %ne3A_900 : i1
        %add3A_907 = arith.addi %rem3A_898, %select_n3A_897 : i32
        %select_n3A_908 = arith.select %and3A_906, %add3A_907, %rem3A_898 : i32
        %mul3A_909 = arith.constant 16 : i32
        %mul3A_910 = arith.muli %select_n3A_908, %mul3A_909 : i32
        %get3A_911 = arith.index_cast %select_n3A_892 : i32 to index
        %get3A_912 = arith.index_cast %mul3A_910 : i32 to index
        %get3A_913 = tpu.vector_load %arg11[%get3A_911, %get3A_912] {strides = array<i32>} : memref<8x1024xf32, #tpu.memory_space<vmem>>, vector<1x16xf32>,
        %get3A_914 = vector.shape_cast %get3A_913 : vector<1x16xf32> to vector<16xf32>
        %swap3A_915 = arith.index_cast %select_n3A_892 : i32 to index
        %swap3A_916 = arith.index_cast %mul3A_910 : i32 to index
        %swap3A_917 = tpu.vector_load %arg7[%swap3A_915, %swap3A_916] {strides = array<i32>} : memref<8x1024xf32, #tpu.memory_space<vmem>>, vector<1x16xf32>,
        %swap3A_918 = vector.shape_cast %swap3A_917 : vector<1x16xf32> to vector<16xf32>
        %swap3A_919 = vector.shape_cast %get3A_914 : vector<16xf32> to vector<1x16xf32>
        tpu.vector_store %arg7[%swap3A_915, %swap3A_916], %swap3A_919 {add = true, strides = array<i32>} : memref<8x1024xf32, #tpu.memory_space<vmem>>, vector<1x16xf32>,
        %scan3A_920 = arith.constant 12 : i32
        %scan3A_921 = arith.addi %scan3A_294, %scan3A_920 : i32
        %jit3A_922 = arith.constant 64 : i32
        %div3A_923 = arith.divsi %scan3A_921, %jit3A_922 : i32
        %sign3A_924 = arith.constant 0 : i32
        %sign3A_925 = arith.cmpi sgt, %scan3A_921, %sign3A_924 : i32
        %sign3A_926 = arith.extui %sign3A_925 : i1 to i32
        %sign3A_927 = arith.constant 0 : i32
        %sign3A_928 = arith.cmpi slt, %scan3A_921, %sign3A_927 : i32
        %sign3A_929 = arith.extui %sign3A_928 : i1 to i32
        %sign3A_930 = arith.subi %sign3A_926, %sign3A_929 : i32
        %sign3A_931 = arith.constant 0 : i32
        %sign3A_932 = arith.cmpi sgt, %jit3A_922, %sign3A_931 : i32
        %sign3A_933 = arith.extui %sign3A_932 : i1 to i32
        %sign3A_934 = arith.constant 0 : i32
        %sign3A_935 = arith.cmpi slt, %jit3A_922, %sign3A_934 : i32
        %sign3A_936 = arith.extui %sign3A_935 : i1 to i32
        %sign3A_937 = arith.subi %sign3A_933, %sign3A_936 : i32
        %ne3A_938 = arith.cmpi ne, %sign3A_930, %sign3A_937 : i32
        %rem3A_939 = arith.remsi %scan3A_921, %jit3A_922 : i32
        %ne3A_940 = arith.constant 0 : i32
        %ne3A_941 = arith.cmpi ne, %rem3A_939, %ne3A_940 : i32
        %and3A_942 = arith.andi %ne3A_938, %ne3A_941 : i1
        %sub3A_943 = arith.constant 1 : i32
        %sub3A_944 = arith.subi %div3A_923, %sub3A_943 : i32
        %select_n3A_945 = arith.select %and3A_942, %sub3A_944, %div3A_923 : i32
        %jit3A_946 = arith.constant 64 : i32
        %eq3A_947 = arith.constant 0 : i32
        %eq3A_948 = arith.cmpi eq, %jit3A_946, %eq3A_947 : i32
        %jit3A_949 = arith.constant 1 : i32
        %select_n3A_950 = arith.select %eq3A_948, %jit3A_949, %jit3A_946 : i32
        %rem3A_951 = arith.remsi %scan3A_921, %select_n3A_950 : i32
        %ne3A_952 = arith.constant 0 : i32
        %ne3A_953 = arith.cmpi ne, %rem3A_951, %ne3A_952 : i32
        %lt3A_954 = arith.constant 0 : i32
        %lt3A_955 = arith.cmpi slt, %rem3A_951, %lt3A_954 : i32
        %lt3A_956 = arith.constant 0 : i32
        %lt3A_957 = arith.cmpi slt, %select_n3A_950, %lt3A_956 : i32
        %ne3A_958 = arith.xori %lt3A_955, %lt3A_957 : i1
        %and3A_959 = arith.andi %ne3A_958, %ne3A_953 : i1
        %add3A_960 = arith.addi %rem3A_951, %select_n3A_950 : i32
        %select_n3A_961 = arith.select %and3A_959, %add3A_960, %rem3A_951 : i32
        %mul3A_962 = arith.constant 16 : i32
        %mul3A_963 = arith.muli %select_n3A_961, %mul3A_962 : i32
        %get3A_964 = arith.index_cast %select_n3A_945 : i32 to index
        %get3A_965 = arith.index_cast %mul3A_963 : i32 to index
        %get3A_966 = tpu.vector_load %arg11[%get3A_964, %get3A_965] {strides = array<i32>} : memref<8x1024xf32, #tpu.memory_space<vmem>>, vector<1x16xf32>,
        %get3A_967 = vector.shape_cast %get3A_966 : vector<1x16xf32> to vector<16xf32>
        %swap3A_968 = arith.index_cast %select_n3A_945 : i32 to index
        %swap3A_969 = arith.index_cast %mul3A_963 : i32 to index
        %swap3A_970 = tpu.vector_load %arg7[%swap3A_968, %swap3A_969] {strides = array<i32>} : memref<8x1024xf32, #tpu.memory_space<vmem>>, vector<1x16xf32>,
        %swap3A_971 = vector.shape_cast %swap3A_970 : vector<1x16xf32> to vector<16xf32>
        %swap3A_972 = vector.shape_cast %get3A_967 : vector<16xf32> to vector<1x16xf32>
        tpu.vector_store %arg7[%swap3A_968, %swap3A_969], %swap3A_972 {add = true, strides = array<i32>} : memref<8x1024xf32, #tpu.memory_space<vmem>>, vector<1x16xf32>,
        %scan3A_973 = arith.constant 13 : i32
        %scan3A_974 = arith.addi %scan3A_294, %scan3A_973 : i32
        %jit3A_975 = arith.constant 64 : i32
        %div3A_976 = arith.divsi %scan3A_974, %jit3A_975 : i32
        %sign3A_977 = arith.constant 0 : i32
        %sign3A_978 = arith.cmpi sgt, %scan3A_974, %sign3A_977 : i32
        %sign3A_979 = arith.extui %sign3A_978 : i1 to i32
        %sign3A_980 = arith.constant 0 : i32
        %sign3A_981 = arith.cmpi slt, %scan3A_974, %sign3A_980 : i32
        %sign3A_982 = arith.extui %sign3A_981 : i1 to i32
        %sign3A_983 = arith.subi %sign3A_979, %sign3A_982 : i32
        %sign3A_984 = arith.constant 0 : i32
        %sign3A_985 = arith.cmpi sgt, %jit3A_975, %sign3A_984 : i32
        %sign3A_986 = arith.extui %sign3A_985 : i1 to i32
        %sign3A_987 = arith.constant 0 : i32
        %sign3A_988 = arith.cmpi slt, %jit3A_975, %sign3A_987 : i32
        %sign3A_989 = arith.extui %sign3A_988 : i1 to i32
        %sign3A_990 = arith.subi %sign3A_986, %sign3A_989 : i32
        %ne3A_991 = arith.cmpi ne, %sign3A_983, %sign3A_990 : i32
        %rem3A_992 = arith.remsi %scan3A_974, %jit3A_975 : i32
        %ne3A_993 = arith.constant 0 : i32
        %ne3A_994 = arith.cmpi ne, %rem3A_992, %ne3A_993 : i32
        %and3A_995 = arith.andi %ne3A_991, %ne3A_994 : i1
        %sub3A_996 = arith.constant 1 : i32
        %sub3A_997 = arith.subi %div3A_976, %sub3A_996 : i32
        %select_n3A_998 = arith.select %and3A_995, %sub3A_997, %div3A_976 : i32
        %jit3A_999 = arith.constant 64 : i32
        %eq3A_1000 = arith.constant 0 : i32
        %eq3A_1001 = arith.cmpi eq, %jit3A_999, %eq3A_1000 : i32
        %jit3A_1002 = arith.constant 1 : i32
        %select_n3A_1003 = arith.select %eq3A_1001, %jit3A_1002, %jit3A_999 : i32
        %rem3A_1004 = arith.remsi %scan3A_974, %select_n3A_1003 : i32
        %ne3A_1005 = arith.constant 0 : i32
        %ne3A_1006 = arith.cmpi ne, %rem3A_1004, %ne3A_1005 : i32
        %lt3A_1007 = arith.constant 0 : i32
        %lt3A_1008 = arith.cmpi slt, %rem3A_1004, %lt3A_1007 : i32
        %lt3A_1009 = arith.constant 0 : i32
        %lt3A_1010 = arith.cmpi slt, %select_n3A_1003, %lt3A_1009 : i32
        %ne3A_1011 = arith.xori %lt3A_1008, %lt3A_1010 : i1
        %and3A_1012 = arith.andi %ne3A_1011, %ne3A_1006 : i1
        %add3A_1013 = arith.addi %rem3A_1004, %select_n3A_1003 : i32
        %select_n3A_1014 = arith.select %and3A_1012, %add3A_1013, %rem3A_1004 : i32
        %mul3A_1015 = arith.constant 16 : i32
        %mul3A_1016 = arith.muli %select_n3A_1014, %mul3A_1015 : i32
        %get3A_1017 = arith.index_cast %select_n3A_998 : i32 to index
        %get3A_1018 = arith.index_cast %mul3A_1016 : i32 to index
        %get3A_1019 = tpu.vector_load %arg11[%get3A_1017, %get3A_1018] {strides = array<i32>} : memref<8x1024xf32, #tpu.memory_space<vmem>>, vector<1x16xf32>,
        %get3A_1020 = vector.shape_cast %get3A_1019 : vector<1x16xf32> to vector<16xf32>
        %swap3A_1021 = arith.index_cast %select_n3A_998 : i32 to index
        %swap3A_1022 = arith.index_cast %mul3A_1016 : i32 to index
        %swap3A_1023 = tpu.vector_load %arg7[%swap3A_1021, %swap3A_1022] {strides = array<i32>} : memref<8x1024xf32, #tpu.memory_space<vmem>>, vector<1x16xf32>,
        %swap3A_1024 = vector.shape_cast %swap3A_1023 : vector<1x16xf32> to vector<16xf32>
        %swap3A_1025 = vector.shape_cast %get3A_1020 : vector<16xf32> to vector<1x16xf32>
        tpu.vector_store %arg7[%swap3A_1021, %swap3A_1022], %swap3A_1025 {add = true, strides = array<i32>} : memref<8x1024xf32, #tpu.memory_space<vmem>>, vector<1x16xf32>,
        %scan3A_1026 = arith.constant 14 : i32
        %scan3A_1027 = arith.addi %scan3A_294, %scan3A_1026 : i32
        %jit3A_1028 = arith.constant 64 : i32
        %div3A_1029 = arith.divsi %scan3A_1027, %jit3A_1028 : i32
        %sign3A_1030 = arith.constant 0 : i32
        %sign3A_1031 = arith.cmpi sgt, %scan3A_1027, %sign3A_1030 : i32
        %sign3A_1032 = arith.extui %sign3A_1031 : i1 to i32
        %sign3A_1033 = arith.constant 0 : i32
        %sign3A_1034 = arith.cmpi slt, %scan3A_1027, %sign3A_1033 : i32
        %sign3A_1035 = arith.extui %sign3A_1034 : i1 to i32
        %sign3A_1036 = arith.subi %sign3A_1032, %sign3A_1035 : i32
        %sign3A_1037 = arith.constant 0 : i32
        %sign3A_1038 = arith.cmpi sgt, %jit3A_1028, %sign3A_1037 : i32
        %sign3A_1039 = arith.extui %sign3A_1038 : i1 to i32
        %sign3A_1040 = arith.constant 0 : i32
        %sign3A_1041 = arith.cmpi slt, %jit3A_1028, %sign3A_1040 : i32
        %sign3A_1042 = arith.extui %sign3A_1041 : i1 to i32
        %sign3A_1043 = arith.subi %sign3A_1039, %sign3A_1042 : i32
        %ne3A_1044 = arith.cmpi ne, %sign3A_1036, %sign3A_1043 : i32
        %rem3A_1045 = arith.remsi %scan3A_1027, %jit3A_1028 : i32
        %ne3A_1046 = arith.constant 0 : i32
        %ne3A_1047 = arith.cmpi ne, %rem3A_1045, %ne3A_1046 : i32
        %and3A_1048 = arith.andi %ne3A_1044, %ne3A_1047 : i1
        %sub3A_1049 = arith.constant 1 : i32
        %sub3A_1050 = arith.subi %div3A_1029, %sub3A_1049 : i32
        %select_n3A_1051 = arith.select %and3A_1048, %sub3A_1050, %div3A_1029 : i32
        %jit3A_1052 = arith.constant 64 : i32
        %eq3A_1053 = arith.constant 0 : i32
        %eq3A_1054 = arith.cmpi eq, %jit3A_1052, %eq3A_1053 : i32
        %jit3A_1055 = arith.constant 1 : i32
        %select_n3A_1056 = arith.select %eq3A_1054, %jit3A_1055, %jit3A_1052 : i32
        %rem3A_1057 = arith.remsi %scan3A_1027, %select_n3A_1056 : i32
        %ne3A_1058 = arith.constant 0 : i32
        %ne3A_1059 = arith.cmpi ne, %rem3A_1057, %ne3A_1058 : i32
        %lt3A_1060 = arith.constant 0 : i32
        %lt3A_1061 = arith.cmpi slt, %rem3A_1057, %lt3A_1060 : i32
        %lt3A_1062 = arith.constant 0 : i32
        %lt3A_1063 = arith.cmpi slt, %select_n3A_1056, %lt3A_1062 : i32
        %ne3A_1064 = arith.xori %lt3A_1061, %lt3A_1063 : i1
        %and3A_1065 = arith.andi %ne3A_1064, %ne3A_1059 : i1
        %add3A_1066 = arith.addi %rem3A_1057, %select_n3A_1056 : i32
        %select_n3A_1067 = arith.select %and3A_1065, %add3A_1066, %rem3A_1057 : i32
        %mul3A_1068 = arith.constant 16 : i32
        %mul3A_1069 = arith.muli %select_n3A_1067, %mul3A_1068 : i32
        %get3A_1070 = arith.index_cast %select_n3A_1051 : i32 to index
        %get3A_1071 = arith.index_cast %mul3A_1069 : i32 to index
        %get3A_1072 = tpu.vector_load %arg11[%get3A_1070, %get3A_1071] {strides = array<i32>} : memref<8x1024xf32, #tpu.memory_space<vmem>>, vector<1x16xf32>,
        %get3A_1073 = vector.shape_cast %get3A_1072 : vector<1x16xf32> to vector<16xf32>
        %swap3A_1074 = arith.index_cast %select_n3A_1051 : i32 to index
        %swap3A_1075 = arith.index_cast %mul3A_1069 : i32 to index
        %swap3A_1076 = tpu.vector_load %arg7[%swap3A_1074, %swap3A_1075] {strides = array<i32>} : memref<8x1024xf32, #tpu.memory_space<vmem>>, vector<1x16xf32>,
        %swap3A_1077 = vector.shape_cast %swap3A_1076 : vector<1x16xf32> to vector<16xf32>
        %swap3A_1078 = vector.shape_cast %get3A_1073 : vector<16xf32> to vector<1x16xf32>
        tpu.vector_store %arg7[%swap3A_1074, %swap3A_1075], %swap3A_1078 {add = true, strides = array<i32>} : memref<8x1024xf32, #tpu.memory_space<vmem>>, vector<1x16xf32>,
        %scan3A_1079 = arith.constant 15 : i32
        %scan3A_1080 = arith.addi %scan3A_294, %scan3A_1079 : i32
        %jit3A_1081 = arith.constant 64 : i32
        %div3A_1082 = arith.divsi %scan3A_1080, %jit3A_1081 : i32
        %sign3A_1083 = arith.constant 0 : i32
        %sign3A_1084 = arith.cmpi sgt, %scan3A_1080, %sign3A_1083 : i32
        %sign3A_1085 = arith.extui %sign3A_1084 : i1 to i32
        %sign3A_1086 = arith.constant 0 : i32
        %sign3A_1087 = arith.cmpi slt, %scan3A_1080, %sign3A_1086 : i32
        %sign3A_1088 = arith.extui %sign3A_1087 : i1 to i32
        %sign3A_1089 = arith.subi %sign3A_1085, %sign3A_1088 : i32
        %sign3A_1090 = arith.constant 0 : i32
        %sign3A_1091 = arith.cmpi sgt, %jit3A_1081, %sign3A_1090 : i32
        %sign3A_1092 = arith.extui %sign3A_1091 : i1 to i32
        %sign3A_1093 = arith.constant 0 : i32
        %sign3A_1094 = arith.cmpi slt, %jit3A_1081, %sign3A_1093 : i32
        %sign3A_1095 = arith.extui %sign3A_1094 : i1 to i32
        %sign3A_1096 = arith.subi %sign3A_1092, %sign3A_1095 : i32
        %ne3A_1097 = arith.cmpi ne, %sign3A_1089, %sign3A_1096 : i32
        %rem3A_1098 = arith.remsi %scan3A_1080, %jit3A_1081 : i32
        %ne3A_1099 = arith.constant 0 : i32
        %ne3A_1100 = arith.cmpi ne, %rem3A_1098, %ne3A_1099 : i32
        %and3A_1101 = arith.andi %ne3A_1097, %ne3A_1100 : i1
        %sub3A_1102 = arith.constant 1 : i32
        %sub3A_1103 = arith.subi %div3A_1082, %sub3A_1102 : i32
        %select_n3A_1104 = arith.select %and3A_1101, %sub3A_1103, %div3A_1082 : i32
        %jit3A_1105 = arith.constant 64 : i32
        %eq3A_1106 = arith.constant 0 : i32
        %eq3A_1107 = arith.cmpi eq, %jit3A_1105, %eq3A_1106 : i32
        %jit3A_1108 = arith.constant 1 : i32
        %select_n3A_1109 = arith.select %eq3A_1107, %jit3A_1108, %jit3A_1105 : i32
        %rem3A_1110 = arith.remsi %scan3A_1080, %select_n3A_1109 : i32
        %ne3A_1111 = arith.constant 0 : i32
        %ne3A_1112 = arith.cmpi ne, %rem3A_1110, %ne3A_1111 : i32
        %lt3A_1113 = arith.constant 0 : i32
        %lt3A_1114 = arith.cmpi slt, %rem3A_1110, %lt3A_1113 : i32
        %lt3A_1115 = arith.constant 0 : i32
        %lt3A_1116 = arith.cmpi slt, %select_n3A_1109, %lt3A_1115 : i32
        %ne3A_1117 = arith.xori %lt3A_1114, %lt3A_1116 : i1
        %and3A_1118 = arith.andi %ne3A_1117, %ne3A_1112 : i1
        %add3A_1119 = arith.addi %rem3A_1110, %select_n3A_1109 : i32
        %select_n3A_1120 = arith.select %and3A_1118, %add3A_1119, %rem3A_1110 : i32
        %mul3A_1121 = arith.constant 16 : i32
        %mul3A_1122 = arith.muli %select_n3A_1120, %mul3A_1121 : i32
        %get3A_1123 = arith.index_cast %select_n3A_1104 : i32 to index
        %get3A_1124 = arith.index_cast %mul3A_1122 : i32 to index
        %get3A_1125 = tpu.vector_load %arg11[%get3A_1123, %get3A_1124] {strides = array<i32>} : memref<8x1024xf32, #tpu.memory_space<vmem>>, vector<1x16xf32>,
        %get3A_1126 = vector.shape_cast %get3A_1125 : vector<1x16xf32> to vector<16xf32>
        %swap3A_1127 = arith.index_cast %select_n3A_1104 : i32 to index
        %swap3A_1128 = arith.index_cast %mul3A_1122 : i32 to index
        %swap3A_1129 = tpu.vector_load %arg7[%swap3A_1127, %swap3A_1128] {strides = array<i32>} : memref<8x1024xf32, #tpu.memory_space<vmem>>, vector<1x16xf32>,
        %swap3A_1130 = vector.shape_cast %swap3A_1129 : vector<1x16xf32> to vector<16xf32>
        %swap3A_1131 = vector.shape_cast %get3A_1126 : vector<16xf32> to vector<1x16xf32>
        tpu.vector_store %arg7[%swap3A_1127, %swap3A_1128], %swap3A_1131 {add = true, strides = array<i32>} : memref<8x1024xf32, #tpu.memory_space<vmem>>, vector<1x16xf32>,
      }
      %scan3A_210 = arith.constant 512 : i32
      %mul3A_211 = arith.constant 8 : i32
      %mul3A_212 = arith.muli %add3A_187, %mul3A_211 : i32
      %add3A_213 = arith.addi %mul3A_6, %mul3A_212 : i32
      %dma_start3A_214 = arith.constant 0 : i32
      %dma_start3A_215 = tpu.memref_slice %arg4[%add3A_213, %dma_start3A_214] : memref<2048x1024xf32, #tpu.memory_space<hbm>> -> memref<8x1024xf32, #tpu.memory_space<hbm>>
      %dma_start3A_216 = arith.constant 0 : i32
      %dma_start3A_217 = tpu.memref_slice %arg4[%add3A_213, %dma_start3A_216] : memref<2048x1024xf32, #tpu.memory_space<hbm>> -> memref<8x1024xf32, #tpu.memory_space<hbm>>
      tpu.enqueue_dma source(%arg7 : memref<8x1024xf32, #tpu.memory_space<vmem>>) target(%dma_start3A_217 : memref<8x1024xf32, #tpu.memory_space<hbm>>) target_semaphore(%arg23 : memref<!tpu.dma_semaphore, #tpu.memory_space<semaphore_mem>>)
      %ge3A_218 = arith.constant 1 : i32
      %ge3A_219 = arith.cmpi sge, %add3A_187, %ge3A_218 : i32
      %add3A_220 = arith.constant 4 : i32
      %add3A_221 = arith.addi %add3A_187, %add3A_220 : i32
      %sub3A_222 = arith.constant 1 : i32
      %sub3A_223 = arith.subi %add3A_221, %sub3A_222 : i32
      %lt3A_224 = arith.constant 8 : i32
      %lt3A_225 = arith.cmpi slt, %sub3A_223, %lt3A_224 : i32
      %and3A_226 = arith.andi %ge3A_219, %lt3A_225 : i1
      %convert_element_type3A_227 = arith.extui %and3A_226 : i1 to i32
      %cond3A_228 = arith.constant 0 : i32
      %cond3A_229 = arith.cmpi ne, %convert_element_type3A_227, %cond3A_228 : i32
      scf.if %cond3A_229 {
        %sub3A_294 = arith.constant 1 : i32
        %sub3A_295 = arith.subi %add3A_187, %sub3A_294 : i32
        %mul3A_296 = arith.constant 8 : i32
        %mul3A_297 = arith.muli %sub3A_295, %mul3A_296 : i32
        %add3A_298 = arith.addi %mul3A_6, %mul3A_297 : i32
        %dma_wait3A_299 = arith.constant 0 : i32
        %dma_wait3A_300 = tpu.memref_slice %arg4[%add3A_298, %dma_wait3A_299] : memref<2048x1024xf32, #tpu.memory_space<hbm>> -> memref<8x1024xf32, #tpu.memory_space<hbm>>
        %dma_wait3A_301 = arith.constant 0 : i32
        %dma_wait3A_302 = tpu.memref_slice %arg4[%add3A_298, %dma_wait3A_301] : memref<2048x1024xf32, #tpu.memory_space<hbm>> -> memref<8x1024xf32, #tpu.memory_space<hbm>>
        tpu.wait_dma2 semaphore(%arg22 : memref<!tpu.dma_semaphore, #tpu.memory_space<semaphore_mem>>) src(%arg6 : memref<8x1024xf32, #tpu.memory_space<vmem>>) dst(%dma_wait3A_302 : memref<8x1024xf32, #tpu.memory_space<hbm>>)
      } else {
      }
      %add3A_230 = arith.constant 4 : i32
      %add3A_231 = arith.addi %add3A_187, %add3A_230 : i32
      %sub3A_232 = arith.constant 1 : i32
      %sub3A_233 = arith.subi %add3A_231, %sub3A_232 : i32
      %lt3A_234 = arith.constant 8 : i32
      %lt3A_235 = arith.cmpi slt, %sub3A_233, %lt3A_234 : i32
      %convert_element_type3A_236 = arith.extui %lt3A_235 : i1 to i32
      %cond3A_237 = arith.constant 0 : i32
      %cond3A_238 = arith.cmpi ne, %convert_element_type3A_236, %cond3A_237 : i32
      scf.if %cond3A_238 {
        %add3A_294 = arith.constant 4 : i32
        %add3A_295 = arith.addi %add3A_187, %add3A_294 : i32
        %sub3A_296 = arith.constant 1 : i32
        %sub3A_297 = arith.subi %add3A_295, %sub3A_296 : i32
        %mul3A_298 = arith.constant 8 : i32
        %mul3A_299 = arith.muli %sub3A_297, %mul3A_298 : i32
        %add3A_300 = arith.addi %add3A_4, %mul3A_299 : i32
        %dma_start3A_301 = arith.constant 3 : i32
        %dma_start3A_302 = arith.constant 0 : i32
        %dma_start3A_303 = tpu.memref_slice %arg2[%dma_start3A_301, %add3A_300, %dma_start3A_302] : memref<4x4096x1024xf32, #tpu.memory_space<hbm>> -> memref<1x8x1024xf32, #tpu.memory_space<hbm>>
        %dma_start3A_304 = tpu.memref_squeeze %dma_start3A_303 : memref<1x8x1024xf32, #tpu.memory_space<hbm>> -> memref<8x1024xf32, #tpu.memory_space<hbm>>
        %dma_start3A_305 = arith.constant 0 : i32
        %dma_start3A_306 = tpu.memref_slice %arg2[%dma_start3A_301, %add3A_300, %dma_start3A_305] : memref<4x4096x1024xf32, #tpu.memory_space<hbm>> -> memref<1x8x1024xf32, #tpu.memory_space<hbm>>
        %dma_start3A_307 = tpu.memref_squeeze %dma_start3A_306 : memref<1x8x1024xf32, #tpu.memory_space<hbm>> -> memref<8x1024xf32, #tpu.memory_space<hbm>>
        tpu.enqueue_dma source(%dma_start3A_307 : memref<8x1024xf32, #tpu.memory_space<hbm>>) target(%arg6 : memref<8x1024xf32, #tpu.memory_space<vmem>>) target_semaphore(%arg14 : memref<!tpu.dma_semaphore, #tpu.memory_space<semaphore_mem>>)
        %mul3A_308 = arith.constant 8 : i32
        %mul3A_309 = arith.muli %sub3A_297, %mul3A_308 : i32
        %add3A_310 = arith.addi %add3A_4, %mul3A_309 : i32
        %dma_start3A_311 = arith.constant 0 : i32
        %dma_start3A_312 = tpu.memref_slice %arg3[%add3A_310, %dma_start3A_311] : memref<4096x1024xf32, #tpu.memory_space<hbm>> -> memref<8x1024xf32, #tpu.memory_space<hbm>>
        %dma_start3A_313 = arith.constant 0 : i32
        %dma_start3A_314 = tpu.memref_slice %arg3[%add3A_310, %dma_start3A_313] : memref<4096x1024xf32, #tpu.memory_space<hbm>> -> memref<8x1024xf32, #tpu.memory_space<hbm>>
        tpu.enqueue_dma source(%dma_start3A_314 : memref<8x1024xf32, #tpu.memory_space<hbm>>) target(%arg10 : memref<8x1024xf32, #tpu.memory_space<vmem>>) target_semaphore(%arg18 : memref<!tpu.dma_semaphore, #tpu.memory_space<semaphore_mem>>)
      } else {
      }
      %mul3A_239 = arith.constant 4 : i32
      %mul3A_240 = arith.muli %scan3A_79, %mul3A_239 : i32
      %add3A_241 = arith.constant 3 : i32
      %add3A_242 = arith.addi %mul3A_240, %add3A_241 : i32
      %mul3A_243 = arith.constant 8 : i32
      %mul3A_244 = arith.muli %add3A_242, %mul3A_243 : i32
      %add3A_245 = arith.addi %add3A_4, %mul3A_244 : i32
      %dma_wait3A_246 = arith.constant 3 : i32
      %dma_wait3A_247 = arith.constant 0 : i32
      %dma_wait3A_248 = tpu.memref_slice %arg2[%dma_wait3A_246, %add3A_245, %dma_wait3A_247] : memref<4x4096x1024xf32, #tpu.memory_space<hbm>> -> memref<1x8x1024xf32, #tpu.memory_space<hbm>>
      %dma_wait3A_249 = tpu.memref_squeeze %dma_wait3A_248 : memref<1x8x1024xf32, #tpu.memory_space<hbm>> -> memref<8x1024xf32, #tpu.memory_space<hbm>>
      %dma_wait3A_250 = arith.constant 0 : i32
      %dma_wait3A_251 = tpu.memref_slice %arg2[%dma_wait3A_246, %add3A_245, %dma_wait3A_250] : memref<4x4096x1024xf32, #tpu.memory_space<hbm>> -> memref<1x8x1024xf32, #tpu.memory_space<hbm>>
      %dma_wait3A_252 = tpu.memref_squeeze %dma_wait3A_251 : memref<1x8x1024xf32, #tpu.memory_space<hbm>> -> memref<8x1024xf32, #tpu.memory_space<hbm>>
      tpu.wait_dma2 semaphore(%arg16 : memref<!tpu.dma_semaphore, #tpu.memory_space<semaphore_mem>>) src(%dma_wait3A_252 : memref<8x1024xf32, #tpu.memory_space<hbm>>) dst(%arg8 : memref<8x1024xf32, #tpu.memory_space<vmem>>)
      %mul3A_253 = arith.constant 8 : i32
      %mul3A_254 = arith.muli %add3A_242, %mul3A_253 : i32
      %add3A_255 = arith.addi %add3A_4, %mul3A_254 : i32
      %dma_wait3A_256 = arith.constant 0 : i32
      %dma_wait3A_257 = tpu.memref_slice %arg3[%add3A_255, %dma_wait3A_256] : memref<4096x1024xf32, #tpu.memory_space<hbm>> -> memref<8x1024xf32, #tpu.memory_space<hbm>>
      %dma_wait3A_258 = arith.constant 0 : i32
      %dma_wait3A_259 = tpu.memref_slice %arg3[%add3A_255, %dma_wait3A_258] : memref<4096x1024xf32, #tpu.memory_space<hbm>> -> memref<8x1024xf32, #tpu.memory_space<hbm>>
      tpu.wait_dma2 semaphore(%arg20 : memref<!tpu.dma_semaphore, #tpu.memory_space<semaphore_mem>>) src(%dma_wait3A_259 : memref<8x1024xf32, #tpu.memory_space<hbm>>) dst(%arg12 : memref<8x1024xf32, #tpu.memory_space<vmem>>)
      %scan3A_260 = arith.constant 0 : i32
      %scan3A_261 = arith.constant 0 : i32
      %scan3A_262 = arith.constant 512 : i32
      %scan3A_263 = arith.addi %scan3A_261, %scan3A_262 : i32
      %scan3A_264 = arith.constant 16 : i32
      scf.for %scan3A_294 = %scan3A_261 to %scan3A_263 step %scan3A_264  : i32 {
        %jit3A = arith.constant 64 : i32
        %div3A = arith.divsi %scan3A_294, %jit3A : i32
        %sign3A = arith.constant 0 : i32
        %sign3A_295 = arith.cmpi sgt, %scan3A_294, %sign3A : i32
        %sign3A_296 = arith.extui %sign3A_295 : i1 to i32
        %sign3A_297 = arith.constant 0 : i32
        %sign3A_298 = arith.cmpi slt, %scan3A_294, %sign3A_297 : i32
        %sign3A_299 = arith.extui %sign3A_298 : i1 to i32
        %sign3A_300 = arith.subi %sign3A_296, %sign3A_299 : i32
        %sign3A_301 = arith.constant 0 : i32
        %sign3A_302 = arith.cmpi sgt, %jit3A, %sign3A_301 : i32
        %sign3A_303 = arith.extui %sign3A_302 : i1 to i32
        %sign3A_304 = arith.constant 0 : i32
        %sign3A_305 = arith.cmpi slt, %jit3A, %sign3A_304 : i32
        %sign3A_306 = arith.extui %sign3A_305 : i1 to i32
        %sign3A_307 = arith.subi %sign3A_303, %sign3A_306 : i32
        %ne3A = arith.cmpi ne, %sign3A_300, %sign3A_307 : i32
        %rem3A = arith.remsi %scan3A_294, %jit3A : i32
        %ne3A_308 = arith.constant 0 : i32
        %ne3A_309 = arith.cmpi ne, %rem3A, %ne3A_308 : i32
        %and3A_310 = arith.andi %ne3A, %ne3A_309 : i1
        %sub3A_311 = arith.constant 1 : i32
        %sub3A_312 = arith.subi %div3A, %sub3A_311 : i32
        %select_n3A = arith.select %and3A_310, %sub3A_312, %div3A : i32
        %jit3A_313 = arith.constant 64 : i32
        %eq3A = arith.constant 0 : i32
        %eq3A_314 = arith.cmpi eq, %jit3A_313, %eq3A : i32
        %jit3A_315 = arith.constant 1 : i32
        %select_n3A_316 = arith.select %eq3A_314, %jit3A_315, %jit3A_313 : i32
        %rem3A_317 = arith.remsi %scan3A_294, %select_n3A_316 : i32
        %ne3A_318 = arith.constant 0 : i32
        %ne3A_319 = arith.cmpi ne, %rem3A_317, %ne3A_318 : i32
        %lt3A_320 = arith.constant 0 : i32
        %lt3A_321 = arith.cmpi slt, %rem3A_317, %lt3A_320 : i32
        %lt3A_322 = arith.constant 0 : i32
        %lt3A_323 = arith.cmpi slt, %select_n3A_316, %lt3A_322 : i32
        %ne3A_324 = arith.xori %lt3A_321, %lt3A_323 : i1
        %and3A_325 = arith.andi %ne3A_324, %ne3A_319 : i1
        %add3A_326 = arith.addi %rem3A_317, %select_n3A_316 : i32
        %select_n3A_327 = arith.select %and3A_325, %add3A_326, %rem3A_317 : i32
        %mul3A_328 = arith.constant 16 : i32
        %mul3A_329 = arith.muli %select_n3A_327, %mul3A_328 : i32
        %get3A = arith.index_cast %select_n3A : i32 to index
        %get3A_330 = arith.index_cast %mul3A_329 : i32 to index
        %get3A_331 = tpu.vector_load %arg12[%get3A, %get3A_330] {strides = array<i32>} : memref<8x1024xf32, #tpu.memory_space<vmem>>, vector<1x16xf32>,
        %get3A_332 = vector.shape_cast %get3A_331 : vector<1x16xf32> to vector<16xf32>
        %swap3A = arith.index_cast %select_n3A : i32 to index
        %swap3A_333 = arith.index_cast %mul3A_329 : i32 to index
        %swap3A_334 = tpu.vector_load %arg8[%swap3A, %swap3A_333] {strides = array<i32>} : memref<8x1024xf32, #tpu.memory_space<vmem>>, vector<1x16xf32>,
        %swap3A_335 = vector.shape_cast %swap3A_334 : vector<1x16xf32> to vector<16xf32>
        %swap3A_336 = vector.shape_cast %get3A_332 : vector<16xf32> to vector<1x16xf32>
        tpu.vector_store %arg8[%swap3A, %swap3A_333], %swap3A_336 {add = true, strides = array<i32>} : memref<8x1024xf32, #tpu.memory_space<vmem>>, vector<1x16xf32>,
        %scan3A_337 = arith.constant 1 : i32
        %scan3A_338 = arith.addi %scan3A_294, %scan3A_337 : i32
        %jit3A_339 = arith.constant 64 : i32
        %div3A_340 = arith.divsi %scan3A_338, %jit3A_339 : i32
        %sign3A_341 = arith.constant 0 : i32
        %sign3A_342 = arith.cmpi sgt, %scan3A_338, %sign3A_341 : i32
        %sign3A_343 = arith.extui %sign3A_342 : i1 to i32
        %sign3A_344 = arith.constant 0 : i32
        %sign3A_345 = arith.cmpi slt, %scan3A_338, %sign3A_344 : i32
        %sign3A_346 = arith.extui %sign3A_345 : i1 to i32
        %sign3A_347 = arith.subi %sign3A_343, %sign3A_346 : i32
        %sign3A_348 = arith.constant 0 : i32
        %sign3A_349 = arith.cmpi sgt, %jit3A_339, %sign3A_348 : i32
        %sign3A_350 = arith.extui %sign3A_349 : i1 to i32
        %sign3A_351 = arith.constant 0 : i32
        %sign3A_352 = arith.cmpi slt, %jit3A_339, %sign3A_351 : i32
        %sign3A_353 = arith.extui %sign3A_352 : i1 to i32
        %sign3A_354 = arith.subi %sign3A_350, %sign3A_353 : i32
        %ne3A_355 = arith.cmpi ne, %sign3A_347, %sign3A_354 : i32
        %rem3A_356 = arith.remsi %scan3A_338, %jit3A_339 : i32
        %ne3A_357 = arith.constant 0 : i32
        %ne3A_358 = arith.cmpi ne, %rem3A_356, %ne3A_357 : i32
        %and3A_359 = arith.andi %ne3A_355, %ne3A_358 : i1
        %sub3A_360 = arith.constant 1 : i32
        %sub3A_361 = arith.subi %div3A_340, %sub3A_360 : i32
        %select_n3A_362 = arith.select %and3A_359, %sub3A_361, %div3A_340 : i32
        %jit3A_363 = arith.constant 64 : i32
        %eq3A_364 = arith.constant 0 : i32
        %eq3A_365 = arith.cmpi eq, %jit3A_363, %eq3A_364 : i32
        %jit3A_366 = arith.constant 1 : i32
        %select_n3A_367 = arith.select %eq3A_365, %jit3A_366, %jit3A_363 : i32
        %rem3A_368 = arith.remsi %scan3A_338, %select_n3A_367 : i32
        %ne3A_369 = arith.constant 0 : i32
        %ne3A_370 = arith.cmpi ne, %rem3A_368, %ne3A_369 : i32
        %lt3A_371 = arith.constant 0 : i32
        %lt3A_372 = arith.cmpi slt, %rem3A_368, %lt3A_371 : i32
        %lt3A_373 = arith.constant 0 : i32
        %lt3A_374 = arith.cmpi slt, %select_n3A_367, %lt3A_373 : i32
        %ne3A_375 = arith.xori %lt3A_372, %lt3A_374 : i1
        %and3A_376 = arith.andi %ne3A_375, %ne3A_370 : i1
        %add3A_377 = arith.addi %rem3A_368, %select_n3A_367 : i32
        %select_n3A_378 = arith.select %and3A_376, %add3A_377, %rem3A_368 : i32
        %mul3A_379 = arith.constant 16 : i32
        %mul3A_380 = arith.muli %select_n3A_378, %mul3A_379 : i32
        %get3A_381 = arith.index_cast %select_n3A_362 : i32 to index
        %get3A_382 = arith.index_cast %mul3A_380 : i32 to index
        %get3A_383 = tpu.vector_load %arg12[%get3A_381, %get3A_382] {strides = array<i32>} : memref<8x1024xf32, #tpu.memory_space<vmem>>, vector<1x16xf32>,
        %get3A_384 = vector.shape_cast %get3A_383 : vector<1x16xf32> to vector<16xf32>
        %swap3A_385 = arith.index_cast %select_n3A_362 : i32 to index
        %swap3A_386 = arith.index_cast %mul3A_380 : i32 to index
        %swap3A_387 = tpu.vector_load %arg8[%swap3A_385, %swap3A_386] {strides = array<i32>} : memref<8x1024xf32, #tpu.memory_space<vmem>>, vector<1x16xf32>,
        %swap3A_388 = vector.shape_cast %swap3A_387 : vector<1x16xf32> to vector<16xf32>
        %swap3A_389 = vector.shape_cast %get3A_384 : vector<16xf32> to vector<1x16xf32>
        tpu.vector_store %arg8[%swap3A_385, %swap3A_386], %swap3A_389 {add = true, strides = array<i32>} : memref<8x1024xf32, #tpu.memory_space<vmem>>, vector<1x16xf32>,
        %scan3A_390 = arith.constant 2 : i32
        %scan3A_391 = arith.addi %scan3A_294, %scan3A_390 : i32
        %jit3A_392 = arith.constant 64 : i32
        %div3A_393 = arith.divsi %scan3A_391, %jit3A_392 : i32
        %sign3A_394 = arith.constant 0 : i32
        %sign3A_395 = arith.cmpi sgt, %scan3A_391, %sign3A_394 : i32
        %sign3A_396 = arith.extui %sign3A_395 : i1 to i32
        %sign3A_397 = arith.constant 0 : i32
        %sign3A_398 = arith.cmpi slt, %scan3A_391, %sign3A_397 : i32
        %sign3A_399 = arith.extui %sign3A_398 : i1 to i32
        %sign3A_400 = arith.subi %sign3A_396, %sign3A_399 : i32
        %sign3A_401 = arith.constant 0 : i32
        %sign3A_402 = arith.cmpi sgt, %jit3A_392, %sign3A_401 : i32
        %sign3A_403 = arith.extui %sign3A_402 : i1 to i32
        %sign3A_404 = arith.constant 0 : i32
        %sign3A_405 = arith.cmpi slt, %jit3A_392, %sign3A_404 : i32
        %sign3A_406 = arith.extui %sign3A_405 : i1 to i32
        %sign3A_407 = arith.subi %sign3A_403, %sign3A_406 : i32
        %ne3A_408 = arith.cmpi ne, %sign3A_400, %sign3A_407 : i32
        %rem3A_409 = arith.remsi %scan3A_391, %jit3A_392 : i32
        %ne3A_410 = arith.constant 0 : i32
        %ne3A_411 = arith.cmpi ne, %rem3A_409, %ne3A_410 : i32
        %and3A_412 = arith.andi %ne3A_408, %ne3A_411 : i1
        %sub3A_413 = arith.constant 1 : i32
        %sub3A_414 = arith.subi %div3A_393, %sub3A_413 : i32
        %select_n3A_415 = arith.select %and3A_412, %sub3A_414, %div3A_393 : i32
        %jit3A_416 = arith.constant 64 : i32
        %eq3A_417 = arith.constant 0 : i32
        %eq3A_418 = arith.cmpi eq, %jit3A_416, %eq3A_417 : i32
        %jit3A_419 = arith.constant 1 : i32
        %select_n3A_420 = arith.select %eq3A_418, %jit3A_419, %jit3A_416 : i32
        %rem3A_421 = arith.remsi %scan3A_391, %select_n3A_420 : i32
        %ne3A_422 = arith.constant 0 : i32
        %ne3A_423 = arith.cmpi ne, %rem3A_421, %ne3A_422 : i32
        %lt3A_424 = arith.constant 0 : i32
        %lt3A_425 = arith.cmpi slt, %rem3A_421, %lt3A_424 : i32
        %lt3A_426 = arith.constant 0 : i32
        %lt3A_427 = arith.cmpi slt, %select_n3A_420, %lt3A_426 : i32
        %ne3A_428 = arith.xori %lt3A_425, %lt3A_427 : i1
        %and3A_429 = arith.andi %ne3A_428, %ne3A_423 : i1
        %add3A_430 = arith.addi %rem3A_421, %select_n3A_420 : i32
        %select_n3A_431 = arith.select %and3A_429, %add3A_430, %rem3A_421 : i32
        %mul3A_432 = arith.constant 16 : i32
        %mul3A_433 = arith.muli %select_n3A_431, %mul3A_432 : i32
        %get3A_434 = arith.index_cast %select_n3A_415 : i32 to index
        %get3A_435 = arith.index_cast %mul3A_433 : i32 to index
        %get3A_436 = tpu.vector_load %arg12[%get3A_434, %get3A_435] {strides = array<i32>} : memref<8x1024xf32, #tpu.memory_space<vmem>>, vector<1x16xf32>,
        %get3A_437 = vector.shape_cast %get3A_436 : vector<1x16xf32> to vector<16xf32>
        %swap3A_438 = arith.index_cast %select_n3A_415 : i32 to index
        %swap3A_439 = arith.index_cast %mul3A_433 : i32 to index
        %swap3A_440 = tpu.vector_load %arg8[%swap3A_438, %swap3A_439] {strides = array<i32>} : memref<8x1024xf32, #tpu.memory_space<vmem>>, vector<1x16xf32>,
        %swap3A_441 = vector.shape_cast %swap3A_440 : vector<1x16xf32> to vector<16xf32>
        %swap3A_442 = vector.shape_cast %get3A_437 : vector<16xf32> to vector<1x16xf32>
        tpu.vector_store %arg8[%swap3A_438, %swap3A_439], %swap3A_442 {add = true, strides = array<i32>} : memref<8x1024xf32, #tpu.memory_space<vmem>>, vector<1x16xf32>,
        %scan3A_443 = arith.constant 3 : i32
        %scan3A_444 = arith.addi %scan3A_294, %scan3A_443 : i32
        %jit3A_445 = arith.constant 64 : i32
        %div3A_446 = arith.divsi %scan3A_444, %jit3A_445 : i32
        %sign3A_447 = arith.constant 0 : i32
        %sign3A_448 = arith.cmpi sgt, %scan3A_444, %sign3A_447 : i32
        %sign3A_449 = arith.extui %sign3A_448 : i1 to i32
        %sign3A_450 = arith.constant 0 : i32
        %sign3A_451 = arith.cmpi slt, %scan3A_444, %sign3A_450 : i32
        %sign3A_452 = arith.extui %sign3A_451 : i1 to i32
        %sign3A_453 = arith.subi %sign3A_449, %sign3A_452 : i32
        %sign3A_454 = arith.constant 0 : i32
        %sign3A_455 = arith.cmpi sgt, %jit3A_445, %sign3A_454 : i32
        %sign3A_456 = arith.extui %sign3A_455 : i1 to i32
        %sign3A_457 = arith.constant 0 : i32
        %sign3A_458 = arith.cmpi slt, %jit3A_445, %sign3A_457 : i32
        %sign3A_459 = arith.extui %sign3A_458 : i1 to i32
        %sign3A_460 = arith.subi %sign3A_456, %sign3A_459 : i32
        %ne3A_461 = arith.cmpi ne, %sign3A_453, %sign3A_460 : i32
        %rem3A_462 = arith.remsi %scan3A_444, %jit3A_445 : i32
        %ne3A_463 = arith.constant 0 : i32
        %ne3A_464 = arith.cmpi ne, %rem3A_462, %ne3A_463 : i32
        %and3A_465 = arith.andi %ne3A_461, %ne3A_464 : i1
        %sub3A_466 = arith.constant 1 : i32
        %sub3A_467 = arith.subi %div3A_446, %sub3A_466 : i32
        %select_n3A_468 = arith.select %and3A_465, %sub3A_467, %div3A_446 : i32
        %jit3A_469 = arith.constant 64 : i32
        %eq3A_470 = arith.constant 0 : i32
        %eq3A_471 = arith.cmpi eq, %jit3A_469, %eq3A_470 : i32
        %jit3A_472 = arith.constant 1 : i32
        %select_n3A_473 = arith.select %eq3A_471, %jit3A_472, %jit3A_469 : i32
        %rem3A_474 = arith.remsi %scan3A_444, %select_n3A_473 : i32
        %ne3A_475 = arith.constant 0 : i32
        %ne3A_476 = arith.cmpi ne, %rem3A_474, %ne3A_475 : i32
        %lt3A_477 = arith.constant 0 : i32
        %lt3A_478 = arith.cmpi slt, %rem3A_474, %lt3A_477 : i32
        %lt3A_479 = arith.constant 0 : i32
        %lt3A_480 = arith.cmpi slt, %select_n3A_473, %lt3A_479 : i32
        %ne3A_481 = arith.xori %lt3A_478, %lt3A_480 : i1
        %and3A_482 = arith.andi %ne3A_481, %ne3A_476 : i1
        %add3A_483 = arith.addi %rem3A_474, %select_n3A_473 : i32
        %select_n3A_484 = arith.select %and3A_482, %add3A_483, %rem3A_474 : i32
        %mul3A_485 = arith.constant 16 : i32
        %mul3A_486 = arith.muli %select_n3A_484, %mul3A_485 : i32
        %get3A_487 = arith.index_cast %select_n3A_468 : i32 to index
        %get3A_488 = arith.index_cast %mul3A_486 : i32 to index
        %get3A_489 = tpu.vector_load %arg12[%get3A_487, %get3A_488] {strides = array<i32>} : memref<8x1024xf32, #tpu.memory_space<vmem>>, vector<1x16xf32>,
        %get3A_490 = vector.shape_cast %get3A_489 : vector<1x16xf32> to vector<16xf32>
        %swap3A_491 = arith.index_cast %select_n3A_468 : i32 to index
        %swap3A_492 = arith.index_cast %mul3A_486 : i32 to index
        %swap3A_493 = tpu.vector_load %arg8[%swap3A_491, %swap3A_492] {strides = array<i32>} : memref<8x1024xf32, #tpu.memory_space<vmem>>, vector<1x16xf32>,
        %swap3A_494 = vector.shape_cast %swap3A_493 : vector<1x16xf32> to vector<16xf32>
        %swap3A_495 = vector.shape_cast %get3A_490 : vector<16xf32> to vector<1x16xf32>
        tpu.vector_store %arg8[%swap3A_491, %swap3A_492], %swap3A_495 {add = true, strides = array<i32>} : memref<8x1024xf32, #tpu.memory_space<vmem>>, vector<1x16xf32>,
        %scan3A_496 = arith.constant 4 : i32
        %scan3A_497 = arith.addi %scan3A_294, %scan3A_496 : i32
        %jit3A_498 = arith.constant 64 : i32
        %div3A_499 = arith.divsi %scan3A_497, %jit3A_498 : i32
        %sign3A_500 = arith.constant 0 : i32
        %sign3A_501 = arith.cmpi sgt, %scan3A_497, %sign3A_500 : i32
        %sign3A_502 = arith.extui %sign3A_501 : i1 to i32
        %sign3A_503 = arith.constant 0 : i32
        %sign3A_504 = arith.cmpi slt, %scan3A_497, %sign3A_503 : i32
        %sign3A_505 = arith.extui %sign3A_504 : i1 to i32
        %sign3A_506 = arith.subi %sign3A_502, %sign3A_505 : i32
        %sign3A_507 = arith.constant 0 : i32
        %sign3A_508 = arith.cmpi sgt, %jit3A_498, %sign3A_507 : i32
        %sign3A_509 = arith.extui %sign3A_508 : i1 to i32
        %sign3A_510 = arith.constant 0 : i32
        %sign3A_511 = arith.cmpi slt, %jit3A_498, %sign3A_510 : i32
        %sign3A_512 = arith.extui %sign3A_511 : i1 to i32
        %sign3A_513 = arith.subi %sign3A_509, %sign3A_512 : i32
        %ne3A_514 = arith.cmpi ne, %sign3A_506, %sign3A_513 : i32
        %rem3A_515 = arith.remsi %scan3A_497, %jit3A_498 : i32
        %ne3A_516 = arith.constant 0 : i32
        %ne3A_517 = arith.cmpi ne, %rem3A_515, %ne3A_516 : i32
        %and3A_518 = arith.andi %ne3A_514, %ne3A_517 : i1
        %sub3A_519 = arith.constant 1 : i32
        %sub3A_520 = arith.subi %div3A_499, %sub3A_519 : i32
        %select_n3A_521 = arith.select %and3A_518, %sub3A_520, %div3A_499 : i32
        %jit3A_522 = arith.constant 64 : i32
        %eq3A_523 = arith.constant 0 : i32
        %eq3A_524 = arith.cmpi eq, %jit3A_522, %eq3A_523 : i32
        %jit3A_525 = arith.constant 1 : i32
        %select_n3A_526 = arith.select %eq3A_524, %jit3A_525, %jit3A_522 : i32
        %rem3A_527 = arith.remsi %scan3A_497, %select_n3A_526 : i32
        %ne3A_528 = arith.constant 0 : i32
        %ne3A_529 = arith.cmpi ne, %rem3A_527, %ne3A_528 : i32
        %lt3A_530 = arith.constant 0 : i32
        %lt3A_531 = arith.cmpi slt, %rem3A_527, %lt3A_530 : i32
        %lt3A_532 = arith.constant 0 : i32
        %lt3A_533 = arith.cmpi slt, %select_n3A_526, %lt3A_532 : i32
        %ne3A_534 = arith.xori %lt3A_531, %lt3A_533 : i1
        %and3A_535 = arith.andi %ne3A_534, %ne3A_529 : i1
        %add3A_536 = arith.addi %rem3A_527, %select_n3A_526 : i32
        %select_n3A_537 = arith.select %and3A_535, %add3A_536, %rem3A_527 : i32
        %mul3A_538 = arith.constant 16 : i32
        %mul3A_539 = arith.muli %select_n3A_537, %mul3A_538 : i32
        %get3A_540 = arith.index_cast %select_n3A_521 : i32 to index
        %get3A_541 = arith.index_cast %mul3A_539 : i32 to index
        %get3A_542 = tpu.vector_load %arg12[%get3A_540, %get3A_541] {strides = array<i32>} : memref<8x1024xf32, #tpu.memory_space<vmem>>, vector<1x16xf32>,
        %get3A_543 = vector.shape_cast %get3A_542 : vector<1x16xf32> to vector<16xf32>
        %swap3A_544 = arith.index_cast %select_n3A_521 : i32 to index
        %swap3A_545 = arith.index_cast %mul3A_539 : i32 to index
        %swap3A_546 = tpu.vector_load %arg8[%swap3A_544, %swap3A_545] {strides = array<i32>} : memref<8x1024xf32, #tpu.memory_space<vmem>>, vector<1x16xf32>,
        %swap3A_547 = vector.shape_cast %swap3A_546 : vector<1x16xf32> to vector<16xf32>
        %swap3A_548 = vector.shape_cast %get3A_543 : vector<16xf32> to vector<1x16xf32>
        tpu.vector_store %arg8[%swap3A_544, %swap3A_545], %swap3A_548 {add = true, strides = array<i32>} : memref<8x1024xf32, #tpu.memory_space<vmem>>, vector<1x16xf32>,
        %scan3A_549 = arith.constant 5 : i32
        %scan3A_550 = arith.addi %scan3A_294, %scan3A_549 : i32
        %jit3A_551 = arith.constant 64 : i32
        %div3A_552 = arith.divsi %scan3A_550, %jit3A_551 : i32
        %sign3A_553 = arith.constant 0 : i32
        %sign3A_554 = arith.cmpi sgt, %scan3A_550, %sign3A_553 : i32
        %sign3A_555 = arith.extui %sign3A_554 : i1 to i32
        %sign3A_556 = arith.constant 0 : i32
        %sign3A_557 = arith.cmpi slt, %scan3A_550, %sign3A_556 : i32
        %sign3A_558 = arith.extui %sign3A_557 : i1 to i32
        %sign3A_559 = arith.subi %sign3A_555, %sign3A_558 : i32
        %sign3A_560 = arith.constant 0 : i32
        %sign3A_561 = arith.cmpi sgt, %jit3A_551, %sign3A_560 : i32
        %sign3A_562 = arith.extui %sign3A_561 : i1 to i32
        %sign3A_563 = arith.constant 0 : i32
        %sign3A_564 = arith.cmpi slt, %jit3A_551, %sign3A_563 : i32
        %sign3A_565 = arith.extui %sign3A_564 : i1 to i32
        %sign3A_566 = arith.subi %sign3A_562, %sign3A_565 : i32
        %ne3A_567 = arith.cmpi ne, %sign3A_559, %sign3A_566 : i32
        %rem3A_568 = arith.remsi %scan3A_550, %jit3A_551 : i32
        %ne3A_569 = arith.constant 0 : i32
        %ne3A_570 = arith.cmpi ne, %rem3A_568, %ne3A_569 : i32
        %and3A_571 = arith.andi %ne3A_567, %ne3A_570 : i1
        %sub3A_572 = arith.constant 1 : i32
        %sub3A_573 = arith.subi %div3A_552, %sub3A_572 : i32
        %select_n3A_574 = arith.select %and3A_571, %sub3A_573, %div3A_552 : i32
        %jit3A_575 = arith.constant 64 : i32
        %eq3A_576 = arith.constant 0 : i32
        %eq3A_577 = arith.cmpi eq, %jit3A_575, %eq3A_576 : i32
        %jit3A_578 = arith.constant 1 : i32
        %select_n3A_579 = arith.select %eq3A_577, %jit3A_578, %jit3A_575 : i32
        %rem3A_580 = arith.remsi %scan3A_550, %select_n3A_579 : i32
        %ne3A_581 = arith.constant 0 : i32
        %ne3A_582 = arith.cmpi ne, %rem3A_580, %ne3A_581 : i32
        %lt3A_583 = arith.constant 0 : i32
        %lt3A_584 = arith.cmpi slt, %rem3A_580, %lt3A_583 : i32
        %lt3A_585 = arith.constant 0 : i32
        %lt3A_586 = arith.cmpi slt, %select_n3A_579, %lt3A_585 : i32
        %ne3A_587 = arith.xori %lt3A_584, %lt3A_586 : i1
        %and3A_588 = arith.andi %ne3A_587, %ne3A_582 : i1
        %add3A_589 = arith.addi %rem3A_580, %select_n3A_579 : i32
        %select_n3A_590 = arith.select %and3A_588, %add3A_589, %rem3A_580 : i32
        %mul3A_591 = arith.constant 16 : i32
        %mul3A_592 = arith.muli %select_n3A_590, %mul3A_591 : i32
        %get3A_593 = arith.index_cast %select_n3A_574 : i32 to index
        %get3A_594 = arith.index_cast %mul3A_592 : i32 to index
        %get3A_595 = tpu.vector_load %arg12[%get3A_593, %get3A_594] {strides = array<i32>} : memref<8x1024xf32, #tpu.memory_space<vmem>>, vector<1x16xf32>,
        %get3A_596 = vector.shape_cast %get3A_595 : vector<1x16xf32> to vector<16xf32>
        %swap3A_597 = arith.index_cast %select_n3A_574 : i32 to index
        %swap3A_598 = arith.index_cast %mul3A_592 : i32 to index
        %swap3A_599 = tpu.vector_load %arg8[%swap3A_597, %swap3A_598] {strides = array<i32>} : memref<8x1024xf32, #tpu.memory_space<vmem>>, vector<1x16xf32>,
        %swap3A_600 = vector.shape_cast %swap3A_599 : vector<1x16xf32> to vector<16xf32>
        %swap3A_601 = vector.shape_cast %get3A_596 : vector<16xf32> to vector<1x16xf32>
        tpu.vector_store %arg8[%swap3A_597, %swap3A_598], %swap3A_601 {add = true, strides = array<i32>} : memref<8x1024xf32, #tpu.memory_space<vmem>>, vector<1x16xf32>,
        %scan3A_602 = arith.constant 6 : i32
        %scan3A_603 = arith.addi %scan3A_294, %scan3A_602 : i32
        %jit3A_604 = arith.constant 64 : i32
        %div3A_605 = arith.divsi %scan3A_603, %jit3A_604 : i32
        %sign3A_606 = arith.constant 0 : i32
        %sign3A_607 = arith.cmpi sgt, %scan3A_603, %sign3A_606 : i32
        %sign3A_608 = arith.extui %sign3A_607 : i1 to i32
        %sign3A_609 = arith.constant 0 : i32
        %sign3A_610 = arith.cmpi slt, %scan3A_603, %sign3A_609 : i32
        %sign3A_611 = arith.extui %sign3A_610 : i1 to i32
        %sign3A_612 = arith.subi %sign3A_608, %sign3A_611 : i32
        %sign3A_613 = arith.constant 0 : i32
        %sign3A_614 = arith.cmpi sgt, %jit3A_604, %sign3A_613 : i32
        %sign3A_615 = arith.extui %sign3A_614 : i1 to i32
        %sign3A_616 = arith.constant 0 : i32
        %sign3A_617 = arith.cmpi slt, %jit3A_604, %sign3A_616 : i32
        %sign3A_618 = arith.extui %sign3A_617 : i1 to i32
        %sign3A_619 = arith.subi %sign3A_615, %sign3A_618 : i32
        %ne3A_620 = arith.cmpi ne, %sign3A_612, %sign3A_619 : i32
        %rem3A_621 = arith.remsi %scan3A_603, %jit3A_604 : i32
        %ne3A_622 = arith.constant 0 : i32
        %ne3A_623 = arith.cmpi ne, %rem3A_621, %ne3A_622 : i32
        %and3A_624 = arith.andi %ne3A_620, %ne3A_623 : i1
        %sub3A_625 = arith.constant 1 : i32
        %sub3A_626 = arith.subi %div3A_605, %sub3A_625 : i32
        %select_n3A_627 = arith.select %and3A_624, %sub3A_626, %div3A_605 : i32
        %jit3A_628 = arith.constant 64 : i32
        %eq3A_629 = arith.constant 0 : i32
        %eq3A_630 = arith.cmpi eq, %jit3A_628, %eq3A_629 : i32
        %jit3A_631 = arith.constant 1 : i32
        %select_n3A_632 = arith.select %eq3A_630, %jit3A_631, %jit3A_628 : i32
        %rem3A_633 = arith.remsi %scan3A_603, %select_n3A_632 : i32
        %ne3A_634 = arith.constant 0 : i32
        %ne3A_635 = arith.cmpi ne, %rem3A_633, %ne3A_634 : i32
        %lt3A_636 = arith.constant 0 : i32
        %lt3A_637 = arith.cmpi slt, %rem3A_633, %lt3A_636 : i32
        %lt3A_638 = arith.constant 0 : i32
        %lt3A_639 = arith.cmpi slt, %select_n3A_632, %lt3A_638 : i32
        %ne3A_640 = arith.xori %lt3A_637, %lt3A_639 : i1
        %and3A_641 = arith.andi %ne3A_640, %ne3A_635 : i1
        %add3A_642 = arith.addi %rem3A_633, %select_n3A_632 : i32
        %select_n3A_643 = arith.select %and3A_641, %add3A_642, %rem3A_633 : i32
        %mul3A_644 = arith.constant 16 : i32
        %mul3A_645 = arith.muli %select_n3A_643, %mul3A_644 : i32
        %get3A_646 = arith.index_cast %select_n3A_627 : i32 to index
        %get3A_647 = arith.index_cast %mul3A_645 : i32 to index
        %get3A_648 = tpu.vector_load %arg12[%get3A_646, %get3A_647] {strides = array<i32>} : memref<8x1024xf32, #tpu.memory_space<vmem>>, vector<1x16xf32>,
        %get3A_649 = vector.shape_cast %get3A_648 : vector<1x16xf32> to vector<16xf32>
        %swap3A_650 = arith.index_cast %select_n3A_627 : i32 to index
        %swap3A_651 = arith.index_cast %mul3A_645 : i32 to index
        %swap3A_652 = tpu.vector_load %arg8[%swap3A_650, %swap3A_651] {strides = array<i32>} : memref<8x1024xf32, #tpu.memory_space<vmem>>, vector<1x16xf32>,
        %swap3A_653 = vector.shape_cast %swap3A_652 : vector<1x16xf32> to vector<16xf32>
        %swap3A_654 = vector.shape_cast %get3A_649 : vector<16xf32> to vector<1x16xf32>
        tpu.vector_store %arg8[%swap3A_650, %swap3A_651], %swap3A_654 {add = true, strides = array<i32>} : memref<8x1024xf32, #tpu.memory_space<vmem>>, vector<1x16xf32>,
        %scan3A_655 = arith.constant 7 : i32
        %scan3A_656 = arith.addi %scan3A_294, %scan3A_655 : i32
        %jit3A_657 = arith.constant 64 : i32
        %div3A_658 = arith.divsi %scan3A_656, %jit3A_657 : i32
        %sign3A_659 = arith.constant 0 : i32
        %sign3A_660 = arith.cmpi sgt, %scan3A_656, %sign3A_659 : i32
        %sign3A_661 = arith.extui %sign3A_660 : i1 to i32
        %sign3A_662 = arith.constant 0 : i32
        %sign3A_663 = arith.cmpi slt, %scan3A_656, %sign3A_662 : i32
        %sign3A_664 = arith.extui %sign3A_663 : i1 to i32
        %sign3A_665 = arith.subi %sign3A_661, %sign3A_664 : i32
        %sign3A_666 = arith.constant 0 : i32
        %sign3A_667 = arith.cmpi sgt, %jit3A_657, %sign3A_666 : i32
        %sign3A_668 = arith.extui %sign3A_667 : i1 to i32
        %sign3A_669 = arith.constant 0 : i32
        %sign3A_670 = arith.cmpi slt, %jit3A_657, %sign3A_669 : i32
        %sign3A_671 = arith.extui %sign3A_670 : i1 to i32
        %sign3A_672 = arith.subi %sign3A_668, %sign3A_671 : i32
        %ne3A_673 = arith.cmpi ne, %sign3A_665, %sign3A_672 : i32
        %rem3A_674 = arith.remsi %scan3A_656, %jit3A_657 : i32
        %ne3A_675 = arith.constant 0 : i32
        %ne3A_676 = arith.cmpi ne, %rem3A_674, %ne3A_675 : i32
        %and3A_677 = arith.andi %ne3A_673, %ne3A_676 : i1
        %sub3A_678 = arith.constant 1 : i32
        %sub3A_679 = arith.subi %div3A_658, %sub3A_678 : i32
        %select_n3A_680 = arith.select %and3A_677, %sub3A_679, %div3A_658 : i32
        %jit3A_681 = arith.constant 64 : i32
        %eq3A_682 = arith.constant 0 : i32
        %eq3A_683 = arith.cmpi eq, %jit3A_681, %eq3A_682 : i32
        %jit3A_684 = arith.constant 1 : i32
        %select_n3A_685 = arith.select %eq3A_683, %jit3A_684, %jit3A_681 : i32
        %rem3A_686 = arith.remsi %scan3A_656, %select_n3A_685 : i32
        %ne3A_687 = arith.constant 0 : i32
        %ne3A_688 = arith.cmpi ne, %rem3A_686, %ne3A_687 : i32
        %lt3A_689 = arith.constant 0 : i32
        %lt3A_690 = arith.cmpi slt, %rem3A_686, %lt3A_689 : i32
        %lt3A_691 = arith.constant 0 : i32
        %lt3A_692 = arith.cmpi slt, %select_n3A_685, %lt3A_691 : i32
        %ne3A_693 = arith.xori %lt3A_690, %lt3A_692 : i1
        %and3A_694 = arith.andi %ne3A_693, %ne3A_688 : i1
        %add3A_695 = arith.addi %rem3A_686, %select_n3A_685 : i32
        %select_n3A_696 = arith.select %and3A_694, %add3A_695, %rem3A_686 : i32
        %mul3A_697 = arith.constant 16 : i32
        %mul3A_698 = arith.muli %select_n3A_696, %mul3A_697 : i32
        %get3A_699 = arith.index_cast %select_n3A_680 : i32 to index
        %get3A_700 = arith.index_cast %mul3A_698 : i32 to index
        %get3A_701 = tpu.vector_load %arg12[%get3A_699, %get3A_700] {strides = array<i32>} : memref<8x1024xf32, #tpu.memory_space<vmem>>, vector<1x16xf32>,
        %get3A_702 = vector.shape_cast %get3A_701 : vector<1x16xf32> to vector<16xf32>
        %swap3A_703 = arith.index_cast %select_n3A_680 : i32 to index
        %swap3A_704 = arith.index_cast %mul3A_698 : i32 to index
        %swap3A_705 = tpu.vector_load %arg8[%swap3A_703, %swap3A_704] {strides = array<i32>} : memref<8x1024xf32, #tpu.memory_space<vmem>>, vector<1x16xf32>,
        %swap3A_706 = vector.shape_cast %swap3A_705 : vector<1x16xf32> to vector<16xf32>
        %swap3A_707 = vector.shape_cast %get3A_702 : vector<16xf32> to vector<1x16xf32>
        tpu.vector_store %arg8[%swap3A_703, %swap3A_704], %swap3A_707 {add = true, strides = array<i32>} : memref<8x1024xf32, #tpu.memory_space<vmem>>, vector<1x16xf32>,
        %scan3A_708 = arith.constant 8 : i32
        %scan3A_709 = arith.addi %scan3A_294, %scan3A_708 : i32
        %jit3A_710 = arith.constant 64 : i32
        %div3A_711 = arith.divsi %scan3A_709, %jit3A_710 : i32
        %sign3A_712 = arith.constant 0 : i32
        %sign3A_713 = arith.cmpi sgt, %scan3A_709, %sign3A_712 : i32
        %sign3A_714 = arith.extui %sign3A_713 : i1 to i32
        %sign3A_715 = arith.constant 0 : i32
        %sign3A_716 = arith.cmpi slt, %scan3A_709, %sign3A_715 : i32
        %sign3A_717 = arith.extui %sign3A_716 : i1 to i32
        %sign3A_718 = arith.subi %sign3A_714, %sign3A_717 : i32
        %sign3A_719 = arith.constant 0 : i32
        %sign3A_720 = arith.cmpi sgt, %jit3A_710, %sign3A_719 : i32
        %sign3A_721 = arith.extui %sign3A_720 : i1 to i32
        %sign3A_722 = arith.constant 0 : i32
        %sign3A_723 = arith.cmpi slt, %jit3A_710, %sign3A_722 : i32
        %sign3A_724 = arith.extui %sign3A_723 : i1 to i32
        %sign3A_725 = arith.subi %sign3A_721, %sign3A_724 : i32
        %ne3A_726 = arith.cmpi ne, %sign3A_718, %sign3A_725 : i32
        %rem3A_727 = arith.remsi %scan3A_709, %jit3A_710 : i32
        %ne3A_728 = arith.constant 0 : i32
        %ne3A_729 = arith.cmpi ne, %rem3A_727, %ne3A_728 : i32
        %and3A_730 = arith.andi %ne3A_726, %ne3A_729 : i1
        %sub3A_731 = arith.constant 1 : i32
        %sub3A_732 = arith.subi %div3A_711, %sub3A_731 : i32
        %select_n3A_733 = arith.select %and3A_730, %sub3A_732, %div3A_711 : i32
        %jit3A_734 = arith.constant 64 : i32
        %eq3A_735 = arith.constant 0 : i32
        %eq3A_736 = arith.cmpi eq, %jit3A_734, %eq3A_735 : i32
        %jit3A_737 = arith.constant 1 : i32
        %select_n3A_738 = arith.select %eq3A_736, %jit3A_737, %jit3A_734 : i32
        %rem3A_739 = arith.remsi %scan3A_709, %select_n3A_738 : i32
        %ne3A_740 = arith.constant 0 : i32
        %ne3A_741 = arith.cmpi ne, %rem3A_739, %ne3A_740 : i32
        %lt3A_742 = arith.constant 0 : i32
        %lt3A_743 = arith.cmpi slt, %rem3A_739, %lt3A_742 : i32
        %lt3A_744 = arith.constant 0 : i32
        %lt3A_745 = arith.cmpi slt, %select_n3A_738, %lt3A_744 : i32
        %ne3A_746 = arith.xori %lt3A_743, %lt3A_745 : i1
        %and3A_747 = arith.andi %ne3A_746, %ne3A_741 : i1
        %add3A_748 = arith.addi %rem3A_739, %select_n3A_738 : i32
        %select_n3A_749 = arith.select %and3A_747, %add3A_748, %rem3A_739 : i32
        %mul3A_750 = arith.constant 16 : i32
        %mul3A_751 = arith.muli %select_n3A_749, %mul3A_750 : i32
        %get3A_752 = arith.index_cast %select_n3A_733 : i32 to index
        %get3A_753 = arith.index_cast %mul3A_751 : i32 to index
        %get3A_754 = tpu.vector_load %arg12[%get3A_752, %get3A_753] {strides = array<i32>} : memref<8x1024xf32, #tpu.memory_space<vmem>>, vector<1x16xf32>,
        %get3A_755 = vector.shape_cast %get3A_754 : vector<1x16xf32> to vector<16xf32>
        %swap3A_756 = arith.index_cast %select_n3A_733 : i32 to index
        %swap3A_757 = arith.index_cast %mul3A_751 : i32 to index
        %swap3A_758 = tpu.vector_load %arg8[%swap3A_756, %swap3A_757] {strides = array<i32>} : memref<8x1024xf32, #tpu.memory_space<vmem>>, vector<1x16xf32>,
        %swap3A_759 = vector.shape_cast %swap3A_758 : vector<1x16xf32> to vector<16xf32>
        %swap3A_760 = vector.shape_cast %get3A_755 : vector<16xf32> to vector<1x16xf32>
        tpu.vector_store %arg8[%swap3A_756, %swap3A_757], %swap3A_760 {add = true, strides = array<i32>} : memref<8x1024xf32, #tpu.memory_space<vmem>>, vector<1x16xf32>,
        %scan3A_761 = arith.constant 9 : i32
        %scan3A_762 = arith.addi %scan3A_294, %scan3A_761 : i32
        %jit3A_763 = arith.constant 64 : i32
        %div3A_764 = arith.divsi %scan3A_762, %jit3A_763 : i32
        %sign3A_765 = arith.constant 0 : i32
        %sign3A_766 = arith.cmpi sgt, %scan3A_762, %sign3A_765 : i32
        %sign3A_767 = arith.extui %sign3A_766 : i1 to i32
        %sign3A_768 = arith.constant 0 : i32
        %sign3A_769 = arith.cmpi slt, %scan3A_762, %sign3A_768 : i32
        %sign3A_770 = arith.extui %sign3A_769 : i1 to i32
        %sign3A_771 = arith.subi %sign3A_767, %sign3A_770 : i32
        %sign3A_772 = arith.constant 0 : i32
        %sign3A_773 = arith.cmpi sgt, %jit3A_763, %sign3A_772 : i32
        %sign3A_774 = arith.extui %sign3A_773 : i1 to i32
        %sign3A_775 = arith.constant 0 : i32
        %sign3A_776 = arith.cmpi slt, %jit3A_763, %sign3A_775 : i32
        %sign3A_777 = arith.extui %sign3A_776 : i1 to i32
        %sign3A_778 = arith.subi %sign3A_774, %sign3A_777 : i32
        %ne3A_779 = arith.cmpi ne, %sign3A_771, %sign3A_778 : i32
        %rem3A_780 = arith.remsi %scan3A_762, %jit3A_763 : i32
        %ne3A_781 = arith.constant 0 : i32
        %ne3A_782 = arith.cmpi ne, %rem3A_780, %ne3A_781 : i32
        %and3A_783 = arith.andi %ne3A_779, %ne3A_782 : i1
        %sub3A_784 = arith.constant 1 : i32
        %sub3A_785 = arith.subi %div3A_764, %sub3A_784 : i32
        %select_n3A_786 = arith.select %and3A_783, %sub3A_785, %div3A_764 : i32
        %jit3A_787 = arith.constant 64 : i32
        %eq3A_788 = arith.constant 0 : i32
        %eq3A_789 = arith.cmpi eq, %jit3A_787, %eq3A_788 : i32
        %jit3A_790 = arith.constant 1 : i32
        %select_n3A_791 = arith.select %eq3A_789, %jit3A_790, %jit3A_787 : i32
        %rem3A_792 = arith.remsi %scan3A_762, %select_n3A_791 : i32
        %ne3A_793 = arith.constant 0 : i32
        %ne3A_794 = arith.cmpi ne, %rem3A_792, %ne3A_793 : i32
        %lt3A_795 = arith.constant 0 : i32
        %lt3A_796 = arith.cmpi slt, %rem3A_792, %lt3A_795 : i32
        %lt3A_797 = arith.constant 0 : i32
        %lt3A_798 = arith.cmpi slt, %select_n3A_791, %lt3A_797 : i32
        %ne3A_799 = arith.xori %lt3A_796, %lt3A_798 : i1
        %and3A_800 = arith.andi %ne3A_799, %ne3A_794 : i1
        %add3A_801 = arith.addi %rem3A_792, %select_n3A_791 : i32
        %select_n3A_802 = arith.select %and3A_800, %add3A_801, %rem3A_792 : i32
        %mul3A_803 = arith.constant 16 : i32
        %mul3A_804 = arith.muli %select_n3A_802, %mul3A_803 : i32
        %get3A_805 = arith.index_cast %select_n3A_786 : i32 to index
        %get3A_806 = arith.index_cast %mul3A_804 : i32 to index
        %get3A_807 = tpu.vector_load %arg12[%get3A_805, %get3A_806] {strides = array<i32>} : memref<8x1024xf32, #tpu.memory_space<vmem>>, vector<1x16xf32>,
        %get3A_808 = vector.shape_cast %get3A_807 : vector<1x16xf32> to vector<16xf32>
        %swap3A_809 = arith.index_cast %select_n3A_786 : i32 to index
        %swap3A_810 = arith.index_cast %mul3A_804 : i32 to index
        %swap3A_811 = tpu.vector_load %arg8[%swap3A_809, %swap3A_810] {strides = array<i32>} : memref<8x1024xf32, #tpu.memory_space<vmem>>, vector<1x16xf32>,
        %swap3A_812 = vector.shape_cast %swap3A_811 : vector<1x16xf32> to vector<16xf32>
        %swap3A_813 = vector.shape_cast %get3A_808 : vector<16xf32> to vector<1x16xf32>
        tpu.vector_store %arg8[%swap3A_809, %swap3A_810], %swap3A_813 {add = true, strides = array<i32>} : memref<8x1024xf32, #tpu.memory_space<vmem>>, vector<1x16xf32>,
        %scan3A_814 = arith.constant 10 : i32
        %scan3A_815 = arith.addi %scan3A_294, %scan3A_814 : i32
        %jit3A_816 = arith.constant 64 : i32
        %div3A_817 = arith.divsi %scan3A_815, %jit3A_816 : i32
        %sign3A_818 = arith.constant 0 : i32
        %sign3A_819 = arith.cmpi sgt, %scan3A_815, %sign3A_818 : i32
        %sign3A_820 = arith.extui %sign3A_819 : i1 to i32
        %sign3A_821 = arith.constant 0 : i32
        %sign3A_822 = arith.cmpi slt, %scan3A_815, %sign3A_821 : i32
        %sign3A_823 = arith.extui %sign3A_822 : i1 to i32
        %sign3A_824 = arith.subi %sign3A_820, %sign3A_823 : i32
        %sign3A_825 = arith.constant 0 : i32
        %sign3A_826 = arith.cmpi sgt, %jit3A_816, %sign3A_825 : i32
        %sign3A_827 = arith.extui %sign3A_826 : i1 to i32
        %sign3A_828 = arith.constant 0 : i32
        %sign3A_829 = arith.cmpi slt, %jit3A_816, %sign3A_828 : i32
        %sign3A_830 = arith.extui %sign3A_829 : i1 to i32
        %sign3A_831 = arith.subi %sign3A_827, %sign3A_830 : i32
        %ne3A_832 = arith.cmpi ne, %sign3A_824, %sign3A_831 : i32
        %rem3A_833 = arith.remsi %scan3A_815, %jit3A_816 : i32
        %ne3A_834 = arith.constant 0 : i32
        %ne3A_835 = arith.cmpi ne, %rem3A_833, %ne3A_834 : i32
        %and3A_836 = arith.andi %ne3A_832, %ne3A_835 : i1
        %sub3A_837 = arith.constant 1 : i32
        %sub3A_838 = arith.subi %div3A_817, %sub3A_837 : i32
        %select_n3A_839 = arith.select %and3A_836, %sub3A_838, %div3A_817 : i32
        %jit3A_840 = arith.constant 64 : i32
        %eq3A_841 = arith.constant 0 : i32
        %eq3A_842 = arith.cmpi eq, %jit3A_840, %eq3A_841 : i32
        %jit3A_843 = arith.constant 1 : i32
        %select_n3A_844 = arith.select %eq3A_842, %jit3A_843, %jit3A_840 : i32
        %rem3A_845 = arith.remsi %scan3A_815, %select_n3A_844 : i32
        %ne3A_846 = arith.constant 0 : i32
        %ne3A_847 = arith.cmpi ne, %rem3A_845, %ne3A_846 : i32
        %lt3A_848 = arith.constant 0 : i32
        %lt3A_849 = arith.cmpi slt, %rem3A_845, %lt3A_848 : i32
        %lt3A_850 = arith.constant 0 : i32
        %lt3A_851 = arith.cmpi slt, %select_n3A_844, %lt3A_850 : i32
        %ne3A_852 = arith.xori %lt3A_849, %lt3A_851 : i1
        %and3A_853 = arith.andi %ne3A_852, %ne3A_847 : i1
        %add3A_854 = arith.addi %rem3A_845, %select_n3A_844 : i32
        %select_n3A_855 = arith.select %and3A_853, %add3A_854, %rem3A_845 : i32
        %mul3A_856 = arith.constant 16 : i32
        %mul3A_857 = arith.muli %select_n3A_855, %mul3A_856 : i32
        %get3A_858 = arith.index_cast %select_n3A_839 : i32 to index
        %get3A_859 = arith.index_cast %mul3A_857 : i32 to index
        %get3A_860 = tpu.vector_load %arg12[%get3A_858, %get3A_859] {strides = array<i32>} : memref<8x1024xf32, #tpu.memory_space<vmem>>, vector<1x16xf32>,
        %get3A_861 = vector.shape_cast %get3A_860 : vector<1x16xf32> to vector<16xf32>
        %swap3A_862 = arith.index_cast %select_n3A_839 : i32 to index
        %swap3A_863 = arith.index_cast %mul3A_857 : i32 to index
        %swap3A_864 = tpu.vector_load %arg8[%swap3A_862, %swap3A_863] {strides = array<i32>} : memref<8x1024xf32, #tpu.memory_space<vmem>>, vector<1x16xf32>,
        %swap3A_865 = vector.shape_cast %swap3A_864 : vector<1x16xf32> to vector<16xf32>
        %swap3A_866 = vector.shape_cast %get3A_861 : vector<16xf32> to vector<1x16xf32>
        tpu.vector_store %arg8[%swap3A_862, %swap3A_863], %swap3A_866 {add = true, strides = array<i32>} : memref<8x1024xf32, #tpu.memory_space<vmem>>, vector<1x16xf32>,
        %scan3A_867 = arith.constant 11 : i32
        %scan3A_868 = arith.addi %scan3A_294, %scan3A_867 : i32
        %jit3A_869 = arith.constant 64 : i32
        %div3A_870 = arith.divsi %scan3A_868, %jit3A_869 : i32
        %sign3A_871 = arith.constant 0 : i32
        %sign3A_872 = arith.cmpi sgt, %scan3A_868, %sign3A_871 : i32
        %sign3A_873 = arith.extui %sign3A_872 : i1 to i32
        %sign3A_874 = arith.constant 0 : i32
        %sign3A_875 = arith.cmpi slt, %scan3A_868, %sign3A_874 : i32
        %sign3A_876 = arith.extui %sign3A_875 : i1 to i32
        %sign3A_877 = arith.subi %sign3A_873, %sign3A_876 : i32
        %sign3A_878 = arith.constant 0 : i32
        %sign3A_879 = arith.cmpi sgt, %jit3A_869, %sign3A_878 : i32
        %sign3A_880 = arith.extui %sign3A_879 : i1 to i32
        %sign3A_881 = arith.constant 0 : i32
        %sign3A_882 = arith.cmpi slt, %jit3A_869, %sign3A_881 : i32
        %sign3A_883 = arith.extui %sign3A_882 : i1 to i32
        %sign3A_884 = arith.subi %sign3A_880, %sign3A_883 : i32
        %ne3A_885 = arith.cmpi ne, %sign3A_877, %sign3A_884 : i32
        %rem3A_886 = arith.remsi %scan3A_868, %jit3A_869 : i32
        %ne3A_887 = arith.constant 0 : i32
        %ne3A_888 = arith.cmpi ne, %rem3A_886, %ne3A_887 : i32
        %and3A_889 = arith.andi %ne3A_885, %ne3A_888 : i1
        %sub3A_890 = arith.constant 1 : i32
        %sub3A_891 = arith.subi %div3A_870, %sub3A_890 : i32
        %select_n3A_892 = arith.select %and3A_889, %sub3A_891, %div3A_870 : i32
        %jit3A_893 = arith.constant 64 : i32
        %eq3A_894 = arith.constant 0 : i32
        %eq3A_895 = arith.cmpi eq, %jit3A_893, %eq3A_894 : i32
        %jit3A_896 = arith.constant 1 : i32
        %select_n3A_897 = arith.select %eq3A_895, %jit3A_896, %jit3A_893 : i32
        %rem3A_898 = arith.remsi %scan3A_868, %select_n3A_897 : i32
        %ne3A_899 = arith.constant 0 : i32
        %ne3A_900 = arith.cmpi ne, %rem3A_898, %ne3A_899 : i32
        %lt3A_901 = arith.constant 0 : i32
        %lt3A_902 = arith.cmpi slt, %rem3A_898, %lt3A_901 : i32
        %lt3A_903 = arith.constant 0 : i32
        %lt3A_904 = arith.cmpi slt, %select_n3A_897, %lt3A_903 : i32
        %ne3A_905 = arith.xori %lt3A_902, %lt3A_904 : i1
        %and3A_906 = arith.andi %ne3A_905, %ne3A_900 : i1
        %add3A_907 = arith.addi %rem3A_898, %select_n3A_897 : i32
        %select_n3A_908 = arith.select %and3A_906, %add3A_907, %rem3A_898 : i32
        %mul3A_909 = arith.constant 16 : i32
        %mul3A_910 = arith.muli %select_n3A_908, %mul3A_909 : i32
        %get3A_911 = arith.index_cast %select_n3A_892 : i32 to index
        %get3A_912 = arith.index_cast %mul3A_910 : i32 to index
        %get3A_913 = tpu.vector_load %arg12[%get3A_911, %get3A_912] {strides = array<i32>} : memref<8x1024xf32, #tpu.memory_space<vmem>>, vector<1x16xf32>,
        %get3A_914 = vector.shape_cast %get3A_913 : vector<1x16xf32> to vector<16xf32>
        %swap3A_915 = arith.index_cast %select_n3A_892 : i32 to index
        %swap3A_916 = arith.index_cast %mul3A_910 : i32 to index
        %swap3A_917 = tpu.vector_load %arg8[%swap3A_915, %swap3A_916] {strides = array<i32>} : memref<8x1024xf32, #tpu.memory_space<vmem>>, vector<1x16xf32>,
        %swap3A_918 = vector.shape_cast %swap3A_917 : vector<1x16xf32> to vector<16xf32>
        %swap3A_919 = vector.shape_cast %get3A_914 : vector<16xf32> to vector<1x16xf32>
        tpu.vector_store %arg8[%swap3A_915, %swap3A_916], %swap3A_919 {add = true, strides = array<i32>} : memref<8x1024xf32, #tpu.memory_space<vmem>>, vector<1x16xf32>,
        %scan3A_920 = arith.constant 12 : i32
        %scan3A_921 = arith.addi %scan3A_294, %scan3A_920 : i32
        %jit3A_922 = arith.constant 64 : i32
        %div3A_923 = arith.divsi %scan3A_921, %jit3A_922 : i32
        %sign3A_924 = arith.constant 0 : i32
        %sign3A_925 = arith.cmpi sgt, %scan3A_921, %sign3A_924 : i32
        %sign3A_926 = arith.extui %sign3A_925 : i1 to i32
        %sign3A_927 = arith.constant 0 : i32
        %sign3A_928 = arith.cmpi slt, %scan3A_921, %sign3A_927 : i32
        %sign3A_929 = arith.extui %sign3A_928 : i1 to i32
        %sign3A_930 = arith.subi %sign3A_926, %sign3A_929 : i32
        %sign3A_931 = arith.constant 0 : i32
        %sign3A_932 = arith.cmpi sgt, %jit3A_922, %sign3A_931 : i32
        %sign3A_933 = arith.extui %sign3A_932 : i1 to i32
        %sign3A_934 = arith.constant 0 : i32
        %sign3A_935 = arith.cmpi slt, %jit3A_922, %sign3A_934 : i32
        %sign3A_936 = arith.extui %sign3A_935 : i1 to i32
        %sign3A_937 = arith.subi %sign3A_933, %sign3A_936 : i32
        %ne3A_938 = arith.cmpi ne, %sign3A_930, %sign3A_937 : i32
        %rem3A_939 = arith.remsi %scan3A_921, %jit3A_922 : i32
        %ne3A_940 = arith.constant 0 : i32
        %ne3A_941 = arith.cmpi ne, %rem3A_939, %ne3A_940 : i32
        %and3A_942 = arith.andi %ne3A_938, %ne3A_941 : i1
        %sub3A_943 = arith.constant 1 : i32
        %sub3A_944 = arith.subi %div3A_923, %sub3A_943 : i32
        %select_n3A_945 = arith.select %and3A_942, %sub3A_944, %div3A_923 : i32
        %jit3A_946 = arith.constant 64 : i32
        %eq3A_947 = arith.constant 0 : i32
        %eq3A_948 = arith.cmpi eq, %jit3A_946, %eq3A_947 : i32
        %jit3A_949 = arith.constant 1 : i32
        %select_n3A_950 = arith.select %eq3A_948, %jit3A_949, %jit3A_946 : i32
        %rem3A_951 = arith.remsi %scan3A_921, %select_n3A_950 : i32
        %ne3A_952 = arith.constant 0 : i32
        %ne3A_953 = arith.cmpi ne, %rem3A_951, %ne3A_952 : i32
        %lt3A_954 = arith.constant 0 : i32
        %lt3A_955 = arith.cmpi slt, %rem3A_951, %lt3A_954 : i32
        %lt3A_956 = arith.constant 0 : i32
        %lt3A_957 = arith.cmpi slt, %select_n3A_950, %lt3A_956 : i32
        %ne3A_958 = arith.xori %lt3A_955, %lt3A_957 : i1
        %and3A_959 = arith.andi %ne3A_958, %ne3A_953 : i1
        %add3A_960 = arith.addi %rem3A_951, %select_n3A_950 : i32
        %select_n3A_961 = arith.select %and3A_959, %add3A_960, %rem3A_951 : i32
        %mul3A_962 = arith.constant 16 : i32
        %mul3A_963 = arith.muli %select_n3A_961, %mul3A_962 : i32
        %get3A_964 = arith.index_cast %select_n3A_945 : i32 to index
        %get3A_965 = arith.index_cast %mul3A_963 : i32 to index
        %get3A_966 = tpu.vector_load %arg12[%get3A_964, %get3A_965] {strides = array<i32>} : memref<8x1024xf32, #tpu.memory_space<vmem>>, vector<1x16xf32>,
        %get3A_967 = vector.shape_cast %get3A_966 : vector<1x16xf32> to vector<16xf32>
        %swap3A_968 = arith.index_cast %select_n3A_945 : i32 to index
        %swap3A_969 = arith.index_cast %mul3A_963 : i32 to index
        %swap3A_970 = tpu.vector_load %arg8[%swap3A_968, %swap3A_969] {strides = array<i32>} : memref<8x1024xf32, #tpu.memory_space<vmem>>, vector<1x16xf32>,
        %swap3A_971 = vector.shape_cast %swap3A_970 : vector<1x16xf32> to vector<16xf32>
        %swap3A_972 = vector.shape_cast %get3A_967 : vector<16xf32> to vector<1x16xf32>
        tpu.vector_store %arg8[%swap3A_968, %swap3A_969], %swap3A_972 {add = true, strides = array<i32>} : memref<8x1024xf32, #tpu.memory_space<vmem>>, vector<1x16xf32>,
        %scan3A_973 = arith.constant 13 : i32
        %scan3A_974 = arith.addi %scan3A_294, %scan3A_973 : i32
        %jit3A_975 = arith.constant 64 : i32
        %div3A_976 = arith.divsi %scan3A_974, %jit3A_975 : i32
        %sign3A_977 = arith.constant 0 : i32
        %sign3A_978 = arith.cmpi sgt, %scan3A_974, %sign3A_977 : i32
        %sign3A_979 = arith.extui %sign3A_978 : i1 to i32
        %sign3A_980 = arith.constant 0 : i32
        %sign3A_981 = arith.cmpi slt, %scan3A_974, %sign3A_980 : i32
        %sign3A_982 = arith.extui %sign3A_981 : i1 to i32
        %sign3A_983 = arith.subi %sign3A_979, %sign3A_982 : i32
        %sign3A_984 = arith.constant 0 : i32
        %sign3A_985 = arith.cmpi sgt, %jit3A_975, %sign3A_984 : i32
        %sign3A_986 = arith.extui %sign3A_985 : i1 to i32
        %sign3A_987 = arith.constant 0 : i32
        %sign3A_988 = arith.cmpi slt, %jit3A_975, %sign3A_987 : i32
        %sign3A_989 = arith.extui %sign3A_988 : i1 to i32
        %sign3A_990 = arith.subi %sign3A_986, %sign3A_989 : i32
        %ne3A_991 = arith.cmpi ne, %sign3A_983, %sign3A_990 : i32
        %rem3A_992 = arith.remsi %scan3A_974, %jit3A_975 : i32
        %ne3A_993 = arith.constant 0 : i32
        %ne3A_994 = arith.cmpi ne, %rem3A_992, %ne3A_993 : i32
        %and3A_995 = arith.andi %ne3A_991, %ne3A_994 : i1
        %sub3A_996 = arith.constant 1 : i32
        %sub3A_997 = arith.subi %div3A_976, %sub3A_996 : i32
        %select_n3A_998 = arith.select %and3A_995, %sub3A_997, %div3A_976 : i32
        %jit3A_999 = arith.constant 64 : i32
        %eq3A_1000 = arith.constant 0 : i32
        %eq3A_1001 = arith.cmpi eq, %jit3A_999, %eq3A_1000 : i32
        %jit3A_1002 = arith.constant 1 : i32
        %select_n3A_1003 = arith.select %eq3A_1001, %jit3A_1002, %jit3A_999 : i32
        %rem3A_1004 = arith.remsi %scan3A_974, %select_n3A_1003 : i32
        %ne3A_1005 = arith.constant 0 : i32
        %ne3A_1006 = arith.cmpi ne, %rem3A_1004, %ne3A_1005 : i32
        %lt3A_1007 = arith.constant 0 : i32
        %lt3A_1008 = arith.cmpi slt, %rem3A_1004, %lt3A_1007 : i32
        %lt3A_1009 = arith.constant 0 : i32
        %lt3A_1010 = arith.cmpi slt, %select_n3A_1003, %lt3A_1009 : i32
        %ne3A_1011 = arith.xori %lt3A_1008, %lt3A_1010 : i1
        %and3A_1012 = arith.andi %ne3A_1011, %ne3A_1006 : i1
        %add3A_1013 = arith.addi %rem3A_1004, %select_n3A_1003 : i32
        %select_n3A_1014 = arith.select %and3A_1012, %add3A_1013, %rem3A_1004 : i32
        %mul3A_1015 = arith.constant 16 : i32
        %mul3A_1016 = arith.muli %select_n3A_1014, %mul3A_1015 : i32
        %get3A_1017 = arith.index_cast %select_n3A_998 : i32 to index
        %get3A_1018 = arith.index_cast %mul3A_1016 : i32 to index
        %get3A_1019 = tpu.vector_load %arg12[%get3A_1017, %get3A_1018] {strides = array<i32>} : memref<8x1024xf32, #tpu.memory_space<vmem>>, vector<1x16xf32>,
        %get3A_1020 = vector.shape_cast %get3A_1019 : vector<1x16xf32> to vector<16xf32>
        %swap3A_1021 = arith.index_cast %select_n3A_998 : i32 to index
        %swap3A_1022 = arith.index_cast %mul3A_1016 : i32 to index
        %swap3A_1023 = tpu.vector_load %arg8[%swap3A_1021, %swap3A_1022] {strides = array<i32>} : memref<8x1024xf32, #tpu.memory_space<vmem>>, vector<1x16xf32>,
        %swap3A_1024 = vector.shape_cast %swap3A_1023 : vector<1x16xf32> to vector<16xf32>
        %swap3A_1025 = vector.shape_cast %get3A_1020 : vector<16xf32> to vector<1x16xf32>
        tpu.vector_store %arg8[%swap3A_1021, %swap3A_1022], %swap3A_1025 {add = true, strides = array<i32>} : memref<8x1024xf32, #tpu.memory_space<vmem>>, vector<1x16xf32>,
        %scan3A_1026 = arith.constant 14 : i32
        %scan3A_1027 = arith.addi %scan3A_294, %scan3A_1026 : i32
        %jit3A_1028 = arith.constant 64 : i32
        %div3A_1029 = arith.divsi %scan3A_1027, %jit3A_1028 : i32
        %sign3A_1030 = arith.constant 0 : i32
        %sign3A_1031 = arith.cmpi sgt, %scan3A_1027, %sign3A_1030 : i32
        %sign3A_1032 = arith.extui %sign3A_1031 : i1 to i32
        %sign3A_1033 = arith.constant 0 : i32
        %sign3A_1034 = arith.cmpi slt, %scan3A_1027, %sign3A_1033 : i32
        %sign3A_1035 = arith.extui %sign3A_1034 : i1 to i32
        %sign3A_1036 = arith.subi %sign3A_1032, %sign3A_1035 : i32
        %sign3A_1037 = arith.constant 0 : i32
        %sign3A_1038 = arith.cmpi sgt, %jit3A_1028, %sign3A_1037 : i32
        %sign3A_1039 = arith.extui %sign3A_1038 : i1 to i32
        %sign3A_1040 = arith.constant 0 : i32
        %sign3A_1041 = arith.cmpi slt, %jit3A_1028, %sign3A_1040 : i32
        %sign3A_1042 = arith.extui %sign3A_1041 : i1 to i32
        %sign3A_1043 = arith.subi %sign3A_1039, %sign3A_1042 : i32
        %ne3A_1044 = arith.cmpi ne, %sign3A_1036, %sign3A_1043 : i32
        %rem3A_1045 = arith.remsi %scan3A_1027, %jit3A_1028 : i32
        %ne3A_1046 = arith.constant 0 : i32
        %ne3A_1047 = arith.cmpi ne, %rem3A_1045, %ne3A_1046 : i32
        %and3A_1048 = arith.andi %ne3A_1044, %ne3A_1047 : i1
        %sub3A_1049 = arith.constant 1 : i32
        %sub3A_1050 = arith.subi %div3A_1029, %sub3A_1049 : i32
        %select_n3A_1051 = arith.select %and3A_1048, %sub3A_1050, %div3A_1029 : i32
        %jit3A_1052 = arith.constant 64 : i32
        %eq3A_1053 = arith.constant 0 : i32
        %eq3A_1054 = arith.cmpi eq, %jit3A_1052, %eq3A_1053 : i32
        %jit3A_1055 = arith.constant 1 : i32
        %select_n3A_1056 = arith.select %eq3A_1054, %jit3A_1055, %jit3A_1052 : i32
        %rem3A_1057 = arith.remsi %scan3A_1027, %select_n3A_1056 : i32
        %ne3A_1058 = arith.constant 0 : i32
        %ne3A_1059 = arith.cmpi ne, %rem3A_1057, %ne3A_1058 : i32
        %lt3A_1060 = arith.constant 0 : i32
        %lt3A_1061 = arith.cmpi slt, %rem3A_1057, %lt3A_1060 : i32
        %lt3A_1062 = arith.constant 0 : i32
        %lt3A_1063 = arith.cmpi slt, %select_n3A_1056, %lt3A_1062 : i32
        %ne3A_1064 = arith.xori %lt3A_1061, %lt3A_1063 : i1
        %and3A_1065 = arith.andi %ne3A_1064, %ne3A_1059 : i1
        %add3A_1066 = arith.addi %rem3A_1057, %select_n3A_1056 : i32
        %select_n3A_1067 = arith.select %and3A_1065, %add3A_1066, %rem3A_1057 : i32
        %mul3A_1068 = arith.constant 16 : i32
        %mul3A_1069 = arith.muli %select_n3A_1067, %mul3A_1068 : i32
        %get3A_1070 = arith.index_cast %select_n3A_1051 : i32 to index
        %get3A_1071 = arith.index_cast %mul3A_1069 : i32 to index
        %get3A_1072 = tpu.vector_load %arg12[%get3A_1070, %get3A_1071] {strides = array<i32>} : memref<8x1024xf32, #tpu.memory_space<vmem>>, vector<1x16xf32>,
        %get3A_1073 = vector.shape_cast %get3A_1072 : vector<1x16xf32> to vector<16xf32>
        %swap3A_1074 = arith.index_cast %select_n3A_1051 : i32 to index
        %swap3A_1075 = arith.index_cast %mul3A_1069 : i32 to index
        %swap3A_1076 = tpu.vector_load %arg8[%swap3A_1074, %swap3A_1075] {strides = array<i32>} : memref<8x1024xf32, #tpu.memory_space<vmem>>, vector<1x16xf32>,
        %swap3A_1077 = vector.shape_cast %swap3A_1076 : vector<1x16xf32> to vector<16xf32>
        %swap3A_1078 = vector.shape_cast %get3A_1073 : vector<16xf32> to vector<1x16xf32>
        tpu.vector_store %arg8[%swap3A_1074, %swap3A_1075], %swap3A_1078 {add = true, strides = array<i32>} : memref<8x1024xf32, #tpu.memory_space<vmem>>, vector<1x16xf32>,
        %scan3A_1079 = arith.constant 15 : i32
        %scan3A_1080 = arith.addi %scan3A_294, %scan3A_1079 : i32
        %jit3A_1081 = arith.constant 64 : i32
        %div3A_1082 = arith.divsi %scan3A_1080, %jit3A_1081 : i32
        %sign3A_1083 = arith.constant 0 : i32
        %sign3A_1084 = arith.cmpi sgt, %scan3A_1080, %sign3A_1083 : i32
        %sign3A_1085 = arith.extui %sign3A_1084 : i1 to i32
        %sign3A_1086 = arith.constant 0 : i32
        %sign3A_1087 = arith.cmpi slt, %scan3A_1080, %sign3A_1086 : i32
        %sign3A_1088 = arith.extui %sign3A_1087 : i1 to i32
        %sign3A_1089 = arith.subi %sign3A_1085, %sign3A_1088 : i32
        %sign3A_1090 = arith.constant 0 : i32
        %sign3A_1091 = arith.cmpi sgt, %jit3A_1081, %sign3A_1090 : i32
        %sign3A_1092 = arith.extui %sign3A_1091 : i1 to i32
        %sign3A_1093 = arith.constant 0 : i32
        %sign3A_1094 = arith.cmpi slt, %jit3A_1081, %sign3A_1093 : i32
        %sign3A_1095 = arith.extui %sign3A_1094 : i1 to i32
        %sign3A_1096 = arith.subi %sign3A_1092, %sign3A_1095 : i32
        %ne3A_1097 = arith.cmpi ne, %sign3A_1089, %sign3A_1096 : i32
        %rem3A_1098 = arith.remsi %scan3A_1080, %jit3A_1081 : i32
        %ne3A_1099 = arith.constant 0 : i32
        %ne3A_1100 = arith.cmpi ne, %rem3A_1098, %ne3A_1099 : i32
        %and3A_1101 = arith.andi %ne3A_1097, %ne3A_1100 : i1
        %sub3A_1102 = arith.constant 1 : i32
        %sub3A_1103 = arith.subi %div3A_1082, %sub3A_1102 : i32
        %select_n3A_1104 = arith.select %and3A_1101, %sub3A_1103, %div3A_1082 : i32
        %jit3A_1105 = arith.constant 64 : i32
        %eq3A_1106 = arith.constant 0 : i32
        %eq3A_1107 = arith.cmpi eq, %jit3A_1105, %eq3A_1106 : i32
        %jit3A_1108 = arith.constant 1 : i32
        %select_n3A_1109 = arith.select %eq3A_1107, %jit3A_1108, %jit3A_1105 : i32
        %rem3A_1110 = arith.remsi %scan3A_1080, %select_n3A_1109 : i32
        %ne3A_1111 = arith.constant 0 : i32
        %ne3A_1112 = arith.cmpi ne, %rem3A_1110, %ne3A_1111 : i32
        %lt3A_1113 = arith.constant 0 : i32
        %lt3A_1114 = arith.cmpi slt, %rem3A_1110, %lt3A_1113 : i32
        %lt3A_1115 = arith.constant 0 : i32
        %lt3A_1116 = arith.cmpi slt, %select_n3A_1109, %lt3A_1115 : i32
        %ne3A_1117 = arith.xori %lt3A_1114, %lt3A_1116 : i1
        %and3A_1118 = arith.andi %ne3A_1117, %ne3A_1112 : i1
        %add3A_1119 = arith.addi %rem3A_1110, %select_n3A_1109 : i32
        %select_n3A_1120 = arith.select %and3A_1118, %add3A_1119, %rem3A_1110 : i32
        %mul3A_1121 = arith.constant 16 : i32
        %mul3A_1122 = arith.muli %select_n3A_1120, %mul3A_1121 : i32
        %get3A_1123 = arith.index_cast %select_n3A_1104 : i32 to index
        %get3A_1124 = arith.index_cast %mul3A_1122 : i32 to index
        %get3A_1125 = tpu.vector_load %arg12[%get3A_1123, %get3A_1124] {strides = array<i32>} : memref<8x1024xf32, #tpu.memory_space<vmem>>, vector<1x16xf32>,
        %get3A_1126 = vector.shape_cast %get3A_1125 : vector<1x16xf32> to vector<16xf32>
        %swap3A_1127 = arith.index_cast %select_n3A_1104 : i32 to index
        %swap3A_1128 = arith.index_cast %mul3A_1122 : i32 to index
        %swap3A_1129 = tpu.vector_load %arg8[%swap3A_1127, %swap3A_1128] {strides = array<i32>} : memref<8x1024xf32, #tpu.memory_space<vmem>>, vector<1x16xf32>,
        %swap3A_1130 = vector.shape_cast %swap3A_1129 : vector<1x16xf32> to vector<16xf32>
        %swap3A_1131 = vector.shape_cast %get3A_1126 : vector<16xf32> to vector<1x16xf32>
        tpu.vector_store %arg8[%swap3A_1127, %swap3A_1128], %swap3A_1131 {add = true, strides = array<i32>} : memref<8x1024xf32, #tpu.memory_space<vmem>>, vector<1x16xf32>,
      }
      %scan3A_265 = arith.constant 512 : i32
      %mul3A_266 = arith.constant 8 : i32
      %mul3A_267 = arith.muli %add3A_242, %mul3A_266 : i32
      %add3A_268 = arith.addi %mul3A_6, %mul3A_267 : i32
      %dma_start3A_269 = arith.constant 0 : i32
      %dma_start3A_270 = tpu.memref_slice %arg4[%add3A_268, %dma_start3A_269] : memref<2048x1024xf32, #tpu.memory_space<hbm>> -> memref<8x1024xf32, #tpu.memory_space<hbm>>
      %dma_start3A_271 = arith.constant 0 : i32
      %dma_start3A_272 = tpu.memref_slice %arg4[%add3A_268, %dma_start3A_271] : memref<2048x1024xf32, #tpu.memory_space<hbm>> -> memref<8x1024xf32, #tpu.memory_space<hbm>>
      tpu.enqueue_dma source(%arg8 : memref<8x1024xf32, #tpu.memory_space<vmem>>) target(%dma_start3A_272 : memref<8x1024xf32, #tpu.memory_space<hbm>>) target_semaphore(%arg24 : memref<!tpu.dma_semaphore, #tpu.memory_space<semaphore_mem>>)
      %ge3A_273 = arith.constant 1 : i32
      %ge3A_274 = arith.cmpi sge, %add3A_242, %ge3A_273 : i32
      %add3A_275 = arith.constant 4 : i32
      %add3A_276 = arith.addi %add3A_242, %add3A_275 : i32
      %sub3A_277 = arith.constant 1 : i32
      %sub3A_278 = arith.subi %add3A_276, %sub3A_277 : i32
      %lt3A_279 = arith.constant 8 : i32
      %lt3A_280 = arith.cmpi slt, %sub3A_278, %lt3A_279 : i32
      %and3A_281 = arith.andi %ge3A_274, %lt3A_280 : i1
      %convert_element_type3A_282 = arith.extui %and3A_281 : i1 to i32
      %cond3A_283 = arith.constant 0 : i32
      %cond3A_284 = arith.cmpi ne, %convert_element_type3A_282, %cond3A_283 : i32
      scf.if %cond3A_284 {
        %sub3A_294 = arith.constant 1 : i32
        %sub3A_295 = arith.subi %add3A_242, %sub3A_294 : i32
        %mul3A_296 = arith.constant 8 : i32
        %mul3A_297 = arith.muli %sub3A_295, %mul3A_296 : i32
        %add3A_298 = arith.addi %mul3A_6, %mul3A_297 : i32
        %dma_wait3A_299 = arith.constant 0 : i32
        %dma_wait3A_300 = tpu.memref_slice %arg4[%add3A_298, %dma_wait3A_299] : memref<2048x1024xf32, #tpu.memory_space<hbm>> -> memref<8x1024xf32, #tpu.memory_space<hbm>>
        %dma_wait3A_301 = arith.constant 0 : i32
        %dma_wait3A_302 = tpu.memref_slice %arg4[%add3A_298, %dma_wait3A_301] : memref<2048x1024xf32, #tpu.memory_space<hbm>> -> memref<8x1024xf32, #tpu.memory_space<hbm>>
        tpu.wait_dma2 semaphore(%arg23 : memref<!tpu.dma_semaphore, #tpu.memory_space<semaphore_mem>>) src(%arg7 : memref<8x1024xf32, #tpu.memory_space<vmem>>) dst(%dma_wait3A_302 : memref<8x1024xf32, #tpu.memory_space<hbm>>)
      } else {
      }
      %add3A_285 = arith.constant 4 : i32
      %add3A_286 = arith.addi %add3A_242, %add3A_285 : i32
      %sub3A_287 = arith.constant 1 : i32
      %sub3A_288 = arith.subi %add3A_286, %sub3A_287 : i32
      %lt3A_289 = arith.constant 8 : i32
      %lt3A_290 = arith.cmpi slt, %sub3A_288, %lt3A_289 : i32
      %convert_element_type3A_291 = arith.extui %lt3A_290 : i1 to i32
      %cond3A_292 = arith.constant 0 : i32
      %cond3A_293 = arith.cmpi ne, %convert_element_type3A_291, %cond3A_292 : i32
      scf.if %cond3A_293 {
        %add3A_294 = arith.constant 4 : i32
        %add3A_295 = arith.addi %add3A_242, %add3A_294 : i32
        %sub3A_296 = arith.constant 1 : i32
        %sub3A_297 = arith.subi %add3A_295, %sub3A_296 : i32
        %mul3A_298 = arith.constant 8 : i32
        %mul3A_299 = arith.muli %sub3A_297, %mul3A_298 : i32
        %add3A_300 = arith.addi %add3A_4, %mul3A_299 : i32
        %dma_start3A_301 = arith.constant 3 : i32
        %dma_start3A_302 = arith.constant 0 : i32
        %dma_start3A_303 = tpu.memref_slice %arg2[%dma_start3A_301, %add3A_300, %dma_start3A_302] : memref<4x4096x1024xf32, #tpu.memory_space<hbm>> -> memref<1x8x1024xf32, #tpu.memory_space<hbm>>
        %dma_start3A_304 = tpu.memref_squeeze %dma_start3A_303 : memref<1x8x1024xf32, #tpu.memory_space<hbm>> -> memref<8x1024xf32, #tpu.memory_space<hbm>>
        %dma_start3A_305 = arith.constant 0 : i32
        %dma_start3A_306 = tpu.memref_slice %arg2[%dma_start3A_301, %add3A_300, %dma_start3A_305] : memref<4x4096x1024xf32, #tpu.memory_space<hbm>> -> memref<1x8x1024xf32, #tpu.memory_space<hbm>>
        %dma_start3A_307 = tpu.memref_squeeze %dma_start3A_306 : memref<1x8x1024xf32, #tpu.memory_space<hbm>> -> memref<8x1024xf32, #tpu.memory_space<hbm>>
        tpu.enqueue_dma source(%dma_start3A_307 : memref<8x1024xf32, #tpu.memory_space<hbm>>) target(%arg7 : memref<8x1024xf32, #tpu.memory_space<vmem>>) target_semaphore(%arg15 : memref<!tpu.dma_semaphore, #tpu.memory_space<semaphore_mem>>)
        %mul3A_308 = arith.constant 8 : i32
        %mul3A_309 = arith.muli %sub3A_297, %mul3A_308 : i32
        %add3A_310 = arith.addi %add3A_4, %mul3A_309 : i32
        %dma_start3A_311 = arith.constant 0 : i32
        %dma_start3A_312 = tpu.memref_slice %arg3[%add3A_310, %dma_start3A_311] : memref<4096x1024xf32, #tpu.memory_space<hbm>> -> memref<8x1024xf32, #tpu.memory_space<hbm>>
        %dma_start3A_313 = arith.constant 0 : i32
        %dma_start3A_314 = tpu.memref_slice %arg3[%add3A_310, %dma_start3A_313] : memref<4096x1024xf32, #tpu.memory_space<hbm>> -> memref<8x1024xf32, #tpu.memory_space<hbm>>
        tpu.enqueue_dma source(%dma_start3A_314 : memref<8x1024xf32, #tpu.memory_space<hbm>>) target(%arg11 : memref<8x1024xf32, #tpu.memory_space<vmem>>) target_semaphore(%arg19 : memref<!tpu.dma_semaphore, #tpu.memory_space<semaphore_mem>>)
      } else {
      }
    }
    %scan3A_55 = arith.constant 2 : i32
    %add3A_56 = arith.constant 32 : i32
    %add3A_57 = arith.addi %mul3A_6, %add3A_56 : i32
    %dma_wait3A = arith.constant 0 : i32
    %dma_wait3A_58 = tpu.memref_slice %arg4[%add3A_57, %dma_wait3A] : memref<2048x1024xf32, #tpu.memory_space<hbm>> -> memref<8x1024xf32, #tpu.memory_space<hbm>>
    %dma_wait3A_59 = arith.constant 0 : i32
    %dma_wait3A_60 = tpu.memref_slice %arg4[%add3A_57, %dma_wait3A_59] : memref<2048x1024xf32, #tpu.memory_space<hbm>> -> memref<8x1024xf32, #tpu.memory_space<hbm>>
    tpu.wait_dma2 semaphore(%arg21 : memref<!tpu.dma_semaphore, #tpu.memory_space<semaphore_mem>>) src(%arg5 : memref<8x1024xf32, #tpu.memory_space<vmem>>) dst(%dma_wait3A_60 : memref<8x1024xf32, #tpu.memory_space<hbm>>)
    %add3A_61 = arith.constant 40 : i32
    %add3A_62 = arith.addi %mul3A_6, %add3A_61 : i32
    %dma_wait3A_63 = arith.constant 0 : i32
    %dma_wait3A_64 = tpu.memref_slice %arg4[%add3A_62, %dma_wait3A_63] : memref<2048x1024xf32, #tpu.memory_space<hbm>> -> memref<8x1024xf32, #tpu.memory_space<hbm>>
    %dma_wait3A_65 = arith.constant 0 : i32
    %dma_wait3A_66 = tpu.memref_slice %arg4[%add3A_62, %dma_wait3A_65] : memref<2048x1024xf32, #tpu.memory_space<hbm>> -> memref<8x1024xf32, #tpu.memory_space<hbm>>
    tpu.wait_dma2 semaphore(%arg22 : memref<!tpu.dma_semaphore, #tpu.memory_space<semaphore_mem>>) src(%arg6 : memref<8x1024xf32, #tpu.memory_space<vmem>>) dst(%dma_wait3A_66 : memref<8x1024xf32, #tpu.memory_space<hbm>>)
    %add3A_67 = arith.constant 48 : i32
    %add3A_68 = arith.addi %mul3A_6, %add3A_67 : i32
    %dma_wait3A_69 = arith.constant 0 : i32
    %dma_wait3A_70 = tpu.memref_slice %arg4[%add3A_68, %dma_wait3A_69] : memref<2048x1024xf32, #tpu.memory_space<hbm>> -> memref<8x1024xf32, #tpu.memory_space<hbm>>
    %dma_wait3A_71 = arith.constant 0 : i32
    %dma_wait3A_72 = tpu.memref_slice %arg4[%add3A_68, %dma_wait3A_71] : memref<2048x1024xf32, #tpu.memory_space<hbm>> -> memref<8x1024xf32, #tpu.memory_space<hbm>>
    tpu.wait_dma2 semaphore(%arg23 : memref<!tpu.dma_semaphore, #tpu.memory_space<semaphore_mem>>) src(%arg7 : memref<8x1024xf32, #tpu.memory_space<vmem>>) dst(%dma_wait3A_72 : memref<8x1024xf32, #tpu.memory_space<hbm>>)
    %add3A_73 = arith.constant 56 : i32
    %add3A_74 = arith.addi %mul3A_6, %add3A_73 : i32
    %dma_wait3A_75 = arith.constant 0 : i32
    %dma_wait3A_76 = tpu.memref_slice %arg4[%add3A_74, %dma_wait3A_75] : memref<2048x1024xf32, #tpu.memory_space<hbm>> -> memref<8x1024xf32, #tpu.memory_space<hbm>>
    %dma_wait3A_77 = arith.constant 0 : i32
    %dma_wait3A_78 = tpu.memref_slice %arg4[%add3A_74, %dma_wait3A_77] : memref<2048x1024xf32, #tpu.memory_space<hbm>> -> memref<8x1024xf32, #tpu.memory_space<hbm>>
    tpu.wait_dma2 semaphore(%arg24 : memref<!tpu.dma_semaphore, #tpu.memory_space<semaphore_mem>>) src(%arg8 : memref<8x1024xf32, #tpu.memory_space<vmem>>) dst(%dma_wait3A_78 : memref<8x1024xf32, #tpu.memory_space<hbm>>)
    return
  }
}

module attributes {stable_mosaic.version = 14 : i64} {
  func.func @_tc_add_body(%arg0: i32, %arg1: memref<1x2048x1024xf32, #tpu.memory_space<vmem>>, %arg2: memref<2048x1024xf32, #tpu.memory_space<vmem>>, %arg3: memref<1x2048x1024xf32, #tpu.memory_space<vmem>>) attributes {dimension_semantics = [#tpu.dimension_semantics<arbitrary>], iteration_bounds = array<i64: 7>, scalar_prefetch = 0 : i64, scratch_operands = 0 : i64, tpu.core_type = #tpu.core_type<tc>, window_params = [{transform_indices = @transform_0, window_bounds = array<i64: 1, 2048, 1024>}, {transform_indices = @transform_1, window_bounds = array<i64: 2048, 1024>}, {transform_indices = @transform_2, window_bounds = array<i64: 1, 2048, 1024>}]} {
    %get3A = arith.constant 0 : index
    %get3A_0 = arith.constant 0 : index
    %get3A_1 = arith.constant 0 : index
    %get3A_2 = vector.load %arg1[%get3A, %get3A_0, %get3A_1] : memref<1x2048x1024xf32, #tpu.memory_space<vmem>>, vector<1x2048x1024xf32>
    %get3A_3 = arith.constant 0 : index
    %get3A_4 = arith.constant 0 : index
    %get3A_5 = vector.load %arg2[%get3A_3, %get3A_4] : memref<2048x1024xf32, #tpu.memory_space<vmem>>, vector<2048x1024xf32>
    %broadcast_in_dim3A = vector.shape_cast %get3A_5 : vector<2048x1024xf32> to vector<1x2048x1024xf32>
    %add3A = arith.addf %get3A_2, %broadcast_in_dim3A : vector<1x2048x1024xf32>
    %swap3A = arith.constant 0 : index
    %swap3A_6 = arith.constant 0 : index
    %swap3A_7 = arith.constant 0 : index
    %swap3A_8 = vector.load %arg3[%swap3A, %swap3A_6, %swap3A_7] : memref<1x2048x1024xf32, #tpu.memory_space<vmem>>, vector<1x2048x1024xf32>
    tpu.vector_store %arg3[%swap3A, %swap3A_6, %swap3A_7], %add3A {strides = array<i32>} : memref<1x2048x1024xf32, #tpu.memory_space<vmem>>, vector<1x2048x1024xf32>,
    return
  }
  func.func @transform_0(%arg0: i32) -> (i32, i32, i32) {
    %jit3A = arith.constant 4 : i32
    %eq3A = arith.constant 0 : i32
    %eq3A_0 = arith.cmpi eq, %jit3A, %eq3A : i32
    %jit3A_1 = arith.constant 1 : i32
    %select_n3A = arith.select %eq3A_0, %jit3A_1, %jit3A : i32
    %rem3A = arith.remsi %arg0, %select_n3A : i32
    %ne3A = arith.constant 0 : i32
    %ne3A_2 = arith.cmpi ne, %rem3A, %ne3A : i32
    %lt3A = arith.constant 0 : i32
    %lt3A_3 = arith.cmpi slt, %rem3A, %lt3A : i32
    %lt3A_4 = arith.constant 0 : i32
    %lt3A_5 = arith.cmpi slt, %select_n3A, %lt3A_4 : i32
    %ne3A_6 = arith.xori %lt3A_3, %lt3A_5 : i1
    %and3A = arith.andi %ne3A_6, %ne3A_2 : i1
    %add3A = arith.addi %rem3A, %select_n3A : i32
    %select_n3A_7 = arith.select %and3A, %add3A, %rem3A : i32
    %jit3A_8 = arith.constant 4 : i32
    %div3A = arith.divsi %arg0, %jit3A_8 : i32
    %sign3A = arith.constant 0 : i32
    %sign3A_9 = arith.cmpi sgt, %arg0, %sign3A : i32
    %sign3A_10 = arith.extui %sign3A_9 : i1 to i32
    %sign3A_11 = arith.constant 0 : i32
    %sign3A_12 = arith.cmpi slt, %arg0, %sign3A_11 : i32
    %sign3A_13 = arith.extui %sign3A_12 : i1 to i32
    %sign3A_14 = arith.subi %sign3A_10, %sign3A_13 : i32
    %sign3A_15 = arith.constant 0 : i32
    %sign3A_16 = arith.cmpi sgt, %jit3A_8, %sign3A_15 : i32
    %sign3A_17 = arith.extui %sign3A_16 : i1 to i32
    %sign3A_18 = arith.constant 0 : i32
    %sign3A_19 = arith.cmpi slt, %jit3A_8, %sign3A_18 : i32
    %sign3A_20 = arith.extui %sign3A_19 : i1 to i32
    %sign3A_21 = arith.subi %sign3A_17, %sign3A_20 : i32
    %ne3A_22 = arith.cmpi ne, %sign3A_14, %sign3A_21 : i32
    %rem3A_23 = arith.remsi %arg0, %jit3A_8 : i32
    %ne3A_24 = arith.constant 0 : i32
    %ne3A_25 = arith.cmpi ne, %rem3A_23, %ne3A_24 : i32
    %and3A_26 = arith.andi %ne3A_22, %ne3A_25 : i1
    %sub3A = arith.constant 1 : i32
    %sub3A_27 = arith.subi %div3A, %sub3A : i32
    %select_n3A_28 = arith.select %and3A_26, %sub3A_27, %div3A : i32
    %c0_i32 = arith.constant 0 : i32
    %c0_i32_29 = arith.constant 0 : i32
    return %select_n3A_7, %select_n3A_28, %c0_i32 : i32, i32, i32
  }
  func.func @transform_1(%arg0: i32) -> (i32, i32) {
    %jit3A = arith.constant 4 : i32
    %div3A = arith.divsi %arg0, %jit3A : i32
    %sign3A = arith.constant 0 : i32
    %sign3A_0 = arith.cmpi sgt, %arg0, %sign3A : i32
    %sign3A_1 = arith.extui %sign3A_0 : i1 to i32
    %sign3A_2 = arith.constant 0 : i32
    %sign3A_3 = arith.cmpi slt, %arg0, %sign3A_2 : i32
    %sign3A_4 = arith.extui %sign3A_3 : i1 to i32
    %sign3A_5 = arith.subi %sign3A_1, %sign3A_4 : i32
    %sign3A_6 = arith.constant 0 : i32
    %sign3A_7 = arith.cmpi sgt, %jit3A, %sign3A_6 : i32
    %sign3A_8 = arith.extui %sign3A_7 : i1 to i32
    %sign3A_9 = arith.constant 0 : i32
    %sign3A_10 = arith.cmpi slt, %jit3A, %sign3A_9 : i32
    %sign3A_11 = arith.extui %sign3A_10 : i1 to i32
    %sign3A_12 = arith.subi %sign3A_8, %sign3A_11 : i32
    %ne3A = arith.cmpi ne, %sign3A_5, %sign3A_12 : i32
    %rem3A = arith.remsi %arg0, %jit3A : i32
    %ne3A_13 = arith.constant 0 : i32
    %ne3A_14 = arith.cmpi ne, %rem3A, %ne3A_13 : i32
    %and3A = arith.andi %ne3A, %ne3A_14 : i1
    %sub3A = arith.constant 1 : i32
    %sub3A_15 = arith.subi %div3A, %sub3A : i32
    %select_n3A = arith.select %and3A, %sub3A_15, %div3A : i32
    %c0_i32 = arith.constant 0 : i32
    %c0_i32_16 = arith.constant 0 : i32
    return %select_n3A, %c0_i32 : i32, i32
  }
  func.func @transform_2(%arg0: i32) -> (i32, i32, i32) {
    %jit3A = arith.constant 4 : i32
    %eq3A = arith.constant 0 : i32
    %eq3A_0 = arith.cmpi eq, %jit3A, %eq3A : i32
    %jit3A_1 = arith.constant 1 : i32
    %select_n3A = arith.select %eq3A_0, %jit3A_1, %jit3A : i32
    %rem3A = arith.remsi %arg0, %select_n3A : i32
    %ne3A = arith.constant 0 : i32
    %ne3A_2 = arith.cmpi ne, %rem3A, %ne3A : i32
    %lt3A = arith.constant 0 : i32
    %lt3A_3 = arith.cmpi slt, %rem3A, %lt3A : i32
    %lt3A_4 = arith.constant 0 : i32
    %lt3A_5 = arith.cmpi slt, %select_n3A, %lt3A_4 : i32
    %ne3A_6 = arith.xori %lt3A_3, %lt3A_5 : i1
    %and3A = arith.andi %ne3A_6, %ne3A_2 : i1
    %add3A = arith.addi %rem3A, %select_n3A : i32
    %select_n3A_7 = arith.select %and3A, %add3A, %rem3A : i32
    %jit3A_8 = arith.constant 4 : i32
    %div3A = arith.divsi %arg0, %jit3A_8 : i32
    %sign3A = arith.constant 0 : i32
    %sign3A_9 = arith.cmpi sgt, %arg0, %sign3A : i32
    %sign3A_10 = arith.extui %sign3A_9 : i1 to i32
    %sign3A_11 = arith.constant 0 : i32
    %sign3A_12 = arith.cmpi slt, %arg0, %sign3A_11 : i32
    %sign3A_13 = arith.extui %sign3A_12 : i1 to i32
    %sign3A_14 = arith.subi %sign3A_10, %sign3A_13 : i32
    %sign3A_15 = arith.constant 0 : i32
    %sign3A_16 = arith.cmpi sgt, %jit3A_8, %sign3A_15 : i32
    %sign3A_17 = arith.extui %sign3A_16 : i1 to i32
    %sign3A_18 = arith.constant 0 : i32
    %sign3A_19 = arith.cmpi slt, %jit3A_8, %sign3A_18 : i32
    %sign3A_20 = arith.extui %sign3A_19 : i1 to i32
    %sign3A_21 = arith.subi %sign3A_17, %sign3A_20 : i32
    %ne3A_22 = arith.cmpi ne, %sign3A_14, %sign3A_21 : i32
    %rem3A_23 = arith.remsi %arg0, %jit3A_8 : i32
    %ne3A_24 = arith.constant 0 : i32
    %ne3A_25 = arith.cmpi ne, %rem3A_23, %ne3A_24 : i32
    %and3A_26 = arith.andi %ne3A_22, %ne3A_25 : i1
    %sub3A = arith.constant 1 : i32
    %sub3A_27 = arith.subi %div3A, %sub3A : i32
    %select_n3A_28 = arith.select %and3A_26, %sub3A_27, %div3A : i32
    %c0_i32 = arith.constant 0 : i32
    %c0_i32_29 = arith.constant 0 : i32
    return %select_n3A_7, %select_n3A_28, %c0_i32 : i32, i32, i32
  }
}

</mosaic_0001>

<sc_bundles>
// kernel: kernel.4.cloned.1.call-start
scs
__scs_entry_jumppad:
0x0: {  	(pc) =	sbr.rel $0x88, $3  }
0x1: {  	(tag) =	ssettag $0x0;
	lr =	simm.s32 $0x1  }
0x2: {  	[smem:$0x3F9F] =	sst lr;
	_ =	strace $0xD0000000  }
0x3: {  	_ = 	snop  }
0x4: {  	_ = 	snop  }
0x5: {  	_ = 	snop  }
0x6: {  	_ = 	snop  }
0x7: {  	_ = 	snop  }
__scs_overlays_trampoline_lowered:
0x8: {  	[smem:$0x3FAE] =	sst s0  }
0x9: {  	[smem:$0x3FAF] =	sst s1  }
0xa: {  	[smem:$0x3FB0] =	sst s2  }
0xb: {  	[smem:$0x3FB1] =	sst s3  }
0xc: {  	[smem:$0x3FB2] =	sst s4  }
0xd: {  	[smem:$0x3FB3] =	sst s5  }
0xe: {  	[smem:$0x3FB4] =	sst s6  }
0xf: {  	[smem:$0x3FB5] =	sst s7  }
0x10: {  	[smem:$0x3FB6] =	sst s8  }
0x11: {  	[smem:$0x3FB7] =	sst s9;
	s0 =	simm.s32 @!p0 $0x0  }
0x12: {  	s1 =	sld [smem:$0x3F9D];
	s0 =	simm.s32 @p0 $0x1  }
0x13: {  	[smem:$0x3FB8] =	sst s0;
	s0 =	simm.s32 @!p1 $0x0  }
0x14: {  	s2 =	sld [smem:$0x3F9C];
	s0 =	simm.s32 @p1 $0x1  }
0x15: {  	[smem:$0x3FB9] =	sst s0;
	s0 =	simm.s32 @!p2 $0x0  }
0x16: {  	s3 =	sld [smem:$0x3FDB];
	s0 =	simm.s32 @p2 $0x1  }
0x17: {  	s4 =	simm.s32 $0x1BF5;
	[smem:$0x3FBB] =	sst s0  }
0x18: {  	s0 =	sld [smem:$0x3F9E];
	_ =	swait.ge [sflag:s4], $0x0  }
0x19: {  	s7 =	sld [smem:$0x3F9F]  }
0x1a: {  	s8 =	sadd.s32 $0xFFFFE003, lr  }
0x1b: {  	s9 =	sadd.s32 $0xFFFFFEF7, lr;
	s5 =	simm.s32 $0xFFFFFFFF;
	p2 =	slt.u32 s8, $0xFFFFF086  }
0x1c: {  	p1 =	slt.u32 s9, $0xF7A;
	s5 =	simm.s32 @!p2 $0x0  }
0x1d: {  	s5 =	simm.s32 @p1 $0x1;
	p0 =	seq.s32 s7, s2  }
0x1e: {  	s7 =	smul.u32 @!p0 $0xF7A, s2;
	p2 =	seq.s32 @!p0 s5, $0x0  }
0x1f: {  	s9 =	smul.u32 $0xF7A, s1;
	s8 =	simm.s32 @!p0 $0x1BF5;
	p2 =	por !p2, p0  }
0x20: {  	[sflag:s8] =	ssyncset.s32 @!p0 $0xFFFFF086;
	s6 =	sadd.s32 @!p0 s3, s7;
	s7 =	simm.s32 @!p0 $0x108  }
0x21: {  	s3 =	sadd.s32 s3, s9;
	s6 =	sadd.s32 @!p0 $0x88, s6;
	s7 =	simm.s32 @p2 $0x1082  }
0x22: {  	[simem:s7], [sflag:s8] =	dma.local @!p0 [hbm:s6], $0xF7A  }
0x23: {  	s9 =	sor.u32 $0xD0000000, s2;
	s6 =	simm.s32 $0x108;
	_ =	swait.ge @!p0 [sflag:s8], $0x0  }
0x24: {  	s3 =	sadd.s32 $0x88, s3;
	s6 =	simm.s32 @!p1 $0x1082;
	[sflag:s4] =	ssyncset.s32 $0xFFFFF086  }
0x25: {  	[simem:s6], [sflag:s4] =	dma.local [hbm:s3], $0xF7A  }
0x26: {  	[smem:$0x3F9F] =	sst s1;
	(tag) =	ssettag s2;
	_ =	strace s9  }
0x27: {  	s1 =	sld [smem:$0x3FAF]  }
0x28: {  	s2 =	sld [smem:$0x3FB0]  }
0x29: {  	s4 =	sld [smem:$0x3FB2]  }
0x2a: {  	p0 =	seq.s32 s5, $0x0;
	s5 =	sld [smem:$0x3FB3]  }
0x2b: {  	s6 =	sld [smem:$0x3FB4]  }
0x2c: {  	s7 =	sld [smem:$0x3FB5]  }
0x2d: {  	s3 =	simm.s32 $0x108;
	s8 =	sld [smem:$0x3FB6]  }
0x2e: {  	s3 =	simm.s32 @!p0 $0x1082;
	s9 =	sld [smem:$0x3FB7]  }
0x2f: {  	lr =	sadd.s32 s0, s3;
	s0 =	sld [smem:$0x3FAE]  }
0x30: {  	s3 =	sld [smem:$0x3FB1]  }
0x31: {  	[smem:$0x3FBA] =	sst s10  }
0x32: {  	s10 =	sld [smem:$0x3FB8];
	_ =	sdelay $0x3  }
0x33: {  	p0 =	seq.s32 s10, $0x1;
	s10 =	sld [smem:$0x3FBA];
	_ =	sdelay $0x3  }
0x34: {  	[smem:$0x3FBA] =	sst s10  }
0x35: {  	s10 =	sld [smem:$0x3FB9];
	_ =	sdelay $0x3  }
0x36: {  	p1 =	seq.s32 s10, $0x1;
	s10 =	sld [smem:$0x3FBA];
	_ =	sdelay $0x3  }
0x37: {  	[smem:$0x3FBA] =	sst s10  }
0x38: {  	s10 =	sld [smem:$0x3FBB]  }
0x39: {  	_ = 	snop;
	(pc) =	sbr.ind lr, $3  }
0x3a: {  	_ = 	snop  }
0x3b: {  	_ = 	snop  }
0x3c: {  	p2 =	seq.s32 s10, $0x1;
	s10 =	sld [smem:$0x3FBA]  }
0x3d: {  	_ =	shalt  }
0x3e: {  	_ =	shalt  }
0x3f: {  	_ =	shalt  }
0x40: {  	_ =	shalt  }
0x41: {  	_ =	shalt  }
0x42: {  	_ =	shalt  }
0x43: {  	_ =	shalt  }
0x44: {  	_ =	shalt  }
0x45: {  	_ =	shalt  }
0x46: {  	_ =	shalt  }
0x47: {  	_ =	shalt  }
0x48: {  	_ =	shalt  }
0x49: {  	_ =	shalt  }
0x4a: {  	_ =	shalt  }
0x4b: {  	_ =	shalt  }
0x4c: {  	_ =	shalt  }
0x4d: {  	_ =	shalt  }
0x4e: {  	_ =	shalt  }
0x4f: {  	_ =	shalt  }
0x50: {  	_ =	shalt  }
0x51: {  	_ =	shalt  }
0x52: {  	_ =	shalt  }
0x53: {  	_ =	shalt  }
0x54: {  	_ =	shalt  }
0x55: {  	_ =	shalt  }
0x56: {  	_ =	shalt  }
0x57: {  	_ =	shalt  }
0x58: {  	_ =	shalt  }
0x59: {  	_ =	shalt  }
0x5a: {  	_ =	shalt  }
0x5b: {  	_ =	shalt  }
0x5c: {  	_ =	shalt  }
0x5d: {  	_ =	shalt  }
0x5e: {  	_ =	shalt  }
0x5f: {  	_ =	shalt  }
0x60: {  	_ =	shalt  }
0x61: {  	_ =	shalt  }
0x62: {  	_ =	shalt  }
0x63: {  	_ =	shalt  }
0x64: {  	_ =	shalt  }
0x65: {  	_ =	shalt  }
0x66: {  	_ =	shalt  }
0x67: {  	_ =	shalt  }
0x68: {  	_ =	shalt  }
0x69: {  	_ =	shalt  }
0x6a: {  	_ =	shalt  }
0x6b: {  	_ =	shalt  }
0x6c: {  	_ =	shalt  }
0x6d: {  	_ =	shalt  }
0x6e: {  	_ =	shalt  }
0x6f: {  	_ =	shalt  }
0x70: {  	_ =	shalt  }
0x71: {  	_ =	shalt  }
0x72: {  	_ =	shalt  }
0x73: {  	_ =	shalt  }
0x74: {  	_ =	shalt  }
0x75: {  	_ =	shalt  }
0x76: {  	_ =	shalt  }
0x77: {  	_ =	shalt  }
0x78: {  	_ =	shalt  }
0x79: {  	_ =	shalt  }
0x7a: {  	_ =	shalt  }
0x7b: {  	_ =	shalt  }
0x7c: {  	_ =	shalt  }
0x7d: {  	_ =	shalt  }
0x7e: {  	_ =	shalt  }
0x7f: {  	_ =	shalt  }
0x80: {  	_ =	shalt  }
0x81: {  	_ =	shalt  }
0x82: {  	_ =	shalt  }
0x83: {  	_ =	shalt  }
0x84: {  	_ =	shalt  }
0x85: {  	_ =	shalt  }
0x86: {  	_ =	shalt  }
0x87: {  	_ =	shalt  }
.Lfunc_end0:
.L_simem_size_0:
called_computation_lowered:
.L_overlay_start_0:
0x88: {  	s2 =	sld [smem:$0x3FD9]  }
0x89: {  	s3 =	sld [smem:$0x3FFE];
	_ =	sdelay $0x1  }
0x8a: {  	s1 =	srdreg.scid  }
0x8b: {  	s0 =	sand.u32 $0x1, s1  }
0x8c: {  	s17 =	sshll.u32 s0, $0xA;
	s2 =	sadd.s32 s3, s2  }
0x8d: {  	s2 =	sadd.s32 s2, s17  }
0x8e: {  	[smem:$0x3FC6] =	sst s2  }
0x8f: {  	_ = 	snop  }
0x90: {  	s2 =	sld [smem:$0x3FC9]  }
0x91: {  	s18 =	sld [smem:$0x3FC8];
	(tm) =	ssettm $0x1  }
0x92: {  	s4 =	sld [smem:$0x3FFB];
	_ =	sdelay $0x3  }
0x93: {  	_ =	strace s4  }
0x94: {  	s4 =	sld [smem:$0x3FFC];
	_ =	sdelay $0x3  }
0x95: {  	_ =	strace s4  }
0x96: {  	s4 =	sld [smem:$0x3FFD];
	_ =	sdelay $0x3  }
0x97: {  	_ =	strace s4  }
0x98: {  	_ =	strace $0x8FFFFFFF  }
0x99: {  	s19 =	sld [smem:$0x3FDB];
	_ =	sdelay $0x1  }
0x9a: {  	s5 =	simm.s32 $_scs_section_size  }
0x9b: {  	s6 =	simm.s32 $_size__tile_overlayer_lowered;
	s7 =	simm.s32 $_tile_overlayer_lowered  }
0x9c: {  	s22 =	simm.s32 $0x1BFF;
	s21 =	sshll.u32 s7, $0x1;
	s4 =	sadd.s32 s5, s19  }
0x9d: {  	s8 =	simm.s32 $0x0;
	s20 =	sshll.u32 s6, $0x1;
	s6 =	sadd.s32 s21, s4  }
0x9e: {  	[timem:s8], [sflag:s22] =	dma.local [hbm:s6], s20  }
0x9f: {  	_ =	swait.ge [sflag:s22], s20  }
0xa0: {  	s5 =	ssub.s32 $0x0, s20;
	[sflag:s22] =	ssyncset.done $0x0  }
0xa1: {  	[sflag:s22] =	ssyncadd.s32 s5;
	_ =	sdelay $0x1  }
0xa2: {  	s23 =	simm.s32 $0x1B8B  }
0xa3: {  	_ =	swait.ge [sflag:s23], $0x1  }
0xa4: {  	[sflag:s23] =	ssyncset.done $0x0  }
0xa5: {  	s25 =	simm.s32 $0x1B8E;
	s24 =	sld [smem:$0x3FFE];
	[sflag:s23] =	ssyncadd.s32 $0xFFFFFFFF  }
0xa6: {  	s26 =	simm.s32 $execute0_lowered;
	[smem:$0x3FD2] =	sst s25  }
0xa7: {  	s6 =	sshll.u32 s26, $0x1;
	_ =	strace $0x80000046;
	[dreg:$0x1] =	wrdreg $0xFFFFFFFF  }
0xa8: {  	s28 =	simm.s32 $_size_execute0_lowered;
	s4 =	sadd.s32 s4, s6;
	[dreg:$0x0] =	wrdreg $0x0  }
0xa9: {  	s6 =	sshll.u32 s28, $0x1;
	[dreg:$0x2] =	wrdreg s4  }
0xaa: {  	[dreg:$0x3] =	wrdreg s6  }
0xab: {  	[dreg:$0x4] =	wrdreg $0xC0  }
0xac: {  	_ =	task [dreg:s8], $0x5FFFF  }
0xad: {  	[dreg:$0x1] =	wrdreg $0xFFFFFFFF  }
0xae: {  	[dreg:$0x0] =	wrdreg $0x60  }
0xaf: {  	[dreg:$0x2] =	wrdreg s2  }
0xb0: {  	[dreg:$0x3] =	wrdreg s18  }
0xb1: {  	[dreg:$0x4] =	wrdreg s24  }
0xb2: {  	[dreg:$0x5] =	wrdreg $0x9  }
0xb3: {  	_ =	task.clear_ibuf [dreg:s8], $0x6FFFF;
	_ =	strace $0x90000046  }
0xb4: {  	s29 =	simm.s32 $0x9;
	_ =	strace $0x80000048  }
0xb5: {  	_ =	swait.ge [sflag:s29], $0x1  }
0xb6: {  	[sflag:s29] =	ssyncadd.s32 $0xFFFFFFFF  }
0xb7: {  	_ =	strace $0x90000048  }
0xb8: {  	_ =	sfence  }
0xb9: {  	s30 =	sld [smem:$0x0];
	_ =	sdelay $0x2  }
0xba: {  	s31 =	sshll.u32 s1, $0xD;
	s1 =	sshrl.u32 s1, $0x2  }
0xbb: {  	s3 =	sand.u32 $0x4000, s31;
	s1 =	sadd.s32 s1, s30  }
0xbc: {  	s0 =	sor.u32 s3, s0;
	s1 =	sshll.u32 s1, $0x11  }
0xbd: {  	s0 =	sor.u32 s1, s0  }
0xbe: {  	s0 =	sadd.s32 $0x8F2B, s0  }
0xbf: {  	[sflag:s0] =	ssyncadd.remote.s32 $0x1  }
0xc0: {  	_ =	sfence.sel $0xFFFF  }
0xc1: {  	[dreg:$0x0] =	wrdreg $0xFFFFFFFF;
	(pc) =	sbr.abs _section_cstart, $3  }
0xc2: {  	[dreg:$0x1] =	wrdreg $0xFFFFFFFF  }
0xc3: {  	_ =	task.clear_ibuf [dreg:s8], $0x2FFFF;
	_ =	strace $0x9FFFFFFF  }
0xc4: {  	(tm) =	ssettm $0x7FFFFFFF  }
0xc5: {  	_ =	shalt  }
tec
execute0_lowered:
.L_overlay_start_1:
0x0: {  	(tag) =	ssettag $0x1  }
0x1: {  	s0 =	rddreg [dreg:$0x0]  }
0x2: {  	s11 =	rddreg [dreg:$0x1]  }
0x3: {  	s1 =	rddreg [dreg:$0x2];
	s3 =	simm.s32 $0x0  }
0x4: {  	s2 =	srdreg.scid;
	s4 =	stileid.u32;
	s28 =	simm.s32 $0x1  }
0x5: {  	s29 =	simm.s32 $0x5;
	s30 =	simm.s32 $0x6000;
	[smem:$0x7FF] =	sst s3  }
0x6: {  	s2 =	sand.u32 $0x1, s2;
	s4 =	sshll.u32 s4, $0x7;
	s21 =	sadd.s32 $0x180000, s0  }
0x7: {  	s5 =	ssub.s32 $0x2, s2;
	s2 =	sshll.u32 s2, $0x6;
	_ =	strace $0x80000047  }
0x8: {  	[dreg:$0x4] =	wrdreg s21;
	s6 =	sshrl.u32 s5, $0x1;
	s2 =	sor.u32 s2, s4  }
0x9: {  	s4 =	sadd.s32 $0x600, s1;
	s20 =	sor.u32 $0x800, s2;
	s8 =	sshll.u32 s2, $0x7  }
0xa: {  	s9 =	sadd.s32 s8, s0;
	s10 =	sadd.s32 s8, s11;
	s8 =	sadd.s32 s4, s8  }
0xb: {  	s19 =	ssub.s32 s5, s6;
	s6 =	sshrl.u32 s20, $0x3;
	[dreg:$0xb] =	wrdreg s8  }
0xc: {  	s7 =	sshll.u32 s20, $0x7;
	s31 =	smax.u32 s19, $0x1;
	[dreg:$0xc] =	wrdreg s6  }
0xd: {  	s14 =	sshrl.u32 s2, $0x3;
	s5 =	sadd.s32 s7, s21;
	[dreg:$0xf] =	wrdreg s31  }
0xe: {  	s2 =	simm.s32 $0x6;
	s23 =	sadd.s32 $0x1C0400, s9;
	[dreg:$0x5] =	wrdreg s5  }
0xf: {  	s22 =	sadd.s32 s11, s7;
	s24 =	sadd.s32 $0x40400, s10;
	[dreg:$0x7] =	wrdreg s23  }
0x10: {  	s9 =	sadd.s32 $0x1C0800, s9;
	s25 =	sadd.s32 $0x40800, s10;
	[dreg:$0x8] =	wrdreg s24  }
0x11: {  	s0 =	sadd.s32 s7, s0;
	s6 =	simm.s32 $0x4;
	[dreg:$0x9] =	wrdreg s9  }
0x12: {  	s8 =	simm.s32 $0x8;
	s7 =	simm.s32 $0x0;
	[dreg:$0xa] =	wrdreg s25  }
.Ltmp0:
0x13: {  	s15 =	sadd.s32 $0x181000, s0;
	s16 =	sadd.s32 $0x1000, s22;
	(pc) =	sbr.rel .LBB2_1-.Ltmp0, $4  }
0x14: {  	s17 =	sadd.s32 $0x181400, s0;
	s18 =	sadd.s32 $0x1400, s22;
	s0 =	sadd.s32 $0x181800, s0  }
0x15: {  	[dreg:$0x6] =	wrdreg s22;
	s26 =	sadd.s32 $0x1800, s22;
	s25 =	simm.s32 $0x4000  }
0x16: {  	s22 =	simm.s32 $0x3;
	s24 =	simm.s32 $0x7;
	[dreg:$0xd] =	wrdreg s0  }
0x17: {  	s9 =	simm.s32 $0xB;
	[dreg:$0xe] =	wrdreg s26;
	s0 =	simm.s32 $0x2  }
.LBB2_12:
0x18: {  	s1 =	simm.s32 $0x9  }
0x19: {  	_ =	swait.ge [sflag:s1], $0x2000  }
0x1a: {  	[sflag:s1] =	ssyncset.done $0x0  }
0x1b: {  	s26 =	simm.s32 $0xA;
	[sflag:s1] =	ssyncadd.s32 $0xFFFFE000  }
0x1c: {  	_ =	swait.ge [sflag:s26], $0x2000  }
0x1d: {  	[sflag:s26] =	ssyncset.done $0x0  }
0x1e: {  	[sflag:s26] =	ssyncadd.s32 $0xFFFFE000  }
0x1f: {  	_ =	swait.ge [sflag:s9], $0x2000  }
0x20: {  	[sflag:s9] =	ssyncset.done $0x0  }
0x21: {  	s5 =	simm.s32 $0xC;
	[sflag:s9] =	ssyncadd.s32 $0xFFFFE000  }
0x22: {  	_ =	swait.ge [sflag:s5], $0x2000  }
0x23: {  	s7 =	rddreg [dreg:$0x10]  }
0x24: {  	s31 =	rddreg [dreg:$0xf];
	s7 =	sadd.s32 $0x1, s7  }
0x25: {  	p0 =	sne.s32 s7, s31  }
.Ltmp1:
0x26: {  	_ = 	snop;
	(pc) =	sbr.rel @!p0 .LBB2_13-.Ltmp1, $3  }
0x27: {  	_ =	sdelay $0x1  }
0x28: {  	[sflag:s5] =	ssyncset.done $0x0  }
0x29: {  	[sflag:s5] =	ssyncadd.s32 $0xFFFFE000  }
.LBB2_1:
0x2a: {  	[dreg:$0x10] =	wrdreg s7  }
0x2b: {  	s1 =	rddreg [dreg:$0x5]  }
0x2c: {  	s19 =	rddreg [dreg:$0x6]  }
0x2d: {  	[tilespmem:s3], [sflag:$0x1] =	stream.linear.gather [hbm4b:s1+s3], $0x2000, $0x38;
	[tilespmem:$0x10000] =	vst v63  }
0x2e: {  	s5 =	simm.s32 $0x8000;
	s20 =	rddreg [dreg:$0x7]  }
0x2f: {  	[tilespmem:s5], [sflag:$0x5] =	stream.linear.gather [hbm4b:s19+s3], $0x2000, $0x38;
	[tilespmem:$0x10000] =	vst v63  }
0x30: {  	s21 =	simm.s32 $0x2000;
	s23 =	rddreg [dreg:$0x8]  }
0x31: {  	[tilespmem:s21], [sflag:$0x2] =	stream.linear.gather [hbm4b:s20+s3], $0x2000, $0x38;
	[tilespmem:$0x10000] =	vst v63  }
0x32: {  	s26 =	simm.s32 $0xA000;
	s31 =	rddreg [dreg:$0x9]  }
0x33: {  	[tilespmem:s26], [sflag:$0x6] =	stream.linear.gather [hbm4b:s23+s3], $0x2000, $0x38;
	[tilespmem:$0x10000] =	vst v63  }
0x34: {  	p0 =	por $0x1, $0x1;
	s11 =	simm.s32 $0x0;
	s1 =	rddreg [dreg:$0xa]  }
0x35: {  	[tilespmem:s25], [sflag:$0x3] =	stream.linear.gather [hbm4b:s31+s3], $0x2000, $0x38;
	[tilespmem:$0x10000] =	vst v63  }
.LBB2_2:
0x36: {  	s10 =	simm.s32 $0x0;
	s5 =	simm.s32 $0xC000  }
0x37: {  	[tilespmem:s5], [sflag:$0x7] =	stream.linear.gather [hbm4b:s1+s10], $0x2000, $0x38;
	[tilespmem:$0x10000] =	vst v63  }
0x38: {  	_ =	swait.ge [sflag:s28], $0x2000  }
0x39: {  	[sflag:s28] =	ssyncset.done $0x0  }
0x3a: {  	[sflag:s28] =	ssyncadd.s32 $0xFFFFE000  }
0x3b: {  	_ =	swait.ge [sflag:s29], $0x2000  }
0x3c: {  	s20 =	sand.u32 $0x1800, s10;
	s7 =	sand.u32 $0x380, s10;
	[sflag:s29] =	ssyncset.done $0x0  }
0x3d: {  	s1 =	sor.u32 s7, s20;
	[sflag:s29] =	ssyncadd.s32 $0xFFFFE000  }
0x3e: {  	v0 =	vld [tilespmem:s1+$0x8000]  }
0x3f: {  	v1 =	vld [tilespmem:s1+$0x8010];
	_ =	sdelay $0x3  }
0x40: {  	s7 =	sor.u32 $0x10, s1;
	[tilespmem:s1+$0x0] =	vst.add.f32.msk $0xffff, v0  }
0x41: {  	[tilespmem:s7+$0x0] =	vst.add.f32.msk $0xffff, v1  }
0x42: {  	v0 =	vld [tilespmem:s1+$0x8020];
	_ =	sdelay $0x3  }
0x43: {  	s21 =	sor.u32 $0x20, s1  }
0x44: {  	[tilespmem:s21+$0x0] =	vst.add.f32.msk $0xffff, v0  }
0x45: {  	v0 =	vld [tilespmem:s1+$0x8030];
	_ =	sdelay $0x3  }
0x46: {  	s23 =	sor.u32 $0x30, s1  }
0x47: {  	[tilespmem:s23+$0x0] =	vst.add.f32.msk $0xffff, v0  }
0x48: {  	v0 =	vld [tilespmem:s1+$0x8040];
	_ =	sdelay $0x3  }
0x49: {  	s26 =	sor.u32 $0x40, s1  }
0x4a: {  	[tilespmem:s26+$0x0] =	vst.add.f32.msk $0xffff, v0  }
0x4b: {  	v0 =	vld [tilespmem:s1+$0x8050];
	_ =	sdelay $0x1  }
0x4c: {  	s31 =	sand.u32 $0x3, s10  }
0x4d: {  	s7 =	sshll.u32 s31, $0xB  }
0x4e: {  	s19 =	sor.u32 $0x50, s1;
	s7 =	sadd.s32 $0x0, s7  }
0x4f: {  	s5 =	sor.u32 $0x60, s7;
	[tilespmem:s19+$0x0] =	vst.add.f32.msk $0xffff, v0  }
0x50: {  	v0 =	vld [tilespmem:s5+$0x8000];
	_ =	sdelay $0x4  }
0x51: {  	s12 =	sor.u32 $0x70, s7;
	[tilespmem:s5+$0x0] =	vst.add.f32.msk $0xffff, v0  }
0x52: {  	v0 =	vld [tilespmem:s12+$0x8000];
	_ =	sdelay $0x4  }
0x53: {  	[tilespmem:s12+$0x0] =	vst.add.f32.msk $0xffff, v0  }
0x54: {  	v0 =	vld [tilespmem:s1+$0x8400];
	_ =	sdelay $0x3  }
0x55: {  	s13 =	sor.u32 $0x400, s1  }
0x56: {  	[tilespmem:s13+$0x0] =	vst.add.f32.msk $0xffff, v0  }
0x57: {  	v0 =	vld [tilespmem:s1+$0x8410];
	_ =	sdelay $0x3  }
0x58: {  	s20 =	sor.u32 $0x410, s1  }
0x59: {  	[tilespmem:s20+$0x0] =	vst.add.f32.msk $0xffff, v0  }
0x5a: {  	v0 =	vld [tilespmem:s1+$0x8420];
	_ =	sdelay $0x3  }
0x5b: {  	s21 =	sor.u32 $0x420, s1  }
0x5c: {  	[tilespmem:s21+$0x0] =	vst.add.f32.msk $0xffff, v0  }
0x5d: {  	v0 =	vld [tilespmem:s1+$0x8430];
	_ =	sdelay $0x3  }
0x5e: {  	s23 =	sor.u32 $0x430, s1  }
0x5f: {  	[tilespmem:s23+$0x0] =	vst.add.f32.msk $0xffff, v0  }
0x60: {  	v0 =	vld [tilespmem:s1+$0x8440];
	_ =	sdelay $0x3  }
0x61: {  	s26 =	sor.u32 $0x440, s1  }
0x62: {  	[tilespmem:s26+$0x0] =	vst.add.f32.msk $0xffff, v0  }
0x63: {  	v0 =	vld [tilespmem:s1+$0x8450];
	_ =	sdelay $0x3  }
0x64: {  	s1 =	sor.u32 $0x450, s1  }
0x65: {  	s31 =	sor.u32 $0x460, s7;
	[tilespmem:s1+$0x0] =	vst.add.f32.msk $0xffff, v0  }
0x66: {  	v0 =	vld [tilespmem:s31+$0x8000];
	_ =	sdelay $0x4  }
0x67: {  	s19 =	sor.u32 $0x470, s7;
	[tilespmem:s31+$0x0] =	vst.add.f32.msk $0xffff, v0  }
0x68: {  	v0 =	vld [tilespmem:s19+$0x8000];
	_ =	sdelay $0x2  }
0x69: {  	s21 =	simm.s32 $0x20;
	s1 =	simm.s32 $0x800  }
0x6a: {  	s7 =	simm.s32 $0x10;
	s23 =	sand.u32 $0x380, s21;
	s20 =	sand.u32 $0x1800, s1  }
.LBB2_3:
0x6b: {  	s7 =	sadd.s32 $0x10, s7;
	s26 =	sor.u32 s23, s20;
	[tilespmem:s19+$0x0] =	vst.add.f32.msk $0xffff, v0;
	s10 =	sadd.s32 $0x1, s10  }
0x6c: {  	v0 =	vld [tilespmem:s26+$0x8000];
	s19 =	sor.u32 $0x10, s26;
	s5 =	sor.u32 $0x30, s26;
	s12 =	sor.u32 $0x50, s26  }
0x6d: {  	s13 =	sor.u32 $0x40, s26;
	s20 =	sor.u32 $0x400, s26;
	s23 =	sor.u32 $0x420, s26;
	v1 =	vld [tilespmem:s26+$0x8010]  }
0x6e: {  	p1 =	slt.u32 s7, $0x1F0;
	s31 =	sor.u32 $0x440, s26;
	_ =	sdelay $0x2  }
0x6f: {  	[tilespmem:s26+$0x0] =	vst.add.f32.msk $0xffff, v0  }
0x70: {  	[tilespmem:s19+$0x0] =	vst.add.f32.msk $0xffff, v1  }
0x71: {  	v0 =	vld [tilespmem:s26+$0x8020];
	_ =	sdelay $0x3  }
0x72: {  	s19 =	sor.u32 $0x20, s26  }
0x73: {  	[tilespmem:s19+$0x0] =	vst.add.f32.msk $0xffff, v0  }
0x74: {  	v0 =	vld [tilespmem:s26+$0x8030];
	_ =	sdelay $0x4  }
0x75: {  	[tilespmem:s5+$0x0] =	vst.add.f32.msk $0xffff, v0  }
0x76: {  	v0 =	vld [tilespmem:s26+$0x8040];
	_ =	sdelay $0x4  }
0x77: {  	[tilespmem:s13+$0x0] =	vst.add.f32.msk $0xffff, v0  }
0x78: {  	v0 =	vld [tilespmem:s26+$0x8050];
	_ =	sdelay $0x1  }
0x79: {  	s5 =	sand.u32 $0x3, s10  }
0x7a: {  	s5 =	sshll.u32 s5, $0xB  }
0x7b: {  	s19 =	sadd.s32 s5, s21  }
0x7c: {  	s5 =	sor.u32 $0x60, s19;
	[tilespmem:s12+$0x0] =	vst.add.f32.msk $0xffff, v0  }
0x7d: {  	v0 =	vld [tilespmem:s5+$0x8000];
	_ =	sdelay $0x4  }
0x7e: {  	[tilespmem:s5+$0x0] =	vst.add.f32.msk $0xffff, v0;
	s5 =	sor.u32 $0x70, s19  }
0x7f: {  	v0 =	vld [tilespmem:s5+$0x8000];
	_ =	sdelay $0x4  }
0x80: {  	[tilespmem:s5+$0x0] =	vst.add.f32.msk $0xffff, v0  }
0x81: {  	v0 =	vld [tilespmem:s26+$0x8400];
	_ =	sdelay $0x4  }
0x82: {  	[tilespmem:s20+$0x0] =	vst.add.f32.msk $0xffff, v0  }
0x83: {  	v0 =	vld [tilespmem:s26+$0x8410];
	_ =	sdelay $0x3  }
0x84: {  	s5 =	sor.u32 $0x410, s26  }
0x85: {  	[tilespmem:s5+$0x0] =	vst.add.f32.msk $0xffff, v0  }
0x86: {  	v0 =	vld [tilespmem:s26+$0x8420];
	_ =	sdelay $0x4  }
0x87: {  	[tilespmem:s23+$0x0] =	vst.add.f32.msk $0xffff, v0  }
0x88: {  	v0 =	vld [tilespmem:s26+$0x8430];
	_ =	sdelay $0x3  }
0x89: {  	s5 =	sor.u32 $0x430, s26  }
0x8a: {  	[tilespmem:s5+$0x0] =	vst.add.f32.msk $0xffff, v0  }
0x8b: {  	v0 =	vld [tilespmem:s26+$0x8440];
	_ =	sdelay $0x4  }
0x8c: {  	[tilespmem:s31+$0x0] =	vst.add.f32.msk $0xffff, v0  }
0x8d: {  	v0 =	vld [tilespmem:s26+$0x8450];
	_ =	sdelay $0x3  }
0x8e: {  	s5 =	sor.u32 $0x450, s26  }
0x8f: {  	[tilespmem:s5+$0x0] =	vst.add.f32.msk $0xffff, v0;
	s5 =	sor.u32 $0x460, s19  }
0x90: {  	v0 =	vld [tilespmem:s5+$0x8000];
	_ =	sdelay $0x4  }
0x91: {  	s19 =	sor.u32 $0x470, s19;
	[tilespmem:s5+$0x0] =	vst.add.f32.msk $0xffff, v0  }
.Ltmp2:
0x92: {  	v0 =	vld [tilespmem:s19+$0x8000];
	(pc) =	sbr.rel @p1 .LBB2_3-.Ltmp2, $3  }
0x93: {  	_ =	sdelay $0x1  }
0x94: {  	s1 =	sadd.s32 $0x800, s1;
	s21 =	sadd.s32 $0x20, s21  }
0x95: {  	s20 =	sand.u32 $0x1800, s1;
	s23 =	sand.u32 $0x380, s21  }
0x96: {  	s1 =	sor.u32 s23, s20;
	[tilespmem:s19+$0x0] =	vst.add.f32.msk $0xffff, v0  }
0x97: {  	v0 =	vld [tilespmem:s1+$0x8000]  }
0x98: {  	v1 =	vld [tilespmem:s1+$0x8010];
	_ =	sdelay $0x3  }
0x99: {  	s5 =	sor.u32 $0x10, s1;
	[tilespmem:s1+$0x0] =	vst.add.f32.msk $0xffff, v0  }
0x9a: {  	[tilespmem:s5+$0x0] =	vst.add.f32.msk $0xffff, v1  }
0x9b: {  	v0 =	vld [tilespmem:s1+$0x8020];
	_ =	sdelay $0x3  }
0x9c: {  	s31 =	sor.u32 $0x20, s1  }
0x9d: {  	[tilespmem:s31+$0x0] =	vst.add.f32.msk $0xffff, v0  }
0x9e: {  	v0 =	vld [tilespmem:s1+$0x8030];
	_ =	sdelay $0x3  }
0x9f: {  	s7 =	sor.u32 $0x30, s1  }
0xa0: {  	[tilespmem:s7+$0x0] =	vst.add.f32.msk $0xffff, v0  }
0xa1: {  	v0 =	vld [tilespmem:s1+$0x8040];
	_ =	sdelay $0x3  }
0xa2: {  	s12 =	sor.u32 $0x40, s1  }
0xa3: {  	[tilespmem:s12+$0x0] =	vst.add.f32.msk $0xffff, v0  }
0xa4: {  	v0 =	vld [tilespmem:s1+$0x8050]  }
0xa5: {  	s13 =	sadd.s32 $0x1, s10  }
0xa6: {  	s5 =	sand.u32 $0x3, s13  }
0xa7: {  	s5 =	sshll.u32 s5, $0xB  }
0xa8: {  	s5 =	sadd.s32 s5, s21;
	s7 =	sor.u32 $0x50, s1  }
0xa9: {  	s19 =	sor.u32 $0x60, s5;
	[tilespmem:s7+$0x0] =	vst.add.f32.msk $0xffff, v0  }
0xaa: {  	v0 =	vld [tilespmem:s19+$0x8000];
	_ =	sdelay $0x4  }
0xab: {  	s20 =	sor.u32 $0x70, s5;
	[tilespmem:s19+$0x0] =	vst.add.f32.msk $0xffff, v0  }
0xac: {  	v0 =	vld [tilespmem:s20+$0x8000];
	_ =	sdelay $0x4  }
0xad: {  	[tilespmem:s20+$0x0] =	vst.add.f32.msk $0xffff, v0  }
0xae: {  	v0 =	vld [tilespmem:s1+$0x8400];
	_ =	sdelay $0x3  }
0xaf: {  	s21 =	sor.u32 $0x400, s1  }
0xb0: {  	[tilespmem:s21+$0x0] =	vst.add.f32.msk $0xffff, v0  }
0xb1: {  	v0 =	vld [tilespmem:s1+$0x8410];
	_ =	sdelay $0x3  }
0xb2: {  	s23 =	sor.u32 $0x410, s1  }
0xb3: {  	[tilespmem:s23+$0x0] =	vst.add.f32.msk $0xffff, v0  }
0xb4: {  	v0 =	vld [tilespmem:s1+$0x8420];
	_ =	sdelay $0x3  }
0xb5: {  	s26 =	sor.u32 $0x420, s1  }
0xb6: {  	[tilespmem:s26+$0x0] =	vst.add.f32.msk $0xffff, v0  }
0xb7: {  	v0 =	vld [tilespmem:s1+$0x8430];
	_ =	sdelay $0x3  }
0xb8: {  	s31 =	sor.u32 $0x430, s1  }
0xb9: {  	[tilespmem:s31+$0x0] =	vst.add.f32.msk $0xffff, v0  }
0xba: {  	v0 =	vld [tilespmem:s1+$0x8440];
	_ =	sdelay $0x3  }
0xbb: {  	s10 =	sor.u32 $0x440, s1  }
0xbc: {  	[tilespmem:s10+$0x0] =	vst.add.f32.msk $0xffff, v0  }
0xbd: {  	v0 =	vld [tilespmem:s1+$0x8450];
	_ =	sdelay $0x3  }
0xbe: {  	s1 =	sor.u32 $0x450, s1  }
0xbf: {  	s12 =	sor.u32 $0x460, s5;
	[tilespmem:s1+$0x0] =	vst.add.f32.msk $0xffff, v0  }
0xc0: {  	v0 =	vld [tilespmem:s12+$0x8000];
	_ =	sdelay $0x4  }
0xc1: {  	s13 =	sor.u32 $0x470, s5;
	[tilespmem:s12+$0x0] =	vst.add.f32.msk $0xffff, v0  }
0xc2: {  	v0 =	vld [tilespmem:s13+$0x8000];
	_ =	sdelay $0x3  }
0xc3: {  	s19 =	sshll.u32 s11, $0xC;
	s20 =	rddreg [dreg:$0xb]  }
0xc4: {  	s1 =	sadd.s32 s19, s20;
	[tilespmem:s13+$0x0] =	vst.add.f32.msk $0xffff, v0  }
0xc5: {  	[hbm4b:s1+s3] =	stream.linear.scatter [tilespmem:s3], [sflag:$0x9], $0x2000, $0x38;
	[tilespmem:$0x10000] =	vst v63  }
0xc6: {  	s1 =	simm.s32 @!p0 $0xC  }
0xc7: {  	_ =	swait.ge @!p0 [sflag:s1], $0x2000  }
0xc8: {  	s10 =	sshllo.u32 s11, $0x2;
	s21 =	rddreg [dreg:$0xc]  }
0xc9: {  	[sflag:s1] =	ssyncset.done @!p0 $0x0;
	s5 =	sor.u32 s21, s10  }
0xca: {  	s23 =	rddreg [dreg:$0x4];
	[sflag:s1] =	ssyncadd.s32 @!p0 $0xFFFFE000;
	s5 =	sshll.u32 s5, $0xA  }
0xcb: {  	s21 =	simm.s32 $0x0;
	s26 =	rddreg [dreg:$0x1];
	s1 =	sadd.s32 s5, s23  }
0xcc: {  	[tilespmem:s30], [sflag:$0x4] =	stream.linear.gather [hbm4b:s1+s21], $0x2000, $0x38;
	[tilespmem:$0x10000] =	vst v63  }
0xcd: {  	s31 =	simm.s32 $0xE000;
	s1 =	sadd.s32 s26, s5  }
0xce: {  	[tilespmem:s31], [sflag:$0x8] =	stream.linear.gather [hbm4b:s1+s21], $0x2000, $0x38;
	[tilespmem:$0x10000] =	vst v63  }
0xcf: {  	_ =	swait.ge [sflag:s0], $0x2000  }
0xd0: {  	[sflag:s0] =	ssyncset.done $0x0  }
0xd1: {  	[sflag:s0] =	ssyncadd.s32 $0xFFFFE000  }
0xd2: {  	_ =	swait.ge [sflag:s2], $0x2000  }
0xd3: {  	s7 =	sand.u32 $0x380, s21;
	s5 =	sand.u32 $0x1800, s21;
	[sflag:s2] =	ssyncset.done $0x0  }
0xd4: {  	s1 =	sor.u32 s7, s5;
	[sflag:s2] =	ssyncadd.s32 $0xFFFFE000  }
0xd5: {  	v0 =	vld [tilespmem:s1+$0xA000];
	_ =	sdelay $0x3  }
0xd6: {  	s5 =	sor.u32 $0x2000, s1  }
0xd7: {  	[tilespmem:s5+$0x0] =	vst.add.f32.msk $0xffff, v0  }
0xd8: {  	v0 =	vld [tilespmem:s1+$0xA010];
	_ =	sdelay $0x3  }
0xd9: {  	s12 =	sor.u32 $0x2010, s1  }
0xda: {  	[tilespmem:s12+$0x0] =	vst.add.f32.msk $0xffff, v0  }
0xdb: {  	v0 =	vld [tilespmem:s1+$0xA020];
	_ =	sdelay $0x3  }
0xdc: {  	s13 =	sor.u32 $0x2020, s1  }
0xdd: {  	[tilespmem:s13+$0x0] =	vst.add.f32.msk $0xffff, v0  }
0xde: {  	v0 =	vld [tilespmem:s1+$0xA030];
	_ =	sdelay $0x3  }
0xdf: {  	s19 =	sor.u32 $0x2030, s1  }
0xe0: {  	[tilespmem:s19+$0x0] =	vst.add.f32.msk $0xffff, v0  }
0xe1: {  	v0 =	vld [tilespmem:s1+$0xA040];
	_ =	sdelay $0x3  }
0xe2: {  	s20 =	sor.u32 $0x2040, s1  }
0xe3: {  	[tilespmem:s20+$0x0] =	vst.add.f32.msk $0xffff, v0  }
0xe4: {  	v0 =	vld [tilespmem:s1+$0xA050];
	_ =	sdelay $0x1  }
0xe5: {  	s23 =	sand.u32 $0x3, s21  }
0xe6: {  	s5 =	sshll.u32 s23, $0xB  }
0xe7: {  	s26 =	sor.u32 $0x2050, s1;
	s5 =	sadd.s32 $0x0, s5  }
0xe8: {  	s31 =	sor.u32 $0x60, s5;
	[tilespmem:s26+$0x0] =	vst.add.f32.msk $0xffff, v0  }
0xe9: {  	v0 =	vld [tilespmem:s31+$0xA000];
	_ =	sdelay $0x4  }
0xea: {  	s12 =	sor.u32 $0x70, s5;
	[tilespmem:s31+$0x2000] =	vst.add.f32.msk $0xffff, v0  }
0xeb: {  	v0 =	vld [tilespmem:s12+$0xA000];
	_ =	sdelay $0x4  }
0xec: {  	[tilespmem:s12+$0x2000] =	vst.add.f32.msk $0xffff, v0  }
0xed: {  	v0 =	vld [tilespmem:s1+$0xA400];
	_ =	sdelay $0x3  }
0xee: {  	s13 =	sor.u32 $0x2400, s1  }
0xef: {  	[tilespmem:s13+$0x0] =	vst.add.f32.msk $0xffff, v0  }
0xf0: {  	v0 =	vld [tilespmem:s1+$0xA410];
	_ =	sdelay $0x3  }
0xf1: {  	s19 =	sor.u32 $0x2410, s1  }
0xf2: {  	[tilespmem:s19+$0x0] =	vst.add.f32.msk $0xffff, v0  }
0xf3: {  	v0 =	vld [tilespmem:s1+$0xA420];
	_ =	sdelay $0x3  }
0xf4: {  	s20 =	sor.u32 $0x2420, s1  }
0xf5: {  	[tilespmem:s20+$0x0] =	vst.add.f32.msk $0xffff, v0  }
0xf6: {  	v0 =	vld [tilespmem:s1+$0xA430];
	_ =	sdelay $0x3  }
0xf7: {  	s23 =	sor.u32 $0x2430, s1  }
0xf8: {  	[tilespmem:s23+$0x0] =	vst.add.f32.msk $0xffff, v0  }
0xf9: {  	v0 =	vld [tilespmem:s1+$0xA440];
	_ =	sdelay $0x3  }
0xfa: {  	s26 =	sor.u32 $0x2440, s1  }
0xfb: {  	[tilespmem:s26+$0x0] =	vst.add.f32.msk $0xffff, v0  }
0xfc: {  	v0 =	vld [tilespmem:s1+$0xA450];
	_ =	sdelay $0x3  }
0xfd: {  	s1 =	sor.u32 $0x2450, s1  }
0xfe: {  	s31 =	sor.u32 $0x460, s5;
	[tilespmem:s1+$0x0] =	vst.add.f32.msk $0xffff, v0  }
0xff: {  	v0 =	vld [tilespmem:s31+$0xA000];
	_ =	sdelay $0x4  }
0x100: {  	s19 =	sor.u32 $0x470, s5;
	[tilespmem:s31+$0x2000] =	vst.add.f32.msk $0xffff, v0  }
0x101: {  	v0 =	vld [tilespmem:s19+$0xA000];
	_ =	sdelay $0x1  }
0x102: {  	s11 =	sshll.u32 s11, $0x2  }
0x103: {  	s7 =	simm.s32 $0x0;
	s26 =	simm.s32 $0x20;
	s1 =	simm.s32 $0x800  }
.LBB2_5:
0x104: {  	s5 =	sand.u32 $0x1800, s1;
	s12 =	sand.u32 $0x380, s26;
	s7 =	sadd.s32 $0x10, s7  }
0x105: {  	s31 =	sor.u32 s12, s5;
	p1 =	slt.u32 s7, $0x1F0;
	[tilespmem:s19+$0x2000] =	vst.add.f32.msk $0xffff, v0  }
0x106: {  	v0 =	vld [tilespmem:s31+$0xA000];
	_ =	sdelay $0x3  }
0x107: {  	s5 =	sor.u32 $0x2000, s31  }
0x108: {  	[tilespmem:s5+$0x0] =	vst.add.f32.msk $0xffff, v0  }
0x109: {  	v0 =	vld [tilespmem:s31+$0xA010];
	_ =	sdelay $0x3  }
0x10a: {  	s5 =	sor.u32 $0x2010, s31  }
0x10b: {  	[tilespmem:s5+$0x0] =	vst.add.f32.msk $0xffff, v0  }
0x10c: {  	v0 =	vld [tilespmem:s31+$0xA020];
	_ =	sdelay $0x3  }
0x10d: {  	s5 =	sor.u32 $0x2020, s31  }
0x10e: {  	[tilespmem:s5+$0x0] =	vst.add.f32.msk $0xffff, v0  }
0x10f: {  	v0 =	vld [tilespmem:s31+$0xA030];
	_ =	sdelay $0x3  }
0x110: {  	s5 =	sor.u32 $0x2030, s31  }
0x111: {  	[tilespmem:s5+$0x0] =	vst.add.f32.msk $0xffff, v0  }
0x112: {  	v0 =	vld [tilespmem:s31+$0xA040];
	_ =	sdelay $0x3  }
0x113: {  	s5 =	sor.u32 $0x2040, s31  }
0x114: {  	[tilespmem:s5+$0x0] =	vst.add.f32.msk $0xffff, v0  }
0x115: {  	v0 =	vld [tilespmem:s31+$0xA050]  }
0x116: {  	s21 =	sadd.s32 $0x1, s21  }
0x117: {  	s5 =	sand.u32 $0x3, s21  }
0x118: {  	s5 =	sshll.u32 s5, $0xB  }
0x119: {  	s23 =	sadd.s32 s5, s26;
	s5 =	sor.u32 $0x2050, s31  }
0x11a: {  	[tilespmem:s5+$0x0] =	vst.add.f32.msk $0xffff, v0;
	s5 =	sor.u32 $0x60, s23  }
0x11b: {  	v0 =	vld [tilespmem:s5+$0xA000];
	_ =	sdelay $0x4  }
0x11c: {  	[tilespmem:s5+$0x2000] =	vst.add.f32.msk $0xffff, v0;
	s5 =	sor.u32 $0x70, s23  }
0x11d: {  	v0 =	vld [tilespmem:s5+$0xA000];
	_ =	sdelay $0x4  }
0x11e: {  	[tilespmem:s5+$0x2000] =	vst.add.f32.msk $0xffff, v0  }
0x11f: {  	v0 =	vld [tilespmem:s31+$0xA400];
	_ =	sdelay $0x3  }
0x120: {  	s5 =	sor.u32 $0x2400, s31  }
0x121: {  	[tilespmem:s5+$0x0] =	vst.add.f32.msk $0xffff, v0  }
0x122: {  	v0 =	vld [tilespmem:s31+$0xA410];
	_ =	sdelay $0x3  }
0x123: {  	s5 =	sor.u32 $0x2410, s31  }
0x124: {  	[tilespmem:s5+$0x0] =	vst.add.f32.msk $0xffff, v0  }
0x125: {  	v0 =	vld [tilespmem:s31+$0xA420];
	_ =	sdelay $0x3  }
0x126: {  	s5 =	sor.u32 $0x2420, s31  }
0x127: {  	[tilespmem:s5+$0x0] =	vst.add.f32.msk $0xffff, v0  }
0x128: {  	v0 =	vld [tilespmem:s31+$0xA430];
	_ =	sdelay $0x3  }
0x129: {  	s5 =	sor.u32 $0x2430, s31  }
0x12a: {  	[tilespmem:s5+$0x0] =	vst.add.f32.msk $0xffff, v0  }
0x12b: {  	v0 =	vld [tilespmem:s31+$0xA440];
	_ =	sdelay $0x3  }
0x12c: {  	s5 =	sor.u32 $0x2440, s31  }
0x12d: {  	[tilespmem:s5+$0x0] =	vst.add.f32.msk $0xffff, v0  }
0x12e: {  	v0 =	vld [tilespmem:s31+$0xA450];
	_ =	sdelay $0x3  }
0x12f: {  	s5 =	sor.u32 $0x2450, s31  }
0x130: {  	[tilespmem:s5+$0x0] =	vst.add.f32.msk $0xffff, v0;
	s5 =	sor.u32 $0x460, s23  }
0x131: {  	v0 =	vld [tilespmem:s5+$0xA000];
	_ =	sdelay $0x4  }
.Ltmp3:
0x132: {  	s19 =	sor.u32 $0x470, s23;
	[tilespmem:s5+$0x2000] =	vst.add.f32.msk $0xffff, v0;
	(pc) =	sbr.rel @p1 .LBB2_5-.Ltmp3, $2  }
0x133: {  	v0 =	vld [tilespmem:s19+$0xA000];
	_ =	sdelay $0x2  }
0x134: {  	s1 =	sadd.s32 $0x800, s1;
	s26 =	sadd.s32 $0x20, s26  }
0x135: {  	s1 =	sor.u32 s14, s11  }
0x136: {  	s11 =	sshll.u32 s1, $0xA  }
0x137: {  	s1 =	sadd.s32 s11, s4  }
0x138: {  	s5 =	simm.s32 $0x2000;
	[tilespmem:s19+$0x2000] =	vst.add.f32.msk $0xffff, v0;
	s1 =	sadd.s32 $0x400, s1  }
0x139: {  	[hbm4b:s1+s3] =	stream.linear.scatter [tilespmem:s5], [sflag:$0xA], $0x2000, $0x38;
	[tilespmem:$0x10000] =	vst v63  }
0x13a: {  	s1 =	simm.s32 @p0 $0x9  }
0x13b: {  	_ =	swait.ge @p0 [sflag:s1], $0x2000  }
0x13c: {  	[sflag:s1] =	ssyncset.done @p0 $0x0  }
0x13d: {  	[sflag:s1] =	ssyncadd.s32 @p0 $0xFFFFE000;
	s1 =	simm.s32 @p0 $0x0  }
0x13e: {  	[tilespmem:s1], [sflag:$0x1] =	stream.linear.gather @p0 [hbm4b:s15+s1], $0x2000, $0x38;
	[tilespmem:$0x10000] =	vst v63  }
0x13f: {  	s5 =	simm.s32 @p0 $0x8000  }
0x140: {  	[tilespmem:s5], [sflag:$0x5] =	stream.linear.gather @p0 [hbm4b:s16+s1], $0x2000, $0x38;
	[tilespmem:$0x10000] =	vst v63  }
0x141: {  	_ =	swait.ge [sflag:s22], $0x2000  }
0x142: {  	[sflag:s22] =	ssyncset.done $0x0  }
0x143: {  	[sflag:s22] =	ssyncadd.s32 $0xFFFFE000  }
0x144: {  	s21 =	simm.s32 $0x0;
	_ =	swait.ge [sflag:s24], $0x2000  }
0x145: {  	s7 =	sand.u32 $0x1800, s21;
	s12 =	sand.u32 $0x380, s21;
	[sflag:s24] =	ssyncset.done $0x0  }
0x146: {  	s1 =	sor.u32 s12, s7;
	[sflag:s24] =	ssyncadd.s32 $0xFFFFE000  }
0x147: {  	v0 =	vld [tilespmem:s1+$0xC000];
	_ =	sdelay $0x3  }
0x148: {  	s5 =	sor.u32 $0x4000, s1  }
0x149: {  	[tilespmem:s5+$0x0] =	vst.add.f32.msk $0xffff, v0  }
0x14a: {  	v0 =	vld [tilespmem:s1+$0xC010];
	_ =	sdelay $0x3  }
0x14b: {  	s13 =	sor.u32 $0x4010, s1  }
0x14c: {  	[tilespmem:s13+$0x0] =	vst.add.f32.msk $0xffff, v0  }
0x14d: {  	v0 =	vld [tilespmem:s1+$0xC020];
	_ =	sdelay $0x3  }
0x14e: {  	s19 =	sor.u32 $0x4020, s1  }
0x14f: {  	[tilespmem:s19+$0x0] =	vst.add.f32.msk $0xffff, v0  }
0x150: {  	v0 =	vld [tilespmem:s1+$0xC030];
	_ =	sdelay $0x3  }
0x151: {  	s20 =	sor.u32 $0x4030, s1  }
0x152: {  	[tilespmem:s20+$0x0] =	vst.add.f32.msk $0xffff, v0  }
0x153: {  	v0 =	vld [tilespmem:s1+$0xC040];
	_ =	sdelay $0x3  }
0x154: {  	s23 =	sor.u32 $0x4040, s1  }
0x155: {  	[tilespmem:s23+$0x0] =	vst.add.f32.msk $0xffff, v0  }
0x156: {  	v0 =	vld [tilespmem:s1+$0xC050];
	_ =	sdelay $0x1  }
0x157: {  	s26 =	sand.u32 $0x3, s21  }
0x158: {  	s5 =	sshll.u32 s26, $0xB  }
0x159: {  	s7 =	sor.u32 $0x4050, s1;
	s5 =	sadd.s32 $0x0, s5  }
0x15a: {  	s31 =	sor.u32 $0x60, s5;
	[tilespmem:s7+$0x0] =	vst.add.f32.msk $0xffff, v0  }
0x15b: {  	v0 =	vld [tilespmem:s31+$0xC000];
	_ =	sdelay $0x4  }
0x15c: {  	s12 =	sor.u32 $0x70, s5;
	[tilespmem:s31+$0x4000] =	vst.add.f32.msk $0xffff, v0  }
0x15d: {  	v0 =	vld [tilespmem:s12+$0xC000];
	_ =	sdelay $0x4  }
0x15e: {  	[tilespmem:s12+$0x4000] =	vst.add.f32.msk $0xffff, v0  }
0x15f: {  	v0 =	vld [tilespmem:s1+$0xC400];
	_ =	sdelay $0x3  }
0x160: {  	s13 =	sor.u32 $0x4400, s1  }
0x161: {  	[tilespmem:s13+$0x0] =	vst.add.f32.msk $0xffff, v0  }
0x162: {  	v0 =	vld [tilespmem:s1+$0xC410];
	_ =	sdelay $0x3  }
0x163: {  	s19 =	sor.u32 $0x4410, s1  }
0x164: {  	[tilespmem:s19+$0x0] =	vst.add.f32.msk $0xffff, v0  }
0x165: {  	v0 =	vld [tilespmem:s1+$0xC420];
	_ =	sdelay $0x3  }
0x166: {  	s20 =	sor.u32 $0x4420, s1  }
0x167: {  	[tilespmem:s20+$0x0] =	vst.add.f32.msk $0xffff, v0  }
0x168: {  	v0 =	vld [tilespmem:s1+$0xC430];
	_ =	sdelay $0x3  }
0x169: {  	s23 =	sor.u32 $0x4430, s1  }
0x16a: {  	[tilespmem:s23+$0x0] =	vst.add.f32.msk $0xffff, v0  }
0x16b: {  	v0 =	vld [tilespmem:s1+$0xC440];
	_ =	sdelay $0x3  }
0x16c: {  	s26 =	sor.u32 $0x4440, s1  }
0x16d: {  	[tilespmem:s26+$0x0] =	vst.add.f32.msk $0xffff, v0  }
0x16e: {  	v0 =	vld [tilespmem:s1+$0xC450];
	_ =	sdelay $0x3  }
0x16f: {  	s1 =	sor.u32 $0x4450, s1  }
0x170: {  	s31 =	sor.u32 $0x460, s5;
	[tilespmem:s1+$0x0] =	vst.add.f32.msk $0xffff, v0  }
0x171: {  	v0 =	vld [tilespmem:s31+$0xC000];
	_ =	sdelay $0x4  }
0x172: {  	s19 =	sor.u32 $0x470, s5;
	[tilespmem:s31+$0x4000] =	vst.add.f32.msk $0xffff, v0  }
0x173: {  	v0 =	vld [tilespmem:s19+$0xC000];
	_ =	sdelay $0x2  }
0x174: {  	s7 =	simm.s32 $0x0;
	s26 =	simm.s32 $0x20;
	s1 =	simm.s32 $0x800  }
.LBB2_7:
0x175: {  	s5 =	sand.u32 $0x1800, s1;
	s12 =	sand.u32 $0x380, s26;
	s7 =	sadd.s32 $0x10, s7  }
0x176: {  	s31 =	sor.u32 s12, s5;
	p1 =	slt.u32 s7, $0x1F0;
	[tilespmem:s19+$0x4000] =	vst.add.f32.msk $0xffff, v0  }
0x177: {  	v0 =	vld [tilespmem:s31+$0xC000];
	_ =	sdelay $0x3  }
0x178: {  	s5 =	sor.u32 $0x4000, s31  }
0x179: {  	[tilespmem:s5+$0x0] =	vst.add.f32.msk $0xffff, v0  }
0x17a: {  	v0 =	vld [tilespmem:s31+$0xC010];
	_ =	sdelay $0x3  }
0x17b: {  	s5 =	sor.u32 $0x4010, s31  }
0x17c: {  	[tilespmem:s5+$0x0] =	vst.add.f32.msk $0xffff, v0  }
0x17d: {  	v0 =	vld [tilespmem:s31+$0xC020];
	_ =	sdelay $0x3  }
0x17e: {  	s5 =	sor.u32 $0x4020, s31  }
0x17f: {  	[tilespmem:s5+$0x0] =	vst.add.f32.msk $0xffff, v0  }
0x180: {  	v0 =	vld [tilespmem:s31+$0xC030];
	_ =	sdelay $0x3  }
0x181: {  	s5 =	sor.u32 $0x4030, s31  }
0x182: {  	[tilespmem:s5+$0x0] =	vst.add.f32.msk $0xffff, v0  }
0x183: {  	v0 =	vld [tilespmem:s31+$0xC040];
	_ =	sdelay $0x3  }
0x184: {  	s5 =	sor.u32 $0x4040, s31  }
0x185: {  	[tilespmem:s5+$0x0] =	vst.add.f32.msk $0xffff, v0  }
0x186: {  	v0 =	vld [tilespmem:s31+$0xC050]  }
0x187: {  	s21 =	sadd.s32 $0x1, s21  }
0x188: {  	s5 =	sand.u32 $0x3, s21  }
0x189: {  	s5 =	sshll.u32 s5, $0xB  }
0x18a: {  	s23 =	sadd.s32 s5, s26;
	s5 =	sor.u32 $0x4050, s31  }
0x18b: {  	[tilespmem:s5+$0x0] =	vst.add.f32.msk $0xffff, v0;
	s5 =	sor.u32 $0x60, s23  }
0x18c: {  	v0 =	vld [tilespmem:s5+$0xC000];
	_ =	sdelay $0x4  }
0x18d: {  	[tilespmem:s5+$0x4000] =	vst.add.f32.msk $0xffff, v0;
	s5 =	sor.u32 $0x70, s23  }
0x18e: {  	v0 =	vld [tilespmem:s5+$0xC000];
	_ =	sdelay $0x4  }
0x18f: {  	[tilespmem:s5+$0x4000] =	vst.add.f32.msk $0xffff, v0  }
0x190: {  	v0 =	vld [tilespmem:s31+$0xC400];
	_ =	sdelay $0x3  }
0x191: {  	s5 =	sor.u32 $0x4400, s31  }
0x192: {  	[tilespmem:s5+$0x0] =	vst.add.f32.msk $0xffff, v0  }
0x193: {  	v0 =	vld [tilespmem:s31+$0xC410];
	_ =	sdelay $0x3  }
0x194: {  	s5 =	sor.u32 $0x4410, s31  }
0x195: {  	[tilespmem:s5+$0x0] =	vst.add.f32.msk $0xffff, v0  }
0x196: {  	v0 =	vld [tilespmem:s31+$0xC420];
	_ =	sdelay $0x3  }
0x197: {  	s5 =	sor.u32 $0x4420, s31  }
0x198: {  	[tilespmem:s5+$0x0] =	vst.add.f32.msk $0xffff, v0  }
0x199: {  	v0 =	vld [tilespmem:s31+$0xC430];
	_ =	sdelay $0x3  }
0x19a: {  	s5 =	sor.u32 $0x4430, s31  }
0x19b: {  	[tilespmem:s5+$0x0] =	vst.add.f32.msk $0xffff, v0  }
0x19c: {  	v0 =	vld [tilespmem:s31+$0xC440];
	_ =	sdelay $0x3  }
0x19d: {  	s5 =	sor.u32 $0x4440, s31  }
0x19e: {  	[tilespmem:s5+$0x0] =	vst.add.f32.msk $0xffff, v0  }
0x19f: {  	v0 =	vld [tilespmem:s31+$0xC450];
	_ =	sdelay $0x3  }
0x1a0: {  	s5 =	sor.u32 $0x4450, s31  }
0x1a1: {  	[tilespmem:s5+$0x0] =	vst.add.f32.msk $0xffff, v0;
	s5 =	sor.u32 $0x460, s23  }
0x1a2: {  	v0 =	vld [tilespmem:s5+$0xC000];
	_ =	sdelay $0x4  }
.Ltmp4:
0x1a3: {  	s19 =	sor.u32 $0x470, s23;
	[tilespmem:s5+$0x4000] =	vst.add.f32.msk $0xffff, v0;
	(pc) =	sbr.rel @p1 .LBB2_7-.Ltmp4, $2  }
0x1a4: {  	v0 =	vld [tilespmem:s19+$0xC000];
	_ =	sdelay $0x2  }
0x1a5: {  	s1 =	sadd.s32 $0x800, s1;
	s26 =	sadd.s32 $0x20, s26  }
0x1a6: {  	s1 =	sand.u32 $0x1FFFF000, s11  }
0x1a7: {  	s1 =	sadd.s32 s1, s4  }
0x1a8: {  	[tilespmem:s19+$0x4000] =	vst.add.f32.msk $0xffff, v0;
	s1 =	sadd.s32 $0x800, s1  }
0x1a9: {  	[hbm4b:s1+s3] =	stream.linear.scatter [tilespmem:s25], [sflag:$0xB], $0x2000, $0x38;
	[tilespmem:$0x10000] =	vst v63  }
0x1aa: {  	s1 =	simm.s32 @p0 $0xA  }
0x1ab: {  	_ =	swait.ge @p0 [sflag:s1], $0x2000  }
0x1ac: {  	[sflag:s1] =	ssyncset.done @p0 $0x0  }
0x1ad: {  	s5 =	simm.s32 @p0 $0x2000;
	[sflag:s1] =	ssyncadd.s32 @p0 $0xFFFFE000;
	s1 =	simm.s32 @p0 $0x0  }
0x1ae: {  	[tilespmem:s5], [sflag:$0x2] =	stream.linear.gather @p0 [hbm4b:s17+s1], $0x2000, $0x38;
	[tilespmem:$0x10000] =	vst v63  }
0x1af: {  	s5 =	simm.s32 @p0 $0xA000  }
0x1b0: {  	[tilespmem:s5], [sflag:$0x6] =	stream.linear.gather @p0 [hbm4b:s18+s1], $0x2000, $0x38;
	[tilespmem:$0x10000] =	vst v63  }
0x1b1: {  	_ =	swait.ge [sflag:s6], $0x2000  }
0x1b2: {  	[sflag:s6] =	ssyncset.done $0x0  }
0x1b3: {  	[sflag:s6] =	ssyncadd.s32 $0xFFFFE000  }
0x1b4: {  	s11 =	simm.s32 $0x0;
	_ =	swait.ge [sflag:s8], $0x2000  }
0x1b5: {  	s19 =	sand.u32 $0x1800, s11;
	s20 =	sand.u32 $0x380, s11;
	[sflag:s8] =	ssyncset.done $0x0  }
0x1b6: {  	s1 =	sor.u32 s20, s19;
	[sflag:s8] =	ssyncadd.s32 $0xFFFFE000  }
0x1b7: {  	v0 =	vld [tilespmem:s1+$0xE000];
	_ =	sdelay $0x3  }
0x1b8: {  	s5 =	sor.u32 $0x6000, s1  }
0x1b9: {  	[tilespmem:s5+$0x0] =	vst.add.f32.msk $0xffff, v0  }
0x1ba: {  	v0 =	vld [tilespmem:s1+$0xE010];
	_ =	sdelay $0x3  }
0x1bb: {  	s21 =	sor.u32 $0x6010, s1  }
0x1bc: {  	[tilespmem:s21+$0x0] =	vst.add.f32.msk $0xffff, v0  }
0x1bd: {  	v0 =	vld [tilespmem:s1+$0xE020];
	_ =	sdelay $0x3  }
0x1be: {  	s23 =	sor.u32 $0x6020, s1  }
0x1bf: {  	[tilespmem:s23+$0x0] =	vst.add.f32.msk $0xffff, v0  }
0x1c0: {  	v0 =	vld [tilespmem:s1+$0xE030];
	_ =	sdelay $0x3  }
0x1c1: {  	s26 =	sor.u32 $0x6030, s1  }
0x1c2: {  	[tilespmem:s26+$0x0] =	vst.add.f32.msk $0xffff, v0  }
0x1c3: {  	v0 =	vld [tilespmem:s1+$0xE040];
	_ =	sdelay $0x3  }
0x1c4: {  	s31 =	sor.u32 $0x6040, s1  }
0x1c5: {  	[tilespmem:s31+$0x0] =	vst.add.f32.msk $0xffff, v0  }
0x1c6: {  	v0 =	vld [tilespmem:s1+$0xE050];
	_ =	sdelay $0x1  }
0x1c7: {  	s7 =	sand.u32 $0x3, s11  }
0x1c8: {  	s5 =	sshll.u32 s7, $0xB  }
0x1c9: {  	s7 =	sor.u32 $0x6050, s1;
	s5 =	sadd.s32 $0x0, s5  }
0x1ca: {  	s12 =	sor.u32 $0x60, s5;
	[tilespmem:s7+$0x0] =	vst.add.f32.msk $0xffff, v0  }
0x1cb: {  	v0 =	vld [tilespmem:s12+$0xE000];
	_ =	sdelay $0x4  }
0x1cc: {  	s13 =	sor.u32 $0x70, s5;
	[tilespmem:s12+$0x6000] =	vst.add.f32.msk $0xffff, v0  }
0x1cd: {  	v0 =	vld [tilespmem:s13+$0xE000];
	_ =	sdelay $0x4  }
0x1ce: {  	[tilespmem:s13+$0x6000] =	vst.add.f32.msk $0xffff, v0  }
0x1cf: {  	v0 =	vld [tilespmem:s1+$0xE400];
	_ =	sdelay $0x3  }
0x1d0: {  	s19 =	sor.u32 $0x6400, s1  }
0x1d1: {  	[tilespmem:s19+$0x0] =	vst.add.f32.msk $0xffff, v0  }
0x1d2: {  	v0 =	vld [tilespmem:s1+$0xE410];
	_ =	sdelay $0x3  }
0x1d3: {  	s20 =	sor.u32 $0x6410, s1  }
0x1d4: {  	[tilespmem:s20+$0x0] =	vst.add.f32.msk $0xffff, v0  }
0x1d5: {  	v0 =	vld [tilespmem:s1+$0xE420];
	_ =	sdelay $0x3  }
0x1d6: {  	s21 =	sor.u32 $0x6420, s1  }
0x1d7: {  	[tilespmem:s21+$0x0] =	vst.add.f32.msk $0xffff, v0  }
0x1d8: {  	v0 =	vld [tilespmem:s1+$0xE430];
	_ =	sdelay $0x3  }
0x1d9: {  	s23 =	sor.u32 $0x6430, s1  }
0x1da: {  	[tilespmem:s23+$0x0] =	vst.add.f32.msk $0xffff, v0  }
0x1db: {  	v0 =	vld [tilespmem:s1+$0xE440];
	_ =	sdelay $0x3  }
0x1dc: {  	s26 =	sor.u32 $0x6440, s1  }
0x1dd: {  	[tilespmem:s26+$0x0] =	vst.add.f32.msk $0xffff, v0  }
0x1de: {  	v0 =	vld [tilespmem:s1+$0xE450];
	_ =	sdelay $0x3  }
0x1df: {  	s1 =	sor.u32 $0x6450, s1  }
0x1e0: {  	s31 =	sor.u32 $0x460, s5;
	[tilespmem:s1+$0x0] =	vst.add.f32.msk $0xffff, v0  }
0x1e1: {  	v0 =	vld [tilespmem:s31+$0xE000];
	_ =	sdelay $0x4  }
0x1e2: {  	s19 =	sor.u32 $0x470, s5;
	[tilespmem:s31+$0x6000] =	vst.add.f32.msk $0xffff, v0  }
0x1e3: {  	v0 =	vld [tilespmem:s19+$0xE000];
	_ =	sdelay $0x2  }
0x1e4: {  	s7 =	simm.s32 $0x0;
	s21 =	simm.s32 $0x20;
	s1 =	simm.s32 $0x800  }
.LBB2_9:
0x1e5: {  	s5 =	sand.u32 $0x1800, s1;
	s12 =	sand.u32 $0x380, s21;
	s7 =	sadd.s32 $0x10, s7  }
0x1e6: {  	s26 =	sor.u32 s12, s5;
	p1 =	slt.u32 s7, $0x1F0;
	[tilespmem:s19+$0x6000] =	vst.add.f32.msk $0xffff, v0  }
0x1e7: {  	v0 =	vld [tilespmem:s26+$0xE000];
	_ =	sdelay $0x3  }
0x1e8: {  	s5 =	sor.u32 $0x6000, s26  }
0x1e9: {  	[tilespmem:s5+$0x0] =	vst.add.f32.msk $0xffff, v0  }
0x1ea: {  	v0 =	vld [tilespmem:s26+$0xE010];
	_ =	sdelay $0x3  }
0x1eb: {  	s5 =	sor.u32 $0x6010, s26  }
0x1ec: {  	[tilespmem:s5+$0x0] =	vst.add.f32.msk $0xffff, v0  }
0x1ed: {  	v0 =	vld [tilespmem:s26+$0xE020];
	_ =	sdelay $0x3  }
0x1ee: {  	s5 =	sor.u32 $0x6020, s26  }
0x1ef: {  	[tilespmem:s5+$0x0] =	vst.add.f32.msk $0xffff, v0  }
0x1f0: {  	v0 =	vld [tilespmem:s26+$0xE030];
	_ =	sdelay $0x3  }
0x1f1: {  	s5 =	sor.u32 $0x6030, s26  }
0x1f2: {  	[tilespmem:s5+$0x0] =	vst.add.f32.msk $0xffff, v0  }
0x1f3: {  	v0 =	vld [tilespmem:s26+$0xE040];
	_ =	sdelay $0x3  }
0x1f4: {  	s5 =	sor.u32 $0x6040, s26  }
0x1f5: {  	[tilespmem:s5+$0x0] =	vst.add.f32.msk $0xffff, v0  }
0x1f6: {  	v0 =	vld [tilespmem:s26+$0xE050]  }
0x1f7: {  	s11 =	sadd.s32 $0x1, s11  }
0x1f8: {  	s5 =	sand.u32 $0x3, s11  }
0x1f9: {  	s5 =	sshll.u32 s5, $0xB  }
0x1fa: {  	s23 =	sadd.s32 s5, s21;
	s5 =	sor.u32 $0x6050, s26  }
0x1fb: {  	[tilespmem:s5+$0x0] =	vst.add.f32.msk $0xffff, v0;
	s5 =	sor.u32 $0x60, s23  }
0x1fc: {  	v0 =	vld [tilespmem:s5+$0xE000];
	_ =	sdelay $0x4  }
0x1fd: {  	[tilespmem:s5+$0x6000] =	vst.add.f32.msk $0xffff, v0;
	s5 =	sor.u32 $0x70, s23  }
0x1fe: {  	v0 =	vld [tilespmem:s5+$0xE000];
	_ =	sdelay $0x4  }
0x1ff: {  	[tilespmem:s5+$0x6000] =	vst.add.f32.msk $0xffff, v0  }
0x200: {  	v0 =	vld [tilespmem:s26+$0xE400];
	_ =	sdelay $0x3  }
0x201: {  	s5 =	sor.u32 $0x6400, s26  }
0x202: {  	[tilespmem:s5+$0x0] =	vst.add.f32.msk $0xffff, v0  }
0x203: {  	v0 =	vld [tilespmem:s26+$0xE410];
	_ =	sdelay $0x3  }
0x204: {  	s5 =	sor.u32 $0x6410, s26  }
0x205: {  	[tilespmem:s5+$0x0] =	vst.add.f32.msk $0xffff, v0  }
0x206: {  	v0 =	vld [tilespmem:s26+$0xE420];
	_ =	sdelay $0x3  }
0x207: {  	s5 =	sor.u32 $0x6420, s26  }
0x208: {  	[tilespmem:s5+$0x0] =	vst.add.f32.msk $0xffff, v0  }
0x209: {  	v0 =	vld [tilespmem:s26+$0xE430];
	_ =	sdelay $0x3  }
0x20a: {  	s5 =	sor.u32 $0x6430, s26  }
0x20b: {  	[tilespmem:s5+$0x0] =	vst.add.f32.msk $0xffff, v0  }
0x20c: {  	v0 =	vld [tilespmem:s26+$0xE440];
	_ =	sdelay $0x3  }
0x20d: {  	s5 =	sor.u32 $0x6440, s26  }
0x20e: {  	[tilespmem:s5+$0x0] =	vst.add.f32.msk $0xffff, v0  }
0x20f: {  	v0 =	vld [tilespmem:s26+$0xE450];
	_ =	sdelay $0x3  }
0x210: {  	s5 =	sor.u32 $0x6450, s26  }
0x211: {  	[tilespmem:s5+$0x0] =	vst.add.f32.msk $0xffff, v0;
	s5 =	sor.u32 $0x460, s23  }
0x212: {  	v0 =	vld [tilespmem:s5+$0xE000];
	_ =	sdelay $0x4  }
.Ltmp5:
0x213: {  	s19 =	sor.u32 $0x470, s23;
	[tilespmem:s5+$0x6000] =	vst.add.f32.msk $0xffff, v0;
	(pc) =	sbr.rel @p1 .LBB2_9-.Ltmp5, $2  }
0x214: {  	v0 =	vld [tilespmem:s19+$0xE000];
	_ =	sdelay $0x2  }
0x215: {  	s1 =	sadd.s32 $0x800, s1;
	s21 =	sadd.s32 $0x20, s21  }
.Ltmp6:
0x216: {  	(pc) =	sbr.rel @!p0 .LBB2_12-.Ltmp6, $4  }
0x217: {  	s1 =	sor.u32 s14, s10  }
0x218: {  	s1 =	sshll.u32 s1, $0xA  }
0x219: {  	[tilespmem:s19+$0x6000] =	vst.add.f32.msk $0xffff, v0;
	s1 =	sadd.s32 s4, s1  }
0x21a: {  	[hbm4b:s1+s3] =	stream.linear.scatter [tilespmem:s30], [sflag:$0xC], $0x2000, $0x38;
	[tilespmem:$0x10000] =	vst v63  }
.Ltmp7:
0x21b: {  	_ =	swait.ge [sflag:s9], $0x2000;
	(pc) =	sbr.rel .LBB2_2-.Ltmp7, $4  }
0x21c: {  	[sflag:s9] =	ssyncset.done $0x0  }
0x21d: {  	s1 =	rddreg [dreg:$0xd];
	[sflag:s9] =	ssyncadd.s32 $0xFFFFE000  }
0x21e: {  	[tilespmem:s25], [sflag:$0x3] =	stream.linear.gather [hbm4b:s1+s3], $0x2000, $0x38;
	[tilespmem:$0x10000] =	vst v63  }
0x21f: {  	s11 =	simm.s32 $0x1;
	p0 =	por $0x0, $0x0;
	s1 =	rddreg [dreg:$0xe]  }
.LBB2_13:
0x220: {  	_ =	sfence.sel $0x180000  }
0x221: {  	[bflag:$0x0] =	sbarrier.arrive $0xFFFF  }
0x222: {  	_ =	strace $0x90000047  }
0x223: {  	s0 =	stileid.u32;
	[bflag:$0x2] =	sbarrier.arrive $0xFFFF  }
0x224: {  	p0 =	sne.s32 s0, $0x0;
	s0 =	rddreg [dreg:$0x3]  }
0x225: {  	s0 =	sadd.s32 @!p0 $0x100000, s0  }
0x226: {  	[sflag:s0] =	ssyncadd.tile.s32 @!p0 $0x1;
	_ =	shalt  }
.Lfunc_end2:
_tile_overlayer_lowered:
.L_overlay_start_2:
0x227: {  	(tag) =	ssettag $0x2  }
0x228: {  	s0 =	rddreg [dreg:$0x0];
	s2 =	stileid.u32  }
0x229: {  	s1 =	rddreg [dreg:$0x1];
	p0 =	sne.s32 s2, $0x0  }
0x22a: {  	s3 =	rddreg [dreg:$0x2];
	[bflag:$0x3] =	sbarrier.arrive $0xFFFF;
	s2 =	simm.s32 @!p0 $0x1C0D  }
0x22b: {  	[timem:s3], [sflag:s2] =	dma.local @!p0 [hbm:s0], s1  }
0x22c: {  	s0 =	simm.s32 @!p0 $0xD  }
0x22d: {  	_ =	swait.ge @!p0 [sflag:s0], s1  }
0x22e: {  	s1 =	ssub.s32 @!p0 $0x0, s1;
	[sflag:s0] =	ssyncset.done @!p0 $0x0  }
0x22f: {  	[sflag:s0] =	ssyncadd.s32 @!p0 s1  }
0x230: {  	[bflag:$0x3] =	sbarrier.arrive $0xFFFF  }
0x231: {  	_ =	shalt  }

</sc_bundles>
